<compile_context>
chip_gen: v7x
topology: tpu7x:2x2x1
jax: 0.10.2.dev20260603
libtpu: 0.0.44.dev20260713+nightly
codegen_flags: <defaults>
</compile_context>

<pallas_src>
import functools

import jax
import jax.numpy as jnp
from jax import lax
from jax.experimental import pallas as pl
from jax.experimental.pallas import tpu as pltpu
from jax.experimental.pallas import tpu_sc as plsc

N = 50000
E = 800000
R = 4
F = 16
NH = N // 2
SEGS = R * NH
ROWS = SEGS + 96
CROWS = SEGS + 352
ZR = ROWS // 16
CZ = CROWS // 16
ZLINE = CZ // 4
OUT_CH = 1000
NOUT = SEGS // OUT_CH

_mesh = plsc.VectorSubcoreMesh(core_axis_name="c", subcore_axis_name="s")


def _make_sc_scatter(with_counts, nx):
    Cc = 400 if with_counts else 640
    nchunk = E // Cc
    nouter = (-(-nchunk // 16) + 1) // 2

    out_type = [jax.ShapeDtypeStruct((N, R * F), jnp.float32)
                for _ in range(nx)]
    scratch = [
        pltpu.VMEM_SHARED((ROWS, F), jnp.float32),
        pltpu.VMEM((Cc,), jnp.int32),
        pltpu.VMEM((Cc,), jnp.int32),
        pltpu.VMEM((Cc,), jnp.int32),
        pltpu.VMEM((Cc,), jnp.int32),
        pltpu.VMEM((Cc,), jnp.int32),
        pltpu.VMEM((Cc,), jnp.int32),
        pltpu.VMEM((Cc,), jnp.int32),
        pltpu.VMEM((Cc,), jnp.int32),
        pltpu.VMEM((Cc, F), jnp.float32),
        pltpu.VMEM((Cc, F), jnp.float32),
        pltpu.SemaphoreType.DMA,
        pltpu.SemaphoreType.DMA,
        pltpu.SemaphoreType.DMA,
        pltpu.SemaphoreType.DMA,
        pltpu.SemaphoreType.DMA,
        pltpu.SemaphoreType.DMA,
    ]
    if with_counts:
        out_type.append(jax.ShapeDtypeStruct((R * N,), jnp.float32))
        scratch += [
            pltpu.VMEM_SHARED((CROWS,), jnp.float32),
            pltpu.VMEM((Cc,), jnp.int32),
            pltpu.VMEM((Cc,), jnp.int32),
            pltpu.VMEM((Cc,), jnp.float32),
            pltpu.VMEM((ZLINE,), jnp.float32),
            pltpu.SemaphoreType.DMA,
            pltpu.SemaphoreType.DMA,
        ]

    def body(*refs):
        xs = refs[:nx]
        ei_hbm, et_hbm = refs[nx:nx + 2]
        aggrs = refs[nx + 2:2 * nx + 2]
        rest = refs[2 * nx + 2:]
        if with_counts:
            (cnt_hbm, shared, src0, src1, dst0, dst1, typ0, typ1,
             seg0, seg1, xb0, xb1, is0, is1, gs0, gs1, ss0, ss1,
             cshared, sgc0, sgc1, onesv, zflat, cs0, cs1) = rest
            segcv = (sgc0, sgc1)
            csem = (cs0, cs1)
        else:
            (shared, src0, src1, dst0, dst1, typ0, typ1,
             seg0, seg1, xb0, xb1, is0, is1, gs0, gs1, ss0, ss1) = rest
        srcv = (src0, src1)
        dstv = (dst0, dst1)
        typv = (typ0, typ1)
        segv = (seg0, seg1)
        xbuf = (xb0, xb1)
        isem = (is0, is1)
        gsem = (gs0, gs1)
        ssem = (ss0, ss1)
        cc = lax.axis_index("c")
        s = lax.axis_index("s")
        base = cc * NH
        dump = SEGS + s

        def idx_copies(cid, p):
            e0 = cid * Cc
            return (
                pltpu.make_async_copy(ei_hbm.at[0, pl.ds(e0, Cc)],
                                      srcv[p], isem[p]),
                pltpu.make_async_copy(ei_hbm.at[1, pl.ds(e0, Cc)],
                                      dstv[p], isem[p]),
                pltpu.make_async_copy(et_hbm.at[pl.ds(e0, Cc)],
                                      typv[p], isem[p]),
            )

        def idx_start(cid, p):
            for d in idx_copies(cid, p):
                d.start()

        def idx_wait(cid, p):
            for d in idx_copies(cid, p):
                d.wait()

        def zero_accumulators(first):
            def zb(i, _):
                xb0[i, :] = jnp.zeros((F,), jnp.float32)
                return 0
            lax.fori_loop(0, Cc, zb, 0)
            off = s * ZR
            zcopies = [pltpu.make_async_copy(
                xb0, shared.at[pl.ds(off + kk * Cc, Cc)], gsem[0])
                for kk in range(ZR // Cc)]
            rem = ZR % Cc
            if rem:
                zcopies.append(pltpu.make_async_copy(
                    xb0.at[pl.ds(0, rem)],
                    shared.at[pl.ds(off + (ZR // Cc) * Cc, rem)], gsem[0]))
            for d in zcopies:
                d.start()
            if with_counts and first:
                def zf(i, _):
                    zflat[pl.ds(i * 16, 16)] = jnp.zeros((16,), jnp.float32)
                    return 0
                lax.fori_loop(0, ZLINE // 16, zf, 0)
                ccopies = [pltpu.make_async_copy(
                    zflat, cshared.at[pl.ds(s * CZ + kk * ZLINE, ZLINE)],
                    gsem[1]) for kk in range(4)]
                for d in ccopies:
                    d.start()

                def ob(i, _):
                    onesv[pl.ds(i * 16, 16)] = jnp.ones((16,), jnp.float32)
                    return 0
                lax.fori_loop(0, Cc // 16, ob, 0)
                for d in ccopies:
                    d.wait()
            for d in zcopies:
                d.wait()

        def scat_desc(p):
            return pltpu.make_async_copy(xbuf[p], shared.at[segv[p]],
                                         ssem[p])

        def cscat_desc(p):
            return pltpu.make_async_copy(onesv, cshared.at[segcv[p]],
                                         csem[p])

        def sweep(x_hbm, counts):
            def outer(i, _):
                for p in (0, 1):
                    k = 2 * i + p
                    cid = k * 16 + s

                    @pl.when(cid < nchunk)
                    def _():
                        @pl.when(i >= 1)
                        def _():
                            scat_desc(p).wait()
                            if counts:
                                cscat_desc(p).wait()
                        idx_wait(cid, p)
                        g = pltpu.async_copy(x_hbm.at[srcv[p]], xbuf[p],
                                             gsem[p])

                        def segb(j, _2):
                            d = dstv[p][pl.ds(j * 16, 16)]
                            t = typv[p][pl.ds(j * 16, 16)]
                            loc = d - base
                            ok = (loc >= 0) & (loc < NH)
                            segv[p][pl.ds(j * 16, 16)] = jnp.where(
                                ok, t * NH + loc, dump)
                            if counts:
                                segcv[p][pl.ds(j * 16, 16)] = jnp.where(
                                    ok, loc * R + t, dump)
                            return 0
                        lax.fori_loop(0, Cc // 16, segb, 0)
                        g.wait()

                        @pl.when(cid + 32 < nchunk)
                        def _():
                            idx_start(cid + 32, p)
                        pltpu.async_copy(xbuf[p], shared.at[segv[p]],
                                         ssem[p], add=True)
                        if counts:
                            pltpu.async_copy(onesv, cshared.at[segcv[p]],
                                             csem[p], add=True)
                return 0
            lax.fori_loop(0, nouter, outer, 0)

            ntile = (nchunk - s + 15) // 16
            for p in (0, 1):
                @pl.when(ntile >= p + 1)
                def _():
                    scat_desc(p).wait()
                    if counts:
                        cscat_desc(p).wait()

        def copy_out(aggr_hbm):
            def cp_desc(cid):
                r = cid // (NOUT // R)
                i0 = (cid % (NOUT // R)) * OUT_CH
                return pltpu.make_async_copy(
                    shared.at[pl.ds(r * NH + i0, OUT_CH)],
                    aggr_hbm.at[pl.ds(base + i0, OUT_CH), pl.ds(r * F, F)],
                    gsem[0])

            def cpout(k, _):
                cid = k * 16 + s

                @pl.when(cid < NOUT)
                def _():
                    cp_desc(cid).start()
                return 0
            lax.fori_loop(0, -(-NOUT // 16), cpout, 0)

            def cpwait(k, _):
                cid = k * 16 + s

                @pl.when(cid < NOUT)
                def _():
                    cp_desc(cid).wait()
                return 0
            lax.fori_loop(0, -(-NOUT // 16), cpwait, 0)

        for xi in range(nx):
            counts = with_counts and xi == 0
            idx_start(s, 0)
            idx_start(16 + s, 1)
            zero_accumulators(first=xi == 0)
            plsc.subcore_barrier()
            sweep(xs[xi], counts)
            plsc.subcore_barrier()
            copy_out(aggrs[xi])
            if counts:
                def cc_desc(cid):
                    return pltpu.make_async_copy(
                        cshared.at[pl.ds(cid * OUT_CH, OUT_CH)],
                        cnt_hbm.at[pl.ds(cc * SEGS + cid * OUT_CH, OUT_CH)],
                        gsem[1])

                def cpc(k, _):
                    cid = k * 16 + s

                    @pl.when(cid < NOUT)
                    def _():
                        cc_desc(cid).start()
                    return 0
                lax.fori_loop(0, -(-NOUT // 16), cpc, 0)

                def cpcw(k, _):
                    cid = k * 16 + s

                    @pl.when(cid < NOUT)
                    def _():
                        cc_desc(cid).wait()
                    return 0
                lax.fori_loop(0, -(-NOUT // 16), cpcw, 0)
            if xi + 1 < nx:
                plsc.subcore_barrier()

    return pl.kernel(body, out_type=tuple(out_type) if len(out_type) > 1
                     else out_type[0],
                     mesh=_mesh, scratch_types=scratch,
                     compiler_params=pltpu.CompilerParams(
                         use_tc_tiling_on_sc=False))


_sc_scatter_counts = _make_sc_scatter(True, 1)
_sc_scatter = _make_sc_scatter(False, 1)
_sc_scatter2 = _make_sc_scatter(False, 2)


def _dense(h_parts, aggrs, cnt2, root, W, b, fout, relu, split):
    B = 2000
    P = len(h_parts)
    fin = P * F
    in_specs = (
        [pl.BlockSpec((B, F), lambda i: (i, 0)) for _ in range(P)]
        + [pl.BlockSpec((B, R * F), lambda i: (i, 0)) for _ in range(P)]
        + [pl.BlockSpec((B, R), lambda i: (i, 0)),
           pl.BlockSpec((fin, fout), lambda i: (0, 0)),
           pl.BlockSpec((R, fin, fout), lambda i: (0, 0, 0)),
           pl.BlockSpec((1, fout), lambda i: (0, 0))]
    )
    if split:
        out_shape = [jax.ShapeDtypeStruct((N, F), jnp.float32)] * 2
        out_specs = [pl.BlockSpec((B, F), lambda i: (i, 0))] * 2
    else:
        out_shape = jax.ShapeDtypeStruct((N, fout), jnp.float32)
        out_specs = pl.BlockSpec((B, fout), lambda i: (i, 0))

    def body(*refs):
        hs = refs[:P]
        ags = refs[P:2 * P]
        cref, rref, wref, bref = refs[2 * P:2 * P + 4]
        outs = refs[2 * P + 4:]
        inv = 1.0 / jnp.maximum(cref[...], 1.0)
        sel = jnp.repeat(jnp.eye(R, dtype=jnp.float32), F, axis=1)
        scale = jnp.dot(inv, sel, preferred_element_type=jnp.float32)
        parts = [h[...] for h in hs]
        for aref in ags:
            parts.append(aref[...] * scale)
        xcat = jnp.concatenate(parts, axis=-1)
        rv = rref[...]
        wv = wref[...]
        wparts = [rv[p * F:(p + 1) * F] for p in range(P)]
        for p in range(P):
            for r in range(R):
                wparts.append(wv[r][p * F:(p + 1) * F])
        wcat = jnp.concatenate(wparts, axis=0)
        y = jnp.dot(xcat, wcat, preferred_element_type=jnp.float32)
        y = y + bref[...]
        if relu:
            y = jnp.maximum(y, 0.0)
        if split:
            outs[0][...] = y[:, :F]
            outs[1][...] = y[:, F:]
        else:
            outs[0][...] = y

    return pl.pallas_call(body, grid=(N // B,), in_specs=in_specs,
                          out_specs=out_specs, out_shape=out_shape)(
        *h_parts, *aggrs, cnt2, root, W, b)


def kernel(x, edge_index, edge_type, W1, root1, b1, W2, root2, b2, W3, root3, b3):
    ei = edge_index
    et = edge_type

    aggr1, cntf = _sc_scatter_counts(x, ei, et)
    cnt2 = cntf.reshape(N, R)

    h2 = _dense([x], [aggr1], cnt2, root1, W1, b1.reshape(1, -1), 16,
                relu=True, split=False)

    aggr2 = _sc_scatter(h2, ei, et)
    h3a, h3b = _dense([h2], [aggr2], cnt2, root2, W2, b2.reshape(1, -1), 32,
                      relu=True, split=True)

    aggr3a, aggr3b = _sc_scatter2(h3a, h3b, ei, et)
    out = _dense([h3a, h3b], [aggr3a, aggr3b],
                 cnt2, root3, W3, b3.reshape(1, -1), 64,
                 relu=False, split=False)
    return out

# --- scband reference (transcript-rebuilt; emitter-appended) ---
"""Pipeline reference for scband-rgcn-11553462026387 (READ-ONLY COPY).

The authoritative reference and input builder live on the scoring server;
editing this copy changes nothing except your own understanding.
"""

import jax, jax.numpy as jnp
import numpy as np

N = 50000
E = 800000
R = 4


def rgcn_conv(x, src, dst, edge_type, W, root, bias):
    # PyG RGCNConv: out = x @ root + bias + sum_r mean_{edges of type r into i}(x_j @ W_r)
    out = x @ root + bias
    xj = x[src]
    for r in range(R):
        mask = (edge_type == r).astype(x.dtype)
        msg = (xj @ W[r]) * mask[:, None]
        s = jax.ops.segment_sum(msg, dst, num_segments=N)
        cnt = jax.ops.segment_sum(mask, dst, num_segments=N)
        out = out + s / jnp.clip(cnt, 1.0)[:, None]
    return out


def setup_inputs(seed: int = 0) -> dict:
    key = jax.random.key(seed)
    ks = jax.random.split(key, 12)
    x = jax.random.normal(ks[0], (N, 16), dtype=jnp.float32)
    edge_index = jax.random.randint(ks[1], (2, E), 0, N, dtype=jnp.int32)
    edge_type = jax.random.randint(ks[2], (E,), 0, R, dtype=jnp.int32)
    W1 = jax.random.normal(ks[3], (R, 16, 16), dtype=jnp.float32) * 0.1
    root1 = jax.random.normal(ks[4], (16, 16), dtype=jnp.float32) * 0.1
    b1 = jnp.zeros((16,), dtype=jnp.float32)
    W2 = jax.random.normal(ks[5], (R, 16, 32), dtype=jnp.float32) * 0.1
    root2 = jax.random.normal(ks[6], (16, 32), dtype=jnp.float32) * 0.1
    b2 = jnp.zeros((32,), dtype=jnp.float32)
    W3 = jax.random.normal(ks[7], (R, 32, 64), dtype=jnp.float32) * 0.1
    root3 = jax.random.normal(ks[8], (32, 64), dtype=jnp.float32) * 0.1
    b3 = jnp.zeros((64,), dtype=jnp.float32)
    return {"x": x, "edge_index": edge_index, "edge_type": edge_type,
            "W1": W1, "root1": root1, "b1": b1,
            "W2": W2, "root2": root2, "b2": b2,
            "W3": W3, "root3": root3, "b3": b3}


def reference(x, edge_index, edge_type, W1, root1, b1, W2, root2, b2, W3, root3, b3):
    src = edge_index[0]
    dst = edge_index[1]
    h = rgcn_conv(x, src, dst, edge_type, W1, root1, b1)
    h = jax.nn.relu(h)
    # dropout is identity in eval mode
    h = rgcn_conv(h, src, dst, edge_type, W2, root2, b2)
    h = jax.nn.relu(h)
    h = rgcn_conv(h, src, dst, edge_type, W3, root3, b3)
    # maxpool=False -> return node-level features [N, 64]
    return h

if __name__ == "__main__":
    import jax
    _d = setup_inputs()
    print(jax.jit(kernel)(*tuple(_d.values())))

</pallas_src>

<mosaic_0001>
#map = affine_map<(d0, d1) -> (0, 0)>
#map1 = affine_map<(d0, d1) -> (0)>
module attributes {stable_mosaic.version = 14 : i64} {
  func.func @body(%arg0: i32, %arg1: i32, %arg2: memref<50000x16xf32, #tpu.memory_space<hbm>>, %arg3: memref<2x800000xi32, #tpu.memory_space<hbm>>, %arg4: memref<800000xi32, #tpu.memory_space<hbm>>, %arg5: memref<50000x64xf32, #tpu.memory_space<hbm>>, %arg6: memref<100096x16xf32, #tpu.memory_space<vmem_shared>>, %arg7: memref<640xi32, #tpu.memory_space<vmem>>, %arg8: memref<640xi32, #tpu.memory_space<vmem>>, %arg9: memref<640xi32, #tpu.memory_space<vmem>>, %arg10: memref<640xi32, #tpu.memory_space<vmem>>, %arg11: memref<640xi32, #tpu.memory_space<vmem>>, %arg12: memref<640xi32, #tpu.memory_space<vmem>>, %arg13: memref<640xi32, #tpu.memory_space<vmem>>, %arg14: memref<640xi32, #tpu.memory_space<vmem>>, %arg15: memref<640x16xf32, #tpu.memory_space<vmem>>, %arg16: memref<640x16xf32, #tpu.memory_space<vmem>>, %arg17: memref<!tpu.dma_semaphore, #tpu.memory_space<semaphore_mem>>, %arg18: memref<!tpu.dma_semaphore, #tpu.memory_space<semaphore_mem>>, %arg19: memref<!tpu.dma_semaphore, #tpu.memory_space<semaphore_mem>>, %arg20: memref<!tpu.dma_semaphore, #tpu.memory_space<semaphore_mem>>, %arg21: memref<!tpu.dma_semaphore, #tpu.memory_space<semaphore_mem>>, %arg22: memref<!tpu.dma_semaphore, #tpu.memory_space<semaphore_mem>>) attributes {dimension_semantics = [#tpu.dimension_semantics<core_parallel>, #tpu.dimension_semantics<subcore_parallel>], iteration_bounds = array<i64: 2, 16>, scalar_prefetch = 0 : i64, scratch_operands = 17 : i64, tpu.core_type = #tpu.core_type<sc_vector_subcore>, window_params = [{transform_indices = #map}, {transform_indices = #map}, {transform_indices = #map1}, {transform_indices = #map}]} {
    %mul3A = arith.constant 25000 : i32
    %mul3A_0 = arith.muli %arg0, %mul3A : i32
    %add3A = arith.constant 100000 : i32
    %add3A_1 = arith.addi %add3A, %arg1 : i32
    %mul3A_2 = arith.constant 640 : i32
    %mul3A_3 = arith.muli %arg1, %mul3A_2 : i32
    %dma_start3A = arith.constant 0 : i32
    %dma_start3A_4 = tpu.memref_slice %arg3[%dma_start3A, %mul3A_3] : memref<2x800000xi32, #tpu.memory_space<hbm>> -> memref<1x640xi32, #tpu.memory_space<hbm>>
    %dma_start3A_5 = tpu.memref_squeeze %dma_start3A_4 : memref<1x640xi32, #tpu.memory_space<hbm>> -> memref<640xi32, #tpu.memory_space<hbm>>
    %dma_start3A_6 = tpu.memref_slice %arg3[%dma_start3A, %mul3A_3] : memref<2x800000xi32, #tpu.memory_space<hbm>> -> memref<1x640xi32, #tpu.memory_space<hbm>>
    %dma_start3A_7 = tpu.memref_squeeze %dma_start3A_6 : memref<1x640xi32, #tpu.memory_space<hbm>> -> memref<640xi32, #tpu.memory_space<hbm>>
    tpu.enqueue_dma source(%dma_start3A_7 : memref<640xi32, #tpu.memory_space<hbm>>) target(%arg7 : memref<640xi32, #tpu.memory_space<vmem>>) target_semaphore(%arg17 : memref<!tpu.dma_semaphore, #tpu.memory_space<semaphore_mem>>)
    %dma_start3A_8 = arith.constant 1 : i32
    %dma_start3A_9 = tpu.memref_slice %arg3[%dma_start3A_8, %mul3A_3] : memref<2x800000xi32, #tpu.memory_space<hbm>> -> memref<1x640xi32, #tpu.memory_space<hbm>>
    %dma_start3A_10 = tpu.memref_squeeze %dma_start3A_9 : memref<1x640xi32, #tpu.memory_space<hbm>> -> memref<640xi32, #tpu.memory_space<hbm>>
    %dma_start3A_11 = tpu.memref_slice %arg3[%dma_start3A_8, %mul3A_3] : memref<2x800000xi32, #tpu.memory_space<hbm>> -> memref<1x640xi32, #tpu.memory_space<hbm>>
    %dma_start3A_12 = tpu.memref_squeeze %dma_start3A_11 : memref<1x640xi32, #tpu.memory_space<hbm>> -> memref<640xi32, #tpu.memory_space<hbm>>
    tpu.enqueue_dma source(%dma_start3A_12 : memref<640xi32, #tpu.memory_space<hbm>>) target(%arg9 : memref<640xi32, #tpu.memory_space<vmem>>) target_semaphore(%arg17 : memref<!tpu.dma_semaphore, #tpu.memory_space<semaphore_mem>>)
    %dma_start3A_13 = tpu.memref_slice %arg4[%mul3A_3] : memref<800000xi32, #tpu.memory_space<hbm>> -> memref<640xi32, #tpu.memory_space<hbm>>
    %dma_start3A_14 = tpu.memref_slice %arg4[%mul3A_3] : memref<800000xi32, #tpu.memory_space<hbm>> -> memref<640xi32, #tpu.memory_space<hbm>>
    tpu.enqueue_dma source(%dma_start3A_14 : memref<640xi32, #tpu.memory_space<hbm>>) target(%arg11 : memref<640xi32, #tpu.memory_space<vmem>>) target_semaphore(%arg17 : memref<!tpu.dma_semaphore, #tpu.memory_space<semaphore_mem>>)
    %add3A_15 = arith.constant 16 : i32
    %add3A_16 = arith.addi %add3A_15, %arg1 : i32
    %mul3A_17 = arith.constant 640 : i32
    %mul3A_18 = arith.muli %add3A_16, %mul3A_17 : i32
    %dma_start3A_19 = arith.constant 0 : i32
    %dma_start3A_20 = tpu.memref_slice %arg3[%dma_start3A_19, %mul3A_18] : memref<2x800000xi32, #tpu.memory_space<hbm>> -> memref<1x640xi32, #tpu.memory_space<hbm>>
    %dma_start3A_21 = tpu.memref_squeeze %dma_start3A_20 : memref<1x640xi32, #tpu.memory_space<hbm>> -> memref<640xi32, #tpu.memory_space<hbm>>
    %dma_start3A_22 = tpu.memref_slice %arg3[%dma_start3A_19, %mul3A_18] : memref<2x800000xi32, #tpu.memory_space<hbm>> -> memref<1x640xi32, #tpu.memory_space<hbm>>
    %dma_start3A_23 = tpu.memref_squeeze %dma_start3A_22 : memref<1x640xi32, #tpu.memory_space<hbm>> -> memref<640xi32, #tpu.memory_space<hbm>>
    tpu.enqueue_dma source(%dma_start3A_23 : memref<640xi32, #tpu.memory_space<hbm>>) target(%arg8 : memref<640xi32, #tpu.memory_space<vmem>>) target_semaphore(%arg18 : memref<!tpu.dma_semaphore, #tpu.memory_space<semaphore_mem>>)
    %dma_start3A_24 = arith.constant 1 : i32
    %dma_start3A_25 = tpu.memref_slice %arg3[%dma_start3A_24, %mul3A_18] : memref<2x800000xi32, #tpu.memory_space<hbm>> -> memref<1x640xi32, #tpu.memory_space<hbm>>
    %dma_start3A_26 = tpu.memref_squeeze %dma_start3A_25 : memref<1x640xi32, #tpu.memory_space<hbm>> -> memref<640xi32, #tpu.memory_space<hbm>>
    %dma_start3A_27 = tpu.memref_slice %arg3[%dma_start3A_24, %mul3A_18] : memref<2x800000xi32, #tpu.memory_space<hbm>> -> memref<1x640xi32, #tpu.memory_space<hbm>>
    %dma_start3A_28 = tpu.memref_squeeze %dma_start3A_27 : memref<1x640xi32, #tpu.memory_space<hbm>> -> memref<640xi32, #tpu.memory_space<hbm>>
    tpu.enqueue_dma source(%dma_start3A_28 : memref<640xi32, #tpu.memory_space<hbm>>) target(%arg10 : memref<640xi32, #tpu.memory_space<vmem>>) target_semaphore(%arg18 : memref<!tpu.dma_semaphore, #tpu.memory_space<semaphore_mem>>)
    %dma_start3A_29 = tpu.memref_slice %arg4[%mul3A_18] : memref<800000xi32, #tpu.memory_space<hbm>> -> memref<640xi32, #tpu.memory_space<hbm>>
    %dma_start3A_30 = tpu.memref_slice %arg4[%mul3A_18] : memref<800000xi32, #tpu.memory_space<hbm>> -> memref<640xi32, #tpu.memory_space<hbm>>
    tpu.enqueue_dma source(%dma_start3A_30 : memref<640xi32, #tpu.memory_space<hbm>>) target(%arg12 : memref<640xi32, #tpu.memory_space<vmem>>) target_semaphore(%arg18 : memref<!tpu.dma_semaphore, #tpu.memory_space<semaphore_mem>>)
    %scan3A = arith.constant 0 : i32
    %scan3A_31 = arith.constant 0 : i32
    %scan3A_32 = arith.constant 640 : i32
    %scan3A_33 = arith.addi %scan3A_31, %scan3A_32 : i32
    %scan3A_34 = arith.constant 1 : i32
    %scan3A_35 = scf.for %scan3A_199 = %scan3A_31 to %scan3A_33 step %scan3A_34 iter_args(%scan3A_200 = %scan3A) -> (i32)  : i32 {
      %broadcast_in_dim3A = arith.constant 0.000000e+00 : f32
      %broadcast_in_dim3A_201 = vector.broadcast %broadcast_in_dim3A : f32 to vector<16xf32>
      %swap3A = arith.index_cast %scan3A_199 : i32 to index
      %swap3A_202 = arith.constant 0 : index
      %swap3A_203 = tpu.vector_load %arg15[%swap3A, %swap3A_202] {strides = array<i32>} : memref<640x16xf32, #tpu.memory_space<vmem>>, vector<1x16xf32>,
      %swap3A_204 = vector.shape_cast %swap3A_203 : vector<1x16xf32> to vector<16xf32>
      %swap3A_205 = vector.shape_cast %broadcast_in_dim3A_201 : vector<16xf32> to vector<1x16xf32>
      tpu.vector_store %arg15[%swap3A, %swap3A_202], %swap3A_205 {strides = array<i32>} : memref<640x16xf32, #tpu.memory_space<vmem>>, vector<1x16xf32>,
      %scan3A_206 = arith.constant 0 : i32
      scf.yield %scan3A_206 : i32
    }
    %scan3A_36 = arith.constant 640 : i32
    %mul3A_37 = arith.constant 6256 : i32
    %mul3A_38 = arith.muli %arg1, %mul3A_37 : i32
    %add3A_39 = arith.constant 0 : i32
    %add3A_40 = arith.addi %mul3A_38, %add3A_39 : i32
    %add3A_41 = arith.constant 640 : i32
    %add3A_42 = arith.addi %mul3A_38, %add3A_41 : i32
    %add3A_43 = arith.constant 1280 : i32
    %add3A_44 = arith.addi %mul3A_38, %add3A_43 : i32
    %add3A_45 = arith.constant 1920 : i32
    %add3A_46 = arith.addi %mul3A_38, %add3A_45 : i32
    %add3A_47 = arith.constant 2560 : i32
    %add3A_48 = arith.addi %mul3A_38, %add3A_47 : i32
    %add3A_49 = arith.constant 3200 : i32
    %add3A_50 = arith.addi %mul3A_38, %add3A_49 : i32
    %add3A_51 = arith.constant 3840 : i32
    %add3A_52 = arith.addi %mul3A_38, %add3A_51 : i32
    %add3A_53 = arith.constant 4480 : i32
    %add3A_54 = arith.addi %mul3A_38, %add3A_53 : i32
    %add3A_55 = arith.constant 5120 : i32
    %add3A_56 = arith.addi %mul3A_38, %add3A_55 : i32
    %add3A_57 = arith.constant 5760 : i32
    %add3A_58 = arith.addi %mul3A_38, %add3A_57 : i32
    %dma_start3A_59 = arith.constant 0 : i32
    %dma_start3A_60 = tpu.memref_slice %arg6[%add3A_40, %dma_start3A_59] : memref<100096x16xf32, #tpu.memory_space<vmem_shared>> -> memref<640x16xf32, #tpu.memory_space<vmem_shared>>
    %dma_start3A_61 = arith.constant 0 : i32
    %dma_start3A_62 = tpu.memref_slice %arg6[%add3A_40, %dma_start3A_61] : memref<100096x16xf32, #tpu.memory_space<vmem_shared>> -> memref<640x16xf32, #tpu.memory_space<vmem_shared>>
    tpu.enqueue_dma source(%arg15 : memref<640x16xf32, #tpu.memory_space<vmem>>) target(%dma_start3A_62 : memref<640x16xf32, #tpu.memory_space<vmem_shared>>) target_semaphore(%arg19 : memref<!tpu.dma_semaphore, #tpu.memory_space<semaphore_mem>>)
    %dma_start3A_63 = arith.constant 0 : i32
    %dma_start3A_64 = tpu.memref_slice %arg6[%add3A_42, %dma_start3A_63] : memref<100096x16xf32, #tpu.memory_space<vmem_shared>> -> memref<640x16xf32, #tpu.memory_space<vmem_shared>>
    %dma_start3A_65 = arith.constant 0 : i32
    %dma_start3A_66 = tpu.memref_slice %arg6[%add3A_42, %dma_start3A_65] : memref<100096x16xf32, #tpu.memory_space<vmem_shared>> -> memref<640x16xf32, #tpu.memory_space<vmem_shared>>
    tpu.enqueue_dma source(%arg15 : memref<640x16xf32, #tpu.memory_space<vmem>>) target(%dma_start3A_66 : memref<640x16xf32, #tpu.memory_space<vmem_shared>>) target_semaphore(%arg19 : memref<!tpu.dma_semaphore, #tpu.memory_space<semaphore_mem>>)
    %dma_start3A_67 = arith.constant 0 : i32
    %dma_start3A_68 = tpu.memref_slice %arg6[%add3A_44, %dma_start3A_67] : memref<100096x16xf32, #tpu.memory_space<vmem_shared>> -> memref<640x16xf32, #tpu.memory_space<vmem_shared>>
    %dma_start3A_69 = arith.constant 0 : i32
    %dma_start3A_70 = tpu.memref_slice %arg6[%add3A_44, %dma_start3A_69] : memref<100096x16xf32, #tpu.memory_space<vmem_shared>> -> memref<640x16xf32, #tpu.memory_space<vmem_shared>>
    tpu.enqueue_dma source(%arg15 : memref<640x16xf32, #tpu.memory_space<vmem>>) target(%dma_start3A_70 : memref<640x16xf32, #tpu.memory_space<vmem_shared>>) target_semaphore(%arg19 : memref<!tpu.dma_semaphore, #tpu.memory_space<semaphore_mem>>)
    %dma_start3A_71 = arith.constant 0 : i32
    %dma_start3A_72 = tpu.memref_slice %arg6[%add3A_46, %dma_start3A_71] : memref<100096x16xf32, #tpu.memory_space<vmem_shared>> -> memref<640x16xf32, #tpu.memory_space<vmem_shared>>
    %dma_start3A_73 = arith.constant 0 : i32
    %dma_start3A_74 = tpu.memref_slice %arg6[%add3A_46, %dma_start3A_73] : memref<100096x16xf32, #tpu.memory_space<vmem_shared>> -> memref<640x16xf32, #tpu.memory_space<vmem_shared>>
    tpu.enqueue_dma source(%arg15 : memref<640x16xf32, #tpu.memory_space<vmem>>) target(%dma_start3A_74 : memref<640x16xf32, #tpu.memory_space<vmem_shared>>) target_semaphore(%arg19 : memref<!tpu.dma_semaphore, #tpu.memory_space<semaphore_mem>>)
    %dma_start3A_75 = arith.constant 0 : i32
    %dma_start3A_76 = tpu.memref_slice %arg6[%add3A_48, %dma_start3A_75] : memref<100096x16xf32, #tpu.memory_space<vmem_shared>> -> memref<640x16xf32, #tpu.memory_space<vmem_shared>>
    %dma_start3A_77 = arith.constant 0 : i32
    %dma_start3A_78 = tpu.memref_slice %arg6[%add3A_48, %dma_start3A_77] : memref<100096x16xf32, #tpu.memory_space<vmem_shared>> -> memref<640x16xf32, #tpu.memory_space<vmem_shared>>
    tpu.enqueue_dma source(%arg15 : memref<640x16xf32, #tpu.memory_space<vmem>>) target(%dma_start3A_78 : memref<640x16xf32, #tpu.memory_space<vmem_shared>>) target_semaphore(%arg19 : memref<!tpu.dma_semaphore, #tpu.memory_space<semaphore_mem>>)
    %dma_start3A_79 = arith.constant 0 : i32
    %dma_start3A_80 = tpu.memref_slice %arg6[%add3A_50, %dma_start3A_79] : memref<100096x16xf32, #tpu.memory_space<vmem_shared>> -> memref<640x16xf32, #tpu.memory_space<vmem_shared>>
    %dma_start3A_81 = arith.constant 0 : i32
    %dma_start3A_82 = tpu.memref_slice %arg6[%add3A_50, %dma_start3A_81] : memref<100096x16xf32, #tpu.memory_space<vmem_shared>> -> memref<640x16xf32, #tpu.memory_space<vmem_shared>>
    tpu.enqueue_dma source(%arg15 : memref<640x16xf32, #tpu.memory_space<vmem>>) target(%dma_start3A_82 : memref<640x16xf32, #tpu.memory_space<vmem_shared>>) target_semaphore(%arg19 : memref<!tpu.dma_semaphore, #tpu.memory_space<semaphore_mem>>)
    %dma_start3A_83 = arith.constant 0 : i32
    %dma_start3A_84 = tpu.memref_slice %arg6[%add3A_52, %dma_start3A_83] : memref<100096x16xf32, #tpu.memory_space<vmem_shared>> -> memref<640x16xf32, #tpu.memory_space<vmem_shared>>
    %dma_start3A_85 = arith.constant 0 : i32
    %dma_start3A_86 = tpu.memref_slice %arg6[%add3A_52, %dma_start3A_85] : memref<100096x16xf32, #tpu.memory_space<vmem_shared>> -> memref<640x16xf32, #tpu.memory_space<vmem_shared>>
    tpu.enqueue_dma source(%arg15 : memref<640x16xf32, #tpu.memory_space<vmem>>) target(%dma_start3A_86 : memref<640x16xf32, #tpu.memory_space<vmem_shared>>) target_semaphore(%arg19 : memref<!tpu.dma_semaphore, #tpu.memory_space<semaphore_mem>>)
    %dma_start3A_87 = arith.constant 0 : i32
    %dma_start3A_88 = tpu.memref_slice %arg6[%add3A_54, %dma_start3A_87] : memref<100096x16xf32, #tpu.memory_space<vmem_shared>> -> memref<640x16xf32, #tpu.memory_space<vmem_shared>>
    %dma_start3A_89 = arith.constant 0 : i32
    %dma_start3A_90 = tpu.memref_slice %arg6[%add3A_54, %dma_start3A_89] : memref<100096x16xf32, #tpu.memory_space<vmem_shared>> -> memref<640x16xf32, #tpu.memory_space<vmem_shared>>
    tpu.enqueue_dma source(%arg15 : memref<640x16xf32, #tpu.memory_space<vmem>>) target(%dma_start3A_90 : memref<640x16xf32, #tpu.memory_space<vmem_shared>>) target_semaphore(%arg19 : memref<!tpu.dma_semaphore, #tpu.memory_space<semaphore_mem>>)
    %dma_start3A_91 = arith.constant 0 : i32
    %dma_start3A_92 = tpu.memref_slice %arg6[%add3A_56, %dma_start3A_91] : memref<100096x16xf32, #tpu.memory_space<vmem_shared>> -> memref<640x16xf32, #tpu.memory_space<vmem_shared>>
    %dma_start3A_93 = arith.constant 0 : i32
    %dma_start3A_94 = tpu.memref_slice %arg6[%add3A_56, %dma_start3A_93] : memref<100096x16xf32, #tpu.memory_space<vmem_shared>> -> memref<640x16xf32, #tpu.memory_space<vmem_shared>>
    tpu.enqueue_dma source(%arg15 : memref<640x16xf32, #tpu.memory_space<vmem>>) target(%dma_start3A_94 : memref<640x16xf32, #tpu.memory_space<vmem_shared>>) target_semaphore(%arg19 : memref<!tpu.dma_semaphore, #tpu.memory_space<semaphore_mem>>)
    %dma_start3A_95 = arith.constant 0 : i32
    %dma_start3A_96 = arith.constant 0 : i32
    %dma_start3A_97 = tpu.memref_slice %arg15[%dma_start3A_95, %dma_start3A_96] : memref<640x16xf32, #tpu.memory_space<vmem>> -> memref<496x16xf32, #tpu.memory_space<vmem>>
    %dma_start3A_98 = arith.constant 0 : i32
    %dma_start3A_99 = tpu.memref_slice %arg6[%add3A_58, %dma_start3A_98] : memref<100096x16xf32, #tpu.memory_space<vmem_shared>> -> memref<496x16xf32, #tpu.memory_space<vmem_shared>>
    %dma_start3A_100 = arith.constant 0 : i32
    %dma_start3A_101 = tpu.memref_slice %arg6[%add3A_58, %dma_start3A_100] : memref<100096x16xf32, #tpu.memory_space<vmem_shared>> -> memref<496x16xf32, #tpu.memory_space<vmem_shared>>
    %dma_start3A_102 = arith.constant 0 : i32
    %dma_start3A_103 = arith.constant 0 : i32
    %dma_start3A_104 = tpu.memref_slice %arg15[%dma_start3A_102, %dma_start3A_103] : memref<640x16xf32, #tpu.memory_space<vmem>> -> memref<496x16xf32, #tpu.memory_space<vmem>>
    tpu.enqueue_dma source(%dma_start3A_104 : memref<496x16xf32, #tpu.memory_space<vmem>>) target(%dma_start3A_101 : memref<496x16xf32, #tpu.memory_space<vmem_shared>>) target_semaphore(%arg19 : memref<!tpu.dma_semaphore, #tpu.memory_space<semaphore_mem>>)
    %dma_wait3A = arith.constant 0 : i32
    %dma_wait3A_105 = tpu.memref_slice %arg6[%add3A_40, %dma_wait3A] : memref<100096x16xf32, #tpu.memory_space<vmem_shared>> -> memref<640x16xf32, #tpu.memory_space<vmem_shared>>
    %dma_wait3A_106 = arith.constant 0 : i32
    %dma_wait3A_107 = tpu.memref_slice %arg6[%add3A_40, %dma_wait3A_106] : memref<100096x16xf32, #tpu.memory_space<vmem_shared>> -> memref<640x16xf32, #tpu.memory_space<vmem_shared>>
    tpu.wait_dma2 semaphore(%arg19 : memref<!tpu.dma_semaphore, #tpu.memory_space<semaphore_mem>>) src(%arg15 : memref<640x16xf32, #tpu.memory_space<vmem>>) dst(%dma_wait3A_107 : memref<640x16xf32, #tpu.memory_space<vmem_shared>>)
    %dma_wait3A_108 = arith.constant 0 : i32
    %dma_wait3A_109 = tpu.memref_slice %arg6[%add3A_42, %dma_wait3A_108] : memref<100096x16xf32, #tpu.memory_space<vmem_shared>> -> memref<640x16xf32, #tpu.memory_space<vmem_shared>>
    %dma_wait3A_110 = arith.constant 0 : i32
    %dma_wait3A_111 = tpu.memref_slice %arg6[%add3A_42, %dma_wait3A_110] : memref<100096x16xf32, #tpu.memory_space<vmem_shared>> -> memref<640x16xf32, #tpu.memory_space<vmem_shared>>
    tpu.wait_dma2 semaphore(%arg19 : memref<!tpu.dma_semaphore, #tpu.memory_space<semaphore_mem>>) src(%arg15 : memref<640x16xf32, #tpu.memory_space<vmem>>) dst(%dma_wait3A_111 : memref<640x16xf32, #tpu.memory_space<vmem_shared>>)
    %dma_wait3A_112 = arith.constant 0 : i32
    %dma_wait3A_113 = tpu.memref_slice %arg6[%add3A_44, %dma_wait3A_112] : memref<100096x16xf32, #tpu.memory_space<vmem_shared>> -> memref<640x16xf32, #tpu.memory_space<vmem_shared>>
    %dma_wait3A_114 = arith.constant 0 : i32
    %dma_wait3A_115 = tpu.memref_slice %arg6[%add3A_44, %dma_wait3A_114] : memref<100096x16xf32, #tpu.memory_space<vmem_shared>> -> memref<640x16xf32, #tpu.memory_space<vmem_shared>>
    tpu.wait_dma2 semaphore(%arg19 : memref<!tpu.dma_semaphore, #tpu.memory_space<semaphore_mem>>) src(%arg15 : memref<640x16xf32, #tpu.memory_space<vmem>>) dst(%dma_wait3A_115 : memref<640x16xf32, #tpu.memory_space<vmem_shared>>)
    %dma_wait3A_116 = arith.constant 0 : i32
    %dma_wait3A_117 = tpu.memref_slice %arg6[%add3A_46, %dma_wait3A_116] : memref<100096x16xf32, #tpu.memory_space<vmem_shared>> -> memref<640x16xf32, #tpu.memory_space<vmem_shared>>
    %dma_wait3A_118 = arith.constant 0 : i32
    %dma_wait3A_119 = tpu.memref_slice %arg6[%add3A_46, %dma_wait3A_118] : memref<100096x16xf32, #tpu.memory_space<vmem_shared>> -> memref<640x16xf32, #tpu.memory_space<vmem_shared>>
    tpu.wait_dma2 semaphore(%arg19 : memref<!tpu.dma_semaphore, #tpu.memory_space<semaphore_mem>>) src(%arg15 : memref<640x16xf32, #tpu.memory_space<vmem>>) dst(%dma_wait3A_119 : memref<640x16xf32, #tpu.memory_space<vmem_shared>>)
    %dma_wait3A_120 = arith.constant 0 : i32
    %dma_wait3A_121 = tpu.memref_slice %arg6[%add3A_48, %dma_wait3A_120] : memref<100096x16xf32, #tpu.memory_space<vmem_shared>> -> memref<640x16xf32, #tpu.memory_space<vmem_shared>>
    %dma_wait3A_122 = arith.constant 0 : i32
    %dma_wait3A_123 = tpu.memref_slice %arg6[%add3A_48, %dma_wait3A_122] : memref<100096x16xf32, #tpu.memory_space<vmem_shared>> -> memref<640x16xf32, #tpu.memory_space<vmem_shared>>
    tpu.wait_dma2 semaphore(%arg19 : memref<!tpu.dma_semaphore, #tpu.memory_space<semaphore_mem>>) src(%arg15 : memref<640x16xf32, #tpu.memory_space<vmem>>) dst(%dma_wait3A_123 : memref<640x16xf32, #tpu.memory_space<vmem_shared>>)
    %dma_wait3A_124 = arith.constant 0 : i32
    %dma_wait3A_125 = tpu.memref_slice %arg6[%add3A_50, %dma_wait3A_124] : memref<100096x16xf32, #tpu.memory_space<vmem_shared>> -> memref<640x16xf32, #tpu.memory_space<vmem_shared>>
    %dma_wait3A_126 = arith.constant 0 : i32
    %dma_wait3A_127 = tpu.memref_slice %arg6[%add3A_50, %dma_wait3A_126] : memref<100096x16xf32, #tpu.memory_space<vmem_shared>> -> memref<640x16xf32, #tpu.memory_space<vmem_shared>>
    tpu.wait_dma2 semaphore(%arg19 : memref<!tpu.dma_semaphore, #tpu.memory_space<semaphore_mem>>) src(%arg15 : memref<640x16xf32, #tpu.memory_space<vmem>>) dst(%dma_wait3A_127 : memref<640x16xf32, #tpu.memory_space<vmem_shared>>)
    %dma_wait3A_128 = arith.constant 0 : i32
    %dma_wait3A_129 = tpu.memref_slice %arg6[%add3A_52, %dma_wait3A_128] : memref<100096x16xf32, #tpu.memory_space<vmem_shared>> -> memref<640x16xf32, #tpu.memory_space<vmem_shared>>
    %dma_wait3A_130 = arith.constant 0 : i32
    %dma_wait3A_131 = tpu.memref_slice %arg6[%add3A_52, %dma_wait3A_130] : memref<100096x16xf32, #tpu.memory_space<vmem_shared>> -> memref<640x16xf32, #tpu.memory_space<vmem_shared>>
    tpu.wait_dma2 semaphore(%arg19 : memref<!tpu.dma_semaphore, #tpu.memory_space<semaphore_mem>>) src(%arg15 : memref<640x16xf32, #tpu.memory_space<vmem>>) dst(%dma_wait3A_131 : memref<640x16xf32, #tpu.memory_space<vmem_shared>>)
    %dma_wait3A_132 = arith.constant 0 : i32
    %dma_wait3A_133 = tpu.memref_slice %arg6[%add3A_54, %dma_wait3A_132] : memref<100096x16xf32, #tpu.memory_space<vmem_shared>> -> memref<640x16xf32, #tpu.memory_space<vmem_shared>>
    %dma_wait3A_134 = arith.constant 0 : i32
    %dma_wait3A_135 = tpu.memref_slice %arg6[%add3A_54, %dma_wait3A_134] : memref<100096x16xf32, #tpu.memory_space<vmem_shared>> -> memref<640x16xf32, #tpu.memory_space<vmem_shared>>
    tpu.wait_dma2 semaphore(%arg19 : memref<!tpu.dma_semaphore, #tpu.memory_space<semaphore_mem>>) src(%arg15 : memref<640x16xf32, #tpu.memory_space<vmem>>) dst(%dma_wait3A_135 : memref<640x16xf32, #tpu.memory_space<vmem_shared>>)
    %dma_wait3A_136 = arith.constant 0 : i32
    %dma_wait3A_137 = tpu.memref_slice %arg6[%add3A_56, %dma_wait3A_136] : memref<100096x16xf32, #tpu.memory_space<vmem_shared>> -> memref<640x16xf32, #tpu.memory_space<vmem_shared>>
    %dma_wait3A_138 = arith.constant 0 : i32
    %dma_wait3A_139 = tpu.memref_slice %arg6[%add3A_56, %dma_wait3A_138] : memref<100096x16xf32, #tpu.memory_space<vmem_shared>> -> memref<640x16xf32, #tpu.memory_space<vmem_shared>>
    tpu.wait_dma2 semaphore(%arg19 : memref<!tpu.dma_semaphore, #tpu.memory_space<semaphore_mem>>) src(%arg15 : memref<640x16xf32, #tpu.memory_space<vmem>>) dst(%dma_wait3A_139 : memref<640x16xf32, #tpu.memory_space<vmem_shared>>)
    %dma_wait3A_140 = arith.constant 0 : i32
    %dma_wait3A_141 = arith.constant 0 : i32
    %dma_wait3A_142 = tpu.memref_slice %arg15[%dma_wait3A_140, %dma_wait3A_141] : memref<640x16xf32, #tpu.memory_space<vmem>> -> memref<496x16xf32, #tpu.memory_space<vmem>>
    %dma_wait3A_143 = arith.constant 0 : i32
    %dma_wait3A_144 = tpu.memref_slice %arg6[%add3A_58, %dma_wait3A_143] : memref<100096x16xf32, #tpu.memory_space<vmem_shared>> -> memref<496x16xf32, #tpu.memory_space<vmem_shared>>
    %dma_wait3A_145 = arith.constant 0 : i32
    %dma_wait3A_146 = tpu.memref_slice %arg6[%add3A_58, %dma_wait3A_145] : memref<100096x16xf32, #tpu.memory_space<vmem_shared>> -> memref<496x16xf32, #tpu.memory_space<vmem_shared>>
    %dma_wait3A_147 = arith.constant 0 : i32
    %dma_wait3A_148 = arith.constant 0 : i32
    %dma_wait3A_149 = tpu.memref_slice %arg15[%dma_wait3A_147, %dma_wait3A_148] : memref<640x16xf32, #tpu.memory_space<vmem>> -> memref<496x16xf32, #tpu.memory_space<vmem>>
    tpu.wait_dma2 semaphore(%arg19 : memref<!tpu.dma_semaphore, #tpu.memory_space<semaphore_mem>>) src(%dma_wait3A_149 : memref<496x16xf32, #tpu.memory_space<vmem>>) dst(%dma_wait3A_146 : memref<496x16xf32, #tpu.memory_space<vmem_shared>>)
    %barrier3A = arith.constant 0 : index
    tpu.barrier barrier_id(%barrier3A)
    %scan3A_150 = arith.constant 0 : i32
    %scan3A_151 = arith.constant 0 : i32
    %scan3A_152 = arith.constant 40 : i32
    %scan3A_153 = arith.addi %scan3A_151, %scan3A_152 : i32
    %scan3A_154 = arith.constant 1 : i32
    %scan3A_155 = scf.for %scan3A_199 = %scan3A_151 to %scan3A_153 step %scan3A_154 iter_args(%scan3A_200 = %scan3A_150) -> (i32)  : i32 {
      %mul3A_201 = arith.constant 2 : i32
      %mul3A_202 = arith.muli %mul3A_201, %scan3A_199 : i32
      %add3A_203 = arith.constant 0 : i32
      %add3A_204 = arith.addi %mul3A_202, %add3A_203 : i32
      %mul3A_205 = arith.constant 16 : i32
      %mul3A_206 = arith.muli %add3A_204, %mul3A_205 : i32
      %add3A_207 = arith.addi %mul3A_206, %arg1 : i32
      %lt3A = arith.constant 1250 : i32
      %lt3A_208 = arith.cmpi slt, %add3A_207, %lt3A : i32
      %convert_element_type3A_209 = arith.extui %lt3A_208 : i1 to i32
      %cond3A_210 = arith.constant 0 : i32
      %cond3A_211 = arith.cmpi ne, %convert_element_type3A_209, %cond3A_210 : i32
      scf.if %cond3A_211 {
        %ge3A_225 = arith.constant 1 : i32
        %ge3A_226 = arith.cmpi sge, %scan3A_199, %ge3A_225 : i32
        %convert_element_type3A_227 = arith.extui %ge3A_226 : i1 to i32
        %cond3A_228 = arith.constant 0 : i32
        %cond3A_229 = arith.cmpi ne, %convert_element_type3A_227, %cond3A_228 : i32
        scf.if %cond3A_229 {
          %dma_wait3A_267 = arith.constant 0 : i32
          %dma_wait3A_268 = arith.constant 0 : i32
          %dma_wait3A_269 = tpu.memref_slice %arg6[%dma_wait3A_267, %dma_wait3A_268] : memref<100096x16xf32, #tpu.memory_space<vmem_shared>> -> memref<100096x16xf32, #tpu.memory_space<vmem_shared>>
          tpu.wait_indirect_dma semaphore(%arg21 : memref<!tpu.dma_semaphore, #tpu.memory_space<semaphore_mem>>) src(%arg15 : memref<640x16xf32, #tpu.memory_space<vmem>>) dst(%dma_wait3A_269 : memref<100096x16xf32, #tpu.memory_space<vmem_shared>>)
        } else {
        }
        %mul3A_230 = arith.constant 640 : i32
        %mul3A_231 = arith.muli %add3A_207, %mul3A_230 : i32
        %dma_wait3A_232 = arith.constant 0 : i32
        %dma_wait3A_233 = tpu.memref_slice %arg3[%dma_wait3A_232, %mul3A_231] : memref<2x800000xi32, #tpu.memory_space<hbm>> -> memref<1x640xi32, #tpu.memory_space<hbm>>
        %dma_wait3A_234 = tpu.memref_squeeze %dma_wait3A_233 : memref<1x640xi32, #tpu.memory_space<hbm>> -> memref<640xi32, #tpu.memory_space<hbm>>
        %dma_wait3A_235 = tpu.memref_slice %arg3[%dma_wait3A_232, %mul3A_231] : memref<2x800000xi32, #tpu.memory_space<hbm>> -> memref<1x640xi32, #tpu.memory_space<hbm>>
        %dma_wait3A_236 = tpu.memref_squeeze %dma_wait3A_235 : memref<1x640xi32, #tpu.memory_space<hbm>> -> memref<640xi32, #tpu.memory_space<hbm>>
        tpu.wait_dma2 semaphore(%arg17 : memref<!tpu.dma_semaphore, #tpu.memory_space<semaphore_mem>>) src(%dma_wait3A_236 : memref<640xi32, #tpu.memory_space<hbm>>) dst(%arg7 : memref<640xi32, #tpu.memory_space<vmem>>)
        %dma_wait3A_237 = arith.constant 1 : i32
        %dma_wait3A_238 = tpu.memref_slice %arg3[%dma_wait3A_237, %mul3A_231] : memref<2x800000xi32, #tpu.memory_space<hbm>> -> memref<1x640xi32, #tpu.memory_space<hbm>>
        %dma_wait3A_239 = tpu.memref_squeeze %dma_wait3A_238 : memref<1x640xi32, #tpu.memory_space<hbm>> -> memref<640xi32, #tpu.memory_space<hbm>>
        %dma_wait3A_240 = tpu.memref_slice %arg3[%dma_wait3A_237, %mul3A_231] : memref<2x800000xi32, #tpu.memory_space<hbm>> -> memref<1x640xi32, #tpu.memory_space<hbm>>
        %dma_wait3A_241 = tpu.memref_squeeze %dma_wait3A_240 : memref<1x640xi32, #tpu.memory_space<hbm>> -> memref<640xi32, #tpu.memory_space<hbm>>
        tpu.wait_dma2 semaphore(%arg17 : memref<!tpu.dma_semaphore, #tpu.memory_space<semaphore_mem>>) src(%dma_wait3A_241 : memref<640xi32, #tpu.memory_space<hbm>>) dst(%arg9 : memref<640xi32, #tpu.memory_space<vmem>>)
        %dma_wait3A_242 = tpu.memref_slice %arg4[%mul3A_231] : memref<800000xi32, #tpu.memory_space<hbm>> -> memref<640xi32, #tpu.memory_space<hbm>>
        %dma_wait3A_243 = tpu.memref_slice %arg4[%mul3A_231] : memref<800000xi32, #tpu.memory_space<hbm>> -> memref<640xi32, #tpu.memory_space<hbm>>
        tpu.wait_dma2 semaphore(%arg17 : memref<!tpu.dma_semaphore, #tpu.memory_space<semaphore_mem>>) src(%dma_wait3A_243 : memref<640xi32, #tpu.memory_space<hbm>>) dst(%arg11 : memref<640xi32, #tpu.memory_space<vmem>>)
        %dma_start3A_244 = arith.constant 0 : i32
        %dma_start3A_245 = arith.constant 0 : i32
        %dma_start3A_246 = tpu.memref_slice %arg2[%dma_start3A_244, %dma_start3A_245] : memref<50000x16xf32, #tpu.memory_space<hbm>> -> memref<50000x16xf32, #tpu.memory_space<hbm>>
        tpu.enqueue_indirect_dma source(%dma_start3A_246 : memref<50000x16xf32, #tpu.memory_space<hbm>>) target(%arg15 : memref<640x16xf32, #tpu.memory_space<vmem>>) offsets(%arg7 : memref<640xi32, #tpu.memory_space<vmem>>) semaphore(%arg19 : memref<!tpu.dma_semaphore, #tpu.memory_space<semaphore_mem>>)
        %scan3A_247 = arith.constant 0 : i32
        %scan3A_248 = arith.constant 0 : i32
        %scan3A_249 = arith.constant 40 : i32
        %scan3A_250 = arith.addi %scan3A_248, %scan3A_249 : i32
        %scan3A_251 = arith.constant 1 : i32
        %scan3A_252 = scf.for %scan3A_267 = %scan3A_248 to %scan3A_250 step %scan3A_251 iter_args(%scan3A_268 = %scan3A_247) -> (i32)  : i32 {
          %mul3A_269 = arith.constant 16 : i32
          %mul3A_270 = arith.muli %scan3A_267, %mul3A_269 : i32
          %get3A = arith.index_cast %mul3A_270 : i32 to index
          %get3A_271 = tpu.vector_load %arg9[%get3A] {strides = array<i32>} : memref<640xi32, #tpu.memory_space<vmem>>, vector<16xi32>,
          %get3A_272 = vector.shape_cast %get3A_271 : vector<16xi32> to vector<16xi32>
          %mul3A_273 = arith.constant 16 : i32
          %mul3A_274 = arith.muli %scan3A_267, %mul3A_273 : i32
          %get3A_275 = arith.index_cast %mul3A_274 : i32 to index
          %get3A_276 = tpu.vector_load %arg11[%get3A_275] {strides = array<i32>} : memref<640xi32, #tpu.memory_space<vmem>>, vector<16xi32>,
          %get3A_277 = vector.shape_cast %get3A_276 : vector<16xi32> to vector<16xi32>
          %sub3A_278 = vector.broadcast %mul3A_0 : i32 to vector<16xi32>
          %sub3A_279 = arith.subi %get3A_272, %sub3A_278 : vector<16xi32>
          %ge3A_280 = arith.constant 0 : i32
          %ge3A_281 = vector.broadcast %ge3A_280 : i32 to vector<16xi32>
          %ge3A_282 = arith.cmpi sge, %sub3A_279, %ge3A_281 : vector<16xi32>
          %lt3A_283 = arith.constant 25000 : i32
          %lt3A_284 = vector.broadcast %lt3A_283 : i32 to vector<16xi32>
          %lt3A_285 = arith.cmpi slt, %sub3A_279, %lt3A_284 : vector<16xi32>
          %and3A_286 = arith.andi %ge3A_282, %lt3A_285 : vector<16xi1>
          %mul3A_287 = arith.constant 25000 : i32
          %mul3A_288 = vector.broadcast %mul3A_287 : i32 to vector<16xi32>
          %mul3A_289 = arith.muli %get3A_277, %mul3A_288 : vector<16xi32>
          %add3A_290 = arith.addi %mul3A_289, %sub3A_279 : vector<16xi32>
          %broadcast_in_dim3A = vector.broadcast %add3A_1 : i32 to vector<16xi32>
          %select_n3A_291 = arith.select %and3A_286, %add3A_290, %broadcast_in_dim3A : vector<16xi1>, vector<16xi32>
          %mul3A_292 = arith.constant 16 : i32
          %mul3A_293 = arith.muli %scan3A_267, %mul3A_292 : i32
          %swap3A = arith.index_cast %mul3A_293 : i32 to index
          %swap3A_294 = tpu.vector_load %arg13[%swap3A] {strides = array<i32>} : memref<640xi32, #tpu.memory_space<vmem>>, vector<16xi32>,
          %swap3A_295 = vector.shape_cast %swap3A_294 : vector<16xi32> to vector<16xi32>
          %swap3A_296 = vector.shape_cast %select_n3A_291 : vector<16xi32> to vector<16xi32>
          tpu.vector_store %arg13[%swap3A], %swap3A_296 {strides = array<i32>} : memref<640xi32, #tpu.memory_space<vmem>>, vector<16xi32>,
          %scan3A_297 = arith.constant 0 : i32
          scf.yield %scan3A_297 : i32
        }
        %scan3A_253 = arith.constant 40 : i32
        %dma_wait3A_254 = arith.constant 0 : i32
        %dma_wait3A_255 = arith.constant 0 : i32
        %dma_wait3A_256 = tpu.memref_slice %arg2[%dma_wait3A_254, %dma_wait3A_255] : memref<50000x16xf32, #tpu.memory_space<hbm>> -> memref<50000x16xf32, #tpu.memory_space<hbm>>
        tpu.wait_indirect_dma semaphore(%arg19 : memref<!tpu.dma_semaphore, #tpu.memory_space<semaphore_mem>>) src(%dma_wait3A_256 : memref<50000x16xf32, #tpu.memory_space<hbm>>) dst(%arg15 : memref<640x16xf32, #tpu.memory_space<vmem>>)
        %add3A_257 = arith.constant 32 : i32
        %add3A_258 = arith.addi %add3A_207, %add3A_257 : i32
        %lt3A_259 = arith.constant 1250 : i32
        %lt3A_260 = arith.cmpi slt, %add3A_258, %lt3A_259 : i32
        %convert_element_type3A_261 = arith.extui %lt3A_260 : i1 to i32
        %cond3A_262 = arith.constant 0 : i32
        %cond3A_263 = arith.cmpi ne, %convert_element_type3A_261, %cond3A_262 : i32
        scf.if %cond3A_263 {
          %add3A_267 = arith.constant 32 : i32
          %add3A_268 = arith.addi %add3A_207, %add3A_267 : i32
          %mul3A_269 = arith.constant 640 : i32
          %mul3A_270 = arith.muli %add3A_268, %mul3A_269 : i32
          %dma_start3A_271 = arith.constant 0 : i32
          %dma_start3A_272 = tpu.memref_slice %arg3[%dma_start3A_271, %mul3A_270] : memref<2x800000xi32, #tpu.memory_space<hbm>> -> memref<1x640xi32, #tpu.memory_space<hbm>>
          %dma_start3A_273 = tpu.memref_squeeze %dma_start3A_272 : memref<1x640xi32, #tpu.memory_space<hbm>> -> memref<640xi32, #tpu.memory_space<hbm>>
          %dma_start3A_274 = tpu.memref_slice %arg3[%dma_start3A_271, %mul3A_270] : memref<2x800000xi32, #tpu.memory_space<hbm>> -> memref<1x640xi32, #tpu.memory_space<hbm>>
          %dma_start3A_275 = tpu.memref_squeeze %dma_start3A_274 : memref<1x640xi32, #tpu.memory_space<hbm>> -> memref<640xi32, #tpu.memory_space<hbm>>
          tpu.enqueue_dma source(%dma_start3A_275 : memref<640xi32, #tpu.memory_space<hbm>>) target(%arg7 : memref<640xi32, #tpu.memory_space<vmem>>) target_semaphore(%arg17 : memref<!tpu.dma_semaphore, #tpu.memory_space<semaphore_mem>>)
          %dma_start3A_276 = arith.constant 1 : i32
          %dma_start3A_277 = tpu.memref_slice %arg3[%dma_start3A_276, %mul3A_270] : memref<2x800000xi32, #tpu.memory_space<hbm>> -> memref<1x640xi32, #tpu.memory_space<hbm>>
          %dma_start3A_278 = tpu.memref_squeeze %dma_start3A_277 : memref<1x640xi32, #tpu.memory_space<hbm>> -> memref<640xi32, #tpu.memory_space<hbm>>
          %dma_start3A_279 = tpu.memref_slice %arg3[%dma_start3A_276, %mul3A_270] : memref<2x800000xi32, #tpu.memory_space<hbm>> -> memref<1x640xi32, #tpu.memory_space<hbm>>
          %dma_start3A_280 = tpu.memref_squeeze %dma_start3A_279 : memref<1x640xi32, #tpu.memory_space<hbm>> -> memref<640xi32, #tpu.memory_space<hbm>>
          tpu.enqueue_dma source(%dma_start3A_280 : memref<640xi32, #tpu.memory_space<hbm>>) target(%arg9 : memref<640xi32, #tpu.memory_space<vmem>>) target_semaphore(%arg17 : memref<!tpu.dma_semaphore, #tpu.memory_space<semaphore_mem>>)
          %dma_start3A_281 = tpu.memref_slice %arg4[%mul3A_270] : memref<800000xi32, #tpu.memory_space<hbm>> -> memref<640xi32, #tpu.memory_space<hbm>>
          %dma_start3A_282 = tpu.memref_slice %arg4[%mul3A_270] : memref<800000xi32, #tpu.memory_space<hbm>> -> memref<640xi32, #tpu.memory_space<hbm>>
          tpu.enqueue_dma source(%dma_start3A_282 : memref<640xi32, #tpu.memory_space<hbm>>) target(%arg11 : memref<640xi32, #tpu.memory_space<vmem>>) target_semaphore(%arg17 : memref<!tpu.dma_semaphore, #tpu.memory_space<semaphore_mem>>)
        } else {
        }
        %dma_start3A_264 = arith.constant 0 : i32
        %dma_start3A_265 = arith.constant 0 : i32
        %dma_start3A_266 = tpu.memref_slice %arg6[%dma_start3A_264, %dma_start3A_265] : memref<100096x16xf32, #tpu.memory_space<vmem_shared>> -> memref<100096x16xf32, #tpu.memory_space<vmem_shared>>
        tpu.enqueue_indirect_dma source(%arg15 : memref<640x16xf32, #tpu.memory_space<vmem>>) target(%dma_start3A_266 : memref<100096x16xf32, #tpu.memory_space<vmem_shared>>) offsets(%arg13 : memref<640xi32, #tpu.memory_space<vmem>>) semaphore(%arg21 : memref<!tpu.dma_semaphore, #tpu.memory_space<semaphore_mem>>) {add = true}
      } else {
      }
      %mul3A_212 = arith.constant 2 : i32
      %mul3A_213 = arith.muli %mul3A_212, %scan3A_199 : i32
      %add3A_214 = arith.constant 1 : i32
      %add3A_215 = arith.addi %mul3A_213, %add3A_214 : i32
      %mul3A_216 = arith.constant 16 : i32
      %mul3A_217 = arith.muli %add3A_215, %mul3A_216 : i32
      %add3A_218 = arith.addi %mul3A_217, %arg1 : i32
      %lt3A_219 = arith.constant 1250 : i32
      %lt3A_220 = arith.cmpi slt, %add3A_218, %lt3A_219 : i32
      %convert_element_type3A_221 = arith.extui %lt3A_220 : i1 to i32
      %cond3A_222 = arith.constant 0 : i32
      %cond3A_223 = arith.cmpi ne, %convert_element_type3A_221, %cond3A_222 : i32
      scf.if %cond3A_223 {
        %ge3A_225 = arith.constant 1 : i32
        %ge3A_226 = arith.cmpi sge, %scan3A_199, %ge3A_225 : i32
        %convert_element_type3A_227 = arith.extui %ge3A_226 : i1 to i32
        %cond3A_228 = arith.constant 0 : i32
        %cond3A_229 = arith.cmpi ne, %convert_element_type3A_227, %cond3A_228 : i32
        scf.if %cond3A_229 {
          %dma_wait3A_267 = arith.constant 0 : i32
          %dma_wait3A_268 = arith.constant 0 : i32
          %dma_wait3A_269 = tpu.memref_slice %arg6[%dma_wait3A_267, %dma_wait3A_268] : memref<100096x16xf32, #tpu.memory_space<vmem_shared>> -> memref<100096x16xf32, #tpu.memory_space<vmem_shared>>
          tpu.wait_indirect_dma semaphore(%arg22 : memref<!tpu.dma_semaphore, #tpu.memory_space<semaphore_mem>>) src(%arg16 : memref<640x16xf32, #tpu.memory_space<vmem>>) dst(%dma_wait3A_269 : memref<100096x16xf32, #tpu.memory_space<vmem_shared>>)
        } else {
        }
        %mul3A_230 = arith.constant 640 : i32
        %mul3A_231 = arith.muli %add3A_218, %mul3A_230 : i32
        %dma_wait3A_232 = arith.constant 0 : i32
        %dma_wait3A_233 = tpu.memref_slice %arg3[%dma_wait3A_232, %mul3A_231] : memref<2x800000xi32, #tpu.memory_space<hbm>> -> memref<1x640xi32, #tpu.memory_space<hbm>>
        %dma_wait3A_234 = tpu.memref_squeeze %dma_wait3A_233 : memref<1x640xi32, #tpu.memory_space<hbm>> -> memref<640xi32, #tpu.memory_space<hbm>>
        %dma_wait3A_235 = tpu.memref_slice %arg3[%dma_wait3A_232, %mul3A_231] : memref<2x800000xi32, #tpu.memory_space<hbm>> -> memref<1x640xi32, #tpu.memory_space<hbm>>
        %dma_wait3A_236 = tpu.memref_squeeze %dma_wait3A_235 : memref<1x640xi32, #tpu.memory_space<hbm>> -> memref<640xi32, #tpu.memory_space<hbm>>
        tpu.wait_dma2 semaphore(%arg18 : memref<!tpu.dma_semaphore, #tpu.memory_space<semaphore_mem>>) src(%dma_wait3A_236 : memref<640xi32, #tpu.memory_space<hbm>>) dst(%arg8 : memref<640xi32, #tpu.memory_space<vmem>>)
        %dma_wait3A_237 = arith.constant 1 : i32
        %dma_wait3A_238 = tpu.memref_slice %arg3[%dma_wait3A_237, %mul3A_231] : memref<2x800000xi32, #tpu.memory_space<hbm>> -> memref<1x640xi32, #tpu.memory_space<hbm>>
        %dma_wait3A_239 = tpu.memref_squeeze %dma_wait3A_238 : memref<1x640xi32, #tpu.memory_space<hbm>> -> memref<640xi32, #tpu.memory_space<hbm>>
        %dma_wait3A_240 = tpu.memref_slice %arg3[%dma_wait3A_237, %mul3A_231] : memref<2x800000xi32, #tpu.memory_space<hbm>> -> memref<1x640xi32, #tpu.memory_space<hbm>>
        %dma_wait3A_241 = tpu.memref_squeeze %dma_wait3A_240 : memref<1x640xi32, #tpu.memory_space<hbm>> -> memref<640xi32, #tpu.memory_space<hbm>>
        tpu.wait_dma2 semaphore(%arg18 : memref<!tpu.dma_semaphore, #tpu.memory_space<semaphore_mem>>) src(%dma_wait3A_241 : memref<640xi32, #tpu.memory_space<hbm>>) dst(%arg10 : memref<640xi32, #tpu.memory_space<vmem>>)
        %dma_wait3A_242 = tpu.memref_slice %arg4[%mul3A_231] : memref<800000xi32, #tpu.memory_space<hbm>> -> memref<640xi32, #tpu.memory_space<hbm>>
        %dma_wait3A_243 = tpu.memref_slice %arg4[%mul3A_231] : memref<800000xi32, #tpu.memory_space<hbm>> -> memref<640xi32, #tpu.memory_space<hbm>>
        tpu.wait_dma2 semaphore(%arg18 : memref<!tpu.dma_semaphore, #tpu.memory_space<semaphore_mem>>) src(%dma_wait3A_243 : memref<640xi32, #tpu.memory_space<hbm>>) dst(%arg12 : memref<640xi32, #tpu.memory_space<vmem>>)
        %dma_start3A_244 = arith.constant 0 : i32
        %dma_start3A_245 = arith.constant 0 : i32
        %dma_start3A_246 = tpu.memref_slice %arg2[%dma_start3A_244, %dma_start3A_245] : memref<50000x16xf32, #tpu.memory_space<hbm>> -> memref<50000x16xf32, #tpu.memory_space<hbm>>
        tpu.enqueue_indirect_dma source(%dma_start3A_246 : memref<50000x16xf32, #tpu.memory_space<hbm>>) target(%arg16 : memref<640x16xf32, #tpu.memory_space<vmem>>) offsets(%arg8 : memref<640xi32, #tpu.memory_space<vmem>>) semaphore(%arg20 : memref<!tpu.dma_semaphore, #tpu.memory_space<semaphore_mem>>)
        %scan3A_247 = arith.constant 0 : i32
        %scan3A_248 = arith.constant 0 : i32
        %scan3A_249 = arith.constant 40 : i32
        %scan3A_250 = arith.addi %scan3A_248, %scan3A_249 : i32
        %scan3A_251 = arith.constant 1 : i32
        %scan3A_252 = scf.for %scan3A_267 = %scan3A_248 to %scan3A_250 step %scan3A_251 iter_args(%scan3A_268 = %scan3A_247) -> (i32)  : i32 {
          %mul3A_269 = arith.constant 16 : i32
          %mul3A_270 = arith.muli %scan3A_267, %mul3A_269 : i32
          %get3A = arith.index_cast %mul3A_270 : i32 to index
          %get3A_271 = tpu.vector_load %arg10[%get3A] {strides = array<i32>} : memref<640xi32, #tpu.memory_space<vmem>>, vector<16xi32>,
          %get3A_272 = vector.shape_cast %get3A_271 : vector<16xi32> to vector<16xi32>
          %mul3A_273 = arith.constant 16 : i32
          %mul3A_274 = arith.muli %scan3A_267, %mul3A_273 : i32
          %get3A_275 = arith.index_cast %mul3A_274 : i32 to index
          %get3A_276 = tpu.vector_load %arg12[%get3A_275] {strides = array<i32>} : memref<640xi32, #tpu.memory_space<vmem>>, vector<16xi32>,
          %get3A_277 = vector.shape_cast %get3A_276 : vector<16xi32> to vector<16xi32>
          %sub3A_278 = vector.broadcast %mul3A_0 : i32 to vector<16xi32>
          %sub3A_279 = arith.subi %get3A_272, %sub3A_278 : vector<16xi32>
          %ge3A_280 = arith.constant 0 : i32
          %ge3A_281 = vector.broadcast %ge3A_280 : i32 to vector<16xi32>
          %ge3A_282 = arith.cmpi sge, %sub3A_279, %ge3A_281 : vector<16xi32>
          %lt3A_283 = arith.constant 25000 : i32
          %lt3A_284 = vector.broadcast %lt3A_283 : i32 to vector<16xi32>
          %lt3A_285 = arith.cmpi slt, %sub3A_279, %lt3A_284 : vector<16xi32>
          %and3A_286 = arith.andi %ge3A_282, %lt3A_285 : vector<16xi1>
          %mul3A_287 = arith.constant 25000 : i32
          %mul3A_288 = vector.broadcast %mul3A_287 : i32 to vector<16xi32>
          %mul3A_289 = arith.muli %get3A_277, %mul3A_288 : vector<16xi32>
          %add3A_290 = arith.addi %mul3A_289, %sub3A_279 : vector<16xi32>
          %broadcast_in_dim3A = vector.broadcast %add3A_1 : i32 to vector<16xi32>
          %select_n3A_291 = arith.select %and3A_286, %add3A_290, %broadcast_in_dim3A : vector<16xi1>, vector<16xi32>
          %mul3A_292 = arith.constant 16 : i32
          %mul3A_293 = arith.muli %scan3A_267, %mul3A_292 : i32
          %swap3A = arith.index_cast %mul3A_293 : i32 to index
          %swap3A_294 = tpu.vector_load %arg14[%swap3A] {strides = array<i32>} : memref<640xi32, #tpu.memory_space<vmem>>, vector<16xi32>,
          %swap3A_295 = vector.shape_cast %swap3A_294 : vector<16xi32> to vector<16xi32>
          %swap3A_296 = vector.shape_cast %select_n3A_291 : vector<16xi32> to vector<16xi32>
          tpu.vector_store %arg14[%swap3A], %swap3A_296 {strides = array<i32>} : memref<640xi32, #tpu.memory_space<vmem>>, vector<16xi32>,
          %scan3A_297 = arith.constant 0 : i32
          scf.yield %scan3A_297 : i32
        }
        %scan3A_253 = arith.constant 40 : i32
        %dma_wait3A_254 = arith.constant 0 : i32
        %dma_wait3A_255 = arith.constant 0 : i32
        %dma_wait3A_256 = tpu.memref_slice %arg2[%dma_wait3A_254, %dma_wait3A_255] : memref<50000x16xf32, #tpu.memory_space<hbm>> -> memref<50000x16xf32, #tpu.memory_space<hbm>>
        tpu.wait_indirect_dma semaphore(%arg20 : memref<!tpu.dma_semaphore, #tpu.memory_space<semaphore_mem>>) src(%dma_wait3A_256 : memref<50000x16xf32, #tpu.memory_space<hbm>>) dst(%arg16 : memref<640x16xf32, #tpu.memory_space<vmem>>)
        %add3A_257 = arith.constant 32 : i32
        %add3A_258 = arith.addi %add3A_218, %add3A_257 : i32
        %lt3A_259 = arith.constant 1250 : i32
        %lt3A_260 = arith.cmpi slt, %add3A_258, %lt3A_259 : i32
        %convert_element_type3A_261 = arith.extui %lt3A_260 : i1 to i32
        %cond3A_262 = arith.constant 0 : i32
        %cond3A_263 = arith.cmpi ne, %convert_element_type3A_261, %cond3A_262 : i32
        scf.if %cond3A_263 {
          %add3A_267 = arith.constant 32 : i32
          %add3A_268 = arith.addi %add3A_218, %add3A_267 : i32
          %mul3A_269 = arith.constant 640 : i32
          %mul3A_270 = arith.muli %add3A_268, %mul3A_269 : i32
          %dma_start3A_271 = arith.constant 0 : i32
          %dma_start3A_272 = tpu.memref_slice %arg3[%dma_start3A_271, %mul3A_270] : memref<2x800000xi32, #tpu.memory_space<hbm>> -> memref<1x640xi32, #tpu.memory_space<hbm>>
          %dma_start3A_273 = tpu.memref_squeeze %dma_start3A_272 : memref<1x640xi32, #tpu.memory_space<hbm>> -> memref<640xi32, #tpu.memory_space<hbm>>
          %dma_start3A_274 = tpu.memref_slice %arg3[%dma_start3A_271, %mul3A_270] : memref<2x800000xi32, #tpu.memory_space<hbm>> -> memref<1x640xi32, #tpu.memory_space<hbm>>
          %dma_start3A_275 = tpu.memref_squeeze %dma_start3A_274 : memref<1x640xi32, #tpu.memory_space<hbm>> -> memref<640xi32, #tpu.memory_space<hbm>>
          tpu.enqueue_dma source(%dma_start3A_275 : memref<640xi32, #tpu.memory_space<hbm>>) target(%arg8 : memref<640xi32, #tpu.memory_space<vmem>>) target_semaphore(%arg18 : memref<!tpu.dma_semaphore, #tpu.memory_space<semaphore_mem>>)
          %dma_start3A_276 = arith.constant 1 : i32
          %dma_start3A_277 = tpu.memref_slice %arg3[%dma_start3A_276, %mul3A_270] : memref<2x800000xi32, #tpu.memory_space<hbm>> -> memref<1x640xi32, #tpu.memory_space<hbm>>
          %dma_start3A_278 = tpu.memref_squeeze %dma_start3A_277 : memref<1x640xi32, #tpu.memory_space<hbm>> -> memref<640xi32, #tpu.memory_space<hbm>>
          %dma_start3A_279 = tpu.memref_slice %arg3[%dma_start3A_276, %mul3A_270] : memref<2x800000xi32, #tpu.memory_space<hbm>> -> memref<1x640xi32, #tpu.memory_space<hbm>>
          %dma_start3A_280 = tpu.memref_squeeze %dma_start3A_279 : memref<1x640xi32, #tpu.memory_space<hbm>> -> memref<640xi32, #tpu.memory_space<hbm>>
          tpu.enqueue_dma source(%dma_start3A_280 : memref<640xi32, #tpu.memory_space<hbm>>) target(%arg10 : memref<640xi32, #tpu.memory_space<vmem>>) target_semaphore(%arg18 : memref<!tpu.dma_semaphore, #tpu.memory_space<semaphore_mem>>)
          %dma_start3A_281 = tpu.memref_slice %arg4[%mul3A_270] : memref<800000xi32, #tpu.memory_space<hbm>> -> memref<640xi32, #tpu.memory_space<hbm>>
          %dma_start3A_282 = tpu.memref_slice %arg4[%mul3A_270] : memref<800000xi32, #tpu.memory_space<hbm>> -> memref<640xi32, #tpu.memory_space<hbm>>
          tpu.enqueue_dma source(%dma_start3A_282 : memref<640xi32, #tpu.memory_space<hbm>>) target(%arg12 : memref<640xi32, #tpu.memory_space<vmem>>) target_semaphore(%arg18 : memref<!tpu.dma_semaphore, #tpu.memory_space<semaphore_mem>>)
        } else {
        }
        %dma_start3A_264 = arith.constant 0 : i32
        %dma_start3A_265 = arith.constant 0 : i32
        %dma_start3A_266 = tpu.memref_slice %arg6[%dma_start3A_264, %dma_start3A_265] : memref<100096x16xf32, #tpu.memory_space<vmem_shared>> -> memref<100096x16xf32, #tpu.memory_space<vmem_shared>>
        tpu.enqueue_indirect_dma source(%arg16 : memref<640x16xf32, #tpu.memory_space<vmem>>) target(%dma_start3A_266 : memref<100096x16xf32, #tpu.memory_space<vmem_shared>>) offsets(%arg14 : memref<640xi32, #tpu.memory_space<vmem>>) semaphore(%arg22 : memref<!tpu.dma_semaphore, #tpu.memory_space<semaphore_mem>>) {add = true}
      } else {
      }
      %scan3A_224 = arith.constant 0 : i32
      scf.yield %scan3A_224 : i32
    }
    %scan3A_156 = arith.constant 40 : i32
    %sub3A = arith.constant 1250 : i32
    %sub3A_157 = arith.subi %sub3A, %arg1 : i32
    %add3A_158 = arith.constant 15 : i32
    %add3A_159 = arith.addi %sub3A_157, %add3A_158 : i32
    %jit3A = arith.constant 16 : i32
    %div3A = arith.divsi %add3A_159, %jit3A : i32
    %sign3A = arith.constant 0 : i32
    %sign3A_160 = arith.cmpi sgt, %add3A_159, %sign3A : i32
    %sign3A_161 = arith.extui %sign3A_160 : i1 to i32
    %sign3A_162 = arith.constant 0 : i32
    %sign3A_163 = arith.cmpi slt, %add3A_159, %sign3A_162 : i32
    %sign3A_164 = arith.extui %sign3A_163 : i1 to i32
    %sign3A_165 = arith.subi %sign3A_161, %sign3A_164 : i32
    %sign3A_166 = arith.constant 0 : i32
    %sign3A_167 = arith.cmpi sgt, %jit3A, %sign3A_166 : i32
    %sign3A_168 = arith.extui %sign3A_167 : i1 to i32
    %sign3A_169 = arith.constant 0 : i32
    %sign3A_170 = arith.cmpi slt, %jit3A, %sign3A_169 : i32
    %sign3A_171 = arith.extui %sign3A_170 : i1 to i32
    %sign3A_172 = arith.subi %sign3A_168, %sign3A_171 : i32
    %ne3A = arith.cmpi ne, %sign3A_165, %sign3A_172 : i32
    %rem3A = arith.remsi %add3A_159, %jit3A : i32
    %ne3A_173 = arith.constant 0 : i32
    %ne3A_174 = arith.cmpi ne, %rem3A, %ne3A_173 : i32
    %and3A = arith.andi %ne3A, %ne3A_174 : i1
    %sub3A_175 = arith.constant 1 : i32
    %sub3A_176 = arith.subi %div3A, %sub3A_175 : i32
    %select_n3A = arith.select %and3A, %sub3A_176, %div3A : i32
    %ge3A = arith.constant 1 : i32
    %ge3A_177 = arith.cmpi sge, %select_n3A, %ge3A : i32
    %convert_element_type3A = arith.extui %ge3A_177 : i1 to i32
    %cond3A = arith.constant 0 : i32
    %cond3A_178 = arith.cmpi ne, %convert_element_type3A, %cond3A : i32
    scf.if %cond3A_178 {
      %dma_wait3A_199 = arith.constant 0 : i32
      %dma_wait3A_200 = arith.constant 0 : i32
      %dma_wait3A_201 = tpu.memref_slice %arg6[%dma_wait3A_199, %dma_wait3A_200] : memref<100096x16xf32, #tpu.memory_space<vmem_shared>> -> memref<100096x16xf32, #tpu.memory_space<vmem_shared>>
      tpu.wait_indirect_dma semaphore(%arg21 : memref<!tpu.dma_semaphore, #tpu.memory_space<semaphore_mem>>) src(%arg15 : memref<640x16xf32, #tpu.memory_space<vmem>>) dst(%dma_wait3A_201 : memref<100096x16xf32, #tpu.memory_space<vmem_shared>>)
    } else {
    }
    %ge3A_179 = arith.constant 2 : i32
    %ge3A_180 = arith.cmpi sge, %select_n3A, %ge3A_179 : i32
    %convert_element_type3A_181 = arith.extui %ge3A_180 : i1 to i32
    %cond3A_182 = arith.constant 0 : i32
    %cond3A_183 = arith.cmpi ne, %convert_element_type3A_181, %cond3A_182 : i32
    scf.if %cond3A_183 {
      %dma_wait3A_199 = arith.constant 0 : i32
      %dma_wait3A_200 = arith.constant 0 : i32
      %dma_wait3A_201 = tpu.memref_slice %arg6[%dma_wait3A_199, %dma_wait3A_200] : memref<100096x16xf32, #tpu.memory_space<vmem_shared>> -> memref<100096x16xf32, #tpu.memory_space<vmem_shared>>
      tpu.wait_indirect_dma semaphore(%arg22 : memref<!tpu.dma_semaphore, #tpu.memory_space<semaphore_mem>>) src(%arg16 : memref<640x16xf32, #tpu.memory_space<vmem>>) dst(%dma_wait3A_201 : memref<100096x16xf32, #tpu.memory_space<vmem_shared>>)
    } else {
    }
    %barrier3A_184 = arith.constant 0 : index
    tpu.barrier barrier_id(%barrier3A_184)
    %scan3A_185 = arith.constant 0 : i32
    %scan3A_186 = arith.constant 0 : i32
    %scan3A_187 = arith.constant 7 : i32
    %scan3A_188 = arith.addi %scan3A_186, %scan3A_187 : i32
    %scan3A_189 = arith.constant 1 : i32
    %scan3A_190 = scf.for %scan3A_199 = %scan3A_186 to %scan3A_188 step %scan3A_189 iter_args(%scan3A_200 = %scan3A_185) -> (i32)  : i32 {
      %mul3A_201 = arith.constant 16 : i32
      %mul3A_202 = arith.muli %scan3A_199, %mul3A_201 : i32
      %add3A_203 = arith.addi %mul3A_202, %arg1 : i32
      %lt3A = arith.constant 100 : i32
      %lt3A_204 = arith.cmpi slt, %add3A_203, %lt3A : i32
      %convert_element_type3A_205 = arith.extui %lt3A_204 : i1 to i32
      %cond3A_206 = arith.constant 0 : i32
      %cond3A_207 = arith.cmpi ne, %convert_element_type3A_205, %cond3A_206 : i32
      scf.if %cond3A_207 {
        %jit3A_209 = arith.constant 25 : i32
        %div3A_210 = arith.divsi %add3A_203, %jit3A_209 : i32
        %sign3A_211 = arith.constant 0 : i32
        %sign3A_212 = arith.cmpi sgt, %add3A_203, %sign3A_211 : i32
        %sign3A_213 = arith.extui %sign3A_212 : i1 to i32
        %sign3A_214 = arith.constant 0 : i32
        %sign3A_215 = arith.cmpi slt, %add3A_203, %sign3A_214 : i32
        %sign3A_216 = arith.extui %sign3A_215 : i1 to i32
        %sign3A_217 = arith.subi %sign3A_213, %sign3A_216 : i32
        %sign3A_218 = arith.constant 0 : i32
        %sign3A_219 = arith.cmpi sgt, %jit3A_209, %sign3A_218 : i32
        %sign3A_220 = arith.extui %sign3A_219 : i1 to i32
        %sign3A_221 = arith.constant 0 : i32
        %sign3A_222 = arith.cmpi slt, %jit3A_209, %sign3A_221 : i32
        %sign3A_223 = arith.extui %sign3A_222 : i1 to i32
        %sign3A_224 = arith.subi %sign3A_220, %sign3A_223 : i32
        %ne3A_225 = arith.cmpi ne, %sign3A_217, %sign3A_224 : i32
        %rem3A_226 = arith.remsi %add3A_203, %jit3A_209 : i32
        %ne3A_227 = arith.constant 0 : i32
        %ne3A_228 = arith.cmpi ne, %rem3A_226, %ne3A_227 : i32
        %and3A_229 = arith.andi %ne3A_225, %ne3A_228 : i1
        %sub3A_230 = arith.constant 1 : i32
        %sub3A_231 = arith.subi %div3A_210, %sub3A_230 : i32
        %select_n3A_232 = arith.select %and3A_229, %sub3A_231, %div3A_210 : i32
        %jit3A_233 = arith.constant 25 : i32
        %eq3A = arith.constant 0 : i32
        %eq3A_234 = arith.cmpi eq, %jit3A_233, %eq3A : i32
        %jit3A_235 = arith.constant 1 : i32
        %select_n3A_236 = arith.select %eq3A_234, %jit3A_235, %jit3A_233 : i32
        %rem3A_237 = arith.remsi %add3A_203, %select_n3A_236 : i32
        %ne3A_238 = arith.constant 0 : i32
        %ne3A_239 = arith.cmpi ne, %rem3A_237, %ne3A_238 : i32
        %lt3A_240 = arith.constant 0 : i32
        %lt3A_241 = arith.cmpi slt, %rem3A_237, %lt3A_240 : i32
        %lt3A_242 = arith.constant 0 : i32
        %lt3A_243 = arith.cmpi slt, %select_n3A_236, %lt3A_242 : i32
        %ne3A_244 = arith.xori %lt3A_241, %lt3A_243 : i1
        %and3A_245 = arith.andi %ne3A_244, %ne3A_239 : i1
        %add3A_246 = arith.addi %rem3A_237, %select_n3A_236 : i32
        %select_n3A_247 = arith.select %and3A_245, %add3A_246, %rem3A_237 : i32
        %mul3A_248 = arith.constant 1000 : i32
        %mul3A_249 = arith.muli %select_n3A_247, %mul3A_248 : i32
        %mul3A_250 = arith.constant 25000 : i32
        %mul3A_251 = arith.muli %select_n3A_232, %mul3A_250 : i32
        %add3A_252 = arith.addi %mul3A_251, %mul3A_249 : i32
        %add3A_253 = arith.addi %mul3A_0, %mul3A_249 : i32
        %mul3A_254 = arith.constant 16 : i32
        %mul3A_255 = arith.muli %select_n3A_232, %mul3A_254 : i32
        %dma_start3A_256 = tpu.memref_slice %arg5[%add3A_253, %mul3A_255] : memref<50000x64xf32, #tpu.memory_space<hbm>> -> memref<1000x16xf32, #tpu.memory_space<hbm>>
        %dma_start3A_257 = arith.constant 0 : i32
        %dma_start3A_258 = tpu.memref_slice %arg6[%add3A_252, %dma_start3A_257] : memref<100096x16xf32, #tpu.memory_space<vmem_shared>> -> memref<1000x16xf32, #tpu.memory_space<vmem_shared>>
        tpu.enqueue_dma source(%dma_start3A_258 : memref<1000x16xf32, #tpu.memory_space<vmem_shared>>) target(%dma_start3A_256 : memref<1000x16xf32, #tpu.memory_space<hbm>>) target_semaphore(%arg19 : memref<!tpu.dma_semaphore, #tpu.memory_space<semaphore_mem>>)
      } else {
      }
      %scan3A_208 = arith.constant 0 : i32
      scf.yield %scan3A_208 : i32
    }
    %scan3A_191 = arith.constant 7 : i32
    %scan3A_192 = arith.constant 0 : i32
    %scan3A_193 = arith.constant 0 : i32
    %scan3A_194 = arith.constant 7 : i32
    %scan3A_195 = arith.addi %scan3A_193, %scan3A_194 : i32
    %scan3A_196 = arith.constant 1 : i32
    %scan3A_197 = scf.for %scan3A_199 = %scan3A_193 to %scan3A_195 step %scan3A_196 iter_args(%scan3A_200 = %scan3A_192) -> (i32)  : i32 {
      %mul3A_201 = arith.constant 16 : i32
      %mul3A_202 = arith.muli %scan3A_199, %mul3A_201 : i32
      %add3A_203 = arith.addi %mul3A_202, %arg1 : i32
      %lt3A = arith.constant 100 : i32
      %lt3A_204 = arith.cmpi slt, %add3A_203, %lt3A : i32
      %convert_element_type3A_205 = arith.extui %lt3A_204 : i1 to i32
      %cond3A_206 = arith.constant 0 : i32
      %cond3A_207 = arith.cmpi ne, %convert_element_type3A_205, %cond3A_206 : i32
      scf.if %cond3A_207 {
        %jit3A_209 = arith.constant 25 : i32
        %div3A_210 = arith.divsi %add3A_203, %jit3A_209 : i32
        %sign3A_211 = arith.constant 0 : i32
        %sign3A_212 = arith.cmpi sgt, %add3A_203, %sign3A_211 : i32
        %sign3A_213 = arith.extui %sign3A_212 : i1 to i32
        %sign3A_214 = arith.constant 0 : i32
        %sign3A_215 = arith.cmpi slt, %add3A_203, %sign3A_214 : i32
        %sign3A_216 = arith.extui %sign3A_215 : i1 to i32
        %sign3A_217 = arith.subi %sign3A_213, %sign3A_216 : i32
        %sign3A_218 = arith.constant 0 : i32
        %sign3A_219 = arith.cmpi sgt, %jit3A_209, %sign3A_218 : i32
        %sign3A_220 = arith.extui %sign3A_219 : i1 to i32
        %sign3A_221 = arith.constant 0 : i32
        %sign3A_222 = arith.cmpi slt, %jit3A_209, %sign3A_221 : i32
        %sign3A_223 = arith.extui %sign3A_222 : i1 to i32
        %sign3A_224 = arith.subi %sign3A_220, %sign3A_223 : i32
        %ne3A_225 = arith.cmpi ne, %sign3A_217, %sign3A_224 : i32
        %rem3A_226 = arith.remsi %add3A_203, %jit3A_209 : i32
        %ne3A_227 = arith.constant 0 : i32
        %ne3A_228 = arith.cmpi ne, %rem3A_226, %ne3A_227 : i32
        %and3A_229 = arith.andi %ne3A_225, %ne3A_228 : i1
        %sub3A_230 = arith.constant 1 : i32
        %sub3A_231 = arith.subi %div3A_210, %sub3A_230 : i32
        %select_n3A_232 = arith.select %and3A_229, %sub3A_231, %div3A_210 : i32
        %jit3A_233 = arith.constant 25 : i32
        %eq3A = arith.constant 0 : i32
        %eq3A_234 = arith.cmpi eq, %jit3A_233, %eq3A : i32
        %jit3A_235 = arith.constant 1 : i32
        %select_n3A_236 = arith.select %eq3A_234, %jit3A_235, %jit3A_233 : i32
        %rem3A_237 = arith.remsi %add3A_203, %select_n3A_236 : i32
        %ne3A_238 = arith.constant 0 : i32
        %ne3A_239 = arith.cmpi ne, %rem3A_237, %ne3A_238 : i32
        %lt3A_240 = arith.constant 0 : i32
        %lt3A_241 = arith.cmpi slt, %rem3A_237, %lt3A_240 : i32
        %lt3A_242 = arith.constant 0 : i32
        %lt3A_243 = arith.cmpi slt, %select_n3A_236, %lt3A_242 : i32
        %ne3A_244 = arith.xori %lt3A_241, %lt3A_243 : i1
        %and3A_245 = arith.andi %ne3A_244, %ne3A_239 : i1
        %add3A_246 = arith.addi %rem3A_237, %select_n3A_236 : i32
        %select_n3A_247 = arith.select %and3A_245, %add3A_246, %rem3A_237 : i32
        %mul3A_248 = arith.constant 1000 : i32
        %mul3A_249 = arith.muli %select_n3A_247, %mul3A_248 : i32
        %mul3A_250 = arith.constant 25000 : i32
        %mul3A_251 = arith.muli %select_n3A_232, %mul3A_250 : i32
        %add3A_252 = arith.addi %mul3A_251, %mul3A_249 : i32
        %add3A_253 = arith.addi %mul3A_0, %mul3A_249 : i32
        %mul3A_254 = arith.constant 16 : i32
        %mul3A_255 = arith.muli %select_n3A_232, %mul3A_254 : i32
        %dma_wait3A_256 = tpu.memref_slice %arg5[%add3A_253, %mul3A_255] : memref<50000x64xf32, #tpu.memory_space<hbm>> -> memref<1000x16xf32, #tpu.memory_space<hbm>>
        %dma_wait3A_257 = arith.constant 0 : i32
        %dma_wait3A_258 = tpu.memref_slice %arg6[%add3A_252, %dma_wait3A_257] : memref<100096x16xf32, #tpu.memory_space<vmem_shared>> -> memref<1000x16xf32, #tpu.memory_space<vmem_shared>>
        tpu.wait_dma2 semaphore(%arg19 : memref<!tpu.dma_semaphore, #tpu.memory_space<semaphore_mem>>) src(%dma_wait3A_258 : memref<1000x16xf32, #tpu.memory_space<vmem_shared>>) dst(%dma_wait3A_256 : memref<1000x16xf32, #tpu.memory_space<hbm>>)
      } else {
      }
      %scan3A_208 = arith.constant 0 : i32
      scf.yield %scan3A_208 : i32
    }
    %scan3A_198 = arith.constant 7 : i32
    return
  }
}

#map = affine_map<(d0, d1) -> (0, 0)>
#map1 = affine_map<(d0, d1) -> (0)>
module attributes {stable_mosaic.version = 14 : i64} {
  func.func @body(%arg0: i32, %arg1: i32, %arg2: memref<50000x16xf32, #tpu.memory_space<hbm>>, %arg3: memref<2x800000xi32, #tpu.memory_space<hbm>>, %arg4: memref<800000xi32, #tpu.memory_space<hbm>>, %arg5: memref<50000x64xf32, #tpu.memory_space<hbm>>, %arg6: memref<200000xf32, #tpu.memory_space<hbm>>, %arg7: memref<100096x16xf32, #tpu.memory_space<vmem_shared>>, %arg8: memref<400xi32, #tpu.memory_space<vmem>>, %arg9: memref<400xi32, #tpu.memory_space<vmem>>, %arg10: memref<400xi32, #tpu.memory_space<vmem>>, %arg11: memref<400xi32, #tpu.memory_space<vmem>>, %arg12: memref<400xi32, #tpu.memory_space<vmem>>, %arg13: memref<400xi32, #tpu.memory_space<vmem>>, %arg14: memref<400xi32, #tpu.memory_space<vmem>>, %arg15: memref<400xi32, #tpu.memory_space<vmem>>, %arg16: memref<400x16xf32, #tpu.memory_space<vmem>>, %arg17: memref<400x16xf32, #tpu.memory_space<vmem>>, %arg18: memref<!tpu.dma_semaphore, #tpu.memory_space<semaphore_mem>>, %arg19: memref<!tpu.dma_semaphore, #tpu.memory_space<semaphore_mem>>, %arg20: memref<!tpu.dma_semaphore, #tpu.memory_space<semaphore_mem>>, %arg21: memref<!tpu.dma_semaphore, #tpu.memory_space<semaphore_mem>>, %arg22: memref<!tpu.dma_semaphore, #tpu.memory_space<semaphore_mem>>, %arg23: memref<!tpu.dma_semaphore, #tpu.memory_space<semaphore_mem>>, %arg24: memref<100352xf32, #tpu.memory_space<vmem_shared>>, %arg25: memref<400xi32, #tpu.memory_space<vmem>>, %arg26: memref<400xi32, #tpu.memory_space<vmem>>, %arg27: memref<400xf32, #tpu.memory_space<vmem>>, %arg28: memref<1568xf32, #tpu.memory_space<vmem>>, %arg29: memref<!tpu.dma_semaphore, #tpu.memory_space<semaphore_mem>>, %arg30: memref<!tpu.dma_semaphore, #tpu.memory_space<semaphore_mem>>) attributes {dimension_semantics = [#tpu.dimension_semantics<core_parallel>, #tpu.dimension_semantics<subcore_parallel>], iteration_bounds = array<i64: 2, 16>, scalar_prefetch = 0 : i64, scratch_operands = 24 : i64, tpu.core_type = #tpu.core_type<sc_vector_subcore>, window_params = [{transform_indices = #map}, {transform_indices = #map}, {transform_indices = #map1}, {transform_indices = #map}, {transform_indices = #map1}]} {
    %mul3A = arith.constant 25000 : i32
    %mul3A_0 = arith.muli %arg0, %mul3A : i32
    %add3A = arith.constant 100000 : i32
    %add3A_1 = arith.addi %add3A, %arg1 : i32
    %mul3A_2 = arith.constant 400 : i32
    %mul3A_3 = arith.muli %arg1, %mul3A_2 : i32
    %dma_start3A = arith.constant 0 : i32
    %dma_start3A_4 = tpu.memref_slice %arg3[%dma_start3A, %mul3A_3] : memref<2x800000xi32, #tpu.memory_space<hbm>> -> memref<1x400xi32, #tpu.memory_space<hbm>>
    %dma_start3A_5 = tpu.memref_squeeze %dma_start3A_4 : memref<1x400xi32, #tpu.memory_space<hbm>> -> memref<400xi32, #tpu.memory_space<hbm>>
    %dma_start3A_6 = tpu.memref_slice %arg3[%dma_start3A, %mul3A_3] : memref<2x800000xi32, #tpu.memory_space<hbm>> -> memref<1x400xi32, #tpu.memory_space<hbm>>
    %dma_start3A_7 = tpu.memref_squeeze %dma_start3A_6 : memref<1x400xi32, #tpu.memory_space<hbm>> -> memref<400xi32, #tpu.memory_space<hbm>>
    tpu.enqueue_dma source(%dma_start3A_7 : memref<400xi32, #tpu.memory_space<hbm>>) target(%arg8 : memref<400xi32, #tpu.memory_space<vmem>>) target_semaphore(%arg18 : memref<!tpu.dma_semaphore, #tpu.memory_space<semaphore_mem>>)
    %dma_start3A_8 = arith.constant 1 : i32
    %dma_start3A_9 = tpu.memref_slice %arg3[%dma_start3A_8, %mul3A_3] : memref<2x800000xi32, #tpu.memory_space<hbm>> -> memref<1x400xi32, #tpu.memory_space<hbm>>
    %dma_start3A_10 = tpu.memref_squeeze %dma_start3A_9 : memref<1x400xi32, #tpu.memory_space<hbm>> -> memref<400xi32, #tpu.memory_space<hbm>>
    %dma_start3A_11 = tpu.memref_slice %arg3[%dma_start3A_8, %mul3A_3] : memref<2x800000xi32, #tpu.memory_space<hbm>> -> memref<1x400xi32, #tpu.memory_space<hbm>>
    %dma_start3A_12 = tpu.memref_squeeze %dma_start3A_11 : memref<1x400xi32, #tpu.memory_space<hbm>> -> memref<400xi32, #tpu.memory_space<hbm>>
    tpu.enqueue_dma source(%dma_start3A_12 : memref<400xi32, #tpu.memory_space<hbm>>) target(%arg10 : memref<400xi32, #tpu.memory_space<vmem>>) target_semaphore(%arg18 : memref<!tpu.dma_semaphore, #tpu.memory_space<semaphore_mem>>)
    %dma_start3A_13 = tpu.memref_slice %arg4[%mul3A_3] : memref<800000xi32, #tpu.memory_space<hbm>> -> memref<400xi32, #tpu.memory_space<hbm>>
    %dma_start3A_14 = tpu.memref_slice %arg4[%mul3A_3] : memref<800000xi32, #tpu.memory_space<hbm>> -> memref<400xi32, #tpu.memory_space<hbm>>
    tpu.enqueue_dma source(%dma_start3A_14 : memref<400xi32, #tpu.memory_space<hbm>>) target(%arg12 : memref<400xi32, #tpu.memory_space<vmem>>) target_semaphore(%arg18 : memref<!tpu.dma_semaphore, #tpu.memory_space<semaphore_mem>>)
    %add3A_15 = arith.constant 16 : i32
    %add3A_16 = arith.addi %add3A_15, %arg1 : i32
    %mul3A_17 = arith.constant 400 : i32
    %mul3A_18 = arith.muli %add3A_16, %mul3A_17 : i32
    %dma_start3A_19 = arith.constant 0 : i32
    %dma_start3A_20 = tpu.memref_slice %arg3[%dma_start3A_19, %mul3A_18] : memref<2x800000xi32, #tpu.memory_space<hbm>> -> memref<1x400xi32, #tpu.memory_space<hbm>>
    %dma_start3A_21 = tpu.memref_squeeze %dma_start3A_20 : memref<1x400xi32, #tpu.memory_space<hbm>> -> memref<400xi32, #tpu.memory_space<hbm>>
    %dma_start3A_22 = tpu.memref_slice %arg3[%dma_start3A_19, %mul3A_18] : memref<2x800000xi32, #tpu.memory_space<hbm>> -> memref<1x400xi32, #tpu.memory_space<hbm>>
    %dma_start3A_23 = tpu.memref_squeeze %dma_start3A_22 : memref<1x400xi32, #tpu.memory_space<hbm>> -> memref<400xi32, #tpu.memory_space<hbm>>
    tpu.enqueue_dma source(%dma_start3A_23 : memref<400xi32, #tpu.memory_space<hbm>>) target(%arg9 : memref<400xi32, #tpu.memory_space<vmem>>) target_semaphore(%arg19 : memref<!tpu.dma_semaphore, #tpu.memory_space<semaphore_mem>>)
    %dma_start3A_24 = arith.constant 1 : i32
    %dma_start3A_25 = tpu.memref_slice %arg3[%dma_start3A_24, %mul3A_18] : memref<2x800000xi32, #tpu.memory_space<hbm>> -> memref<1x400xi32, #tpu.memory_space<hbm>>
    %dma_start3A_26 = tpu.memref_squeeze %dma_start3A_25 : memref<1x400xi32, #tpu.memory_space<hbm>> -> memref<400xi32, #tpu.memory_space<hbm>>
    %dma_start3A_27 = tpu.memref_slice %arg3[%dma_start3A_24, %mul3A_18] : memref<2x800000xi32, #tpu.memory_space<hbm>> -> memref<1x400xi32, #tpu.memory_space<hbm>>
    %dma_start3A_28 = tpu.memref_squeeze %dma_start3A_27 : memref<1x400xi32, #tpu.memory_space<hbm>> -> memref<400xi32, #tpu.memory_space<hbm>>
    tpu.enqueue_dma source(%dma_start3A_28 : memref<400xi32, #tpu.memory_space<hbm>>) target(%arg11 : memref<400xi32, #tpu.memory_space<vmem>>) target_semaphore(%arg19 : memref<!tpu.dma_semaphore, #tpu.memory_space<semaphore_mem>>)
    %dma_start3A_29 = tpu.memref_slice %arg4[%mul3A_18] : memref<800000xi32, #tpu.memory_space<hbm>> -> memref<400xi32, #tpu.memory_space<hbm>>
    %dma_start3A_30 = tpu.memref_slice %arg4[%mul3A_18] : memref<800000xi32, #tpu.memory_space<hbm>> -> memref<400xi32, #tpu.memory_space<hbm>>
    tpu.enqueue_dma source(%dma_start3A_30 : memref<400xi32, #tpu.memory_space<hbm>>) target(%arg13 : memref<400xi32, #tpu.memory_space<vmem>>) target_semaphore(%arg19 : memref<!tpu.dma_semaphore, #tpu.memory_space<semaphore_mem>>)
    %scan3A = arith.constant 0 : i32
    %scan3A_31 = arith.constant 0 : i32
    %scan3A_32 = arith.constant 400 : i32
    %scan3A_33 = arith.addi %scan3A_31, %scan3A_32 : i32
    %scan3A_34 = arith.constant 1 : i32
    %scan3A_35 = scf.for %scan3A_319 = %scan3A_31 to %scan3A_33 step %scan3A_34 iter_args(%scan3A_320 = %scan3A) -> (i32)  : i32 {
      %broadcast_in_dim3A = arith.constant 0.000000e+00 : f32
      %broadcast_in_dim3A_321 = vector.broadcast %broadcast_in_dim3A : f32 to vector<16xf32>
      %swap3A = arith.index_cast %scan3A_319 : i32 to index
      %swap3A_322 = arith.constant 0 : index
      %swap3A_323 = tpu.vector_load %arg16[%swap3A, %swap3A_322] {strides = array<i32>} : memref<400x16xf32, #tpu.memory_space<vmem>>, vector<1x16xf32>,
      %swap3A_324 = vector.shape_cast %swap3A_323 : vector<1x16xf32> to vector<16xf32>
      %swap3A_325 = vector.shape_cast %broadcast_in_dim3A_321 : vector<16xf32> to vector<1x16xf32>
      tpu.vector_store %arg16[%swap3A, %swap3A_322], %swap3A_325 {strides = array<i32>} : memref<400x16xf32, #tpu.memory_space<vmem>>, vector<1x16xf32>,
      %scan3A_326 = arith.constant 0 : i32
      scf.yield %scan3A_326 : i32
    }
    %scan3A_36 = arith.constant 400 : i32
    %mul3A_37 = arith.constant 6256 : i32
    %mul3A_38 = arith.muli %arg1, %mul3A_37 : i32
    %add3A_39 = arith.constant 0 : i32
    %add3A_40 = arith.addi %mul3A_38, %add3A_39 : i32
    %add3A_41 = arith.constant 400 : i32
    %add3A_42 = arith.addi %mul3A_38, %add3A_41 : i32
    %add3A_43 = arith.constant 800 : i32
    %add3A_44 = arith.addi %mul3A_38, %add3A_43 : i32
    %add3A_45 = arith.constant 1200 : i32
    %add3A_46 = arith.addi %mul3A_38, %add3A_45 : i32
    %add3A_47 = arith.constant 1600 : i32
    %add3A_48 = arith.addi %mul3A_38, %add3A_47 : i32
    %add3A_49 = arith.constant 2000 : i32
    %add3A_50 = arith.addi %mul3A_38, %add3A_49 : i32
    %add3A_51 = arith.constant 2400 : i32
    %add3A_52 = arith.addi %mul3A_38, %add3A_51 : i32
    %add3A_53 = arith.constant 2800 : i32
    %add3A_54 = arith.addi %mul3A_38, %add3A_53 : i32
    %add3A_55 = arith.constant 3200 : i32
    %add3A_56 = arith.addi %mul3A_38, %add3A_55 : i32
    %add3A_57 = arith.constant 3600 : i32
    %add3A_58 = arith.addi %mul3A_38, %add3A_57 : i32
    %add3A_59 = arith.constant 4000 : i32
    %add3A_60 = arith.addi %mul3A_38, %add3A_59 : i32
    %add3A_61 = arith.constant 4400 : i32
    %add3A_62 = arith.addi %mul3A_38, %add3A_61 : i32
    %add3A_63 = arith.constant 4800 : i32
    %add3A_64 = arith.addi %mul3A_38, %add3A_63 : i32
    %add3A_65 = arith.constant 5200 : i32
    %add3A_66 = arith.addi %mul3A_38, %add3A_65 : i32
    %add3A_67 = arith.constant 5600 : i32
    %add3A_68 = arith.addi %mul3A_38, %add3A_67 : i32
    %add3A_69 = arith.constant 6000 : i32
    %add3A_70 = arith.addi %mul3A_38, %add3A_69 : i32
    %dma_start3A_71 = arith.constant 0 : i32
    %dma_start3A_72 = tpu.memref_slice %arg7[%add3A_40, %dma_start3A_71] : memref<100096x16xf32, #tpu.memory_space<vmem_shared>> -> memref<400x16xf32, #tpu.memory_space<vmem_shared>>
    %dma_start3A_73 = arith.constant 0 : i32
    %dma_start3A_74 = tpu.memref_slice %arg7[%add3A_40, %dma_start3A_73] : memref<100096x16xf32, #tpu.memory_space<vmem_shared>> -> memref<400x16xf32, #tpu.memory_space<vmem_shared>>
    tpu.enqueue_dma source(%arg16 : memref<400x16xf32, #tpu.memory_space<vmem>>) target(%dma_start3A_74 : memref<400x16xf32, #tpu.memory_space<vmem_shared>>) target_semaphore(%arg20 : memref<!tpu.dma_semaphore, #tpu.memory_space<semaphore_mem>>)
    %dma_start3A_75 = arith.constant 0 : i32
    %dma_start3A_76 = tpu.memref_slice %arg7[%add3A_42, %dma_start3A_75] : memref<100096x16xf32, #tpu.memory_space<vmem_shared>> -> memref<400x16xf32, #tpu.memory_space<vmem_shared>>
    %dma_start3A_77 = arith.constant 0 : i32
    %dma_start3A_78 = tpu.memref_slice %arg7[%add3A_42, %dma_start3A_77] : memref<100096x16xf32, #tpu.memory_space<vmem_shared>> -> memref<400x16xf32, #tpu.memory_space<vmem_shared>>
    tpu.enqueue_dma source(%arg16 : memref<400x16xf32, #tpu.memory_space<vmem>>) target(%dma_start3A_78 : memref<400x16xf32, #tpu.memory_space<vmem_shared>>) target_semaphore(%arg20 : memref<!tpu.dma_semaphore, #tpu.memory_space<semaphore_mem>>)
    %dma_start3A_79 = arith.constant 0 : i32
    %dma_start3A_80 = tpu.memref_slice %arg7[%add3A_44, %dma_start3A_79] : memref<100096x16xf32, #tpu.memory_space<vmem_shared>> -> memref<400x16xf32, #tpu.memory_space<vmem_shared>>
    %dma_start3A_81 = arith.constant 0 : i32
    %dma_start3A_82 = tpu.memref_slice %arg7[%add3A_44, %dma_start3A_81] : memref<100096x16xf32, #tpu.memory_space<vmem_shared>> -> memref<400x16xf32, #tpu.memory_space<vmem_shared>>
    tpu.enqueue_dma source(%arg16 : memref<400x16xf32, #tpu.memory_space<vmem>>) target(%dma_start3A_82 : memref<400x16xf32, #tpu.memory_space<vmem_shared>>) target_semaphore(%arg20 : memref<!tpu.dma_semaphore, #tpu.memory_space<semaphore_mem>>)
    %dma_start3A_83 = arith.constant 0 : i32
    %dma_start3A_84 = tpu.memref_slice %arg7[%add3A_46, %dma_start3A_83] : memref<100096x16xf32, #tpu.memory_space<vmem_shared>> -> memref<400x16xf32, #tpu.memory_space<vmem_shared>>
    %dma_start3A_85 = arith.constant 0 : i32
    %dma_start3A_86 = tpu.memref_slice %arg7[%add3A_46, %dma_start3A_85] : memref<100096x16xf32, #tpu.memory_space<vmem_shared>> -> memref<400x16xf32, #tpu.memory_space<vmem_shared>>
    tpu.enqueue_dma source(%arg16 : memref<400x16xf32, #tpu.memory_space<vmem>>) target(%dma_start3A_86 : memref<400x16xf32, #tpu.memory_space<vmem_shared>>) target_semaphore(%arg20 : memref<!tpu.dma_semaphore, #tpu.memory_space<semaphore_mem>>)
    %dma_start3A_87 = arith.constant 0 : i32
    %dma_start3A_88 = tpu.memref_slice %arg7[%add3A_48, %dma_start3A_87] : memref<100096x16xf32, #tpu.memory_space<vmem_shared>> -> memref<400x16xf32, #tpu.memory_space<vmem_shared>>
    %dma_start3A_89 = arith.constant 0 : i32
    %dma_start3A_90 = tpu.memref_slice %arg7[%add3A_48, %dma_start3A_89] : memref<100096x16xf32, #tpu.memory_space<vmem_shared>> -> memref<400x16xf32, #tpu.memory_space<vmem_shared>>
    tpu.enqueue_dma source(%arg16 : memref<400x16xf32, #tpu.memory_space<vmem>>) target(%dma_start3A_90 : memref<400x16xf32, #tpu.memory_space<vmem_shared>>) target_semaphore(%arg20 : memref<!tpu.dma_semaphore, #tpu.memory_space<semaphore_mem>>)
    %dma_start3A_91 = arith.constant 0 : i32
    %dma_start3A_92 = tpu.memref_slice %arg7[%add3A_50, %dma_start3A_91] : memref<100096x16xf32, #tpu.memory_space<vmem_shared>> -> memref<400x16xf32, #tpu.memory_space<vmem_shared>>
    %dma_start3A_93 = arith.constant 0 : i32
    %dma_start3A_94 = tpu.memref_slice %arg7[%add3A_50, %dma_start3A_93] : memref<100096x16xf32, #tpu.memory_space<vmem_shared>> -> memref<400x16xf32, #tpu.memory_space<vmem_shared>>
    tpu.enqueue_dma source(%arg16 : memref<400x16xf32, #tpu.memory_space<vmem>>) target(%dma_start3A_94 : memref<400x16xf32, #tpu.memory_space<vmem_shared>>) target_semaphore(%arg20 : memref<!tpu.dma_semaphore, #tpu.memory_space<semaphore_mem>>)
    %dma_start3A_95 = arith.constant 0 : i32
    %dma_start3A_96 = tpu.memref_slice %arg7[%add3A_52, %dma_start3A_95] : memref<100096x16xf32, #tpu.memory_space<vmem_shared>> -> memref<400x16xf32, #tpu.memory_space<vmem_shared>>
    %dma_start3A_97 = arith.constant 0 : i32
    %dma_start3A_98 = tpu.memref_slice %arg7[%add3A_52, %dma_start3A_97] : memref<100096x16xf32, #tpu.memory_space<vmem_shared>> -> memref<400x16xf32, #tpu.memory_space<vmem_shared>>
    tpu.enqueue_dma source(%arg16 : memref<400x16xf32, #tpu.memory_space<vmem>>) target(%dma_start3A_98 : memref<400x16xf32, #tpu.memory_space<vmem_shared>>) target_semaphore(%arg20 : memref<!tpu.dma_semaphore, #tpu.memory_space<semaphore_mem>>)
    %dma_start3A_99 = arith.constant 0 : i32
    %dma_start3A_100 = tpu.memref_slice %arg7[%add3A_54, %dma_start3A_99] : memref<100096x16xf32, #tpu.memory_space<vmem_shared>> -> memref<400x16xf32, #tpu.memory_space<vmem_shared>>
    %dma_start3A_101 = arith.constant 0 : i32
    %dma_start3A_102 = tpu.memref_slice %arg7[%add3A_54, %dma_start3A_101] : memref<100096x16xf32, #tpu.memory_space<vmem_shared>> -> memref<400x16xf32, #tpu.memory_space<vmem_shared>>
    tpu.enqueue_dma source(%arg16 : memref<400x16xf32, #tpu.memory_space<vmem>>) target(%dma_start3A_102 : memref<400x16xf32, #tpu.memory_space<vmem_shared>>) target_semaphore(%arg20 : memref<!tpu.dma_semaphore, #tpu.memory_space<semaphore_mem>>)
    %dma_start3A_103 = arith.constant 0 : i32
    %dma_start3A_104 = tpu.memref_slice %arg7[%add3A_56, %dma_start3A_103] : memref<100096x16xf32, #tpu.memory_space<vmem_shared>> -> memref<400x16xf32, #tpu.memory_space<vmem_shared>>
    %dma_start3A_105 = arith.constant 0 : i32
    %dma_start3A_106 = tpu.memref_slice %arg7[%add3A_56, %dma_start3A_105] : memref<100096x16xf32, #tpu.memory_space<vmem_shared>> -> memref<400x16xf32, #tpu.memory_space<vmem_shared>>
    tpu.enqueue_dma source(%arg16 : memref<400x16xf32, #tpu.memory_space<vmem>>) target(%dma_start3A_106 : memref<400x16xf32, #tpu.memory_space<vmem_shared>>) target_semaphore(%arg20 : memref<!tpu.dma_semaphore, #tpu.memory_space<semaphore_mem>>)
    %dma_start3A_107 = arith.constant 0 : i32
    %dma_start3A_108 = tpu.memref_slice %arg7[%add3A_58, %dma_start3A_107] : memref<100096x16xf32, #tpu.memory_space<vmem_shared>> -> memref<400x16xf32, #tpu.memory_space<vmem_shared>>
    %dma_start3A_109 = arith.constant 0 : i32
    %dma_start3A_110 = tpu.memref_slice %arg7[%add3A_58, %dma_start3A_109] : memref<100096x16xf32, #tpu.memory_space<vmem_shared>> -> memref<400x16xf32, #tpu.memory_space<vmem_shared>>
    tpu.enqueue_dma source(%arg16 : memref<400x16xf32, #tpu.memory_space<vmem>>) target(%dma_start3A_110 : memref<400x16xf32, #tpu.memory_space<vmem_shared>>) target_semaphore(%arg20 : memref<!tpu.dma_semaphore, #tpu.memory_space<semaphore_mem>>)
    %dma_start3A_111 = arith.constant 0 : i32
    %dma_start3A_112 = tpu.memref_slice %arg7[%add3A_60, %dma_start3A_111] : memref<100096x16xf32, #tpu.memory_space<vmem_shared>> -> memref<400x16xf32, #tpu.memory_space<vmem_shared>>
    %dma_start3A_113 = arith.constant 0 : i32
    %dma_start3A_114 = tpu.memref_slice %arg7[%add3A_60, %dma_start3A_113] : memref<100096x16xf32, #tpu.memory_space<vmem_shared>> -> memref<400x16xf32, #tpu.memory_space<vmem_shared>>
    tpu.enqueue_dma source(%arg16 : memref<400x16xf32, #tpu.memory_space<vmem>>) target(%dma_start3A_114 : memref<400x16xf32, #tpu.memory_space<vmem_shared>>) target_semaphore(%arg20 : memref<!tpu.dma_semaphore, #tpu.memory_space<semaphore_mem>>)
    %dma_start3A_115 = arith.constant 0 : i32
    %dma_start3A_116 = tpu.memref_slice %arg7[%add3A_62, %dma_start3A_115] : memref<100096x16xf32, #tpu.memory_space<vmem_shared>> -> memref<400x16xf32, #tpu.memory_space<vmem_shared>>
    %dma_start3A_117 = arith.constant 0 : i32
    %dma_start3A_118 = tpu.memref_slice %arg7[%add3A_62, %dma_start3A_117] : memref<100096x16xf32, #tpu.memory_space<vmem_shared>> -> memref<400x16xf32, #tpu.memory_space<vmem_shared>>
    tpu.enqueue_dma source(%arg16 : memref<400x16xf32, #tpu.memory_space<vmem>>) target(%dma_start3A_118 : memref<400x16xf32, #tpu.memory_space<vmem_shared>>) target_semaphore(%arg20 : memref<!tpu.dma_semaphore, #tpu.memory_space<semaphore_mem>>)
    %dma_start3A_119 = arith.constant 0 : i32
    %dma_start3A_120 = tpu.memref_slice %arg7[%add3A_64, %dma_start3A_119] : memref<100096x16xf32, #tpu.memory_space<vmem_shared>> -> memref<400x16xf32, #tpu.memory_space<vmem_shared>>
    %dma_start3A_121 = arith.constant 0 : i32
    %dma_start3A_122 = tpu.memref_slice %arg7[%add3A_64, %dma_start3A_121] : memref<100096x16xf32, #tpu.memory_space<vmem_shared>> -> memref<400x16xf32, #tpu.memory_space<vmem_shared>>
    tpu.enqueue_dma source(%arg16 : memref<400x16xf32, #tpu.memory_space<vmem>>) target(%dma_start3A_122 : memref<400x16xf32, #tpu.memory_space<vmem_shared>>) target_semaphore(%arg20 : memref<!tpu.dma_semaphore, #tpu.memory_space<semaphore_mem>>)
    %dma_start3A_123 = arith.constant 0 : i32
    %dma_start3A_124 = tpu.memref_slice %arg7[%add3A_66, %dma_start3A_123] : memref<100096x16xf32, #tpu.memory_space<vmem_shared>> -> memref<400x16xf32, #tpu.memory_space<vmem_shared>>
    %dma_start3A_125 = arith.constant 0 : i32
    %dma_start3A_126 = tpu.memref_slice %arg7[%add3A_66, %dma_start3A_125] : memref<100096x16xf32, #tpu.memory_space<vmem_shared>> -> memref<400x16xf32, #tpu.memory_space<vmem_shared>>
    tpu.enqueue_dma source(%arg16 : memref<400x16xf32, #tpu.memory_space<vmem>>) target(%dma_start3A_126 : memref<400x16xf32, #tpu.memory_space<vmem_shared>>) target_semaphore(%arg20 : memref<!tpu.dma_semaphore, #tpu.memory_space<semaphore_mem>>)
    %dma_start3A_127 = arith.constant 0 : i32
    %dma_start3A_128 = tpu.memref_slice %arg7[%add3A_68, %dma_start3A_127] : memref<100096x16xf32, #tpu.memory_space<vmem_shared>> -> memref<400x16xf32, #tpu.memory_space<vmem_shared>>
    %dma_start3A_129 = arith.constant 0 : i32
    %dma_start3A_130 = tpu.memref_slice %arg7[%add3A_68, %dma_start3A_129] : memref<100096x16xf32, #tpu.memory_space<vmem_shared>> -> memref<400x16xf32, #tpu.memory_space<vmem_shared>>
    tpu.enqueue_dma source(%arg16 : memref<400x16xf32, #tpu.memory_space<vmem>>) target(%dma_start3A_130 : memref<400x16xf32, #tpu.memory_space<vmem_shared>>) target_semaphore(%arg20 : memref<!tpu.dma_semaphore, #tpu.memory_space<semaphore_mem>>)
    %dma_start3A_131 = arith.constant 0 : i32
    %dma_start3A_132 = arith.constant 0 : i32
    %dma_start3A_133 = tpu.memref_slice %arg16[%dma_start3A_131, %dma_start3A_132] : memref<400x16xf32, #tpu.memory_space<vmem>> -> memref<256x16xf32, #tpu.memory_space<vmem>>
    %dma_start3A_134 = arith.constant 0 : i32
    %dma_start3A_135 = tpu.memref_slice %arg7[%add3A_70, %dma_start3A_134] : memref<100096x16xf32, #tpu.memory_space<vmem_shared>> -> memref<256x16xf32, #tpu.memory_space<vmem_shared>>
    %dma_start3A_136 = arith.constant 0 : i32
    %dma_start3A_137 = tpu.memref_slice %arg7[%add3A_70, %dma_start3A_136] : memref<100096x16xf32, #tpu.memory_space<vmem_shared>> -> memref<256x16xf32, #tpu.memory_space<vmem_shared>>
    %dma_start3A_138 = arith.constant 0 : i32
    %dma_start3A_139 = arith.constant 0 : i32
    %dma_start3A_140 = tpu.memref_slice %arg16[%dma_start3A_138, %dma_start3A_139] : memref<400x16xf32, #tpu.memory_space<vmem>> -> memref<256x16xf32, #tpu.memory_space<vmem>>
    tpu.enqueue_dma source(%dma_start3A_140 : memref<256x16xf32, #tpu.memory_space<vmem>>) target(%dma_start3A_137 : memref<256x16xf32, #tpu.memory_space<vmem_shared>>) target_semaphore(%arg20 : memref<!tpu.dma_semaphore, #tpu.memory_space<semaphore_mem>>)
    %scan3A_141 = arith.constant 0 : i32
    %scan3A_142 = arith.constant 0 : i32
    %scan3A_143 = arith.constant 98 : i32
    %scan3A_144 = arith.addi %scan3A_142, %scan3A_143 : i32
    %scan3A_145 = arith.constant 1 : i32
    %scan3A_146 = scf.for %scan3A_319 = %scan3A_142 to %scan3A_144 step %scan3A_145 iter_args(%scan3A_320 = %scan3A_141) -> (i32)  : i32 {
      %broadcast_in_dim3A = arith.constant 0.000000e+00 : f32
      %broadcast_in_dim3A_321 = vector.broadcast %broadcast_in_dim3A : f32 to vector<16xf32>
      %mul3A_322 = arith.constant 16 : i32
      %mul3A_323 = arith.muli %scan3A_319, %mul3A_322 : i32
      %swap3A = arith.index_cast %mul3A_323 : i32 to index
      %swap3A_324 = tpu.vector_load %arg28[%swap3A] {strides = array<i32>} : memref<1568xf32, #tpu.memory_space<vmem>>, vector<16xf32>,
      %swap3A_325 = vector.shape_cast %swap3A_324 : vector<16xf32> to vector<16xf32>
      %swap3A_326 = vector.shape_cast %broadcast_in_dim3A_321 : vector<16xf32> to vector<16xf32>
      tpu.vector_store %arg28[%swap3A], %swap3A_326 {strides = array<i32>} : memref<1568xf32, #tpu.memory_space<vmem>>, vector<16xf32>,
      %scan3A_327 = arith.constant 0 : i32
      scf.yield %scan3A_327 : i32
    }
    %scan3A_147 = arith.constant 98 : i32
    %mul3A_148 = arith.constant 6272 : i32
    %mul3A_149 = arith.muli %arg1, %mul3A_148 : i32
    %add3A_150 = arith.constant 0 : i32
    %add3A_151 = arith.addi %mul3A_149, %add3A_150 : i32
    %mul3A_152 = arith.constant 6272 : i32
    %mul3A_153 = arith.muli %arg1, %mul3A_152 : i32
    %add3A_154 = arith.constant 1568 : i32
    %add3A_155 = arith.addi %mul3A_153, %add3A_154 : i32
    %mul3A_156 = arith.constant 6272 : i32
    %mul3A_157 = arith.muli %arg1, %mul3A_156 : i32
    %add3A_158 = arith.constant 3136 : i32
    %add3A_159 = arith.addi %mul3A_157, %add3A_158 : i32
    %mul3A_160 = arith.constant 6272 : i32
    %mul3A_161 = arith.muli %arg1, %mul3A_160 : i32
    %add3A_162 = arith.constant 4704 : i32
    %add3A_163 = arith.addi %mul3A_161, %add3A_162 : i32
    %dma_start3A_164 = tpu.memref_slice %arg24[%add3A_151] : memref<100352xf32, #tpu.memory_space<vmem_shared>> -> memref<1568xf32, #tpu.memory_space<vmem_shared>>
    %dma_start3A_165 = tpu.memref_slice %arg24[%add3A_151] : memref<100352xf32, #tpu.memory_space<vmem_shared>> -> memref<1568xf32, #tpu.memory_space<vmem_shared>>
    tpu.enqueue_dma source(%arg28 : memref<1568xf32, #tpu.memory_space<vmem>>) target(%dma_start3A_165 : memref<1568xf32, #tpu.memory_space<vmem_shared>>) target_semaphore(%arg21 : memref<!tpu.dma_semaphore, #tpu.memory_space<semaphore_mem>>)
    %dma_start3A_166 = tpu.memref_slice %arg24[%add3A_155] : memref<100352xf32, #tpu.memory_space<vmem_shared>> -> memref<1568xf32, #tpu.memory_space<vmem_shared>>
    %dma_start3A_167 = tpu.memref_slice %arg24[%add3A_155] : memref<100352xf32, #tpu.memory_space<vmem_shared>> -> memref<1568xf32, #tpu.memory_space<vmem_shared>>
    tpu.enqueue_dma source(%arg28 : memref<1568xf32, #tpu.memory_space<vmem>>) target(%dma_start3A_167 : memref<1568xf32, #tpu.memory_space<vmem_shared>>) target_semaphore(%arg21 : memref<!tpu.dma_semaphore, #tpu.memory_space<semaphore_mem>>)
    %dma_start3A_168 = tpu.memref_slice %arg24[%add3A_159] : memref<100352xf32, #tpu.memory_space<vmem_shared>> -> memref<1568xf32, #tpu.memory_space<vmem_shared>>
    %dma_start3A_169 = tpu.memref_slice %arg24[%add3A_159] : memref<100352xf32, #tpu.memory_space<vmem_shared>> -> memref<1568xf32, #tpu.memory_space<vmem_shared>>
    tpu.enqueue_dma source(%arg28 : memref<1568xf32, #tpu.memory_space<vmem>>) target(%dma_start3A_169 : memref<1568xf32, #tpu.memory_space<vmem_shared>>) target_semaphore(%arg21 : memref<!tpu.dma_semaphore, #tpu.memory_space<semaphore_mem>>)
    %dma_start3A_170 = tpu.memref_slice %arg24[%add3A_163] : memref<100352xf32, #tpu.memory_space<vmem_shared>> -> memref<1568xf32, #tpu.memory_space<vmem_shared>>
    %dma_start3A_171 = tpu.memref_slice %arg24[%add3A_163] : memref<100352xf32, #tpu.memory_space<vmem_shared>> -> memref<1568xf32, #tpu.memory_space<vmem_shared>>
    tpu.enqueue_dma source(%arg28 : memref<1568xf32, #tpu.memory_space<vmem>>) target(%dma_start3A_171 : memref<1568xf32, #tpu.memory_space<vmem_shared>>) target_semaphore(%arg21 : memref<!tpu.dma_semaphore, #tpu.memory_space<semaphore_mem>>)
    %scan3A_172 = arith.constant 0 : i32
    %scan3A_173 = arith.constant 0 : i32
    %scan3A_174 = arith.constant 25 : i32
    %scan3A_175 = arith.addi %scan3A_173, %scan3A_174 : i32
    %scan3A_176 = arith.constant 1 : i32
    %scan3A_177 = scf.for %scan3A_319 = %scan3A_173 to %scan3A_175 step %scan3A_176 iter_args(%scan3A_320 = %scan3A_172) -> (i32)  : i32 {
      %broadcast_in_dim3A = arith.constant 1.000000e+00 : f32
      %broadcast_in_dim3A_321 = vector.broadcast %broadcast_in_dim3A : f32 to vector<16xf32>
      %mul3A_322 = arith.constant 16 : i32
      %mul3A_323 = arith.muli %scan3A_319, %mul3A_322 : i32
      %swap3A = arith.index_cast %mul3A_323 : i32 to index
      %swap3A_324 = tpu.vector_load %arg27[%swap3A] {strides = array<i32>} : memref<400xf32, #tpu.memory_space<vmem>>, vector<16xf32>,
      %swap3A_325 = vector.shape_cast %swap3A_324 : vector<16xf32> to vector<16xf32>
      %swap3A_326 = vector.shape_cast %broadcast_in_dim3A_321 : vector<16xf32> to vector<16xf32>
      tpu.vector_store %arg27[%swap3A], %swap3A_326 {strides = array<i32>} : memref<400xf32, #tpu.memory_space<vmem>>, vector<16xf32>,
      %scan3A_327 = arith.constant 0 : i32
      scf.yield %scan3A_327 : i32
    }
    %scan3A_178 = arith.constant 25 : i32
    %dma_wait3A = tpu.memref_slice %arg24[%add3A_151] : memref<100352xf32, #tpu.memory_space<vmem_shared>> -> memref<1568xf32, #tpu.memory_space<vmem_shared>>
    %dma_wait3A_179 = tpu.memref_slice %arg24[%add3A_151] : memref<100352xf32, #tpu.memory_space<vmem_shared>> -> memref<1568xf32, #tpu.memory_space<vmem_shared>>
    tpu.wait_dma2 semaphore(%arg21 : memref<!tpu.dma_semaphore, #tpu.memory_space<semaphore_mem>>) src(%arg28 : memref<1568xf32, #tpu.memory_space<vmem>>) dst(%dma_wait3A_179 : memref<1568xf32, #tpu.memory_space<vmem_shared>>)
    %dma_wait3A_180 = tpu.memref_slice %arg24[%add3A_155] : memref<100352xf32, #tpu.memory_space<vmem_shared>> -> memref<1568xf32, #tpu.memory_space<vmem_shared>>
    %dma_wait3A_181 = tpu.memref_slice %arg24[%add3A_155] : memref<100352xf32, #tpu.memory_space<vmem_shared>> -> memref<1568xf32, #tpu.memory_space<vmem_shared>>
    tpu.wait_dma2 semaphore(%arg21 : memref<!tpu.dma_semaphore, #tpu.memory_space<semaphore_mem>>) src(%arg28 : memref<1568xf32, #tpu.memory_space<vmem>>) dst(%dma_wait3A_181 : memref<1568xf32, #tpu.memory_space<vmem_shared>>)
    %dma_wait3A_182 = tpu.memref_slice %arg24[%add3A_159] : memref<100352xf32, #tpu.memory_space<vmem_shared>> -> memref<1568xf32, #tpu.memory_space<vmem_shared>>
    %dma_wait3A_183 = tpu.memref_slice %arg24[%add3A_159] : memref<100352xf32, #tpu.memory_space<vmem_shared>> -> memref<1568xf32, #tpu.memory_space<vmem_shared>>
    tpu.wait_dma2 semaphore(%arg21 : memref<!tpu.dma_semaphore, #tpu.memory_space<semaphore_mem>>) src(%arg28 : memref<1568xf32, #tpu.memory_space<vmem>>) dst(%dma_wait3A_183 : memref<1568xf32, #tpu.memory_space<vmem_shared>>)
    %dma_wait3A_184 = tpu.memref_slice %arg24[%add3A_163] : memref<100352xf32, #tpu.memory_space<vmem_shared>> -> memref<1568xf32, #tpu.memory_space<vmem_shared>>
    %dma_wait3A_185 = tpu.memref_slice %arg24[%add3A_163] : memref<100352xf32, #tpu.memory_space<vmem_shared>> -> memref<1568xf32, #tpu.memory_space<vmem_shared>>
    tpu.wait_dma2 semaphore(%arg21 : memref<!tpu.dma_semaphore, #tpu.memory_space<semaphore_mem>>) src(%arg28 : memref<1568xf32, #tpu.memory_space<vmem>>) dst(%dma_wait3A_185 : memref<1568xf32, #tpu.memory_space<vmem_shared>>)
    %dma_wait3A_186 = arith.constant 0 : i32
    %dma_wait3A_187 = tpu.memref_slice %arg7[%add3A_40, %dma_wait3A_186] : memref<100096x16xf32, #tpu.memory_space<vmem_shared>> -> memref<400x16xf32, #tpu.memory_space<vmem_shared>>
    %dma_wait3A_188 = arith.constant 0 : i32
    %dma_wait3A_189 = tpu.memref_slice %arg7[%add3A_40, %dma_wait3A_188] : memref<100096x16xf32, #tpu.memory_space<vmem_shared>> -> memref<400x16xf32, #tpu.memory_space<vmem_shared>>
    tpu.wait_dma2 semaphore(%arg20 : memref<!tpu.dma_semaphore, #tpu.memory_space<semaphore_mem>>) src(%arg16 : memref<400x16xf32, #tpu.memory_space<vmem>>) dst(%dma_wait3A_189 : memref<400x16xf32, #tpu.memory_space<vmem_shared>>)
    %dma_wait3A_190 = arith.constant 0 : i32
    %dma_wait3A_191 = tpu.memref_slice %arg7[%add3A_42, %dma_wait3A_190] : memref<100096x16xf32, #tpu.memory_space<vmem_shared>> -> memref<400x16xf32, #tpu.memory_space<vmem_shared>>
    %dma_wait3A_192 = arith.constant 0 : i32
    %dma_wait3A_193 = tpu.memref_slice %arg7[%add3A_42, %dma_wait3A_192] : memref<100096x16xf32, #tpu.memory_space<vmem_shared>> -> memref<400x16xf32, #tpu.memory_space<vmem_shared>>
    tpu.wait_dma2 semaphore(%arg20 : memref<!tpu.dma_semaphore, #tpu.memory_space<semaphore_mem>>) src(%arg16 : memref<400x16xf32, #tpu.memory_space<vmem>>) dst(%dma_wait3A_193 : memref<400x16xf32, #tpu.memory_space<vmem_shared>>)
    %dma_wait3A_194 = arith.constant 0 : i32
    %dma_wait3A_195 = tpu.memref_slice %arg7[%add3A_44, %dma_wait3A_194] : memref<100096x16xf32, #tpu.memory_space<vmem_shared>> -> memref<400x16xf32, #tpu.memory_space<vmem_shared>>
    %dma_wait3A_196 = arith.constant 0 : i32
    %dma_wait3A_197 = tpu.memref_slice %arg7[%add3A_44, %dma_wait3A_196] : memref<100096x16xf32, #tpu.memory_space<vmem_shared>> -> memref<400x16xf32, #tpu.memory_space<vmem_shared>>
    tpu.wait_dma2 semaphore(%arg20 : memref<!tpu.dma_semaphore, #tpu.memory_space<semaphore_mem>>) src(%arg16 : memref<400x16xf32, #tpu.memory_space<vmem>>) dst(%dma_wait3A_197 : memref<400x16xf32, #tpu.memory_space<vmem_shared>>)
    %dma_wait3A_198 = arith.constant 0 : i32
    %dma_wait3A_199 = tpu.memref_slice %arg7[%add3A_46, %dma_wait3A_198] : memref<100096x16xf32, #tpu.memory_space<vmem_shared>> -> memref<400x16xf32, #tpu.memory_space<vmem_shared>>
    %dma_wait3A_200 = arith.constant 0 : i32
    %dma_wait3A_201 = tpu.memref_slice %arg7[%add3A_46, %dma_wait3A_200] : memref<100096x16xf32, #tpu.memory_space<vmem_shared>> -> memref<400x16xf32, #tpu.memory_space<vmem_shared>>
    tpu.wait_dma2 semaphore(%arg20 : memref<!tpu.dma_semaphore, #tpu.memory_space<semaphore_mem>>) src(%arg16 : memref<400x16xf32, #tpu.memory_space<vmem>>) dst(%dma_wait3A_201 : memref<400x16xf32, #tpu.memory_space<vmem_shared>>)
    %dma_wait3A_202 = arith.constant 0 : i32
    %dma_wait3A_203 = tpu.memref_slice %arg7[%add3A_48, %dma_wait3A_202] : memref<100096x16xf32, #tpu.memory_space<vmem_shared>> -> memref<400x16xf32, #tpu.memory_space<vmem_shared>>
    %dma_wait3A_204 = arith.constant 0 : i32
    %dma_wait3A_205 = tpu.memref_slice %arg7[%add3A_48, %dma_wait3A_204] : memref<100096x16xf32, #tpu.memory_space<vmem_shared>> -> memref<400x16xf32, #tpu.memory_space<vmem_shared>>
    tpu.wait_dma2 semaphore(%arg20 : memref<!tpu.dma_semaphore, #tpu.memory_space<semaphore_mem>>) src(%arg16 : memref<400x16xf32, #tpu.memory_space<vmem>>) dst(%dma_wait3A_205 : memref<400x16xf32, #tpu.memory_space<vmem_shared>>)
    %dma_wait3A_206 = arith.constant 0 : i32
    %dma_wait3A_207 = tpu.memref_slice %arg7[%add3A_50, %dma_wait3A_206] : memref<100096x16xf32, #tpu.memory_space<vmem_shared>> -> memref<400x16xf32, #tpu.memory_space<vmem_shared>>
    %dma_wait3A_208 = arith.constant 0 : i32
    %dma_wait3A_209 = tpu.memref_slice %arg7[%add3A_50, %dma_wait3A_208] : memref<100096x16xf32, #tpu.memory_space<vmem_shared>> -> memref<400x16xf32, #tpu.memory_space<vmem_shared>>
    tpu.wait_dma2 semaphore(%arg20 : memref<!tpu.dma_semaphore, #tpu.memory_space<semaphore_mem>>) src(%arg16 : memref<400x16xf32, #tpu.memory_space<vmem>>) dst(%dma_wait3A_209 : memref<400x16xf32, #tpu.memory_space<vmem_shared>>)
    %dma_wait3A_210 = arith.constant 0 : i32
    %dma_wait3A_211 = tpu.memref_slice %arg7[%add3A_52, %dma_wait3A_210] : memref<100096x16xf32, #tpu.memory_space<vmem_shared>> -> memref<400x16xf32, #tpu.memory_space<vmem_shared>>
    %dma_wait3A_212 = arith.constant 0 : i32
    %dma_wait3A_213 = tpu.memref_slice %arg7[%add3A_52, %dma_wait3A_212] : memref<100096x16xf32, #tpu.memory_space<vmem_shared>> -> memref<400x16xf32, #tpu.memory_space<vmem_shared>>
    tpu.wait_dma2 semaphore(%arg20 : memref<!tpu.dma_semaphore, #tpu.memory_space<semaphore_mem>>) src(%arg16 : memref<400x16xf32, #tpu.memory_space<vmem>>) dst(%dma_wait3A_213 : memref<400x16xf32, #tpu.memory_space<vmem_shared>>)
    %dma_wait3A_214 = arith.constant 0 : i32
    %dma_wait3A_215 = tpu.memref_slice %arg7[%add3A_54, %dma_wait3A_214] : memref<100096x16xf32, #tpu.memory_space<vmem_shared>> -> memref<400x16xf32, #tpu.memory_space<vmem_shared>>
    %dma_wait3A_216 = arith.constant 0 : i32
    %dma_wait3A_217 = tpu.memref_slice %arg7[%add3A_54, %dma_wait3A_216] : memref<100096x16xf32, #tpu.memory_space<vmem_shared>> -> memref<400x16xf32, #tpu.memory_space<vmem_shared>>
    tpu.wait_dma2 semaphore(%arg20 : memref<!tpu.dma_semaphore, #tpu.memory_space<semaphore_mem>>) src(%arg16 : memref<400x16xf32, #tpu.memory_space<vmem>>) dst(%dma_wait3A_217 : memref<400x16xf32, #tpu.memory_space<vmem_shared>>)
    %dma_wait3A_218 = arith.constant 0 : i32
    %dma_wait3A_219 = tpu.memref_slice %arg7[%add3A_56, %dma_wait3A_218] : memref<100096x16xf32, #tpu.memory_space<vmem_shared>> -> memref<400x16xf32, #tpu.memory_space<vmem_shared>>
    %dma_wait3A_220 = arith.constant 0 : i32
    %dma_wait3A_221 = tpu.memref_slice %arg7[%add3A_56, %dma_wait3A_220] : memref<100096x16xf32, #tpu.memory_space<vmem_shared>> -> memref<400x16xf32, #tpu.memory_space<vmem_shared>>
    tpu.wait_dma2 semaphore(%arg20 : memref<!tpu.dma_semaphore, #tpu.memory_space<semaphore_mem>>) src(%arg16 : memref<400x16xf32, #tpu.memory_space<vmem>>) dst(%dma_wait3A_221 : memref<400x16xf32, #tpu.memory_space<vmem_shared>>)
    %dma_wait3A_222 = arith.constant 0 : i32
    %dma_wait3A_223 = tpu.memref_slice %arg7[%add3A_58, %dma_wait3A_222] : memref<100096x16xf32, #tpu.memory_space<vmem_shared>> -> memref<400x16xf32, #tpu.memory_space<vmem_shared>>
    %dma_wait3A_224 = arith.constant 0 : i32
    %dma_wait3A_225 = tpu.memref_slice %arg7[%add3A_58, %dma_wait3A_224] : memref<100096x16xf32, #tpu.memory_space<vmem_shared>> -> memref<400x16xf32, #tpu.memory_space<vmem_shared>>
    tpu.wait_dma2 semaphore(%arg20 : memref<!tpu.dma_semaphore, #tpu.memory_space<semaphore_mem>>) src(%arg16 : memref<400x16xf32, #tpu.memory_space<vmem>>) dst(%dma_wait3A_225 : memref<400x16xf32, #tpu.memory_space<vmem_shared>>)
    %dma_wait3A_226 = arith.constant 0 : i32
    %dma_wait3A_227 = tpu.memref_slice %arg7[%add3A_60, %dma_wait3A_226] : memref<100096x16xf32, #tpu.memory_space<vmem_shared>> -> memref<400x16xf32, #tpu.memory_space<vmem_shared>>
    %dma_wait3A_228 = arith.constant 0 : i32
    %dma_wait3A_229 = tpu.memref_slice %arg7[%add3A_60, %dma_wait3A_228] : memref<100096x16xf32, #tpu.memory_space<vmem_shared>> -> memref<400x16xf32, #tpu.memory_space<vmem_shared>>
    tpu.wait_dma2 semaphore(%arg20 : memref<!tpu.dma_semaphore, #tpu.memory_space<semaphore_mem>>) src(%arg16 : memref<400x16xf32, #tpu.memory_space<vmem>>) dst(%dma_wait3A_229 : memref<400x16xf32, #tpu.memory_space<vmem_shared>>)
    %dma_wait3A_230 = arith.constant 0 : i32
    %dma_wait3A_231 = tpu.memref_slice %arg7[%add3A_62, %dma_wait3A_230] : memref<100096x16xf32, #tpu.memory_space<vmem_shared>> -> memref<400x16xf32, #tpu.memory_space<vmem_shared>>
    %dma_wait3A_232 = arith.constant 0 : i32
    %dma_wait3A_233 = tpu.memref_slice %arg7[%add3A_62, %dma_wait3A_232] : memref<100096x16xf32, #tpu.memory_space<vmem_shared>> -> memref<400x16xf32, #tpu.memory_space<vmem_shared>>
    tpu.wait_dma2 semaphore(%arg20 : memref<!tpu.dma_semaphore, #tpu.memory_space<semaphore_mem>>) src(%arg16 : memref<400x16xf32, #tpu.memory_space<vmem>>) dst(%dma_wait3A_233 : memref<400x16xf32, #tpu.memory_space<vmem_shared>>)
    %dma_wait3A_234 = arith.constant 0 : i32
    %dma_wait3A_235 = tpu.memref_slice %arg7[%add3A_64, %dma_wait3A_234] : memref<100096x16xf32, #tpu.memory_space<vmem_shared>> -> memref<400x16xf32, #tpu.memory_space<vmem_shared>>
    %dma_wait3A_236 = arith.constant 0 : i32
    %dma_wait3A_237 = tpu.memref_slice %arg7[%add3A_64, %dma_wait3A_236] : memref<100096x16xf32, #tpu.memory_space<vmem_shared>> -> memref<400x16xf32, #tpu.memory_space<vmem_shared>>
    tpu.wait_dma2 semaphore(%arg20 : memref<!tpu.dma_semaphore, #tpu.memory_space<semaphore_mem>>) src(%arg16 : memref<400x16xf32, #tpu.memory_space<vmem>>) dst(%dma_wait3A_237 : memref<400x16xf32, #tpu.memory_space<vmem_shared>>)
    %dma_wait3A_238 = arith.constant 0 : i32
    %dma_wait3A_239 = tpu.memref_slice %arg7[%add3A_66, %dma_wait3A_238] : memref<100096x16xf32, #tpu.memory_space<vmem_shared>> -> memref<400x16xf32, #tpu.memory_space<vmem_shared>>
    %dma_wait3A_240 = arith.constant 0 : i32
    %dma_wait3A_241 = tpu.memref_slice %arg7[%add3A_66, %dma_wait3A_240] : memref<100096x16xf32, #tpu.memory_space<vmem_shared>> -> memref<400x16xf32, #tpu.memory_space<vmem_shared>>
    tpu.wait_dma2 semaphore(%arg20 : memref<!tpu.dma_semaphore, #tpu.memory_space<semaphore_mem>>) src(%arg16 : memref<400x16xf32, #tpu.memory_space<vmem>>) dst(%dma_wait3A_241 : memref<400x16xf32, #tpu.memory_space<vmem_shared>>)
    %dma_wait3A_242 = arith.constant 0 : i32
    %dma_wait3A_243 = tpu.memref_slice %arg7[%add3A_68, %dma_wait3A_242] : memref<100096x16xf32, #tpu.memory_space<vmem_shared>> -> memref<400x16xf32, #tpu.memory_space<vmem_shared>>
    %dma_wait3A_244 = arith.constant 0 : i32
    %dma_wait3A_245 = tpu.memref_slice %arg7[%add3A_68, %dma_wait3A_244] : memref<100096x16xf32, #tpu.memory_space<vmem_shared>> -> memref<400x16xf32, #tpu.memory_space<vmem_shared>>
    tpu.wait_dma2 semaphore(%arg20 : memref<!tpu.dma_semaphore, #tpu.memory_space<semaphore_mem>>) src(%arg16 : memref<400x16xf32, #tpu.memory_space<vmem>>) dst(%dma_wait3A_245 : memref<400x16xf32, #tpu.memory_space<vmem_shared>>)
    %dma_wait3A_246 = arith.constant 0 : i32
    %dma_wait3A_247 = arith.constant 0 : i32
    %dma_wait3A_248 = tpu.memref_slice %arg16[%dma_wait3A_246, %dma_wait3A_247] : memref<400x16xf32, #tpu.memory_space<vmem>> -> memref<256x16xf32, #tpu.memory_space<vmem>>
    %dma_wait3A_249 = arith.constant 0 : i32
    %dma_wait3A_250 = tpu.memref_slice %arg7[%add3A_70, %dma_wait3A_249] : memref<100096x16xf32, #tpu.memory_space<vmem_shared>> -> memref<256x16xf32, #tpu.memory_space<vmem_shared>>
    %dma_wait3A_251 = arith.constant 0 : i32
    %dma_wait3A_252 = tpu.memref_slice %arg7[%add3A_70, %dma_wait3A_251] : memref<100096x16xf32, #tpu.memory_space<vmem_shared>> -> memref<256x16xf32, #tpu.memory_space<vmem_shared>>
    %dma_wait3A_253 = arith.constant 0 : i32
    %dma_wait3A_254 = arith.constant 0 : i32
    %dma_wait3A_255 = tpu.memref_slice %arg16[%dma_wait3A_253, %dma_wait3A_254] : memref<400x16xf32, #tpu.memory_space<vmem>> -> memref<256x16xf32, #tpu.memory_space<vmem>>
    tpu.wait_dma2 semaphore(%arg20 : memref<!tpu.dma_semaphore, #tpu.memory_space<semaphore_mem>>) src(%dma_wait3A_255 : memref<256x16xf32, #tpu.memory_space<vmem>>) dst(%dma_wait3A_252 : memref<256x16xf32, #tpu.memory_space<vmem_shared>>)
    %barrier3A = arith.constant 0 : index
    tpu.barrier barrier_id(%barrier3A)
    %scan3A_256 = arith.constant 0 : i32
    %scan3A_257 = arith.constant 0 : i32
    %scan3A_258 = arith.constant 63 : i32
    %scan3A_259 = arith.addi %scan3A_257, %scan3A_258 : i32
    %scan3A_260 = arith.constant 1 : i32
    %scan3A_261 = scf.for %scan3A_319 = %scan3A_257 to %scan3A_259 step %scan3A_260 iter_args(%scan3A_320 = %scan3A_256) -> (i32)  : i32 {
      %mul3A_321 = arith.constant 2 : i32
      %mul3A_322 = arith.muli %mul3A_321, %scan3A_319 : i32
      %add3A_323 = arith.constant 0 : i32
      %add3A_324 = arith.addi %mul3A_322, %add3A_323 : i32
      %mul3A_325 = arith.constant 16 : i32
      %mul3A_326 = arith.muli %add3A_324, %mul3A_325 : i32
      %add3A_327 = arith.addi %mul3A_326, %arg1 : i32
      %lt3A = arith.constant 2000 : i32
      %lt3A_328 = arith.cmpi slt, %add3A_327, %lt3A : i32
      %convert_element_type3A_329 = arith.extui %lt3A_328 : i1 to i32
      %cond3A_330 = arith.constant 0 : i32
      %cond3A_331 = arith.cmpi ne, %convert_element_type3A_329, %cond3A_330 : i32
      scf.if %cond3A_331 {
        %ge3A_345 = arith.constant 1 : i32
        %ge3A_346 = arith.cmpi sge, %scan3A_319, %ge3A_345 : i32
        %convert_element_type3A_347 = arith.extui %ge3A_346 : i1 to i32
        %cond3A_348 = arith.constant 0 : i32
        %cond3A_349 = arith.cmpi ne, %convert_element_type3A_347, %cond3A_348 : i32
        scf.if %cond3A_349 {
          %dma_wait3A_389 = arith.constant 0 : i32
          %dma_wait3A_390 = arith.constant 0 : i32
          %dma_wait3A_391 = tpu.memref_slice %arg7[%dma_wait3A_389, %dma_wait3A_390] : memref<100096x16xf32, #tpu.memory_space<vmem_shared>> -> memref<100096x16xf32, #tpu.memory_space<vmem_shared>>
          tpu.wait_indirect_dma semaphore(%arg22 : memref<!tpu.dma_semaphore, #tpu.memory_space<semaphore_mem>>) src(%arg16 : memref<400x16xf32, #tpu.memory_space<vmem>>) dst(%dma_wait3A_391 : memref<100096x16xf32, #tpu.memory_space<vmem_shared>>)
          %dma_wait3A_392 = arith.constant 0 : i32
          %dma_wait3A_393 = tpu.memref_slice %arg24[%dma_wait3A_392] : memref<100352xf32, #tpu.memory_space<vmem_shared>> -> memref<100352xf32, #tpu.memory_space<vmem_shared>>
          tpu.wait_indirect_dma semaphore(%arg29 : memref<!tpu.dma_semaphore, #tpu.memory_space<semaphore_mem>>) src(%arg27 : memref<400xf32, #tpu.memory_space<vmem>>) dst(%dma_wait3A_393 : memref<100352xf32, #tpu.memory_space<vmem_shared>>)
        } else {
        }
        %mul3A_350 = arith.constant 400 : i32
        %mul3A_351 = arith.muli %add3A_327, %mul3A_350 : i32
        %dma_wait3A_352 = arith.constant 0 : i32
        %dma_wait3A_353 = tpu.memref_slice %arg3[%dma_wait3A_352, %mul3A_351] : memref<2x800000xi32, #tpu.memory_space<hbm>> -> memref<1x400xi32, #tpu.memory_space<hbm>>
        %dma_wait3A_354 = tpu.memref_squeeze %dma_wait3A_353 : memref<1x400xi32, #tpu.memory_space<hbm>> -> memref<400xi32, #tpu.memory_space<hbm>>
        %dma_wait3A_355 = tpu.memref_slice %arg3[%dma_wait3A_352, %mul3A_351] : memref<2x800000xi32, #tpu.memory_space<hbm>> -> memref<1x400xi32, #tpu.memory_space<hbm>>
        %dma_wait3A_356 = tpu.memref_squeeze %dma_wait3A_355 : memref<1x400xi32, #tpu.memory_space<hbm>> -> memref<400xi32, #tpu.memory_space<hbm>>
        tpu.wait_dma2 semaphore(%arg18 : memref<!tpu.dma_semaphore, #tpu.memory_space<semaphore_mem>>) src(%dma_wait3A_356 : memref<400xi32, #tpu.memory_space<hbm>>) dst(%arg8 : memref<400xi32, #tpu.memory_space<vmem>>)
        %dma_wait3A_357 = arith.constant 1 : i32
        %dma_wait3A_358 = tpu.memref_slice %arg3[%dma_wait3A_357, %mul3A_351] : memref<2x800000xi32, #tpu.memory_space<hbm>> -> memref<1x400xi32, #tpu.memory_space<hbm>>
        %dma_wait3A_359 = tpu.memref_squeeze %dma_wait3A_358 : memref<1x400xi32, #tpu.memory_space<hbm>> -> memref<400xi32, #tpu.memory_space<hbm>>
        %dma_wait3A_360 = tpu.memref_slice %arg3[%dma_wait3A_357, %mul3A_351] : memref<2x800000xi32, #tpu.memory_space<hbm>> -> memref<1x400xi32, #tpu.memory_space<hbm>>
        %dma_wait3A_361 = tpu.memref_squeeze %dma_wait3A_360 : memref<1x400xi32, #tpu.memory_space<hbm>> -> memref<400xi32, #tpu.memory_space<hbm>>
        tpu.wait_dma2 semaphore(%arg18 : memref<!tpu.dma_semaphore, #tpu.memory_space<semaphore_mem>>) src(%dma_wait3A_361 : memref<400xi32, #tpu.memory_space<hbm>>) dst(%arg10 : memref<400xi32, #tpu.memory_space<vmem>>)
        %dma_wait3A_362 = tpu.memref_slice %arg4[%mul3A_351] : memref<800000xi32, #tpu.memory_space<hbm>> -> memref<400xi32, #tpu.memory_space<hbm>>
        %dma_wait3A_363 = tpu.memref_slice %arg4[%mul3A_351] : memref<800000xi32, #tpu.memory_space<hbm>> -> memref<400xi32, #tpu.memory_space<hbm>>
        tpu.wait_dma2 semaphore(%arg18 : memref<!tpu.dma_semaphore, #tpu.memory_space<semaphore_mem>>) src(%dma_wait3A_363 : memref<400xi32, #tpu.memory_space<hbm>>) dst(%arg12 : memref<400xi32, #tpu.memory_space<vmem>>)
        %dma_start3A_364 = arith.constant 0 : i32
        %dma_start3A_365 = arith.constant 0 : i32
        %dma_start3A_366 = tpu.memref_slice %arg2[%dma_start3A_364, %dma_start3A_365] : memref<50000x16xf32, #tpu.memory_space<hbm>> -> memref<50000x16xf32, #tpu.memory_space<hbm>>
        tpu.enqueue_indirect_dma source(%dma_start3A_366 : memref<50000x16xf32, #tpu.memory_space<hbm>>) target(%arg16 : memref<400x16xf32, #tpu.memory_space<vmem>>) offsets(%arg8 : memref<400xi32, #tpu.memory_space<vmem>>) semaphore(%arg20 : memref<!tpu.dma_semaphore, #tpu.memory_space<semaphore_mem>>)
        %scan3A_367 = arith.constant 0 : i32
        %scan3A_368 = arith.constant 0 : i32
        %scan3A_369 = arith.constant 25 : i32
        %scan3A_370 = arith.addi %scan3A_368, %scan3A_369 : i32
        %scan3A_371 = arith.constant 1 : i32
        %scan3A_372 = scf.for %scan3A_389 = %scan3A_368 to %scan3A_370 step %scan3A_371 iter_args(%scan3A_390 = %scan3A_367) -> (i32)  : i32 {
          %mul3A_391 = arith.constant 16 : i32
          %mul3A_392 = arith.muli %scan3A_389, %mul3A_391 : i32
          %get3A = arith.index_cast %mul3A_392 : i32 to index
          %get3A_393 = tpu.vector_load %arg10[%get3A] {strides = array<i32>} : memref<400xi32, #tpu.memory_space<vmem>>, vector<16xi32>,
          %get3A_394 = vector.shape_cast %get3A_393 : vector<16xi32> to vector<16xi32>
          %mul3A_395 = arith.constant 16 : i32
          %mul3A_396 = arith.muli %scan3A_389, %mul3A_395 : i32
          %get3A_397 = arith.index_cast %mul3A_396 : i32 to index
          %get3A_398 = tpu.vector_load %arg12[%get3A_397] {strides = array<i32>} : memref<400xi32, #tpu.memory_space<vmem>>, vector<16xi32>,
          %get3A_399 = vector.shape_cast %get3A_398 : vector<16xi32> to vector<16xi32>
          %sub3A_400 = vector.broadcast %mul3A_0 : i32 to vector<16xi32>
          %sub3A_401 = arith.subi %get3A_394, %sub3A_400 : vector<16xi32>
          %ge3A_402 = arith.constant 0 : i32
          %ge3A_403 = vector.broadcast %ge3A_402 : i32 to vector<16xi32>
          %ge3A_404 = arith.cmpi sge, %sub3A_401, %ge3A_403 : vector<16xi32>
          %lt3A_405 = arith.constant 25000 : i32
          %lt3A_406 = vector.broadcast %lt3A_405 : i32 to vector<16xi32>
          %lt3A_407 = arith.cmpi slt, %sub3A_401, %lt3A_406 : vector<16xi32>
          %and3A_408 = arith.andi %ge3A_404, %lt3A_407 : vector<16xi1>
          %mul3A_409 = arith.constant 25000 : i32
          %mul3A_410 = vector.broadcast %mul3A_409 : i32 to vector<16xi32>
          %mul3A_411 = arith.muli %get3A_399, %mul3A_410 : vector<16xi32>
          %add3A_412 = arith.addi %mul3A_411, %sub3A_401 : vector<16xi32>
          %broadcast_in_dim3A = vector.broadcast %add3A_1 : i32 to vector<16xi32>
          %select_n3A_413 = arith.select %and3A_408, %add3A_412, %broadcast_in_dim3A : vector<16xi1>, vector<16xi32>
          %mul3A_414 = arith.constant 16 : i32
          %mul3A_415 = arith.muli %scan3A_389, %mul3A_414 : i32
          %swap3A = arith.index_cast %mul3A_415 : i32 to index
          %swap3A_416 = tpu.vector_load %arg14[%swap3A] {strides = array<i32>} : memref<400xi32, #tpu.memory_space<vmem>>, vector<16xi32>,
          %swap3A_417 = vector.shape_cast %swap3A_416 : vector<16xi32> to vector<16xi32>
          %swap3A_418 = vector.shape_cast %select_n3A_413 : vector<16xi32> to vector<16xi32>
          tpu.vector_store %arg14[%swap3A], %swap3A_418 {strides = array<i32>} : memref<400xi32, #tpu.memory_space<vmem>>, vector<16xi32>,
          %mul3A_419 = arith.constant 4 : i32
          %mul3A_420 = vector.broadcast %mul3A_419 : i32 to vector<16xi32>
          %mul3A_421 = arith.muli %sub3A_401, %mul3A_420 : vector<16xi32>
          %add3A_422 = arith.addi %mul3A_421, %get3A_399 : vector<16xi32>
          %broadcast_in_dim3A_423 = vector.broadcast %add3A_1 : i32 to vector<16xi32>
          %select_n3A_424 = arith.select %and3A_408, %add3A_422, %broadcast_in_dim3A_423 : vector<16xi1>, vector<16xi32>
          %mul3A_425 = arith.constant 16 : i32
          %mul3A_426 = arith.muli %scan3A_389, %mul3A_425 : i32
          %swap3A_427 = arith.index_cast %mul3A_426 : i32 to index
          %swap3A_428 = tpu.vector_load %arg25[%swap3A_427] {strides = array<i32>} : memref<400xi32, #tpu.memory_space<vmem>>, vector<16xi32>,
          %swap3A_429 = vector.shape_cast %swap3A_428 : vector<16xi32> to vector<16xi32>
          %swap3A_430 = vector.shape_cast %select_n3A_424 : vector<16xi32> to vector<16xi32>
          tpu.vector_store %arg25[%swap3A_427], %swap3A_430 {strides = array<i32>} : memref<400xi32, #tpu.memory_space<vmem>>, vector<16xi32>,
          %scan3A_431 = arith.constant 0 : i32
          scf.yield %scan3A_431 : i32
        }
        %scan3A_373 = arith.constant 25 : i32
        %dma_wait3A_374 = arith.constant 0 : i32
        %dma_wait3A_375 = arith.constant 0 : i32
        %dma_wait3A_376 = tpu.memref_slice %arg2[%dma_wait3A_374, %dma_wait3A_375] : memref<50000x16xf32, #tpu.memory_space<hbm>> -> memref<50000x16xf32, #tpu.memory_space<hbm>>
        tpu.wait_indirect_dma semaphore(%arg20 : memref<!tpu.dma_semaphore, #tpu.memory_space<semaphore_mem>>) src(%dma_wait3A_376 : memref<50000x16xf32, #tpu.memory_space<hbm>>) dst(%arg16 : memref<400x16xf32, #tpu.memory_space<vmem>>)
        %add3A_377 = arith.constant 32 : i32
        %add3A_378 = arith.addi %add3A_327, %add3A_377 : i32
        %lt3A_379 = arith.constant 2000 : i32
        %lt3A_380 = arith.cmpi slt, %add3A_378, %lt3A_379 : i32
        %convert_element_type3A_381 = arith.extui %lt3A_380 : i1 to i32
        %cond3A_382 = arith.constant 0 : i32
        %cond3A_383 = arith.cmpi ne, %convert_element_type3A_381, %cond3A_382 : i32
        scf.if %cond3A_383 {
          %add3A_389 = arith.constant 32 : i32
          %add3A_390 = arith.addi %add3A_327, %add3A_389 : i32
          %mul3A_391 = arith.constant 400 : i32
          %mul3A_392 = arith.muli %add3A_390, %mul3A_391 : i32
          %dma_start3A_393 = arith.constant 0 : i32
          %dma_start3A_394 = tpu.memref_slice %arg3[%dma_start3A_393, %mul3A_392] : memref<2x800000xi32, #tpu.memory_space<hbm>> -> memref<1x400xi32, #tpu.memory_space<hbm>>
          %dma_start3A_395 = tpu.memref_squeeze %dma_start3A_394 : memref<1x400xi32, #tpu.memory_space<hbm>> -> memref<400xi32, #tpu.memory_space<hbm>>
          %dma_start3A_396 = tpu.memref_slice %arg3[%dma_start3A_393, %mul3A_392] : memref<2x800000xi32, #tpu.memory_space<hbm>> -> memref<1x400xi32, #tpu.memory_space<hbm>>
          %dma_start3A_397 = tpu.memref_squeeze %dma_start3A_396 : memref<1x400xi32, #tpu.memory_space<hbm>> -> memref<400xi32, #tpu.memory_space<hbm>>
          tpu.enqueue_dma source(%dma_start3A_397 : memref<400xi32, #tpu.memory_space<hbm>>) target(%arg8 : memref<400xi32, #tpu.memory_space<vmem>>) target_semaphore(%arg18 : memref<!tpu.dma_semaphore, #tpu.memory_space<semaphore_mem>>)
          %dma_start3A_398 = arith.constant 1 : i32
          %dma_start3A_399 = tpu.memref_slice %arg3[%dma_start3A_398, %mul3A_392] : memref<2x800000xi32, #tpu.memory_space<hbm>> -> memref<1x400xi32, #tpu.memory_space<hbm>>
          %dma_start3A_400 = tpu.memref_squeeze %dma_start3A_399 : memref<1x400xi32, #tpu.memory_space<hbm>> -> memref<400xi32, #tpu.memory_space<hbm>>
          %dma_start3A_401 = tpu.memref_slice %arg3[%dma_start3A_398, %mul3A_392] : memref<2x800000xi32, #tpu.memory_space<hbm>> -> memref<1x400xi32, #tpu.memory_space<hbm>>
          %dma_start3A_402 = tpu.memref_squeeze %dma_start3A_401 : memref<1x400xi32, #tpu.memory_space<hbm>> -> memref<400xi32, #tpu.memory_space<hbm>>
          tpu.enqueue_dma source(%dma_start3A_402 : memref<400xi32, #tpu.memory_space<hbm>>) target(%arg10 : memref<400xi32, #tpu.memory_space<vmem>>) target_semaphore(%arg18 : memref<!tpu.dma_semaphore, #tpu.memory_space<semaphore_mem>>)
          %dma_start3A_403 = tpu.memref_slice %arg4[%mul3A_392] : memref<800000xi32, #tpu.memory_space<hbm>> -> memref<400xi32, #tpu.memory_space<hbm>>
          %dma_start3A_404 = tpu.memref_slice %arg4[%mul3A_392] : memref<800000xi32, #tpu.memory_space<hbm>> -> memref<400xi32, #tpu.memory_space<hbm>>
          tpu.enqueue_dma source(%dma_start3A_404 : memref<400xi32, #tpu.memory_space<hbm>>) target(%arg12 : memref<400xi32, #tpu.memory_space<vmem>>) target_semaphore(%arg18 : memref<!tpu.dma_semaphore, #tpu.memory_space<semaphore_mem>>)
        } else {
        }
        %dma_start3A_384 = arith.constant 0 : i32
        %dma_start3A_385 = arith.constant 0 : i32
        %dma_start3A_386 = tpu.memref_slice %arg7[%dma_start3A_384, %dma_start3A_385] : memref<100096x16xf32, #tpu.memory_space<vmem_shared>> -> memref<100096x16xf32, #tpu.memory_space<vmem_shared>>
        tpu.enqueue_indirect_dma source(%arg16 : memref<400x16xf32, #tpu.memory_space<vmem>>) target(%dma_start3A_386 : memref<100096x16xf32, #tpu.memory_space<vmem_shared>>) offsets(%arg14 : memref<400xi32, #tpu.memory_space<vmem>>) semaphore(%arg22 : memref<!tpu.dma_semaphore, #tpu.memory_space<semaphore_mem>>) {add = true}
        %dma_start3A_387 = arith.constant 0 : i32
        %dma_start3A_388 = tpu.memref_slice %arg24[%dma_start3A_387] : memref<100352xf32, #tpu.memory_space<vmem_shared>> -> memref<100352xf32, #tpu.memory_space<vmem_shared>>
        tpu.enqueue_indirect_dma source(%arg27 : memref<400xf32, #tpu.memory_space<vmem>>) target(%dma_start3A_388 : memref<100352xf32, #tpu.memory_space<vmem_shared>>) offsets(%arg25 : memref<400xi32, #tpu.memory_space<vmem>>) semaphore(%arg29 : memref<!tpu.dma_semaphore, #tpu.memory_space<semaphore_mem>>) {add = true}
      } else {
      }
      %mul3A_332 = arith.constant 2 : i32
      %mul3A_333 = arith.muli %mul3A_332, %scan3A_319 : i32
      %add3A_334 = arith.constant 1 : i32
      %add3A_335 = arith.addi %mul3A_333, %add3A_334 : i32
      %mul3A_336 = arith.constant 16 : i32
      %mul3A_337 = arith.muli %add3A_335, %mul3A_336 : i32
      %add3A_338 = arith.addi %mul3A_337, %arg1 : i32
      %lt3A_339 = arith.constant 2000 : i32
      %lt3A_340 = arith.cmpi slt, %add3A_338, %lt3A_339 : i32
      %convert_element_type3A_341 = arith.extui %lt3A_340 : i1 to i32
      %cond3A_342 = arith.constant 0 : i32
      %cond3A_343 = arith.cmpi ne, %convert_element_type3A_341, %cond3A_342 : i32
      scf.if %cond3A_343 {
        %ge3A_345 = arith.constant 1 : i32
        %ge3A_346 = arith.cmpi sge, %scan3A_319, %ge3A_345 : i32
        %convert_element_type3A_347 = arith.extui %ge3A_346 : i1 to i32
        %cond3A_348 = arith.constant 0 : i32
        %cond3A_349 = arith.cmpi ne, %convert_element_type3A_347, %cond3A_348 : i32
        scf.if %cond3A_349 {
          %dma_wait3A_389 = arith.constant 0 : i32
          %dma_wait3A_390 = arith.constant 0 : i32
          %dma_wait3A_391 = tpu.memref_slice %arg7[%dma_wait3A_389, %dma_wait3A_390] : memref<100096x16xf32, #tpu.memory_space<vmem_shared>> -> memref<100096x16xf32, #tpu.memory_space<vmem_shared>>
          tpu.wait_indirect_dma semaphore(%arg23 : memref<!tpu.dma_semaphore, #tpu.memory_space<semaphore_mem>>) src(%arg17 : memref<400x16xf32, #tpu.memory_space<vmem>>) dst(%dma_wait3A_391 : memref<100096x16xf32, #tpu.memory_space<vmem_shared>>)
          %dma_wait3A_392 = arith.constant 0 : i32
          %dma_wait3A_393 = tpu.memref_slice %arg24[%dma_wait3A_392] : memref<100352xf32, #tpu.memory_space<vmem_shared>> -> memref<100352xf32, #tpu.memory_space<vmem_shared>>
          tpu.wait_indirect_dma semaphore(%arg30 : memref<!tpu.dma_semaphore, #tpu.memory_space<semaphore_mem>>) src(%arg27 : memref<400xf32, #tpu.memory_space<vmem>>) dst(%dma_wait3A_393 : memref<100352xf32, #tpu.memory_space<vmem_shared>>)
        } else {
        }
        %mul3A_350 = arith.constant 400 : i32
        %mul3A_351 = arith.muli %add3A_338, %mul3A_350 : i32
        %dma_wait3A_352 = arith.constant 0 : i32
        %dma_wait3A_353 = tpu.memref_slice %arg3[%dma_wait3A_352, %mul3A_351] : memref<2x800000xi32, #tpu.memory_space<hbm>> -> memref<1x400xi32, #tpu.memory_space<hbm>>
        %dma_wait3A_354 = tpu.memref_squeeze %dma_wait3A_353 : memref<1x400xi32, #tpu.memory_space<hbm>> -> memref<400xi32, #tpu.memory_space<hbm>>
        %dma_wait3A_355 = tpu.memref_slice %arg3[%dma_wait3A_352, %mul3A_351] : memref<2x800000xi32, #tpu.memory_space<hbm>> -> memref<1x400xi32, #tpu.memory_space<hbm>>
        %dma_wait3A_356 = tpu.memref_squeeze %dma_wait3A_355 : memref<1x400xi32, #tpu.memory_space<hbm>> -> memref<400xi32, #tpu.memory_space<hbm>>
        tpu.wait_dma2 semaphore(%arg19 : memref<!tpu.dma_semaphore, #tpu.memory_space<semaphore_mem>>) src(%dma_wait3A_356 : memref<400xi32, #tpu.memory_space<hbm>>) dst(%arg9 : memref<400xi32, #tpu.memory_space<vmem>>)
        %dma_wait3A_357 = arith.constant 1 : i32
        %dma_wait3A_358 = tpu.memref_slice %arg3[%dma_wait3A_357, %mul3A_351] : memref<2x800000xi32, #tpu.memory_space<hbm>> -> memref<1x400xi32, #tpu.memory_space<hbm>>
        %dma_wait3A_359 = tpu.memref_squeeze %dma_wait3A_358 : memref<1x400xi32, #tpu.memory_space<hbm>> -> memref<400xi32, #tpu.memory_space<hbm>>
        %dma_wait3A_360 = tpu.memref_slice %arg3[%dma_wait3A_357, %mul3A_351] : memref<2x800000xi32, #tpu.memory_space<hbm>> -> memref<1x400xi32, #tpu.memory_space<hbm>>
        %dma_wait3A_361 = tpu.memref_squeeze %dma_wait3A_360 : memref<1x400xi32, #tpu.memory_space<hbm>> -> memref<400xi32, #tpu.memory_space<hbm>>
        tpu.wait_dma2 semaphore(%arg19 : memref<!tpu.dma_semaphore, #tpu.memory_space<semaphore_mem>>) src(%dma_wait3A_361 : memref<400xi32, #tpu.memory_space<hbm>>) dst(%arg11 : memref<400xi32, #tpu.memory_space<vmem>>)
        %dma_wait3A_362 = tpu.memref_slice %arg4[%mul3A_351] : memref<800000xi32, #tpu.memory_space<hbm>> -> memref<400xi32, #tpu.memory_space<hbm>>
        %dma_wait3A_363 = tpu.memref_slice %arg4[%mul3A_351] : memref<800000xi32, #tpu.memory_space<hbm>> -> memref<400xi32, #tpu.memory_space<hbm>>
        tpu.wait_dma2 semaphore(%arg19 : memref<!tpu.dma_semaphore, #tpu.memory_space<semaphore_mem>>) src(%dma_wait3A_363 : memref<400xi32, #tpu.memory_space<hbm>>) dst(%arg13 : memref<400xi32, #tpu.memory_space<vmem>>)
        %dma_start3A_364 = arith.constant 0 : i32
        %dma_start3A_365 = arith.constant 0 : i32
        %dma_start3A_366 = tpu.memref_slice %arg2[%dma_start3A_364, %dma_start3A_365] : memref<50000x16xf32, #tpu.memory_space<hbm>> -> memref<50000x16xf32, #tpu.memory_space<hbm>>
        tpu.enqueue_indirect_dma source(%dma_start3A_366 : memref<50000x16xf32, #tpu.memory_space<hbm>>) target(%arg17 : memref<400x16xf32, #tpu.memory_space<vmem>>) offsets(%arg9 : memref<400xi32, #tpu.memory_space<vmem>>) semaphore(%arg21 : memref<!tpu.dma_semaphore, #tpu.memory_space<semaphore_mem>>)
        %scan3A_367 = arith.constant 0 : i32
        %scan3A_368 = arith.constant 0 : i32
        %scan3A_369 = arith.constant 25 : i32
        %scan3A_370 = arith.addi %scan3A_368, %scan3A_369 : i32
        %scan3A_371 = arith.constant 1 : i32
        %scan3A_372 = scf.for %scan3A_389 = %scan3A_368 to %scan3A_370 step %scan3A_371 iter_args(%scan3A_390 = %scan3A_367) -> (i32)  : i32 {
          %mul3A_391 = arith.constant 16 : i32
          %mul3A_392 = arith.muli %scan3A_389, %mul3A_391 : i32
          %get3A = arith.index_cast %mul3A_392 : i32 to index
          %get3A_393 = tpu.vector_load %arg11[%get3A] {strides = array<i32>} : memref<400xi32, #tpu.memory_space<vmem>>, vector<16xi32>,
          %get3A_394 = vector.shape_cast %get3A_393 : vector<16xi32> to vector<16xi32>
          %mul3A_395 = arith.constant 16 : i32
          %mul3A_396 = arith.muli %scan3A_389, %mul3A_395 : i32
          %get3A_397 = arith.index_cast %mul3A_396 : i32 to index
          %get3A_398 = tpu.vector_load %arg13[%get3A_397] {strides = array<i32>} : memref<400xi32, #tpu.memory_space<vmem>>, vector<16xi32>,
          %get3A_399 = vector.shape_cast %get3A_398 : vector<16xi32> to vector<16xi32>
          %sub3A_400 = vector.broadcast %mul3A_0 : i32 to vector<16xi32>
          %sub3A_401 = arith.subi %get3A_394, %sub3A_400 : vector<16xi32>
          %ge3A_402 = arith.constant 0 : i32
          %ge3A_403 = vector.broadcast %ge3A_402 : i32 to vector<16xi32>
          %ge3A_404 = arith.cmpi sge, %sub3A_401, %ge3A_403 : vector<16xi32>
          %lt3A_405 = arith.constant 25000 : i32
          %lt3A_406 = vector.broadcast %lt3A_405 : i32 to vector<16xi32>
          %lt3A_407 = arith.cmpi slt, %sub3A_401, %lt3A_406 : vector<16xi32>
          %and3A_408 = arith.andi %ge3A_404, %lt3A_407 : vector<16xi1>
          %mul3A_409 = arith.constant 25000 : i32
          %mul3A_410 = vector.broadcast %mul3A_409 : i32 to vector<16xi32>
          %mul3A_411 = arith.muli %get3A_399, %mul3A_410 : vector<16xi32>
          %add3A_412 = arith.addi %mul3A_411, %sub3A_401 : vector<16xi32>
          %broadcast_in_dim3A = vector.broadcast %add3A_1 : i32 to vector<16xi32>
          %select_n3A_413 = arith.select %and3A_408, %add3A_412, %broadcast_in_dim3A : vector<16xi1>, vector<16xi32>
          %mul3A_414 = arith.constant 16 : i32
          %mul3A_415 = arith.muli %scan3A_389, %mul3A_414 : i32
          %swap3A = arith.index_cast %mul3A_415 : i32 to index
          %swap3A_416 = tpu.vector_load %arg15[%swap3A] {strides = array<i32>} : memref<400xi32, #tpu.memory_space<vmem>>, vector<16xi32>,
          %swap3A_417 = vector.shape_cast %swap3A_416 : vector<16xi32> to vector<16xi32>
          %swap3A_418 = vector.shape_cast %select_n3A_413 : vector<16xi32> to vector<16xi32>
          tpu.vector_store %arg15[%swap3A], %swap3A_418 {strides = array<i32>} : memref<400xi32, #tpu.memory_space<vmem>>, vector<16xi32>,
          %mul3A_419 = arith.constant 4 : i32
          %mul3A_420 = vector.broadcast %mul3A_419 : i32 to vector<16xi32>
          %mul3A_421 = arith.muli %sub3A_401, %mul3A_420 : vector<16xi32>
          %add3A_422 = arith.addi %mul3A_421, %get3A_399 : vector<16xi32>
          %broadcast_in_dim3A_423 = vector.broadcast %add3A_1 : i32 to vector<16xi32>
          %select_n3A_424 = arith.select %and3A_408, %add3A_422, %broadcast_in_dim3A_423 : vector<16xi1>, vector<16xi32>
          %mul3A_425 = arith.constant 16 : i32
          %mul3A_426 = arith.muli %scan3A_389, %mul3A_425 : i32
          %swap3A_427 = arith.index_cast %mul3A_426 : i32 to index
          %swap3A_428 = tpu.vector_load %arg26[%swap3A_427] {strides = array<i32>} : memref<400xi32, #tpu.memory_space<vmem>>, vector<16xi32>,
          %swap3A_429 = vector.shape_cast %swap3A_428 : vector<16xi32> to vector<16xi32>
          %swap3A_430 = vector.shape_cast %select_n3A_424 : vector<16xi32> to vector<16xi32>
          tpu.vector_store %arg26[%swap3A_427], %swap3A_430 {strides = array<i32>} : memref<400xi32, #tpu.memory_space<vmem>>, vector<16xi32>,
          %scan3A_431 = arith.constant 0 : i32
          scf.yield %scan3A_431 : i32
        }
        %scan3A_373 = arith.constant 25 : i32
        %dma_wait3A_374 = arith.constant 0 : i32
        %dma_wait3A_375 = arith.constant 0 : i32
        %dma_wait3A_376 = tpu.memref_slice %arg2[%dma_wait3A_374, %dma_wait3A_375] : memref<50000x16xf32, #tpu.memory_space<hbm>> -> memref<50000x16xf32, #tpu.memory_space<hbm>>
        tpu.wait_indirect_dma semaphore(%arg21 : memref<!tpu.dma_semaphore, #tpu.memory_space<semaphore_mem>>) src(%dma_wait3A_376 : memref<50000x16xf32, #tpu.memory_space<hbm>>) dst(%arg17 : memref<400x16xf32, #tpu.memory_space<vmem>>)
        %add3A_377 = arith.constant 32 : i32
        %add3A_378 = arith.addi %add3A_338, %add3A_377 : i32
        %lt3A_379 = arith.constant 2000 : i32
        %lt3A_380 = arith.cmpi slt, %add3A_378, %lt3A_379 : i32
        %convert_element_type3A_381 = arith.extui %lt3A_380 : i1 to i32
        %cond3A_382 = arith.constant 0 : i32
        %cond3A_383 = arith.cmpi ne, %convert_element_type3A_381, %cond3A_382 : i32
        scf.if %cond3A_383 {
          %add3A_389 = arith.constant 32 : i32
          %add3A_390 = arith.addi %add3A_338, %add3A_389 : i32
          %mul3A_391 = arith.constant 400 : i32
          %mul3A_392 = arith.muli %add3A_390, %mul3A_391 : i32
          %dma_start3A_393 = arith.constant 0 : i32
          %dma_start3A_394 = tpu.memref_slice %arg3[%dma_start3A_393, %mul3A_392] : memref<2x800000xi32, #tpu.memory_space<hbm>> -> memref<1x400xi32, #tpu.memory_space<hbm>>
          %dma_start3A_395 = tpu.memref_squeeze %dma_start3A_394 : memref<1x400xi32, #tpu.memory_space<hbm>> -> memref<400xi32, #tpu.memory_space<hbm>>
          %dma_start3A_396 = tpu.memref_slice %arg3[%dma_start3A_393, %mul3A_392] : memref<2x800000xi32, #tpu.memory_space<hbm>> -> memref<1x400xi32, #tpu.memory_space<hbm>>
          %dma_start3A_397 = tpu.memref_squeeze %dma_start3A_396 : memref<1x400xi32, #tpu.memory_space<hbm>> -> memref<400xi32, #tpu.memory_space<hbm>>
          tpu.enqueue_dma source(%dma_start3A_397 : memref<400xi32, #tpu.memory_space<hbm>>) target(%arg9 : memref<400xi32, #tpu.memory_space<vmem>>) target_semaphore(%arg19 : memref<!tpu.dma_semaphore, #tpu.memory_space<semaphore_mem>>)
          %dma_start3A_398 = arith.constant 1 : i32
          %dma_start3A_399 = tpu.memref_slice %arg3[%dma_start3A_398, %mul3A_392] : memref<2x800000xi32, #tpu.memory_space<hbm>> -> memref<1x400xi32, #tpu.memory_space<hbm>>
          %dma_start3A_400 = tpu.memref_squeeze %dma_start3A_399 : memref<1x400xi32, #tpu.memory_space<hbm>> -> memref<400xi32, #tpu.memory_space<hbm>>
          %dma_start3A_401 = tpu.memref_slice %arg3[%dma_start3A_398, %mul3A_392] : memref<2x800000xi32, #tpu.memory_space<hbm>> -> memref<1x400xi32, #tpu.memory_space<hbm>>
          %dma_start3A_402 = tpu.memref_squeeze %dma_start3A_401 : memref<1x400xi32, #tpu.memory_space<hbm>> -> memref<400xi32, #tpu.memory_space<hbm>>
          tpu.enqueue_dma source(%dma_start3A_402 : memref<400xi32, #tpu.memory_space<hbm>>) target(%arg11 : memref<400xi32, #tpu.memory_space<vmem>>) target_semaphore(%arg19 : memref<!tpu.dma_semaphore, #tpu.memory_space<semaphore_mem>>)
          %dma_start3A_403 = tpu.memref_slice %arg4[%mul3A_392] : memref<800000xi32, #tpu.memory_space<hbm>> -> memref<400xi32, #tpu.memory_space<hbm>>
          %dma_start3A_404 = tpu.memref_slice %arg4[%mul3A_392] : memref<800000xi32, #tpu.memory_space<hbm>> -> memref<400xi32, #tpu.memory_space<hbm>>
          tpu.enqueue_dma source(%dma_start3A_404 : memref<400xi32, #tpu.memory_space<hbm>>) target(%arg13 : memref<400xi32, #tpu.memory_space<vmem>>) target_semaphore(%arg19 : memref<!tpu.dma_semaphore, #tpu.memory_space<semaphore_mem>>)
        } else {
        }
        %dma_start3A_384 = arith.constant 0 : i32
        %dma_start3A_385 = arith.constant 0 : i32
        %dma_start3A_386 = tpu.memref_slice %arg7[%dma_start3A_384, %dma_start3A_385] : memref<100096x16xf32, #tpu.memory_space<vmem_shared>> -> memref<100096x16xf32, #tpu.memory_space<vmem_shared>>
        tpu.enqueue_indirect_dma source(%arg17 : memref<400x16xf32, #tpu.memory_space<vmem>>) target(%dma_start3A_386 : memref<100096x16xf32, #tpu.memory_space<vmem_shared>>) offsets(%arg15 : memref<400xi32, #tpu.memory_space<vmem>>) semaphore(%arg23 : memref<!tpu.dma_semaphore, #tpu.memory_space<semaphore_mem>>) {add = true}
        %dma_start3A_387 = arith.constant 0 : i32
        %dma_start3A_388 = tpu.memref_slice %arg24[%dma_start3A_387] : memref<100352xf32, #tpu.memory_space<vmem_shared>> -> memref<100352xf32, #tpu.memory_space<vmem_shared>>
        tpu.enqueue_indirect_dma source(%arg27 : memref<400xf32, #tpu.memory_space<vmem>>) target(%dma_start3A_388 : memref<100352xf32, #tpu.memory_space<vmem_shared>>) offsets(%arg26 : memref<400xi32, #tpu.memory_space<vmem>>) semaphore(%arg30 : memref<!tpu.dma_semaphore, #tpu.memory_space<semaphore_mem>>) {add = true}
      } else {
      }
      %scan3A_344 = arith.constant 0 : i32
      scf.yield %scan3A_344 : i32
    }
    %scan3A_262 = arith.constant 63 : i32
    %sub3A = arith.constant 2000 : i32
    %sub3A_263 = arith.subi %sub3A, %arg1 : i32
    %add3A_264 = arith.constant 15 : i32
    %add3A_265 = arith.addi %sub3A_263, %add3A_264 : i32
    %jit3A = arith.constant 16 : i32
    %div3A = arith.divsi %add3A_265, %jit3A : i32
    %sign3A = arith.constant 0 : i32
    %sign3A_266 = arith.cmpi sgt, %add3A_265, %sign3A : i32
    %sign3A_267 = arith.extui %sign3A_266 : i1 to i32
    %sign3A_268 = arith.constant 0 : i32
    %sign3A_269 = arith.cmpi slt, %add3A_265, %sign3A_268 : i32
    %sign3A_270 = arith.extui %sign3A_269 : i1 to i32
    %sign3A_271 = arith.subi %sign3A_267, %sign3A_270 : i32
    %sign3A_272 = arith.constant 0 : i32
    %sign3A_273 = arith.cmpi sgt, %jit3A, %sign3A_272 : i32
    %sign3A_274 = arith.extui %sign3A_273 : i1 to i32
    %sign3A_275 = arith.constant 0 : i32
    %sign3A_276 = arith.cmpi slt, %jit3A, %sign3A_275 : i32
    %sign3A_277 = arith.extui %sign3A_276 : i1 to i32
    %sign3A_278 = arith.subi %sign3A_274, %sign3A_277 : i32
    %ne3A = arith.cmpi ne, %sign3A_271, %sign3A_278 : i32
    %rem3A = arith.remsi %add3A_265, %jit3A : i32
    %ne3A_279 = arith.constant 0 : i32
    %ne3A_280 = arith.cmpi ne, %rem3A, %ne3A_279 : i32
    %and3A = arith.andi %ne3A, %ne3A_280 : i1
    %sub3A_281 = arith.constant 1 : i32
    %sub3A_282 = arith.subi %div3A, %sub3A_281 : i32
    %select_n3A = arith.select %and3A, %sub3A_282, %div3A : i32
    %ge3A = arith.constant 1 : i32
    %ge3A_283 = arith.cmpi sge, %select_n3A, %ge3A : i32
    %convert_element_type3A = arith.extui %ge3A_283 : i1 to i32
    %cond3A = arith.constant 0 : i32
    %cond3A_284 = arith.cmpi ne, %convert_element_type3A, %cond3A : i32
    scf.if %cond3A_284 {
      %dma_wait3A_319 = arith.constant 0 : i32
      %dma_wait3A_320 = arith.constant 0 : i32
      %dma_wait3A_321 = tpu.memref_slice %arg7[%dma_wait3A_319, %dma_wait3A_320] : memref<100096x16xf32, #tpu.memory_space<vmem_shared>> -> memref<100096x16xf32, #tpu.memory_space<vmem_shared>>
      tpu.wait_indirect_dma semaphore(%arg22 : memref<!tpu.dma_semaphore, #tpu.memory_space<semaphore_mem>>) src(%arg16 : memref<400x16xf32, #tpu.memory_space<vmem>>) dst(%dma_wait3A_321 : memref<100096x16xf32, #tpu.memory_space<vmem_shared>>)
      %dma_wait3A_322 = arith.constant 0 : i32
      %dma_wait3A_323 = tpu.memref_slice %arg24[%dma_wait3A_322] : memref<100352xf32, #tpu.memory_space<vmem_shared>> -> memref<100352xf32, #tpu.memory_space<vmem_shared>>
      tpu.wait_indirect_dma semaphore(%arg29 : memref<!tpu.dma_semaphore, #tpu.memory_space<semaphore_mem>>) src(%arg27 : memref<400xf32, #tpu.memory_space<vmem>>) dst(%dma_wait3A_323 : memref<100352xf32, #tpu.memory_space<vmem_shared>>)
    } else {
    }
    %ge3A_285 = arith.constant 2 : i32
    %ge3A_286 = arith.cmpi sge, %select_n3A, %ge3A_285 : i32
    %convert_element_type3A_287 = arith.extui %ge3A_286 : i1 to i32
    %cond3A_288 = arith.constant 0 : i32
    %cond3A_289 = arith.cmpi ne, %convert_element_type3A_287, %cond3A_288 : i32
    scf.if %cond3A_289 {
      %dma_wait3A_319 = arith.constant 0 : i32
      %dma_wait3A_320 = arith.constant 0 : i32
      %dma_wait3A_321 = tpu.memref_slice %arg7[%dma_wait3A_319, %dma_wait3A_320] : memref<100096x16xf32, #tpu.memory_space<vmem_shared>> -> memref<100096x16xf32, #tpu.memory_space<vmem_shared>>
      tpu.wait_indirect_dma semaphore(%arg23 : memref<!tpu.dma_semaphore, #tpu.memory_space<semaphore_mem>>) src(%arg17 : memref<400x16xf32, #tpu.memory_space<vmem>>) dst(%dma_wait3A_321 : memref<100096x16xf32, #tpu.memory_space<vmem_shared>>)
      %dma_wait3A_322 = arith.constant 0 : i32
      %dma_wait3A_323 = tpu.memref_slice %arg24[%dma_wait3A_322] : memref<100352xf32, #tpu.memory_space<vmem_shared>> -> memref<100352xf32, #tpu.memory_space<vmem_shared>>
      tpu.wait_indirect_dma semaphore(%arg30 : memref<!tpu.dma_semaphore, #tpu.memory_space<semaphore_mem>>) src(%arg27 : memref<400xf32, #tpu.memory_space<vmem>>) dst(%dma_wait3A_323 : memref<100352xf32, #tpu.memory_space<vmem_shared>>)
    } else {
    }
    %barrier3A_290 = arith.constant 0 : index
    tpu.barrier barrier_id(%barrier3A_290)
    %scan3A_291 = arith.constant 0 : i32
    %scan3A_292 = arith.constant 0 : i32
    %scan3A_293 = arith.constant 7 : i32
    %scan3A_294 = arith.addi %scan3A_292, %scan3A_293 : i32
    %scan3A_295 = arith.constant 1 : i32
    %scan3A_296 = scf.for %scan3A_319 = %scan3A_292 to %scan3A_294 step %scan3A_295 iter_args(%scan3A_320 = %scan3A_291) -> (i32)  : i32 {
      %mul3A_321 = arith.constant 16 : i32
      %mul3A_322 = arith.muli %scan3A_319, %mul3A_321 : i32
      %add3A_323 = arith.addi %mul3A_322, %arg1 : i32
      %lt3A = arith.constant 100 : i32
      %lt3A_324 = arith.cmpi slt, %add3A_323, %lt3A : i32
      %convert_element_type3A_325 = arith.extui %lt3A_324 : i1 to i32
      %cond3A_326 = arith.constant 0 : i32
      %cond3A_327 = arith.cmpi ne, %convert_element_type3A_325, %cond3A_326 : i32
      scf.if %cond3A_327 {
        %jit3A_329 = arith.constant 25 : i32
        %div3A_330 = arith.divsi %add3A_323, %jit3A_329 : i32
        %sign3A_331 = arith.constant 0 : i32
        %sign3A_332 = arith.cmpi sgt, %add3A_323, %sign3A_331 : i32
        %sign3A_333 = arith.extui %sign3A_332 : i1 to i32
        %sign3A_334 = arith.constant 0 : i32
        %sign3A_335 = arith.cmpi slt, %add3A_323, %sign3A_334 : i32
        %sign3A_336 = arith.extui %sign3A_335 : i1 to i32
        %sign3A_337 = arith.subi %sign3A_333, %sign3A_336 : i32
        %sign3A_338 = arith.constant 0 : i32
        %sign3A_339 = arith.cmpi sgt, %jit3A_329, %sign3A_338 : i32
        %sign3A_340 = arith.extui %sign3A_339 : i1 to i32
        %sign3A_341 = arith.constant 0 : i32
        %sign3A_342 = arith.cmpi slt, %jit3A_329, %sign3A_341 : i32
        %sign3A_343 = arith.extui %sign3A_342 : i1 to i32
        %sign3A_344 = arith.subi %sign3A_340, %sign3A_343 : i32
        %ne3A_345 = arith.cmpi ne, %sign3A_337, %sign3A_344 : i32
        %rem3A_346 = arith.remsi %add3A_323, %jit3A_329 : i32
        %ne3A_347 = arith.constant 0 : i32
        %ne3A_348 = arith.cmpi ne, %rem3A_346, %ne3A_347 : i32
        %and3A_349 = arith.andi %ne3A_345, %ne3A_348 : i1
        %sub3A_350 = arith.constant 1 : i32
        %sub3A_351 = arith.subi %div3A_330, %sub3A_350 : i32
        %select_n3A_352 = arith.select %and3A_349, %sub3A_351, %div3A_330 : i32
        %jit3A_353 = arith.constant 25 : i32
        %eq3A = arith.constant 0 : i32
        %eq3A_354 = arith.cmpi eq, %jit3A_353, %eq3A : i32
        %jit3A_355 = arith.constant 1 : i32
        %select_n3A_356 = arith.select %eq3A_354, %jit3A_355, %jit3A_353 : i32
        %rem3A_357 = arith.remsi %add3A_323, %select_n3A_356 : i32
        %ne3A_358 = arith.constant 0 : i32
        %ne3A_359 = arith.cmpi ne, %rem3A_357, %ne3A_358 : i32
        %lt3A_360 = arith.constant 0 : i32
        %lt3A_361 = arith.cmpi slt, %rem3A_357, %lt3A_360 : i32
        %lt3A_362 = arith.constant 0 : i32
        %lt3A_363 = arith.cmpi slt, %select_n3A_356, %lt3A_362 : i32
        %ne3A_364 = arith.xori %lt3A_361, %lt3A_363 : i1
        %and3A_365 = arith.andi %ne3A_364, %ne3A_359 : i1
        %add3A_366 = arith.addi %rem3A_357, %select_n3A_356 : i32
        %select_n3A_367 = arith.select %and3A_365, %add3A_366, %rem3A_357 : i32
        %mul3A_368 = arith.constant 1000 : i32
        %mul3A_369 = arith.muli %select_n3A_367, %mul3A_368 : i32
        %mul3A_370 = arith.constant 25000 : i32
        %mul3A_371 = arith.muli %select_n3A_352, %mul3A_370 : i32
        %add3A_372 = arith.addi %mul3A_371, %mul3A_369 : i32
        %add3A_373 = arith.addi %mul3A_0, %mul3A_369 : i32
        %mul3A_374 = arith.constant 16 : i32
        %mul3A_375 = arith.muli %select_n3A_352, %mul3A_374 : i32
        %dma_start3A_376 = tpu.memref_slice %arg5[%add3A_373, %mul3A_375] : memref<50000x64xf32, #tpu.memory_space<hbm>> -> memref<1000x16xf32, #tpu.memory_space<hbm>>
        %dma_start3A_377 = arith.constant 0 : i32
        %dma_start3A_378 = tpu.memref_slice %arg7[%add3A_372, %dma_start3A_377] : memref<100096x16xf32, #tpu.memory_space<vmem_shared>> -> memref<1000x16xf32, #tpu.memory_space<vmem_shared>>
        tpu.enqueue_dma source(%dma_start3A_378 : memref<1000x16xf32, #tpu.memory_space<vmem_shared>>) target(%dma_start3A_376 : memref<1000x16xf32, #tpu.memory_space<hbm>>) target_semaphore(%arg20 : memref<!tpu.dma_semaphore, #tpu.memory_space<semaphore_mem>>)
      } else {
      }
      %scan3A_328 = arith.constant 0 : i32
      scf.yield %scan3A_328 : i32
    }
    %scan3A_297 = arith.constant 7 : i32
    %scan3A_298 = arith.constant 0 : i32
    %scan3A_299 = arith.constant 0 : i32
    %scan3A_300 = arith.constant 7 : i32
    %scan3A_301 = arith.addi %scan3A_299, %scan3A_300 : i32
    %scan3A_302 = arith.constant 1 : i32
    %scan3A_303 = scf.for %scan3A_319 = %scan3A_299 to %scan3A_301 step %scan3A_302 iter_args(%scan3A_320 = %scan3A_298) -> (i32)  : i32 {
      %mul3A_321 = arith.constant 16 : i32
      %mul3A_322 = arith.muli %scan3A_319, %mul3A_321 : i32
      %add3A_323 = arith.addi %mul3A_322, %arg1 : i32
      %lt3A = arith.constant 100 : i32
      %lt3A_324 = arith.cmpi slt, %add3A_323, %lt3A : i32
      %convert_element_type3A_325 = arith.extui %lt3A_324 : i1 to i32
      %cond3A_326 = arith.constant 0 : i32
      %cond3A_327 = arith.cmpi ne, %convert_element_type3A_325, %cond3A_326 : i32
      scf.if %cond3A_327 {
        %jit3A_329 = arith.constant 25 : i32
        %div3A_330 = arith.divsi %add3A_323, %jit3A_329 : i32
        %sign3A_331 = arith.constant 0 : i32
        %sign3A_332 = arith.cmpi sgt, %add3A_323, %sign3A_331 : i32
        %sign3A_333 = arith.extui %sign3A_332 : i1 to i32
        %sign3A_334 = arith.constant 0 : i32
        %sign3A_335 = arith.cmpi slt, %add3A_323, %sign3A_334 : i32
        %sign3A_336 = arith.extui %sign3A_335 : i1 to i32
        %sign3A_337 = arith.subi %sign3A_333, %sign3A_336 : i32
        %sign3A_338 = arith.constant 0 : i32
        %sign3A_339 = arith.cmpi sgt, %jit3A_329, %sign3A_338 : i32
        %sign3A_340 = arith.extui %sign3A_339 : i1 to i32
        %sign3A_341 = arith.constant 0 : i32
        %sign3A_342 = arith.cmpi slt, %jit3A_329, %sign3A_341 : i32
        %sign3A_343 = arith.extui %sign3A_342 : i1 to i32
        %sign3A_344 = arith.subi %sign3A_340, %sign3A_343 : i32
        %ne3A_345 = arith.cmpi ne, %sign3A_337, %sign3A_344 : i32
        %rem3A_346 = arith.remsi %add3A_323, %jit3A_329 : i32
        %ne3A_347 = arith.constant 0 : i32
        %ne3A_348 = arith.cmpi ne, %rem3A_346, %ne3A_347 : i32
        %and3A_349 = arith.andi %ne3A_345, %ne3A_348 : i1
        %sub3A_350 = arith.constant 1 : i32
        %sub3A_351 = arith.subi %div3A_330, %sub3A_350 : i32
        %select_n3A_352 = arith.select %and3A_349, %sub3A_351, %div3A_330 : i32
        %jit3A_353 = arith.constant 25 : i32
        %eq3A = arith.constant 0 : i32
        %eq3A_354 = arith.cmpi eq, %jit3A_353, %eq3A : i32
        %jit3A_355 = arith.constant 1 : i32
        %select_n3A_356 = arith.select %eq3A_354, %jit3A_355, %jit3A_353 : i32
        %rem3A_357 = arith.remsi %add3A_323, %select_n3A_356 : i32
        %ne3A_358 = arith.constant 0 : i32
        %ne3A_359 = arith.cmpi ne, %rem3A_357, %ne3A_358 : i32
        %lt3A_360 = arith.constant 0 : i32
        %lt3A_361 = arith.cmpi slt, %rem3A_357, %lt3A_360 : i32
        %lt3A_362 = arith.constant 0 : i32
        %lt3A_363 = arith.cmpi slt, %select_n3A_356, %lt3A_362 : i32
        %ne3A_364 = arith.xori %lt3A_361, %lt3A_363 : i1
        %and3A_365 = arith.andi %ne3A_364, %ne3A_359 : i1
        %add3A_366 = arith.addi %rem3A_357, %select_n3A_356 : i32
        %select_n3A_367 = arith.select %and3A_365, %add3A_366, %rem3A_357 : i32
        %mul3A_368 = arith.constant 1000 : i32
        %mul3A_369 = arith.muli %select_n3A_367, %mul3A_368 : i32
        %mul3A_370 = arith.constant 25000 : i32
        %mul3A_371 = arith.muli %select_n3A_352, %mul3A_370 : i32
        %add3A_372 = arith.addi %mul3A_371, %mul3A_369 : i32
        %add3A_373 = arith.addi %mul3A_0, %mul3A_369 : i32
        %mul3A_374 = arith.constant 16 : i32
        %mul3A_375 = arith.muli %select_n3A_352, %mul3A_374 : i32
        %dma_wait3A_376 = tpu.memref_slice %arg5[%add3A_373, %mul3A_375] : memref<50000x64xf32, #tpu.memory_space<hbm>> -> memref<1000x16xf32, #tpu.memory_space<hbm>>
        %dma_wait3A_377 = arith.constant 0 : i32
        %dma_wait3A_378 = tpu.memref_slice %arg7[%add3A_372, %dma_wait3A_377] : memref<100096x16xf32, #tpu.memory_space<vmem_shared>> -> memref<1000x16xf32, #tpu.memory_space<vmem_shared>>
        tpu.wait_dma2 semaphore(%arg20 : memref<!tpu.dma_semaphore, #tpu.memory_space<semaphore_mem>>) src(%dma_wait3A_378 : memref<1000x16xf32, #tpu.memory_space<vmem_shared>>) dst(%dma_wait3A_376 : memref<1000x16xf32, #tpu.memory_space<hbm>>)
      } else {
      }
      %scan3A_328 = arith.constant 0 : i32
      scf.yield %scan3A_328 : i32
    }
    %scan3A_304 = arith.constant 7 : i32
    %scan3A_305 = arith.constant 0 : i32
    %scan3A_306 = arith.constant 0 : i32
    %scan3A_307 = arith.constant 7 : i32
    %scan3A_308 = arith.addi %scan3A_306, %scan3A_307 : i32
    %scan3A_309 = arith.constant 1 : i32
    %scan3A_310 = scf.for %scan3A_319 = %scan3A_306 to %scan3A_308 step %scan3A_309 iter_args(%scan3A_320 = %scan3A_305) -> (i32)  : i32 {
      %mul3A_321 = arith.constant 16 : i32
      %mul3A_322 = arith.muli %scan3A_319, %mul3A_321 : i32
      %add3A_323 = arith.addi %mul3A_322, %arg1 : i32
      %lt3A = arith.constant 100 : i32
      %lt3A_324 = arith.cmpi slt, %add3A_323, %lt3A : i32
      %convert_element_type3A_325 = arith.extui %lt3A_324 : i1 to i32
      %cond3A_326 = arith.constant 0 : i32
      %cond3A_327 = arith.cmpi ne, %convert_element_type3A_325, %cond3A_326 : i32
      scf.if %cond3A_327 {
        %mul3A_329 = arith.constant 1000 : i32
        %mul3A_330 = arith.muli %add3A_323, %mul3A_329 : i32
        %mul3A_331 = arith.constant 100000 : i32
        %mul3A_332 = arith.muli %arg0, %mul3A_331 : i32
        %mul3A_333 = arith.constant 1000 : i32
        %mul3A_334 = arith.muli %add3A_323, %mul3A_333 : i32
        %add3A_335 = arith.addi %mul3A_332, %mul3A_334 : i32
        %dma_start3A_336 = tpu.memref_slice %arg6[%add3A_335] : memref<200000xf32, #tpu.memory_space<hbm>> -> memref<1000xf32, #tpu.memory_space<hbm>>
        %dma_start3A_337 = tpu.memref_slice %arg24[%mul3A_330] : memref<100352xf32, #tpu.memory_space<vmem_shared>> -> memref<1000xf32, #tpu.memory_space<vmem_shared>>
        tpu.enqueue_dma source(%dma_start3A_337 : memref<1000xf32, #tpu.memory_space<vmem_shared>>) target(%dma_start3A_336 : memref<1000xf32, #tpu.memory_space<hbm>>) target_semaphore(%arg21 : memref<!tpu.dma_semaphore, #tpu.memory_space<semaphore_mem>>)
      } else {
      }
      %scan3A_328 = arith.constant 0 : i32
      scf.yield %scan3A_328 : i32
    }
    %scan3A_311 = arith.constant 7 : i32
    %scan3A_312 = arith.constant 0 : i32
    %scan3A_313 = arith.constant 0 : i32
    %scan3A_314 = arith.constant 7 : i32
    %scan3A_315 = arith.addi %scan3A_313, %scan3A_314 : i32
    %scan3A_316 = arith.constant 1 : i32
    %scan3A_317 = scf.for %scan3A_319 = %scan3A_313 to %scan3A_315 step %scan3A_316 iter_args(%scan3A_320 = %scan3A_312) -> (i32)  : i32 {
      %mul3A_321 = arith.constant 16 : i32
      %mul3A_322 = arith.muli %scan3A_319, %mul3A_321 : i32
      %add3A_323 = arith.addi %mul3A_322, %arg1 : i32
      %lt3A = arith.constant 100 : i32
      %lt3A_324 = arith.cmpi slt, %add3A_323, %lt3A : i32
      %convert_element_type3A_325 = arith.extui %lt3A_324 : i1 to i32
      %cond3A_326 = arith.constant 0 : i32
      %cond3A_327 = arith.cmpi ne, %convert_element_type3A_325, %cond3A_326 : i32
      scf.if %cond3A_327 {
        %mul3A_329 = arith.constant 1000 : i32
        %mul3A_330 = arith.muli %add3A_323, %mul3A_329 : i32
        %mul3A_331 = arith.constant 100000 : i32
        %mul3A_332 = arith.muli %arg0, %mul3A_331 : i32
        %mul3A_333 = arith.constant 1000 : i32
        %mul3A_334 = arith.muli %add3A_323, %mul3A_333 : i32
        %add3A_335 = arith.addi %mul3A_332, %mul3A_334 : i32
        %dma_wait3A_336 = tpu.memref_slice %arg6[%add3A_335] : memref<200000xf32, #tpu.memory_space<hbm>> -> memref<1000xf32, #tpu.memory_space<hbm>>
        %dma_wait3A_337 = tpu.memref_slice %arg24[%mul3A_330] : memref<100352xf32, #tpu.memory_space<vmem_shared>> -> memref<1000xf32, #tpu.memory_space<vmem_shared>>
        tpu.wait_dma2 semaphore(%arg21 : memref<!tpu.dma_semaphore, #tpu.memory_space<semaphore_mem>>) src(%dma_wait3A_337 : memref<1000xf32, #tpu.memory_space<vmem_shared>>) dst(%dma_wait3A_336 : memref<1000xf32, #tpu.memory_space<hbm>>)
      } else {
      }
      %scan3A_328 = arith.constant 0 : i32
      scf.yield %scan3A_328 : i32
    }
    %scan3A_318 = arith.constant 7 : i32
    return
  }
}

#map = affine_map<(d0, d1) -> (0, 0)>
#map1 = affine_map<(d0, d1) -> (0)>
module attributes {stable_mosaic.version = 14 : i64} {
  func.func @body(%arg0: i32, %arg1: i32, %arg2: memref<50000x16xf32, #tpu.memory_space<hbm>>, %arg3: memref<50000x16xf32, #tpu.memory_space<hbm>>, %arg4: memref<2x800000xi32, #tpu.memory_space<hbm>>, %arg5: memref<800000xi32, #tpu.memory_space<hbm>>, %arg6: memref<50000x64xf32, #tpu.memory_space<hbm>>, %arg7: memref<50000x64xf32, #tpu.memory_space<hbm>>, %arg8: memref<100096x16xf32, #tpu.memory_space<vmem_shared>>, %arg9: memref<640xi32, #tpu.memory_space<vmem>>, %arg10: memref<640xi32, #tpu.memory_space<vmem>>, %arg11: memref<640xi32, #tpu.memory_space<vmem>>, %arg12: memref<640xi32, #tpu.memory_space<vmem>>, %arg13: memref<640xi32, #tpu.memory_space<vmem>>, %arg14: memref<640xi32, #tpu.memory_space<vmem>>, %arg15: memref<640xi32, #tpu.memory_space<vmem>>, %arg16: memref<640xi32, #tpu.memory_space<vmem>>, %arg17: memref<640x16xf32, #tpu.memory_space<vmem>>, %arg18: memref<640x16xf32, #tpu.memory_space<vmem>>, %arg19: memref<!tpu.dma_semaphore, #tpu.memory_space<semaphore_mem>>, %arg20: memref<!tpu.dma_semaphore, #tpu.memory_space<semaphore_mem>>, %arg21: memref<!tpu.dma_semaphore, #tpu.memory_space<semaphore_mem>>, %arg22: memref<!tpu.dma_semaphore, #tpu.memory_space<semaphore_mem>>, %arg23: memref<!tpu.dma_semaphore, #tpu.memory_space<semaphore_mem>>, %arg24: memref<!tpu.dma_semaphore, #tpu.memory_space<semaphore_mem>>) attributes {dimension_semantics = [#tpu.dimension_semantics<core_parallel>, #tpu.dimension_semantics<subcore_parallel>], iteration_bounds = array<i64: 2, 16>, scalar_prefetch = 0 : i64, scratch_operands = 17 : i64, tpu.core_type = #tpu.core_type<sc_vector_subcore>, window_params = [{transform_indices = #map}, {transform_indices = #map}, {transform_indices = #map}, {transform_indices = #map1}, {transform_indices = #map}, {transform_indices = #map}]} {
    %mul3A = arith.constant 25000 : i32
    %mul3A_0 = arith.muli %arg0, %mul3A : i32
    %add3A = arith.constant 100000 : i32
    %add3A_1 = arith.addi %add3A, %arg1 : i32
    %mul3A_2 = arith.constant 640 : i32
    %mul3A_3 = arith.muli %arg1, %mul3A_2 : i32
    %dma_start3A = arith.constant 0 : i32
    %dma_start3A_4 = tpu.memref_slice %arg4[%dma_start3A, %mul3A_3] : memref<2x800000xi32, #tpu.memory_space<hbm>> -> memref<1x640xi32, #tpu.memory_space<hbm>>
    %dma_start3A_5 = tpu.memref_squeeze %dma_start3A_4 : memref<1x640xi32, #tpu.memory_space<hbm>> -> memref<640xi32, #tpu.memory_space<hbm>>
    %dma_start3A_6 = tpu.memref_slice %arg4[%dma_start3A, %mul3A_3] : memref<2x800000xi32, #tpu.memory_space<hbm>> -> memref<1x640xi32, #tpu.memory_space<hbm>>
    %dma_start3A_7 = tpu.memref_squeeze %dma_start3A_6 : memref<1x640xi32, #tpu.memory_space<hbm>> -> memref<640xi32, #tpu.memory_space<hbm>>
    tpu.enqueue_dma source(%dma_start3A_7 : memref<640xi32, #tpu.memory_space<hbm>>) target(%arg9 : memref<640xi32, #tpu.memory_space<vmem>>) target_semaphore(%arg19 : memref<!tpu.dma_semaphore, #tpu.memory_space<semaphore_mem>>)
    %dma_start3A_8 = arith.constant 1 : i32
    %dma_start3A_9 = tpu.memref_slice %arg4[%dma_start3A_8, %mul3A_3] : memref<2x800000xi32, #tpu.memory_space<hbm>> -> memref<1x640xi32, #tpu.memory_space<hbm>>
    %dma_start3A_10 = tpu.memref_squeeze %dma_start3A_9 : memref<1x640xi32, #tpu.memory_space<hbm>> -> memref<640xi32, #tpu.memory_space<hbm>>
    %dma_start3A_11 = tpu.memref_slice %arg4[%dma_start3A_8, %mul3A_3] : memref<2x800000xi32, #tpu.memory_space<hbm>> -> memref<1x640xi32, #tpu.memory_space<hbm>>
    %dma_start3A_12 = tpu.memref_squeeze %dma_start3A_11 : memref<1x640xi32, #tpu.memory_space<hbm>> -> memref<640xi32, #tpu.memory_space<hbm>>
    tpu.enqueue_dma source(%dma_start3A_12 : memref<640xi32, #tpu.memory_space<hbm>>) target(%arg11 : memref<640xi32, #tpu.memory_space<vmem>>) target_semaphore(%arg19 : memref<!tpu.dma_semaphore, #tpu.memory_space<semaphore_mem>>)
    %dma_start3A_13 = tpu.memref_slice %arg5[%mul3A_3] : memref<800000xi32, #tpu.memory_space<hbm>> -> memref<640xi32, #tpu.memory_space<hbm>>
    %dma_start3A_14 = tpu.memref_slice %arg5[%mul3A_3] : memref<800000xi32, #tpu.memory_space<hbm>> -> memref<640xi32, #tpu.memory_space<hbm>>
    tpu.enqueue_dma source(%dma_start3A_14 : memref<640xi32, #tpu.memory_space<hbm>>) target(%arg13 : memref<640xi32, #tpu.memory_space<vmem>>) target_semaphore(%arg19 : memref<!tpu.dma_semaphore, #tpu.memory_space<semaphore_mem>>)
    %add3A_15 = arith.constant 16 : i32
    %add3A_16 = arith.addi %add3A_15, %arg1 : i32
    %mul3A_17 = arith.constant 640 : i32
    %mul3A_18 = arith.muli %add3A_16, %mul3A_17 : i32
    %dma_start3A_19 = arith.constant 0 : i32
    %dma_start3A_20 = tpu.memref_slice %arg4[%dma_start3A_19, %mul3A_18] : memref<2x800000xi32, #tpu.memory_space<hbm>> -> memref<1x640xi32, #tpu.memory_space<hbm>>
    %dma_start3A_21 = tpu.memref_squeeze %dma_start3A_20 : memref<1x640xi32, #tpu.memory_space<hbm>> -> memref<640xi32, #tpu.memory_space<hbm>>
    %dma_start3A_22 = tpu.memref_slice %arg4[%dma_start3A_19, %mul3A_18] : memref<2x800000xi32, #tpu.memory_space<hbm>> -> memref<1x640xi32, #tpu.memory_space<hbm>>
    %dma_start3A_23 = tpu.memref_squeeze %dma_start3A_22 : memref<1x640xi32, #tpu.memory_space<hbm>> -> memref<640xi32, #tpu.memory_space<hbm>>
    tpu.enqueue_dma source(%dma_start3A_23 : memref<640xi32, #tpu.memory_space<hbm>>) target(%arg10 : memref<640xi32, #tpu.memory_space<vmem>>) target_semaphore(%arg20 : memref<!tpu.dma_semaphore, #tpu.memory_space<semaphore_mem>>)
    %dma_start3A_24 = arith.constant 1 : i32
    %dma_start3A_25 = tpu.memref_slice %arg4[%dma_start3A_24, %mul3A_18] : memref<2x800000xi32, #tpu.memory_space<hbm>> -> memref<1x640xi32, #tpu.memory_space<hbm>>
    %dma_start3A_26 = tpu.memref_squeeze %dma_start3A_25 : memref<1x640xi32, #tpu.memory_space<hbm>> -> memref<640xi32, #tpu.memory_space<hbm>>
    %dma_start3A_27 = tpu.memref_slice %arg4[%dma_start3A_24, %mul3A_18] : memref<2x800000xi32, #tpu.memory_space<hbm>> -> memref<1x640xi32, #tpu.memory_space<hbm>>
    %dma_start3A_28 = tpu.memref_squeeze %dma_start3A_27 : memref<1x640xi32, #tpu.memory_space<hbm>> -> memref<640xi32, #tpu.memory_space<hbm>>
    tpu.enqueue_dma source(%dma_start3A_28 : memref<640xi32, #tpu.memory_space<hbm>>) target(%arg12 : memref<640xi32, #tpu.memory_space<vmem>>) target_semaphore(%arg20 : memref<!tpu.dma_semaphore, #tpu.memory_space<semaphore_mem>>)
    %dma_start3A_29 = tpu.memref_slice %arg5[%mul3A_18] : memref<800000xi32, #tpu.memory_space<hbm>> -> memref<640xi32, #tpu.memory_space<hbm>>
    %dma_start3A_30 = tpu.memref_slice %arg5[%mul3A_18] : memref<800000xi32, #tpu.memory_space<hbm>> -> memref<640xi32, #tpu.memory_space<hbm>>
    tpu.enqueue_dma source(%dma_start3A_30 : memref<640xi32, #tpu.memory_space<hbm>>) target(%arg14 : memref<640xi32, #tpu.memory_space<vmem>>) target_semaphore(%arg20 : memref<!tpu.dma_semaphore, #tpu.memory_space<semaphore_mem>>)
    %scan3A = arith.constant 0 : i32
    %scan3A_31 = arith.constant 0 : i32
    %scan3A_32 = arith.constant 640 : i32
    %scan3A_33 = arith.addi %scan3A_31, %scan3A_32 : i32
    %scan3A_34 = arith.constant 1 : i32
    %scan3A_35 = scf.for %scan3A_412 = %scan3A_31 to %scan3A_33 step %scan3A_34 iter_args(%scan3A_413 = %scan3A) -> (i32)  : i32 {
      %broadcast_in_dim3A = arith.constant 0.000000e+00 : f32
      %broadcast_in_dim3A_414 = vector.broadcast %broadcast_in_dim3A : f32 to vector<16xf32>
      %swap3A = arith.index_cast %scan3A_412 : i32 to index
      %swap3A_415 = arith.constant 0 : index
      %swap3A_416 = tpu.vector_load %arg17[%swap3A, %swap3A_415] {strides = array<i32>} : memref<640x16xf32, #tpu.memory_space<vmem>>, vector<1x16xf32>,
      %swap3A_417 = vector.shape_cast %swap3A_416 : vector<1x16xf32> to vector<16xf32>
      %swap3A_418 = vector.shape_cast %broadcast_in_dim3A_414 : vector<16xf32> to vector<1x16xf32>
      tpu.vector_store %arg17[%swap3A, %swap3A_415], %swap3A_418 {strides = array<i32>} : memref<640x16xf32, #tpu.memory_space<vmem>>, vector<1x16xf32>,
      %scan3A_419 = arith.constant 0 : i32
      scf.yield %scan3A_419 : i32
    }
    %scan3A_36 = arith.constant 640 : i32
    %mul3A_37 = arith.constant 6256 : i32
    %mul3A_38 = arith.muli %arg1, %mul3A_37 : i32
    %add3A_39 = arith.constant 0 : i32
    %add3A_40 = arith.addi %mul3A_38, %add3A_39 : i32
    %add3A_41 = arith.constant 640 : i32
    %add3A_42 = arith.addi %mul3A_38, %add3A_41 : i32
    %add3A_43 = arith.constant 1280 : i32
    %add3A_44 = arith.addi %mul3A_38, %add3A_43 : i32
    %add3A_45 = arith.constant 1920 : i32
    %add3A_46 = arith.addi %mul3A_38, %add3A_45 : i32
    %add3A_47 = arith.constant 2560 : i32
    %add3A_48 = arith.addi %mul3A_38, %add3A_47 : i32
    %add3A_49 = arith.constant 3200 : i32
    %add3A_50 = arith.addi %mul3A_38, %add3A_49 : i32
    %add3A_51 = arith.constant 3840 : i32
    %add3A_52 = arith.addi %mul3A_38, %add3A_51 : i32
    %add3A_53 = arith.constant 4480 : i32
    %add3A_54 = arith.addi %mul3A_38, %add3A_53 : i32
    %add3A_55 = arith.constant 5120 : i32
    %add3A_56 = arith.addi %mul3A_38, %add3A_55 : i32
    %add3A_57 = arith.constant 5760 : i32
    %add3A_58 = arith.addi %mul3A_38, %add3A_57 : i32
    %dma_start3A_59 = arith.constant 0 : i32
    %dma_start3A_60 = tpu.memref_slice %arg8[%add3A_40, %dma_start3A_59] : memref<100096x16xf32, #tpu.memory_space<vmem_shared>> -> memref<640x16xf32, #tpu.memory_space<vmem_shared>>
    %dma_start3A_61 = arith.constant 0 : i32
    %dma_start3A_62 = tpu.memref_slice %arg8[%add3A_40, %dma_start3A_61] : memref<100096x16xf32, #tpu.memory_space<vmem_shared>> -> memref<640x16xf32, #tpu.memory_space<vmem_shared>>
    tpu.enqueue_dma source(%arg17 : memref<640x16xf32, #tpu.memory_space<vmem>>) target(%dma_start3A_62 : memref<640x16xf32, #tpu.memory_space<vmem_shared>>) target_semaphore(%arg21 : memref<!tpu.dma_semaphore, #tpu.memory_space<semaphore_mem>>)
    %dma_start3A_63 = arith.constant 0 : i32
    %dma_start3A_64 = tpu.memref_slice %arg8[%add3A_42, %dma_start3A_63] : memref<100096x16xf32, #tpu.memory_space<vmem_shared>> -> memref<640x16xf32, #tpu.memory_space<vmem_shared>>
    %dma_start3A_65 = arith.constant 0 : i32
    %dma_start3A_66 = tpu.memref_slice %arg8[%add3A_42, %dma_start3A_65] : memref<100096x16xf32, #tpu.memory_space<vmem_shared>> -> memref<640x16xf32, #tpu.memory_space<vmem_shared>>
    tpu.enqueue_dma source(%arg17 : memref<640x16xf32, #tpu.memory_space<vmem>>) target(%dma_start3A_66 : memref<640x16xf32, #tpu.memory_space<vmem_shared>>) target_semaphore(%arg21 : memref<!tpu.dma_semaphore, #tpu.memory_space<semaphore_mem>>)
    %dma_start3A_67 = arith.constant 0 : i32
    %dma_start3A_68 = tpu.memref_slice %arg8[%add3A_44, %dma_start3A_67] : memref<100096x16xf32, #tpu.memory_space<vmem_shared>> -> memref<640x16xf32, #tpu.memory_space<vmem_shared>>
    %dma_start3A_69 = arith.constant 0 : i32
    %dma_start3A_70 = tpu.memref_slice %arg8[%add3A_44, %dma_start3A_69] : memref<100096x16xf32, #tpu.memory_space<vmem_shared>> -> memref<640x16xf32, #tpu.memory_space<vmem_shared>>
    tpu.enqueue_dma source(%arg17 : memref<640x16xf32, #tpu.memory_space<vmem>>) target(%dma_start3A_70 : memref<640x16xf32, #tpu.memory_space<vmem_shared>>) target_semaphore(%arg21 : memref<!tpu.dma_semaphore, #tpu.memory_space<semaphore_mem>>)
    %dma_start3A_71 = arith.constant 0 : i32
    %dma_start3A_72 = tpu.memref_slice %arg8[%add3A_46, %dma_start3A_71] : memref<100096x16xf32, #tpu.memory_space<vmem_shared>> -> memref<640x16xf32, #tpu.memory_space<vmem_shared>>
    %dma_start3A_73 = arith.constant 0 : i32
    %dma_start3A_74 = tpu.memref_slice %arg8[%add3A_46, %dma_start3A_73] : memref<100096x16xf32, #tpu.memory_space<vmem_shared>> -> memref<640x16xf32, #tpu.memory_space<vmem_shared>>
    tpu.enqueue_dma source(%arg17 : memref<640x16xf32, #tpu.memory_space<vmem>>) target(%dma_start3A_74 : memref<640x16xf32, #tpu.memory_space<vmem_shared>>) target_semaphore(%arg21 : memref<!tpu.dma_semaphore, #tpu.memory_space<semaphore_mem>>)
    %dma_start3A_75 = arith.constant 0 : i32
    %dma_start3A_76 = tpu.memref_slice %arg8[%add3A_48, %dma_start3A_75] : memref<100096x16xf32, #tpu.memory_space<vmem_shared>> -> memref<640x16xf32, #tpu.memory_space<vmem_shared>>
    %dma_start3A_77 = arith.constant 0 : i32
    %dma_start3A_78 = tpu.memref_slice %arg8[%add3A_48, %dma_start3A_77] : memref<100096x16xf32, #tpu.memory_space<vmem_shared>> -> memref<640x16xf32, #tpu.memory_space<vmem_shared>>
    tpu.enqueue_dma source(%arg17 : memref<640x16xf32, #tpu.memory_space<vmem>>) target(%dma_start3A_78 : memref<640x16xf32, #tpu.memory_space<vmem_shared>>) target_semaphore(%arg21 : memref<!tpu.dma_semaphore, #tpu.memory_space<semaphore_mem>>)
    %dma_start3A_79 = arith.constant 0 : i32
    %dma_start3A_80 = tpu.memref_slice %arg8[%add3A_50, %dma_start3A_79] : memref<100096x16xf32, #tpu.memory_space<vmem_shared>> -> memref<640x16xf32, #tpu.memory_space<vmem_shared>>
    %dma_start3A_81 = arith.constant 0 : i32
    %dma_start3A_82 = tpu.memref_slice %arg8[%add3A_50, %dma_start3A_81] : memref<100096x16xf32, #tpu.memory_space<vmem_shared>> -> memref<640x16xf32, #tpu.memory_space<vmem_shared>>
    tpu.enqueue_dma source(%arg17 : memref<640x16xf32, #tpu.memory_space<vmem>>) target(%dma_start3A_82 : memref<640x16xf32, #tpu.memory_space<vmem_shared>>) target_semaphore(%arg21 : memref<!tpu.dma_semaphore, #tpu.memory_space<semaphore_mem>>)
    %dma_start3A_83 = arith.constant 0 : i32
    %dma_start3A_84 = tpu.memref_slice %arg8[%add3A_52, %dma_start3A_83] : memref<100096x16xf32, #tpu.memory_space<vmem_shared>> -> memref<640x16xf32, #tpu.memory_space<vmem_shared>>
    %dma_start3A_85 = arith.constant 0 : i32
    %dma_start3A_86 = tpu.memref_slice %arg8[%add3A_52, %dma_start3A_85] : memref<100096x16xf32, #tpu.memory_space<vmem_shared>> -> memref<640x16xf32, #tpu.memory_space<vmem_shared>>
    tpu.enqueue_dma source(%arg17 : memref<640x16xf32, #tpu.memory_space<vmem>>) target(%dma_start3A_86 : memref<640x16xf32, #tpu.memory_space<vmem_shared>>) target_semaphore(%arg21 : memref<!tpu.dma_semaphore, #tpu.memory_space<semaphore_mem>>)
    %dma_start3A_87 = arith.constant 0 : i32
    %dma_start3A_88 = tpu.memref_slice %arg8[%add3A_54, %dma_start3A_87] : memref<100096x16xf32, #tpu.memory_space<vmem_shared>> -> memref<640x16xf32, #tpu.memory_space<vmem_shared>>
    %dma_start3A_89 = arith.constant 0 : i32
    %dma_start3A_90 = tpu.memref_slice %arg8[%add3A_54, %dma_start3A_89] : memref<100096x16xf32, #tpu.memory_space<vmem_shared>> -> memref<640x16xf32, #tpu.memory_space<vmem_shared>>
    tpu.enqueue_dma source(%arg17 : memref<640x16xf32, #tpu.memory_space<vmem>>) target(%dma_start3A_90 : memref<640x16xf32, #tpu.memory_space<vmem_shared>>) target_semaphore(%arg21 : memref<!tpu.dma_semaphore, #tpu.memory_space<semaphore_mem>>)
    %dma_start3A_91 = arith.constant 0 : i32
    %dma_start3A_92 = tpu.memref_slice %arg8[%add3A_56, %dma_start3A_91] : memref<100096x16xf32, #tpu.memory_space<vmem_shared>> -> memref<640x16xf32, #tpu.memory_space<vmem_shared>>
    %dma_start3A_93 = arith.constant 0 : i32
    %dma_start3A_94 = tpu.memref_slice %arg8[%add3A_56, %dma_start3A_93] : memref<100096x16xf32, #tpu.memory_space<vmem_shared>> -> memref<640x16xf32, #tpu.memory_space<vmem_shared>>
    tpu.enqueue_dma source(%arg17 : memref<640x16xf32, #tpu.memory_space<vmem>>) target(%dma_start3A_94 : memref<640x16xf32, #tpu.memory_space<vmem_shared>>) target_semaphore(%arg21 : memref<!tpu.dma_semaphore, #tpu.memory_space<semaphore_mem>>)
    %dma_start3A_95 = arith.constant 0 : i32
    %dma_start3A_96 = arith.constant 0 : i32
    %dma_start3A_97 = tpu.memref_slice %arg17[%dma_start3A_95, %dma_start3A_96] : memref<640x16xf32, #tpu.memory_space<vmem>> -> memref<496x16xf32, #tpu.memory_space<vmem>>
    %dma_start3A_98 = arith.constant 0 : i32
    %dma_start3A_99 = tpu.memref_slice %arg8[%add3A_58, %dma_start3A_98] : memref<100096x16xf32, #tpu.memory_space<vmem_shared>> -> memref<496x16xf32, #tpu.memory_space<vmem_shared>>
    %dma_start3A_100 = arith.constant 0 : i32
    %dma_start3A_101 = tpu.memref_slice %arg8[%add3A_58, %dma_start3A_100] : memref<100096x16xf32, #tpu.memory_space<vmem_shared>> -> memref<496x16xf32, #tpu.memory_space<vmem_shared>>
    %dma_start3A_102 = arith.constant 0 : i32
    %dma_start3A_103 = arith.constant 0 : i32
    %dma_start3A_104 = tpu.memref_slice %arg17[%dma_start3A_102, %dma_start3A_103] : memref<640x16xf32, #tpu.memory_space<vmem>> -> memref<496x16xf32, #tpu.memory_space<vmem>>
    tpu.enqueue_dma source(%dma_start3A_104 : memref<496x16xf32, #tpu.memory_space<vmem>>) target(%dma_start3A_101 : memref<496x16xf32, #tpu.memory_space<vmem_shared>>) target_semaphore(%arg21 : memref<!tpu.dma_semaphore, #tpu.memory_space<semaphore_mem>>)
    %dma_wait3A = arith.constant 0 : i32
    %dma_wait3A_105 = tpu.memref_slice %arg8[%add3A_40, %dma_wait3A] : memref<100096x16xf32, #tpu.memory_space<vmem_shared>> -> memref<640x16xf32, #tpu.memory_space<vmem_shared>>
    %dma_wait3A_106 = arith.constant 0 : i32
    %dma_wait3A_107 = tpu.memref_slice %arg8[%add3A_40, %dma_wait3A_106] : memref<100096x16xf32, #tpu.memory_space<vmem_shared>> -> memref<640x16xf32, #tpu.memory_space<vmem_shared>>
    tpu.wait_dma2 semaphore(%arg21 : memref<!tpu.dma_semaphore, #tpu.memory_space<semaphore_mem>>) src(%arg17 : memref<640x16xf32, #tpu.memory_space<vmem>>) dst(%dma_wait3A_107 : memref<640x16xf32, #tpu.memory_space<vmem_shared>>)
    %dma_wait3A_108 = arith.constant 0 : i32
    %dma_wait3A_109 = tpu.memref_slice %arg8[%add3A_42, %dma_wait3A_108] : memref<100096x16xf32, #tpu.memory_space<vmem_shared>> -> memref<640x16xf32, #tpu.memory_space<vmem_shared>>
    %dma_wait3A_110 = arith.constant 0 : i32
    %dma_wait3A_111 = tpu.memref_slice %arg8[%add3A_42, %dma_wait3A_110] : memref<100096x16xf32, #tpu.memory_space<vmem_shared>> -> memref<640x16xf32, #tpu.memory_space<vmem_shared>>
    tpu.wait_dma2 semaphore(%arg21 : memref<!tpu.dma_semaphore, #tpu.memory_space<semaphore_mem>>) src(%arg17 : memref<640x16xf32, #tpu.memory_space<vmem>>) dst(%dma_wait3A_111 : memref<640x16xf32, #tpu.memory_space<vmem_shared>>)
    %dma_wait3A_112 = arith.constant 0 : i32
    %dma_wait3A_113 = tpu.memref_slice %arg8[%add3A_44, %dma_wait3A_112] : memref<100096x16xf32, #tpu.memory_space<vmem_shared>> -> memref<640x16xf32, #tpu.memory_space<vmem_shared>>
    %dma_wait3A_114 = arith.constant 0 : i32
    %dma_wait3A_115 = tpu.memref_slice %arg8[%add3A_44, %dma_wait3A_114] : memref<100096x16xf32, #tpu.memory_space<vmem_shared>> -> memref<640x16xf32, #tpu.memory_space<vmem_shared>>
    tpu.wait_dma2 semaphore(%arg21 : memref<!tpu.dma_semaphore, #tpu.memory_space<semaphore_mem>>) src(%arg17 : memref<640x16xf32, #tpu.memory_space<vmem>>) dst(%dma_wait3A_115 : memref<640x16xf32, #tpu.memory_space<vmem_shared>>)
    %dma_wait3A_116 = arith.constant 0 : i32
    %dma_wait3A_117 = tpu.memref_slice %arg8[%add3A_46, %dma_wait3A_116] : memref<100096x16xf32, #tpu.memory_space<vmem_shared>> -> memref<640x16xf32, #tpu.memory_space<vmem_shared>>
    %dma_wait3A_118 = arith.constant 0 : i32
    %dma_wait3A_119 = tpu.memref_slice %arg8[%add3A_46, %dma_wait3A_118] : memref<100096x16xf32, #tpu.memory_space<vmem_shared>> -> memref<640x16xf32, #tpu.memory_space<vmem_shared>>
    tpu.wait_dma2 semaphore(%arg21 : memref<!tpu.dma_semaphore, #tpu.memory_space<semaphore_mem>>) src(%arg17 : memref<640x16xf32, #tpu.memory_space<vmem>>) dst(%dma_wait3A_119 : memref<640x16xf32, #tpu.memory_space<vmem_shared>>)
    %dma_wait3A_120 = arith.constant 0 : i32
    %dma_wait3A_121 = tpu.memref_slice %arg8[%add3A_48, %dma_wait3A_120] : memref<100096x16xf32, #tpu.memory_space<vmem_shared>> -> memref<640x16xf32, #tpu.memory_space<vmem_shared>>
    %dma_wait3A_122 = arith.constant 0 : i32
    %dma_wait3A_123 = tpu.memref_slice %arg8[%add3A_48, %dma_wait3A_122] : memref<100096x16xf32, #tpu.memory_space<vmem_shared>> -> memref<640x16xf32, #tpu.memory_space<vmem_shared>>
    tpu.wait_dma2 semaphore(%arg21 : memref<!tpu.dma_semaphore, #tpu.memory_space<semaphore_mem>>) src(%arg17 : memref<640x16xf32, #tpu.memory_space<vmem>>) dst(%dma_wait3A_123 : memref<640x16xf32, #tpu.memory_space<vmem_shared>>)
    %dma_wait3A_124 = arith.constant 0 : i32
    %dma_wait3A_125 = tpu.memref_slice %arg8[%add3A_50, %dma_wait3A_124] : memref<100096x16xf32, #tpu.memory_space<vmem_shared>> -> memref<640x16xf32, #tpu.memory_space<vmem_shared>>
    %dma_wait3A_126 = arith.constant 0 : i32
    %dma_wait3A_127 = tpu.memref_slice %arg8[%add3A_50, %dma_wait3A_126] : memref<100096x16xf32, #tpu.memory_space<vmem_shared>> -> memref<640x16xf32, #tpu.memory_space<vmem_shared>>
    tpu.wait_dma2 semaphore(%arg21 : memref<!tpu.dma_semaphore, #tpu.memory_space<semaphore_mem>>) src(%arg17 : memref<640x16xf32, #tpu.memory_space<vmem>>) dst(%dma_wait3A_127 : memref<640x16xf32, #tpu.memory_space<vmem_shared>>)
    %dma_wait3A_128 = arith.constant 0 : i32
    %dma_wait3A_129 = tpu.memref_slice %arg8[%add3A_52, %dma_wait3A_128] : memref<100096x16xf32, #tpu.memory_space<vmem_shared>> -> memref<640x16xf32, #tpu.memory_space<vmem_shared>>
    %dma_wait3A_130 = arith.constant 0 : i32
    %dma_wait3A_131 = tpu.memref_slice %arg8[%add3A_52, %dma_wait3A_130] : memref<100096x16xf32, #tpu.memory_space<vmem_shared>> -> memref<640x16xf32, #tpu.memory_space<vmem_shared>>
    tpu.wait_dma2 semaphore(%arg21 : memref<!tpu.dma_semaphore, #tpu.memory_space<semaphore_mem>>) src(%arg17 : memref<640x16xf32, #tpu.memory_space<vmem>>) dst(%dma_wait3A_131 : memref<640x16xf32, #tpu.memory_space<vmem_shared>>)
    %dma_wait3A_132 = arith.constant 0 : i32
    %dma_wait3A_133 = tpu.memref_slice %arg8[%add3A_54, %dma_wait3A_132] : memref<100096x16xf32, #tpu.memory_space<vmem_shared>> -> memref<640x16xf32, #tpu.memory_space<vmem_shared>>
    %dma_wait3A_134 = arith.constant 0 : i32
    %dma_wait3A_135 = tpu.memref_slice %arg8[%add3A_54, %dma_wait3A_134] : memref<100096x16xf32, #tpu.memory_space<vmem_shared>> -> memref<640x16xf32, #tpu.memory_space<vmem_shared>>
    tpu.wait_dma2 semaphore(%arg21 : memref<!tpu.dma_semaphore, #tpu.memory_space<semaphore_mem>>) src(%arg17 : memref<640x16xf32, #tpu.memory_space<vmem>>) dst(%dma_wait3A_135 : memref<640x16xf32, #tpu.memory_space<vmem_shared>>)
    %dma_wait3A_136 = arith.constant 0 : i32
    %dma_wait3A_137 = tpu.memref_slice %arg8[%add3A_56, %dma_wait3A_136] : memref<100096x16xf32, #tpu.memory_space<vmem_shared>> -> memref<640x16xf32, #tpu.memory_space<vmem_shared>>
    %dma_wait3A_138 = arith.constant 0 : i32
    %dma_wait3A_139 = tpu.memref_slice %arg8[%add3A_56, %dma_wait3A_138] : memref<100096x16xf32, #tpu.memory_space<vmem_shared>> -> memref<640x16xf32, #tpu.memory_space<vmem_shared>>
    tpu.wait_dma2 semaphore(%arg21 : memref<!tpu.dma_semaphore, #tpu.memory_space<semaphore_mem>>) src(%arg17 : memref<640x16xf32, #tpu.memory_space<vmem>>) dst(%dma_wait3A_139 : memref<640x16xf32, #tpu.memory_space<vmem_shared>>)
    %dma_wait3A_140 = arith.constant 0 : i32
    %dma_wait3A_141 = arith.constant 0 : i32
    %dma_wait3A_142 = tpu.memref_slice %arg17[%dma_wait3A_140, %dma_wait3A_141] : memref<640x16xf32, #tpu.memory_space<vmem>> -> memref<496x16xf32, #tpu.memory_space<vmem>>
    %dma_wait3A_143 = arith.constant 0 : i32
    %dma_wait3A_144 = tpu.memref_slice %arg8[%add3A_58, %dma_wait3A_143] : memref<100096x16xf32, #tpu.memory_space<vmem_shared>> -> memref<496x16xf32, #tpu.memory_space<vmem_shared>>
    %dma_wait3A_145 = arith.constant 0 : i32
    %dma_wait3A_146 = tpu.memref_slice %arg8[%add3A_58, %dma_wait3A_145] : memref<100096x16xf32, #tpu.memory_space<vmem_shared>> -> memref<496x16xf32, #tpu.memory_space<vmem_shared>>
    %dma_wait3A_147 = arith.constant 0 : i32
    %dma_wait3A_148 = arith.constant 0 : i32
    %dma_wait3A_149 = tpu.memref_slice %arg17[%dma_wait3A_147, %dma_wait3A_148] : memref<640x16xf32, #tpu.memory_space<vmem>> -> memref<496x16xf32, #tpu.memory_space<vmem>>
    tpu.wait_dma2 semaphore(%arg21 : memref<!tpu.dma_semaphore, #tpu.memory_space<semaphore_mem>>) src(%dma_wait3A_149 : memref<496x16xf32, #tpu.memory_space<vmem>>) dst(%dma_wait3A_146 : memref<496x16xf32, #tpu.memory_space<vmem_shared>>)
    %barrier3A = arith.constant 0 : index
    tpu.barrier barrier_id(%barrier3A)
    %scan3A_150 = arith.constant 0 : i32
    %scan3A_151 = arith.constant 0 : i32
    %scan3A_152 = arith.constant 40 : i32
    %scan3A_153 = arith.addi %scan3A_151, %scan3A_152 : i32
    %scan3A_154 = arith.constant 1 : i32
    %scan3A_155 = scf.for %scan3A_412 = %scan3A_151 to %scan3A_153 step %scan3A_154 iter_args(%scan3A_413 = %scan3A_150) -> (i32)  : i32 {
      %mul3A_414 = arith.constant 2 : i32
      %mul3A_415 = arith.muli %mul3A_414, %scan3A_412 : i32
      %add3A_416 = arith.constant 0 : i32
      %add3A_417 = arith.addi %mul3A_415, %add3A_416 : i32
      %mul3A_418 = arith.constant 16 : i32
      %mul3A_419 = arith.muli %add3A_417, %mul3A_418 : i32
      %add3A_420 = arith.addi %mul3A_419, %arg1 : i32
      %lt3A = arith.constant 1250 : i32
      %lt3A_421 = arith.cmpi slt, %add3A_420, %lt3A : i32
      %convert_element_type3A_422 = arith.extui %lt3A_421 : i1 to i32
      %cond3A_423 = arith.constant 0 : i32
      %cond3A_424 = arith.cmpi ne, %convert_element_type3A_422, %cond3A_423 : i32
      scf.if %cond3A_424 {
        %ge3A_438 = arith.constant 1 : i32
        %ge3A_439 = arith.cmpi sge, %scan3A_412, %ge3A_438 : i32
        %convert_element_type3A_440 = arith.extui %ge3A_439 : i1 to i32
        %cond3A_441 = arith.constant 0 : i32
        %cond3A_442 = arith.cmpi ne, %convert_element_type3A_440, %cond3A_441 : i32
        scf.if %cond3A_442 {
          %dma_wait3A_480 = arith.constant 0 : i32
          %dma_wait3A_481 = arith.constant 0 : i32
          %dma_wait3A_482 = tpu.memref_slice %arg8[%dma_wait3A_480, %dma_wait3A_481] : memref<100096x16xf32, #tpu.memory_space<vmem_shared>> -> memref<100096x16xf32, #tpu.memory_space<vmem_shared>>
          tpu.wait_indirect_dma semaphore(%arg23 : memref<!tpu.dma_semaphore, #tpu.memory_space<semaphore_mem>>) src(%arg17 : memref<640x16xf32, #tpu.memory_space<vmem>>) dst(%dma_wait3A_482 : memref<100096x16xf32, #tpu.memory_space<vmem_shared>>)
        } else {
        }
        %mul3A_443 = arith.constant 640 : i32
        %mul3A_444 = arith.muli %add3A_420, %mul3A_443 : i32
        %dma_wait3A_445 = arith.constant 0 : i32
        %dma_wait3A_446 = tpu.memref_slice %arg4[%dma_wait3A_445, %mul3A_444] : memref<2x800000xi32, #tpu.memory_space<hbm>> -> memref<1x640xi32, #tpu.memory_space<hbm>>
        %dma_wait3A_447 = tpu.memref_squeeze %dma_wait3A_446 : memref<1x640xi32, #tpu.memory_space<hbm>> -> memref<640xi32, #tpu.memory_space<hbm>>
        %dma_wait3A_448 = tpu.memref_slice %arg4[%dma_wait3A_445, %mul3A_444] : memref<2x800000xi32, #tpu.memory_space<hbm>> -> memref<1x640xi32, #tpu.memory_space<hbm>>
        %dma_wait3A_449 = tpu.memref_squeeze %dma_wait3A_448 : memref<1x640xi32, #tpu.memory_space<hbm>> -> memref<640xi32, #tpu.memory_space<hbm>>
        tpu.wait_dma2 semaphore(%arg19 : memref<!tpu.dma_semaphore, #tpu.memory_space<semaphore_mem>>) src(%dma_wait3A_449 : memref<640xi32, #tpu.memory_space<hbm>>) dst(%arg9 : memref<640xi32, #tpu.memory_space<vmem>>)
        %dma_wait3A_450 = arith.constant 1 : i32
        %dma_wait3A_451 = tpu.memref_slice %arg4[%dma_wait3A_450, %mul3A_444] : memref<2x800000xi32, #tpu.memory_space<hbm>> -> memref<1x640xi32, #tpu.memory_space<hbm>>
        %dma_wait3A_452 = tpu.memref_squeeze %dma_wait3A_451 : memref<1x640xi32, #tpu.memory_space<hbm>> -> memref<640xi32, #tpu.memory_space<hbm>>
        %dma_wait3A_453 = tpu.memref_slice %arg4[%dma_wait3A_450, %mul3A_444] : memref<2x800000xi32, #tpu.memory_space<hbm>> -> memref<1x640xi32, #tpu.memory_space<hbm>>
        %dma_wait3A_454 = tpu.memref_squeeze %dma_wait3A_453 : memref<1x640xi32, #tpu.memory_space<hbm>> -> memref<640xi32, #tpu.memory_space<hbm>>
        tpu.wait_dma2 semaphore(%arg19 : memref<!tpu.dma_semaphore, #tpu.memory_space<semaphore_mem>>) src(%dma_wait3A_454 : memref<640xi32, #tpu.memory_space<hbm>>) dst(%arg11 : memref<640xi32, #tpu.memory_space<vmem>>)
        %dma_wait3A_455 = tpu.memref_slice %arg5[%mul3A_444] : memref<800000xi32, #tpu.memory_space<hbm>> -> memref<640xi32, #tpu.memory_space<hbm>>
        %dma_wait3A_456 = tpu.memref_slice %arg5[%mul3A_444] : memref<800000xi32, #tpu.memory_space<hbm>> -> memref<640xi32, #tpu.memory_space<hbm>>
        tpu.wait_dma2 semaphore(%arg19 : memref<!tpu.dma_semaphore, #tpu.memory_space<semaphore_mem>>) src(%dma_wait3A_456 : memref<640xi32, #tpu.memory_space<hbm>>) dst(%arg13 : memref<640xi32, #tpu.memory_space<vmem>>)
        %dma_start3A_457 = arith.constant 0 : i32
        %dma_start3A_458 = arith.constant 0 : i32
        %dma_start3A_459 = tpu.memref_slice %arg2[%dma_start3A_457, %dma_start3A_458] : memref<50000x16xf32, #tpu.memory_space<hbm>> -> memref<50000x16xf32, #tpu.memory_space<hbm>>
        tpu.enqueue_indirect_dma source(%dma_start3A_459 : memref<50000x16xf32, #tpu.memory_space<hbm>>) target(%arg17 : memref<640x16xf32, #tpu.memory_space<vmem>>) offsets(%arg9 : memref<640xi32, #tpu.memory_space<vmem>>) semaphore(%arg21 : memref<!tpu.dma_semaphore, #tpu.memory_space<semaphore_mem>>)
        %scan3A_460 = arith.constant 0 : i32
        %scan3A_461 = arith.constant 0 : i32
        %scan3A_462 = arith.constant 40 : i32
        %scan3A_463 = arith.addi %scan3A_461, %scan3A_462 : i32
        %scan3A_464 = arith.constant 1 : i32
        %scan3A_465 = scf.for %scan3A_480 = %scan3A_461 to %scan3A_463 step %scan3A_464 iter_args(%scan3A_481 = %scan3A_460) -> (i32)  : i32 {
          %mul3A_482 = arith.constant 16 : i32
          %mul3A_483 = arith.muli %scan3A_480, %mul3A_482 : i32
          %get3A = arith.index_cast %mul3A_483 : i32 to index
          %get3A_484 = tpu.vector_load %arg11[%get3A] {strides = array<i32>} : memref<640xi32, #tpu.memory_space<vmem>>, vector<16xi32>,
          %get3A_485 = vector.shape_cast %get3A_484 : vector<16xi32> to vector<16xi32>
          %mul3A_486 = arith.constant 16 : i32
          %mul3A_487 = arith.muli %scan3A_480, %mul3A_486 : i32
          %get3A_488 = arith.index_cast %mul3A_487 : i32 to index
          %get3A_489 = tpu.vector_load %arg13[%get3A_488] {strides = array<i32>} : memref<640xi32, #tpu.memory_space<vmem>>, vector<16xi32>,
          %get3A_490 = vector.shape_cast %get3A_489 : vector<16xi32> to vector<16xi32>
          %sub3A_491 = vector.broadcast %mul3A_0 : i32 to vector<16xi32>
          %sub3A_492 = arith.subi %get3A_485, %sub3A_491 : vector<16xi32>
          %ge3A_493 = arith.constant 0 : i32
          %ge3A_494 = vector.broadcast %ge3A_493 : i32 to vector<16xi32>
          %ge3A_495 = arith.cmpi sge, %sub3A_492, %ge3A_494 : vector<16xi32>
          %lt3A_496 = arith.constant 25000 : i32
          %lt3A_497 = vector.broadcast %lt3A_496 : i32 to vector<16xi32>
          %lt3A_498 = arith.cmpi slt, %sub3A_492, %lt3A_497 : vector<16xi32>
          %and3A_499 = arith.andi %ge3A_495, %lt3A_498 : vector<16xi1>
          %mul3A_500 = arith.constant 25000 : i32
          %mul3A_501 = vector.broadcast %mul3A_500 : i32 to vector<16xi32>
          %mul3A_502 = arith.muli %get3A_490, %mul3A_501 : vector<16xi32>
          %add3A_503 = arith.addi %mul3A_502, %sub3A_492 : vector<16xi32>
          %broadcast_in_dim3A = vector.broadcast %add3A_1 : i32 to vector<16xi32>
          %select_n3A_504 = arith.select %and3A_499, %add3A_503, %broadcast_in_dim3A : vector<16xi1>, vector<16xi32>
          %mul3A_505 = arith.constant 16 : i32
          %mul3A_506 = arith.muli %scan3A_480, %mul3A_505 : i32
          %swap3A = arith.index_cast %mul3A_506 : i32 to index
          %swap3A_507 = tpu.vector_load %arg15[%swap3A] {strides = array<i32>} : memref<640xi32, #tpu.memory_space<vmem>>, vector<16xi32>,
          %swap3A_508 = vector.shape_cast %swap3A_507 : vector<16xi32> to vector<16xi32>
          %swap3A_509 = vector.shape_cast %select_n3A_504 : vector<16xi32> to vector<16xi32>
          tpu.vector_store %arg15[%swap3A], %swap3A_509 {strides = array<i32>} : memref<640xi32, #tpu.memory_space<vmem>>, vector<16xi32>,
          %scan3A_510 = arith.constant 0 : i32
          scf.yield %scan3A_510 : i32
        }
        %scan3A_466 = arith.constant 40 : i32
        %dma_wait3A_467 = arith.constant 0 : i32
        %dma_wait3A_468 = arith.constant 0 : i32
        %dma_wait3A_469 = tpu.memref_slice %arg2[%dma_wait3A_467, %dma_wait3A_468] : memref<50000x16xf32, #tpu.memory_space<hbm>> -> memref<50000x16xf32, #tpu.memory_space<hbm>>
        tpu.wait_indirect_dma semaphore(%arg21 : memref<!tpu.dma_semaphore, #tpu.memory_space<semaphore_mem>>) src(%dma_wait3A_469 : memref<50000x16xf32, #tpu.memory_space<hbm>>) dst(%arg17 : memref<640x16xf32, #tpu.memory_space<vmem>>)
        %add3A_470 = arith.constant 32 : i32
        %add3A_471 = arith.addi %add3A_420, %add3A_470 : i32
        %lt3A_472 = arith.constant 1250 : i32
        %lt3A_473 = arith.cmpi slt, %add3A_471, %lt3A_472 : i32
        %convert_element_type3A_474 = arith.extui %lt3A_473 : i1 to i32
        %cond3A_475 = arith.constant 0 : i32
        %cond3A_476 = arith.cmpi ne, %convert_element_type3A_474, %cond3A_475 : i32
        scf.if %cond3A_476 {
          %add3A_480 = arith.constant 32 : i32
          %add3A_481 = arith.addi %add3A_420, %add3A_480 : i32
          %mul3A_482 = arith.constant 640 : i32
          %mul3A_483 = arith.muli %add3A_481, %mul3A_482 : i32
          %dma_start3A_484 = arith.constant 0 : i32
          %dma_start3A_485 = tpu.memref_slice %arg4[%dma_start3A_484, %mul3A_483] : memref<2x800000xi32, #tpu.memory_space<hbm>> -> memref<1x640xi32, #tpu.memory_space<hbm>>
          %dma_start3A_486 = tpu.memref_squeeze %dma_start3A_485 : memref<1x640xi32, #tpu.memory_space<hbm>> -> memref<640xi32, #tpu.memory_space<hbm>>
          %dma_start3A_487 = tpu.memref_slice %arg4[%dma_start3A_484, %mul3A_483] : memref<2x800000xi32, #tpu.memory_space<hbm>> -> memref<1x640xi32, #tpu.memory_space<hbm>>
          %dma_start3A_488 = tpu.memref_squeeze %dma_start3A_487 : memref<1x640xi32, #tpu.memory_space<hbm>> -> memref<640xi32, #tpu.memory_space<hbm>>
          tpu.enqueue_dma source(%dma_start3A_488 : memref<640xi32, #tpu.memory_space<hbm>>) target(%arg9 : memref<640xi32, #tpu.memory_space<vmem>>) target_semaphore(%arg19 : memref<!tpu.dma_semaphore, #tpu.memory_space<semaphore_mem>>)
          %dma_start3A_489 = arith.constant 1 : i32
          %dma_start3A_490 = tpu.memref_slice %arg4[%dma_start3A_489, %mul3A_483] : memref<2x800000xi32, #tpu.memory_space<hbm>> -> memref<1x640xi32, #tpu.memory_space<hbm>>
          %dma_start3A_491 = tpu.memref_squeeze %dma_start3A_490 : memref<1x640xi32, #tpu.memory_space<hbm>> -> memref<640xi32, #tpu.memory_space<hbm>>
          %dma_start3A_492 = tpu.memref_slice %arg4[%dma_start3A_489, %mul3A_483] : memref<2x800000xi32, #tpu.memory_space<hbm>> -> memref<1x640xi32, #tpu.memory_space<hbm>>
          %dma_start3A_493 = tpu.memref_squeeze %dma_start3A_492 : memref<1x640xi32, #tpu.memory_space<hbm>> -> memref<640xi32, #tpu.memory_space<hbm>>
          tpu.enqueue_dma source(%dma_start3A_493 : memref<640xi32, #tpu.memory_space<hbm>>) target(%arg11 : memref<640xi32, #tpu.memory_space<vmem>>) target_semaphore(%arg19 : memref<!tpu.dma_semaphore, #tpu.memory_space<semaphore_mem>>)
          %dma_start3A_494 = tpu.memref_slice %arg5[%mul3A_483] : memref<800000xi32, #tpu.memory_space<hbm>> -> memref<640xi32, #tpu.memory_space<hbm>>
          %dma_start3A_495 = tpu.memref_slice %arg5[%mul3A_483] : memref<800000xi32, #tpu.memory_space<hbm>> -> memref<640xi32, #tpu.memory_space<hbm>>
          tpu.enqueue_dma source(%dma_start3A_495 : memref<640xi32, #tpu.memory_space<hbm>>) target(%arg13 : memref<640xi32, #tpu.memory_space<vmem>>) target_semaphore(%arg19 : memref<!tpu.dma_semaphore, #tpu.memory_space<semaphore_mem>>)
        } else {
        }
        %dma_start3A_477 = arith.constant 0 : i32
        %dma_start3A_478 = arith.constant 0 : i32
        %dma_start3A_479 = tpu.memref_slice %arg8[%dma_start3A_477, %dma_start3A_478] : memref<100096x16xf32, #tpu.memory_space<vmem_shared>> -> memref<100096x16xf32, #tpu.memory_space<vmem_shared>>
        tpu.enqueue_indirect_dma source(%arg17 : memref<640x16xf32, #tpu.memory_space<vmem>>) target(%dma_start3A_479 : memref<100096x16xf32, #tpu.memory_space<vmem_shared>>) offsets(%arg15 : memref<640xi32, #tpu.memory_space<vmem>>) semaphore(%arg23 : memref<!tpu.dma_semaphore, #tpu.memory_space<semaphore_mem>>) {add = true}
      } else {
      }
      %mul3A_425 = arith.constant 2 : i32
      %mul3A_426 = arith.muli %mul3A_425, %scan3A_412 : i32
      %add3A_427 = arith.constant 1 : i32
      %add3A_428 = arith.addi %mul3A_426, %add3A_427 : i32
      %mul3A_429 = arith.constant 16 : i32
      %mul3A_430 = arith.muli %add3A_428, %mul3A_429 : i32
      %add3A_431 = arith.addi %mul3A_430, %arg1 : i32
      %lt3A_432 = arith.constant 1250 : i32
      %lt3A_433 = arith.cmpi slt, %add3A_431, %lt3A_432 : i32
      %convert_element_type3A_434 = arith.extui %lt3A_433 : i1 to i32
      %cond3A_435 = arith.constant 0 : i32
      %cond3A_436 = arith.cmpi ne, %convert_element_type3A_434, %cond3A_435 : i32
      scf.if %cond3A_436 {
        %ge3A_438 = arith.constant 1 : i32
        %ge3A_439 = arith.cmpi sge, %scan3A_412, %ge3A_438 : i32
        %convert_element_type3A_440 = arith.extui %ge3A_439 : i1 to i32
        %cond3A_441 = arith.constant 0 : i32
        %cond3A_442 = arith.cmpi ne, %convert_element_type3A_440, %cond3A_441 : i32
        scf.if %cond3A_442 {
          %dma_wait3A_480 = arith.constant 0 : i32
          %dma_wait3A_481 = arith.constant 0 : i32
          %dma_wait3A_482 = tpu.memref_slice %arg8[%dma_wait3A_480, %dma_wait3A_481] : memref<100096x16xf32, #tpu.memory_space<vmem_shared>> -> memref<100096x16xf32, #tpu.memory_space<vmem_shared>>
          tpu.wait_indirect_dma semaphore(%arg24 : memref<!tpu.dma_semaphore, #tpu.memory_space<semaphore_mem>>) src(%arg18 : memref<640x16xf32, #tpu.memory_space<vmem>>) dst(%dma_wait3A_482 : memref<100096x16xf32, #tpu.memory_space<vmem_shared>>)
        } else {
        }
        %mul3A_443 = arith.constant 640 : i32
        %mul3A_444 = arith.muli %add3A_431, %mul3A_443 : i32
        %dma_wait3A_445 = arith.constant 0 : i32
        %dma_wait3A_446 = tpu.memref_slice %arg4[%dma_wait3A_445, %mul3A_444] : memref<2x800000xi32, #tpu.memory_space<hbm>> -> memref<1x640xi32, #tpu.memory_space<hbm>>
        %dma_wait3A_447 = tpu.memref_squeeze %dma_wait3A_446 : memref<1x640xi32, #tpu.memory_space<hbm>> -> memref<640xi32, #tpu.memory_space<hbm>>
        %dma_wait3A_448 = tpu.memref_slice %arg4[%dma_wait3A_445, %mul3A_444] : memref<2x800000xi32, #tpu.memory_space<hbm>> -> memref<1x640xi32, #tpu.memory_space<hbm>>
        %dma_wait3A_449 = tpu.memref_squeeze %dma_wait3A_448 : memref<1x640xi32, #tpu.memory_space<hbm>> -> memref<640xi32, #tpu.memory_space<hbm>>
        tpu.wait_dma2 semaphore(%arg20 : memref<!tpu.dma_semaphore, #tpu.memory_space<semaphore_mem>>) src(%dma_wait3A_449 : memref<640xi32, #tpu.memory_space<hbm>>) dst(%arg10 : memref<640xi32, #tpu.memory_space<vmem>>)
        %dma_wait3A_450 = arith.constant 1 : i32
        %dma_wait3A_451 = tpu.memref_slice %arg4[%dma_wait3A_450, %mul3A_444] : memref<2x800000xi32, #tpu.memory_space<hbm>> -> memref<1x640xi32, #tpu.memory_space<hbm>>
        %dma_wait3A_452 = tpu.memref_squeeze %dma_wait3A_451 : memref<1x640xi32, #tpu.memory_space<hbm>> -> memref<640xi32, #tpu.memory_space<hbm>>
        %dma_wait3A_453 = tpu.memref_slice %arg4[%dma_wait3A_450, %mul3A_444] : memref<2x800000xi32, #tpu.memory_space<hbm>> -> memref<1x640xi32, #tpu.memory_space<hbm>>
        %dma_wait3A_454 = tpu.memref_squeeze %dma_wait3A_453 : memref<1x640xi32, #tpu.memory_space<hbm>> -> memref<640xi32, #tpu.memory_space<hbm>>
        tpu.wait_dma2 semaphore(%arg20 : memref<!tpu.dma_semaphore, #tpu.memory_space<semaphore_mem>>) src(%dma_wait3A_454 : memref<640xi32, #tpu.memory_space<hbm>>) dst(%arg12 : memref<640xi32, #tpu.memory_space<vmem>>)
        %dma_wait3A_455 = tpu.memref_slice %arg5[%mul3A_444] : memref<800000xi32, #tpu.memory_space<hbm>> -> memref<640xi32, #tpu.memory_space<hbm>>
        %dma_wait3A_456 = tpu.memref_slice %arg5[%mul3A_444] : memref<800000xi32, #tpu.memory_space<hbm>> -> memref<640xi32, #tpu.memory_space<hbm>>
        tpu.wait_dma2 semaphore(%arg20 : memref<!tpu.dma_semaphore, #tpu.memory_space<semaphore_mem>>) src(%dma_wait3A_456 : memref<640xi32, #tpu.memory_space<hbm>>) dst(%arg14 : memref<640xi32, #tpu.memory_space<vmem>>)
        %dma_start3A_457 = arith.constant 0 : i32
        %dma_start3A_458 = arith.constant 0 : i32
        %dma_start3A_459 = tpu.memref_slice %arg2[%dma_start3A_457, %dma_start3A_458] : memref<50000x16xf32, #tpu.memory_space<hbm>> -> memref<50000x16xf32, #tpu.memory_space<hbm>>
        tpu.enqueue_indirect_dma source(%dma_start3A_459 : memref<50000x16xf32, #tpu.memory_space<hbm>>) target(%arg18 : memref<640x16xf32, #tpu.memory_space<vmem>>) offsets(%arg10 : memref<640xi32, #tpu.memory_space<vmem>>) semaphore(%arg22 : memref<!tpu.dma_semaphore, #tpu.memory_space<semaphore_mem>>)
        %scan3A_460 = arith.constant 0 : i32
        %scan3A_461 = arith.constant 0 : i32
        %scan3A_462 = arith.constant 40 : i32
        %scan3A_463 = arith.addi %scan3A_461, %scan3A_462 : i32
        %scan3A_464 = arith.constant 1 : i32
        %scan3A_465 = scf.for %scan3A_480 = %scan3A_461 to %scan3A_463 step %scan3A_464 iter_args(%scan3A_481 = %scan3A_460) -> (i32)  : i32 {
          %mul3A_482 = arith.constant 16 : i32
          %mul3A_483 = arith.muli %scan3A_480, %mul3A_482 : i32
          %get3A = arith.index_cast %mul3A_483 : i32 to index
          %get3A_484 = tpu.vector_load %arg12[%get3A] {strides = array<i32>} : memref<640xi32, #tpu.memory_space<vmem>>, vector<16xi32>,
          %get3A_485 = vector.shape_cast %get3A_484 : vector<16xi32> to vector<16xi32>
          %mul3A_486 = arith.constant 16 : i32
          %mul3A_487 = arith.muli %scan3A_480, %mul3A_486 : i32
          %get3A_488 = arith.index_cast %mul3A_487 : i32 to index
          %get3A_489 = tpu.vector_load %arg14[%get3A_488] {strides = array<i32>} : memref<640xi32, #tpu.memory_space<vmem>>, vector<16xi32>,
          %get3A_490 = vector.shape_cast %get3A_489 : vector<16xi32> to vector<16xi32>
          %sub3A_491 = vector.broadcast %mul3A_0 : i32 to vector<16xi32>
          %sub3A_492 = arith.subi %get3A_485, %sub3A_491 : vector<16xi32>
          %ge3A_493 = arith.constant 0 : i32
          %ge3A_494 = vector.broadcast %ge3A_493 : i32 to vector<16xi32>
          %ge3A_495 = arith.cmpi sge, %sub3A_492, %ge3A_494 : vector<16xi32>
          %lt3A_496 = arith.constant 25000 : i32
          %lt3A_497 = vector.broadcast %lt3A_496 : i32 to vector<16xi32>
          %lt3A_498 = arith.cmpi slt, %sub3A_492, %lt3A_497 : vector<16xi32>
          %and3A_499 = arith.andi %ge3A_495, %lt3A_498 : vector<16xi1>
          %mul3A_500 = arith.constant 25000 : i32
          %mul3A_501 = vector.broadcast %mul3A_500 : i32 to vector<16xi32>
          %mul3A_502 = arith.muli %get3A_490, %mul3A_501 : vector<16xi32>
          %add3A_503 = arith.addi %mul3A_502, %sub3A_492 : vector<16xi32>
          %broadcast_in_dim3A = vector.broadcast %add3A_1 : i32 to vector<16xi32>
          %select_n3A_504 = arith.select %and3A_499, %add3A_503, %broadcast_in_dim3A : vector<16xi1>, vector<16xi32>
          %mul3A_505 = arith.constant 16 : i32
          %mul3A_506 = arith.muli %scan3A_480, %mul3A_505 : i32
          %swap3A = arith.index_cast %mul3A_506 : i32 to index
          %swap3A_507 = tpu.vector_load %arg16[%swap3A] {strides = array<i32>} : memref<640xi32, #tpu.memory_space<vmem>>, vector<16xi32>,
          %swap3A_508 = vector.shape_cast %swap3A_507 : vector<16xi32> to vector<16xi32>
          %swap3A_509 = vector.shape_cast %select_n3A_504 : vector<16xi32> to vector<16xi32>
          tpu.vector_store %arg16[%swap3A], %swap3A_509 {strides = array<i32>} : memref<640xi32, #tpu.memory_space<vmem>>, vector<16xi32>,
          %scan3A_510 = arith.constant 0 : i32
          scf.yield %scan3A_510 : i32
        }
        %scan3A_466 = arith.constant 40 : i32
        %dma_wait3A_467 = arith.constant 0 : i32
        %dma_wait3A_468 = arith.constant 0 : i32
        %dma_wait3A_469 = tpu.memref_slice %arg2[%dma_wait3A_467, %dma_wait3A_468] : memref<50000x16xf32, #tpu.memory_space<hbm>> -> memref<50000x16xf32, #tpu.memory_space<hbm>>
        tpu.wait_indirect_dma semaphore(%arg22 : memref<!tpu.dma_semaphore, #tpu.memory_space<semaphore_mem>>) src(%dma_wait3A_469 : memref<50000x16xf32, #tpu.memory_space<hbm>>) dst(%arg18 : memref<640x16xf32, #tpu.memory_space<vmem>>)
        %add3A_470 = arith.constant 32 : i32
        %add3A_471 = arith.addi %add3A_431, %add3A_470 : i32
        %lt3A_472 = arith.constant 1250 : i32
        %lt3A_473 = arith.cmpi slt, %add3A_471, %lt3A_472 : i32
        %convert_element_type3A_474 = arith.extui %lt3A_473 : i1 to i32
        %cond3A_475 = arith.constant 0 : i32
        %cond3A_476 = arith.cmpi ne, %convert_element_type3A_474, %cond3A_475 : i32
        scf.if %cond3A_476 {
          %add3A_480 = arith.constant 32 : i32
          %add3A_481 = arith.addi %add3A_431, %add3A_480 : i32
          %mul3A_482 = arith.constant 640 : i32
          %mul3A_483 = arith.muli %add3A_481, %mul3A_482 : i32
          %dma_start3A_484 = arith.constant 0 : i32
          %dma_start3A_485 = tpu.memref_slice %arg4[%dma_start3A_484, %mul3A_483] : memref<2x800000xi32, #tpu.memory_space<hbm>> -> memref<1x640xi32, #tpu.memory_space<hbm>>
          %dma_start3A_486 = tpu.memref_squeeze %dma_start3A_485 : memref<1x640xi32, #tpu.memory_space<hbm>> -> memref<640xi32, #tpu.memory_space<hbm>>
          %dma_start3A_487 = tpu.memref_slice %arg4[%dma_start3A_484, %mul3A_483] : memref<2x800000xi32, #tpu.memory_space<hbm>> -> memref<1x640xi32, #tpu.memory_space<hbm>>
          %dma_start3A_488 = tpu.memref_squeeze %dma_start3A_487 : memref<1x640xi32, #tpu.memory_space<hbm>> -> memref<640xi32, #tpu.memory_space<hbm>>
          tpu.enqueue_dma source(%dma_start3A_488 : memref<640xi32, #tpu.memory_space<hbm>>) target(%arg10 : memref<640xi32, #tpu.memory_space<vmem>>) target_semaphore(%arg20 : memref<!tpu.dma_semaphore, #tpu.memory_space<semaphore_mem>>)
          %dma_start3A_489 = arith.constant 1 : i32
          %dma_start3A_490 = tpu.memref_slice %arg4[%dma_start3A_489, %mul3A_483] : memref<2x800000xi32, #tpu.memory_space<hbm>> -> memref<1x640xi32, #tpu.memory_space<hbm>>
          %dma_start3A_491 = tpu.memref_squeeze %dma_start3A_490 : memref<1x640xi32, #tpu.memory_space<hbm>> -> memref<640xi32, #tpu.memory_space<hbm>>
          %dma_start3A_492 = tpu.memref_slice %arg4[%dma_start3A_489, %mul3A_483] : memref<2x800000xi32, #tpu.memory_space<hbm>> -> memref<1x640xi32, #tpu.memory_space<hbm>>
          %dma_start3A_493 = tpu.memref_squeeze %dma_start3A_492 : memref<1x640xi32, #tpu.memory_space<hbm>> -> memref<640xi32, #tpu.memory_space<hbm>>
          tpu.enqueue_dma source(%dma_start3A_493 : memref<640xi32, #tpu.memory_space<hbm>>) target(%arg12 : memref<640xi32, #tpu.memory_space<vmem>>) target_semaphore(%arg20 : memref<!tpu.dma_semaphore, #tpu.memory_space<semaphore_mem>>)
          %dma_start3A_494 = tpu.memref_slice %arg5[%mul3A_483] : memref<800000xi32, #tpu.memory_space<hbm>> -> memref<640xi32, #tpu.memory_space<hbm>>
          %dma_start3A_495 = tpu.memref_slice %arg5[%mul3A_483] : memref<800000xi32, #tpu.memory_space<hbm>> -> memref<640xi32, #tpu.memory_space<hbm>>
          tpu.enqueue_dma source(%dma_start3A_495 : memref<640xi32, #tpu.memory_space<hbm>>) target(%arg14 : memref<640xi32, #tpu.memory_space<vmem>>) target_semaphore(%arg20 : memref<!tpu.dma_semaphore, #tpu.memory_space<semaphore_mem>>)
        } else {
        }
        %dma_start3A_477 = arith.constant 0 : i32
        %dma_start3A_478 = arith.constant 0 : i32
        %dma_start3A_479 = tpu.memref_slice %arg8[%dma_start3A_477, %dma_start3A_478] : memref<100096x16xf32, #tpu.memory_space<vmem_shared>> -> memref<100096x16xf32, #tpu.memory_space<vmem_shared>>
        tpu.enqueue_indirect_dma source(%arg18 : memref<640x16xf32, #tpu.memory_space<vmem>>) target(%dma_start3A_479 : memref<100096x16xf32, #tpu.memory_space<vmem_shared>>) offsets(%arg16 : memref<640xi32, #tpu.memory_space<vmem>>) semaphore(%arg24 : memref<!tpu.dma_semaphore, #tpu.memory_space<semaphore_mem>>) {add = true}
      } else {
      }
      %scan3A_437 = arith.constant 0 : i32
      scf.yield %scan3A_437 : i32
    }
    %scan3A_156 = arith.constant 40 : i32
    %sub3A = arith.constant 1250 : i32
    %sub3A_157 = arith.subi %sub3A, %arg1 : i32
    %add3A_158 = arith.constant 15 : i32
    %add3A_159 = arith.addi %sub3A_157, %add3A_158 : i32
    %jit3A = arith.constant 16 : i32
    %div3A = arith.divsi %add3A_159, %jit3A : i32
    %sign3A = arith.constant 0 : i32
    %sign3A_160 = arith.cmpi sgt, %add3A_159, %sign3A : i32
    %sign3A_161 = arith.extui %sign3A_160 : i1 to i32
    %sign3A_162 = arith.constant 0 : i32
    %sign3A_163 = arith.cmpi slt, %add3A_159, %sign3A_162 : i32
    %sign3A_164 = arith.extui %sign3A_163 : i1 to i32
    %sign3A_165 = arith.subi %sign3A_161, %sign3A_164 : i32
    %sign3A_166 = arith.constant 0 : i32
    %sign3A_167 = arith.cmpi sgt, %jit3A, %sign3A_166 : i32
    %sign3A_168 = arith.extui %sign3A_167 : i1 to i32
    %sign3A_169 = arith.constant 0 : i32
    %sign3A_170 = arith.cmpi slt, %jit3A, %sign3A_169 : i32
    %sign3A_171 = arith.extui %sign3A_170 : i1 to i32
    %sign3A_172 = arith.subi %sign3A_168, %sign3A_171 : i32
    %ne3A = arith.cmpi ne, %sign3A_165, %sign3A_172 : i32
    %rem3A = arith.remsi %add3A_159, %jit3A : i32
    %ne3A_173 = arith.constant 0 : i32
    %ne3A_174 = arith.cmpi ne, %rem3A, %ne3A_173 : i32
    %and3A = arith.andi %ne3A, %ne3A_174 : i1
    %sub3A_175 = arith.constant 1 : i32
    %sub3A_176 = arith.subi %div3A, %sub3A_175 : i32
    %select_n3A = arith.select %and3A, %sub3A_176, %div3A : i32
    %ge3A = arith.constant 1 : i32
    %ge3A_177 = arith.cmpi sge, %select_n3A, %ge3A : i32
    %convert_element_type3A = arith.extui %ge3A_177 : i1 to i32
    %cond3A = arith.constant 0 : i32
    %cond3A_178 = arith.cmpi ne, %convert_element_type3A, %cond3A : i32
    scf.if %cond3A_178 {
      %dma_wait3A_412 = arith.constant 0 : i32
      %dma_wait3A_413 = arith.constant 0 : i32
      %dma_wait3A_414 = tpu.memref_slice %arg8[%dma_wait3A_412, %dma_wait3A_413] : memref<100096x16xf32, #tpu.memory_space<vmem_shared>> -> memref<100096x16xf32, #tpu.memory_space<vmem_shared>>
      tpu.wait_indirect_dma semaphore(%arg23 : memref<!tpu.dma_semaphore, #tpu.memory_space<semaphore_mem>>) src(%arg17 : memref<640x16xf32, #tpu.memory_space<vmem>>) dst(%dma_wait3A_414 : memref<100096x16xf32, #tpu.memory_space<vmem_shared>>)
    } else {
    }
    %ge3A_179 = arith.constant 2 : i32
    %ge3A_180 = arith.cmpi sge, %select_n3A, %ge3A_179 : i32
    %convert_element_type3A_181 = arith.extui %ge3A_180 : i1 to i32
    %cond3A_182 = arith.constant 0 : i32
    %cond3A_183 = arith.cmpi ne, %convert_element_type3A_181, %cond3A_182 : i32
    scf.if %cond3A_183 {
      %dma_wait3A_412 = arith.constant 0 : i32
      %dma_wait3A_413 = arith.constant 0 : i32
      %dma_wait3A_414 = tpu.memref_slice %arg8[%dma_wait3A_412, %dma_wait3A_413] : memref<100096x16xf32, #tpu.memory_space<vmem_shared>> -> memref<100096x16xf32, #tpu.memory_space<vmem_shared>>
      tpu.wait_indirect_dma semaphore(%arg24 : memref<!tpu.dma_semaphore, #tpu.memory_space<semaphore_mem>>) src(%arg18 : memref<640x16xf32, #tpu.memory_space<vmem>>) dst(%dma_wait3A_414 : memref<100096x16xf32, #tpu.memory_space<vmem_shared>>)
    } else {
    }
    %barrier3A_184 = arith.constant 0 : index
    tpu.barrier barrier_id(%barrier3A_184)
    %scan3A_185 = arith.constant 0 : i32
    %scan3A_186 = arith.constant 0 : i32
    %scan3A_187 = arith.constant 7 : i32
    %scan3A_188 = arith.addi %scan3A_186, %scan3A_187 : i32
    %scan3A_189 = arith.constant 1 : i32
    %scan3A_190 = scf.for %scan3A_412 = %scan3A_186 to %scan3A_188 step %scan3A_189 iter_args(%scan3A_413 = %scan3A_185) -> (i32)  : i32 {
      %mul3A_414 = arith.constant 16 : i32
      %mul3A_415 = arith.muli %scan3A_412, %mul3A_414 : i32
      %add3A_416 = arith.addi %mul3A_415, %arg1 : i32
      %lt3A = arith.constant 100 : i32
      %lt3A_417 = arith.cmpi slt, %add3A_416, %lt3A : i32
      %convert_element_type3A_418 = arith.extui %lt3A_417 : i1 to i32
      %cond3A_419 = arith.constant 0 : i32
      %cond3A_420 = arith.cmpi ne, %convert_element_type3A_418, %cond3A_419 : i32
      scf.if %cond3A_420 {
        %jit3A_422 = arith.constant 25 : i32
        %div3A_423 = arith.divsi %add3A_416, %jit3A_422 : i32
        %sign3A_424 = arith.constant 0 : i32
        %sign3A_425 = arith.cmpi sgt, %add3A_416, %sign3A_424 : i32
        %sign3A_426 = arith.extui %sign3A_425 : i1 to i32
        %sign3A_427 = arith.constant 0 : i32
        %sign3A_428 = arith.cmpi slt, %add3A_416, %sign3A_427 : i32
        %sign3A_429 = arith.extui %sign3A_428 : i1 to i32
        %sign3A_430 = arith.subi %sign3A_426, %sign3A_429 : i32
        %sign3A_431 = arith.constant 0 : i32
        %sign3A_432 = arith.cmpi sgt, %jit3A_422, %sign3A_431 : i32
        %sign3A_433 = arith.extui %sign3A_432 : i1 to i32
        %sign3A_434 = arith.constant 0 : i32
        %sign3A_435 = arith.cmpi slt, %jit3A_422, %sign3A_434 : i32
        %sign3A_436 = arith.extui %sign3A_435 : i1 to i32
        %sign3A_437 = arith.subi %sign3A_433, %sign3A_436 : i32
        %ne3A_438 = arith.cmpi ne, %sign3A_430, %sign3A_437 : i32
        %rem3A_439 = arith.remsi %add3A_416, %jit3A_422 : i32
        %ne3A_440 = arith.constant 0 : i32
        %ne3A_441 = arith.cmpi ne, %rem3A_439, %ne3A_440 : i32
        %and3A_442 = arith.andi %ne3A_438, %ne3A_441 : i1
        %sub3A_443 = arith.constant 1 : i32
        %sub3A_444 = arith.subi %div3A_423, %sub3A_443 : i32
        %select_n3A_445 = arith.select %and3A_442, %sub3A_444, %div3A_423 : i32
        %jit3A_446 = arith.constant 25 : i32
        %eq3A = arith.constant 0 : i32
        %eq3A_447 = arith.cmpi eq, %jit3A_446, %eq3A : i32
        %jit3A_448 = arith.constant 1 : i32
        %select_n3A_449 = arith.select %eq3A_447, %jit3A_448, %jit3A_446 : i32
        %rem3A_450 = arith.remsi %add3A_416, %select_n3A_449 : i32
        %ne3A_451 = arith.constant 0 : i32
        %ne3A_452 = arith.cmpi ne, %rem3A_450, %ne3A_451 : i32
        %lt3A_453 = arith.constant 0 : i32
        %lt3A_454 = arith.cmpi slt, %rem3A_450, %lt3A_453 : i32
        %lt3A_455 = arith.constant 0 : i32
        %lt3A_456 = arith.cmpi slt, %select_n3A_449, %lt3A_455 : i32
        %ne3A_457 = arith.xori %lt3A_454, %lt3A_456 : i1
        %and3A_458 = arith.andi %ne3A_457, %ne3A_452 : i1
        %add3A_459 = arith.addi %rem3A_450, %select_n3A_449 : i32
        %select_n3A_460 = arith.select %and3A_458, %add3A_459, %rem3A_450 : i32
        %mul3A_461 = arith.constant 1000 : i32
        %mul3A_462 = arith.muli %select_n3A_460, %mul3A_461 : i32
        %mul3A_463 = arith.constant 25000 : i32
        %mul3A_464 = arith.muli %select_n3A_445, %mul3A_463 : i32
        %add3A_465 = arith.addi %mul3A_464, %mul3A_462 : i32
        %add3A_466 = arith.addi %mul3A_0, %mul3A_462 : i32
        %mul3A_467 = arith.constant 16 : i32
        %mul3A_468 = arith.muli %select_n3A_445, %mul3A_467 : i32
        %dma_start3A_469 = tpu.memref_slice %arg6[%add3A_466, %mul3A_468] : memref<50000x64xf32, #tpu.memory_space<hbm>> -> memref<1000x16xf32, #tpu.memory_space<hbm>>
        %dma_start3A_470 = arith.constant 0 : i32
        %dma_start3A_471 = tpu.memref_slice %arg8[%add3A_465, %dma_start3A_470] : memref<100096x16xf32, #tpu.memory_space<vmem_shared>> -> memref<1000x16xf32, #tpu.memory_space<vmem_shared>>
        tpu.enqueue_dma source(%dma_start3A_471 : memref<1000x16xf32, #tpu.memory_space<vmem_shared>>) target(%dma_start3A_469 : memref<1000x16xf32, #tpu.memory_space<hbm>>) target_semaphore(%arg21 : memref<!tpu.dma_semaphore, #tpu.memory_space<semaphore_mem>>)
      } else {
      }
      %scan3A_421 = arith.constant 0 : i32
      scf.yield %scan3A_421 : i32
    }
    %scan3A_191 = arith.constant 7 : i32
    %scan3A_192 = arith.constant 0 : i32
    %scan3A_193 = arith.constant 0 : i32
    %scan3A_194 = arith.constant 7 : i32
    %scan3A_195 = arith.addi %scan3A_193, %scan3A_194 : i32
    %scan3A_196 = arith.constant 1 : i32
    %scan3A_197 = scf.for %scan3A_412 = %scan3A_193 to %scan3A_195 step %scan3A_196 iter_args(%scan3A_413 = %scan3A_192) -> (i32)  : i32 {
      %mul3A_414 = arith.constant 16 : i32
      %mul3A_415 = arith.muli %scan3A_412, %mul3A_414 : i32
      %add3A_416 = arith.addi %mul3A_415, %arg1 : i32
      %lt3A = arith.constant 100 : i32
      %lt3A_417 = arith.cmpi slt, %add3A_416, %lt3A : i32
      %convert_element_type3A_418 = arith.extui %lt3A_417 : i1 to i32
      %cond3A_419 = arith.constant 0 : i32
      %cond3A_420 = arith.cmpi ne, %convert_element_type3A_418, %cond3A_419 : i32
      scf.if %cond3A_420 {
        %jit3A_422 = arith.constant 25 : i32
        %div3A_423 = arith.divsi %add3A_416, %jit3A_422 : i32
        %sign3A_424 = arith.constant 0 : i32
        %sign3A_425 = arith.cmpi sgt, %add3A_416, %sign3A_424 : i32
        %sign3A_426 = arith.extui %sign3A_425 : i1 to i32
        %sign3A_427 = arith.constant 0 : i32
        %sign3A_428 = arith.cmpi slt, %add3A_416, %sign3A_427 : i32
        %sign3A_429 = arith.extui %sign3A_428 : i1 to i32
        %sign3A_430 = arith.subi %sign3A_426, %sign3A_429 : i32
        %sign3A_431 = arith.constant 0 : i32
        %sign3A_432 = arith.cmpi sgt, %jit3A_422, %sign3A_431 : i32
        %sign3A_433 = arith.extui %sign3A_432 : i1 to i32
        %sign3A_434 = arith.constant 0 : i32
        %sign3A_435 = arith.cmpi slt, %jit3A_422, %sign3A_434 : i32
        %sign3A_436 = arith.extui %sign3A_435 : i1 to i32
        %sign3A_437 = arith.subi %sign3A_433, %sign3A_436 : i32
        %ne3A_438 = arith.cmpi ne, %sign3A_430, %sign3A_437 : i32
        %rem3A_439 = arith.remsi %add3A_416, %jit3A_422 : i32
        %ne3A_440 = arith.constant 0 : i32
        %ne3A_441 = arith.cmpi ne, %rem3A_439, %ne3A_440 : i32
        %and3A_442 = arith.andi %ne3A_438, %ne3A_441 : i1
        %sub3A_443 = arith.constant 1 : i32
        %sub3A_444 = arith.subi %div3A_423, %sub3A_443 : i32
        %select_n3A_445 = arith.select %and3A_442, %sub3A_444, %div3A_423 : i32
        %jit3A_446 = arith.constant 25 : i32
        %eq3A = arith.constant 0 : i32
        %eq3A_447 = arith.cmpi eq, %jit3A_446, %eq3A : i32
        %jit3A_448 = arith.constant 1 : i32
        %select_n3A_449 = arith.select %eq3A_447, %jit3A_448, %jit3A_446 : i32
        %rem3A_450 = arith.remsi %add3A_416, %select_n3A_449 : i32
        %ne3A_451 = arith.constant 0 : i32
        %ne3A_452 = arith.cmpi ne, %rem3A_450, %ne3A_451 : i32
        %lt3A_453 = arith.constant 0 : i32
        %lt3A_454 = arith.cmpi slt, %rem3A_450, %lt3A_453 : i32
        %lt3A_455 = arith.constant 0 : i32
        %lt3A_456 = arith.cmpi slt, %select_n3A_449, %lt3A_455 : i32
        %ne3A_457 = arith.xori %lt3A_454, %lt3A_456 : i1
        %and3A_458 = arith.andi %ne3A_457, %ne3A_452 : i1
        %add3A_459 = arith.addi %rem3A_450, %select_n3A_449 : i32
        %select_n3A_460 = arith.select %and3A_458, %add3A_459, %rem3A_450 : i32
        %mul3A_461 = arith.constant 1000 : i32
        %mul3A_462 = arith.muli %select_n3A_460, %mul3A_461 : i32
        %mul3A_463 = arith.constant 25000 : i32
        %mul3A_464 = arith.muli %select_n3A_445, %mul3A_463 : i32
        %add3A_465 = arith.addi %mul3A_464, %mul3A_462 : i32
        %add3A_466 = arith.addi %mul3A_0, %mul3A_462 : i32
        %mul3A_467 = arith.constant 16 : i32
        %mul3A_468 = arith.muli %select_n3A_445, %mul3A_467 : i32
        %dma_wait3A_469 = tpu.memref_slice %arg6[%add3A_466, %mul3A_468] : memref<50000x64xf32, #tpu.memory_space<hbm>> -> memref<1000x16xf32, #tpu.memory_space<hbm>>
        %dma_wait3A_470 = arith.constant 0 : i32
        %dma_wait3A_471 = tpu.memref_slice %arg8[%add3A_465, %dma_wait3A_470] : memref<100096x16xf32, #tpu.memory_space<vmem_shared>> -> memref<1000x16xf32, #tpu.memory_space<vmem_shared>>
        tpu.wait_dma2 semaphore(%arg21 : memref<!tpu.dma_semaphore, #tpu.memory_space<semaphore_mem>>) src(%dma_wait3A_471 : memref<1000x16xf32, #tpu.memory_space<vmem_shared>>) dst(%dma_wait3A_469 : memref<1000x16xf32, #tpu.memory_space<hbm>>)
      } else {
      }
      %scan3A_421 = arith.constant 0 : i32
      scf.yield %scan3A_421 : i32
    }
    %scan3A_198 = arith.constant 7 : i32
    %barrier3A_199 = arith.constant 0 : index
    tpu.barrier barrier_id(%barrier3A_199)
    %mul3A_200 = arith.constant 640 : i32
    %mul3A_201 = arith.muli %arg1, %mul3A_200 : i32
    %dma_start3A_202 = arith.constant 0 : i32
    %dma_start3A_203 = tpu.memref_slice %arg4[%dma_start3A_202, %mul3A_201] : memref<2x800000xi32, #tpu.memory_space<hbm>> -> memref<1x640xi32, #tpu.memory_space<hbm>>
    %dma_start3A_204 = tpu.memref_squeeze %dma_start3A_203 : memref<1x640xi32, #tpu.memory_space<hbm>> -> memref<640xi32, #tpu.memory_space<hbm>>
    %dma_start3A_205 = tpu.memref_slice %arg4[%dma_start3A_202, %mul3A_201] : memref<2x800000xi32, #tpu.memory_space<hbm>> -> memref<1x640xi32, #tpu.memory_space<hbm>>
    %dma_start3A_206 = tpu.memref_squeeze %dma_start3A_205 : memref<1x640xi32, #tpu.memory_space<hbm>> -> memref<640xi32, #tpu.memory_space<hbm>>
    tpu.enqueue_dma source(%dma_start3A_206 : memref<640xi32, #tpu.memory_space<hbm>>) target(%arg9 : memref<640xi32, #tpu.memory_space<vmem>>) target_semaphore(%arg19 : memref<!tpu.dma_semaphore, #tpu.memory_space<semaphore_mem>>)
    %dma_start3A_207 = arith.constant 1 : i32
    %dma_start3A_208 = tpu.memref_slice %arg4[%dma_start3A_207, %mul3A_201] : memref<2x800000xi32, #tpu.memory_space<hbm>> -> memref<1x640xi32, #tpu.memory_space<hbm>>
    %dma_start3A_209 = tpu.memref_squeeze %dma_start3A_208 : memref<1x640xi32, #tpu.memory_space<hbm>> -> memref<640xi32, #tpu.memory_space<hbm>>
    %dma_start3A_210 = tpu.memref_slice %arg4[%dma_start3A_207, %mul3A_201] : memref<2x800000xi32, #tpu.memory_space<hbm>> -> memref<1x640xi32, #tpu.memory_space<hbm>>
    %dma_start3A_211 = tpu.memref_squeeze %dma_start3A_210 : memref<1x640xi32, #tpu.memory_space<hbm>> -> memref<640xi32, #tpu.memory_space<hbm>>
    tpu.enqueue_dma source(%dma_start3A_211 : memref<640xi32, #tpu.memory_space<hbm>>) target(%arg11 : memref<640xi32, #tpu.memory_space<vmem>>) target_semaphore(%arg19 : memref<!tpu.dma_semaphore, #tpu.memory_space<semaphore_mem>>)
    %dma_start3A_212 = tpu.memref_slice %arg5[%mul3A_201] : memref<800000xi32, #tpu.memory_space<hbm>> -> memref<640xi32, #tpu.memory_space<hbm>>
    %dma_start3A_213 = tpu.memref_slice %arg5[%mul3A_201] : memref<800000xi32, #tpu.memory_space<hbm>> -> memref<640xi32, #tpu.memory_space<hbm>>
    tpu.enqueue_dma source(%dma_start3A_213 : memref<640xi32, #tpu.memory_space<hbm>>) target(%arg13 : memref<640xi32, #tpu.memory_space<vmem>>) target_semaphore(%arg19 : memref<!tpu.dma_semaphore, #tpu.memory_space<semaphore_mem>>)
    %add3A_214 = arith.constant 16 : i32
    %add3A_215 = arith.addi %add3A_214, %arg1 : i32
    %mul3A_216 = arith.constant 640 : i32
    %mul3A_217 = arith.muli %add3A_215, %mul3A_216 : i32
    %dma_start3A_218 = arith.constant 0 : i32
    %dma_start3A_219 = tpu.memref_slice %arg4[%dma_start3A_218, %mul3A_217] : memref<2x800000xi32, #tpu.memory_space<hbm>> -> memref<1x640xi32, #tpu.memory_space<hbm>>
    %dma_start3A_220 = tpu.memref_squeeze %dma_start3A_219 : memref<1x640xi32, #tpu.memory_space<hbm>> -> memref<640xi32, #tpu.memory_space<hbm>>
    %dma_start3A_221 = tpu.memref_slice %arg4[%dma_start3A_218, %mul3A_217] : memref<2x800000xi32, #tpu.memory_space<hbm>> -> memref<1x640xi32, #tpu.memory_space<hbm>>
    %dma_start3A_222 = tpu.memref_squeeze %dma_start3A_221 : memref<1x640xi32, #tpu.memory_space<hbm>> -> memref<640xi32, #tpu.memory_space<hbm>>
    tpu.enqueue_dma source(%dma_start3A_222 : memref<640xi32, #tpu.memory_space<hbm>>) target(%arg10 : memref<640xi32, #tpu.memory_space<vmem>>) target_semaphore(%arg20 : memref<!tpu.dma_semaphore, #tpu.memory_space<semaphore_mem>>)
    %dma_start3A_223 = arith.constant 1 : i32
    %dma_start3A_224 = tpu.memref_slice %arg4[%dma_start3A_223, %mul3A_217] : memref<2x800000xi32, #tpu.memory_space<hbm>> -> memref<1x640xi32, #tpu.memory_space<hbm>>
    %dma_start3A_225 = tpu.memref_squeeze %dma_start3A_224 : memref<1x640xi32, #tpu.memory_space<hbm>> -> memref<640xi32, #tpu.memory_space<hbm>>
    %dma_start3A_226 = tpu.memref_slice %arg4[%dma_start3A_223, %mul3A_217] : memref<2x800000xi32, #tpu.memory_space<hbm>> -> memref<1x640xi32, #tpu.memory_space<hbm>>
    %dma_start3A_227 = tpu.memref_squeeze %dma_start3A_226 : memref<1x640xi32, #tpu.memory_space<hbm>> -> memref<640xi32, #tpu.memory_space<hbm>>
    tpu.enqueue_dma source(%dma_start3A_227 : memref<640xi32, #tpu.memory_space<hbm>>) target(%arg12 : memref<640xi32, #tpu.memory_space<vmem>>) target_semaphore(%arg20 : memref<!tpu.dma_semaphore, #tpu.memory_space<semaphore_mem>>)
    %dma_start3A_228 = tpu.memref_slice %arg5[%mul3A_217] : memref<800000xi32, #tpu.memory_space<hbm>> -> memref<640xi32, #tpu.memory_space<hbm>>
    %dma_start3A_229 = tpu.memref_slice %arg5[%mul3A_217] : memref<800000xi32, #tpu.memory_space<hbm>> -> memref<640xi32, #tpu.memory_space<hbm>>
    tpu.enqueue_dma source(%dma_start3A_229 : memref<640xi32, #tpu.memory_space<hbm>>) target(%arg14 : memref<640xi32, #tpu.memory_space<vmem>>) target_semaphore(%arg20 : memref<!tpu.dma_semaphore, #tpu.memory_space<semaphore_mem>>)
    %scan3A_230 = arith.constant 0 : i32
    %scan3A_231 = arith.constant 0 : i32
    %scan3A_232 = arith.constant 640 : i32
    %scan3A_233 = arith.addi %scan3A_231, %scan3A_232 : i32
    %scan3A_234 = arith.constant 1 : i32
    %scan3A_235 = scf.for %scan3A_412 = %scan3A_231 to %scan3A_233 step %scan3A_234 iter_args(%scan3A_413 = %scan3A_230) -> (i32)  : i32 {
      %broadcast_in_dim3A = arith.constant 0.000000e+00 : f32
      %broadcast_in_dim3A_414 = vector.broadcast %broadcast_in_dim3A : f32 to vector<16xf32>
      %swap3A = arith.index_cast %scan3A_412 : i32 to index
      %swap3A_415 = arith.constant 0 : index
      %swap3A_416 = tpu.vector_load %arg17[%swap3A, %swap3A_415] {strides = array<i32>} : memref<640x16xf32, #tpu.memory_space<vmem>>, vector<1x16xf32>,
      %swap3A_417 = vector.shape_cast %swap3A_416 : vector<1x16xf32> to vector<16xf32>
      %swap3A_418 = vector.shape_cast %broadcast_in_dim3A_414 : vector<16xf32> to vector<1x16xf32>
      tpu.vector_store %arg17[%swap3A, %swap3A_415], %swap3A_418 {strides = array<i32>} : memref<640x16xf32, #tpu.memory_space<vmem>>, vector<1x16xf32>,
      %scan3A_419 = arith.constant 0 : i32
      scf.yield %scan3A_419 : i32
    }
    %scan3A_236 = arith.constant 640 : i32
    %mul3A_237 = arith.constant 6256 : i32
    %mul3A_238 = arith.muli %arg1, %mul3A_237 : i32
    %add3A_239 = arith.constant 0 : i32
    %add3A_240 = arith.addi %mul3A_238, %add3A_239 : i32
    %add3A_241 = arith.constant 640 : i32
    %add3A_242 = arith.addi %mul3A_238, %add3A_241 : i32
    %add3A_243 = arith.constant 1280 : i32
    %add3A_244 = arith.addi %mul3A_238, %add3A_243 : i32
    %add3A_245 = arith.constant 1920 : i32
    %add3A_246 = arith.addi %mul3A_238, %add3A_245 : i32
    %add3A_247 = arith.constant 2560 : i32
    %add3A_248 = arith.addi %mul3A_238, %add3A_247 : i32
    %add3A_249 = arith.constant 3200 : i32
    %add3A_250 = arith.addi %mul3A_238, %add3A_249 : i32
    %add3A_251 = arith.constant 3840 : i32
    %add3A_252 = arith.addi %mul3A_238, %add3A_251 : i32
    %add3A_253 = arith.constant 4480 : i32
    %add3A_254 = arith.addi %mul3A_238, %add3A_253 : i32
    %add3A_255 = arith.constant 5120 : i32
    %add3A_256 = arith.addi %mul3A_238, %add3A_255 : i32
    %add3A_257 = arith.constant 5760 : i32
    %add3A_258 = arith.addi %mul3A_238, %add3A_257 : i32
    %dma_start3A_259 = arith.constant 0 : i32
    %dma_start3A_260 = tpu.memref_slice %arg8[%add3A_240, %dma_start3A_259] : memref<100096x16xf32, #tpu.memory_space<vmem_shared>> -> memref<640x16xf32, #tpu.memory_space<vmem_shared>>
    %dma_start3A_261 = arith.constant 0 : i32
    %dma_start3A_262 = tpu.memref_slice %arg8[%add3A_240, %dma_start3A_261] : memref<100096x16xf32, #tpu.memory_space<vmem_shared>> -> memref<640x16xf32, #tpu.memory_space<vmem_shared>>
    tpu.enqueue_dma source(%arg17 : memref<640x16xf32, #tpu.memory_space<vmem>>) target(%dma_start3A_262 : memref<640x16xf32, #tpu.memory_space<vmem_shared>>) target_semaphore(%arg21 : memref<!tpu.dma_semaphore, #tpu.memory_space<semaphore_mem>>)
    %dma_start3A_263 = arith.constant 0 : i32
    %dma_start3A_264 = tpu.memref_slice %arg8[%add3A_242, %dma_start3A_263] : memref<100096x16xf32, #tpu.memory_space<vmem_shared>> -> memref<640x16xf32, #tpu.memory_space<vmem_shared>>
    %dma_start3A_265 = arith.constant 0 : i32
    %dma_start3A_266 = tpu.memref_slice %arg8[%add3A_242, %dma_start3A_265] : memref<100096x16xf32, #tpu.memory_space<vmem_shared>> -> memref<640x16xf32, #tpu.memory_space<vmem_shared>>
    tpu.enqueue_dma source(%arg17 : memref<640x16xf32, #tpu.memory_space<vmem>>) target(%dma_start3A_266 : memref<640x16xf32, #tpu.memory_space<vmem_shared>>) target_semaphore(%arg21 : memref<!tpu.dma_semaphore, #tpu.memory_space<semaphore_mem>>)
    %dma_start3A_267 = arith.constant 0 : i32
    %dma_start3A_268 = tpu.memref_slice %arg8[%add3A_244, %dma_start3A_267] : memref<100096x16xf32, #tpu.memory_space<vmem_shared>> -> memref<640x16xf32, #tpu.memory_space<vmem_shared>>
    %dma_start3A_269 = arith.constant 0 : i32
    %dma_start3A_270 = tpu.memref_slice %arg8[%add3A_244, %dma_start3A_269] : memref<100096x16xf32, #tpu.memory_space<vmem_shared>> -> memref<640x16xf32, #tpu.memory_space<vmem_shared>>
    tpu.enqueue_dma source(%arg17 : memref<640x16xf32, #tpu.memory_space<vmem>>) target(%dma_start3A_270 : memref<640x16xf32, #tpu.memory_space<vmem_shared>>) target_semaphore(%arg21 : memref<!tpu.dma_semaphore, #tpu.memory_space<semaphore_mem>>)
    %dma_start3A_271 = arith.constant 0 : i32
    %dma_start3A_272 = tpu.memref_slice %arg8[%add3A_246, %dma_start3A_271] : memref<100096x16xf32, #tpu.memory_space<vmem_shared>> -> memref<640x16xf32, #tpu.memory_space<vmem_shared>>
    %dma_start3A_273 = arith.constant 0 : i32
    %dma_start3A_274 = tpu.memref_slice %arg8[%add3A_246, %dma_start3A_273] : memref<100096x16xf32, #tpu.memory_space<vmem_shared>> -> memref<640x16xf32, #tpu.memory_space<vmem_shared>>
    tpu.enqueue_dma source(%arg17 : memref<640x16xf32, #tpu.memory_space<vmem>>) target(%dma_start3A_274 : memref<640x16xf32, #tpu.memory_space<vmem_shared>>) target_semaphore(%arg21 : memref<!tpu.dma_semaphore, #tpu.memory_space<semaphore_mem>>)
    %dma_start3A_275 = arith.constant 0 : i32
    %dma_start3A_276 = tpu.memref_slice %arg8[%add3A_248, %dma_start3A_275] : memref<100096x16xf32, #tpu.memory_space<vmem_shared>> -> memref<640x16xf32, #tpu.memory_space<vmem_shared>>
    %dma_start3A_277 = arith.constant 0 : i32
    %dma_start3A_278 = tpu.memref_slice %arg8[%add3A_248, %dma_start3A_277] : memref<100096x16xf32, #tpu.memory_space<vmem_shared>> -> memref<640x16xf32, #tpu.memory_space<vmem_shared>>
    tpu.enqueue_dma source(%arg17 : memref<640x16xf32, #tpu.memory_space<vmem>>) target(%dma_start3A_278 : memref<640x16xf32, #tpu.memory_space<vmem_shared>>) target_semaphore(%arg21 : memref<!tpu.dma_semaphore, #tpu.memory_space<semaphore_mem>>)
    %dma_start3A_279 = arith.constant 0 : i32
    %dma_start3A_280 = tpu.memref_slice %arg8[%add3A_250, %dma_start3A_279] : memref<100096x16xf32, #tpu.memory_space<vmem_shared>> -> memref<640x16xf32, #tpu.memory_space<vmem_shared>>
    %dma_start3A_281 = arith.constant 0 : i32
    %dma_start3A_282 = tpu.memref_slice %arg8[%add3A_250, %dma_start3A_281] : memref<100096x16xf32, #tpu.memory_space<vmem_shared>> -> memref<640x16xf32, #tpu.memory_space<vmem_shared>>
    tpu.enqueue_dma source(%arg17 : memref<640x16xf32, #tpu.memory_space<vmem>>) target(%dma_start3A_282 : memref<640x16xf32, #tpu.memory_space<vmem_shared>>) target_semaphore(%arg21 : memref<!tpu.dma_semaphore, #tpu.memory_space<semaphore_mem>>)
    %dma_start3A_283 = arith.constant 0 : i32
    %dma_start3A_284 = tpu.memref_slice %arg8[%add3A_252, %dma_start3A_283] : memref<100096x16xf32, #tpu.memory_space<vmem_shared>> -> memref<640x16xf32, #tpu.memory_space<vmem_shared>>
    %dma_start3A_285 = arith.constant 0 : i32
    %dma_start3A_286 = tpu.memref_slice %arg8[%add3A_252, %dma_start3A_285] : memref<100096x16xf32, #tpu.memory_space<vmem_shared>> -> memref<640x16xf32, #tpu.memory_space<vmem_shared>>
    tpu.enqueue_dma source(%arg17 : memref<640x16xf32, #tpu.memory_space<vmem>>) target(%dma_start3A_286 : memref<640x16xf32, #tpu.memory_space<vmem_shared>>) target_semaphore(%arg21 : memref<!tpu.dma_semaphore, #tpu.memory_space<semaphore_mem>>)
    %dma_start3A_287 = arith.constant 0 : i32
    %dma_start3A_288 = tpu.memref_slice %arg8[%add3A_254, %dma_start3A_287] : memref<100096x16xf32, #tpu.memory_space<vmem_shared>> -> memref<640x16xf32, #tpu.memory_space<vmem_shared>>
    %dma_start3A_289 = arith.constant 0 : i32
    %dma_start3A_290 = tpu.memref_slice %arg8[%add3A_254, %dma_start3A_289] : memref<100096x16xf32, #tpu.memory_space<vmem_shared>> -> memref<640x16xf32, #tpu.memory_space<vmem_shared>>
    tpu.enqueue_dma source(%arg17 : memref<640x16xf32, #tpu.memory_space<vmem>>) target(%dma_start3A_290 : memref<640x16xf32, #tpu.memory_space<vmem_shared>>) target_semaphore(%arg21 : memref<!tpu.dma_semaphore, #tpu.memory_space<semaphore_mem>>)
    %dma_start3A_291 = arith.constant 0 : i32
    %dma_start3A_292 = tpu.memref_slice %arg8[%add3A_256, %dma_start3A_291] : memref<100096x16xf32, #tpu.memory_space<vmem_shared>> -> memref<640x16xf32, #tpu.memory_space<vmem_shared>>
    %dma_start3A_293 = arith.constant 0 : i32
    %dma_start3A_294 = tpu.memref_slice %arg8[%add3A_256, %dma_start3A_293] : memref<100096x16xf32, #tpu.memory_space<vmem_shared>> -> memref<640x16xf32, #tpu.memory_space<vmem_shared>>
    tpu.enqueue_dma source(%arg17 : memref<640x16xf32, #tpu.memory_space<vmem>>) target(%dma_start3A_294 : memref<640x16xf32, #tpu.memory_space<vmem_shared>>) target_semaphore(%arg21 : memref<!tpu.dma_semaphore, #tpu.memory_space<semaphore_mem>>)
    %dma_start3A_295 = arith.constant 0 : i32
    %dma_start3A_296 = arith.constant 0 : i32
    %dma_start3A_297 = tpu.memref_slice %arg17[%dma_start3A_295, %dma_start3A_296] : memref<640x16xf32, #tpu.memory_space<vmem>> -> memref<496x16xf32, #tpu.memory_space<vmem>>
    %dma_start3A_298 = arith.constant 0 : i32
    %dma_start3A_299 = tpu.memref_slice %arg8[%add3A_258, %dma_start3A_298] : memref<100096x16xf32, #tpu.memory_space<vmem_shared>> -> memref<496x16xf32, #tpu.memory_space<vmem_shared>>
    %dma_start3A_300 = arith.constant 0 : i32
    %dma_start3A_301 = tpu.memref_slice %arg8[%add3A_258, %dma_start3A_300] : memref<100096x16xf32, #tpu.memory_space<vmem_shared>> -> memref<496x16xf32, #tpu.memory_space<vmem_shared>>
    %dma_start3A_302 = arith.constant 0 : i32
    %dma_start3A_303 = arith.constant 0 : i32
    %dma_start3A_304 = tpu.memref_slice %arg17[%dma_start3A_302, %dma_start3A_303] : memref<640x16xf32, #tpu.memory_space<vmem>> -> memref<496x16xf32, #tpu.memory_space<vmem>>
    tpu.enqueue_dma source(%dma_start3A_304 : memref<496x16xf32, #tpu.memory_space<vmem>>) target(%dma_start3A_301 : memref<496x16xf32, #tpu.memory_space<vmem_shared>>) target_semaphore(%arg21 : memref<!tpu.dma_semaphore, #tpu.memory_space<semaphore_mem>>)
    %dma_wait3A_305 = arith.constant 0 : i32
    %dma_wait3A_306 = tpu.memref_slice %arg8[%add3A_240, %dma_wait3A_305] : memref<100096x16xf32, #tpu.memory_space<vmem_shared>> -> memref<640x16xf32, #tpu.memory_space<vmem_shared>>
    %dma_wait3A_307 = arith.constant 0 : i32
    %dma_wait3A_308 = tpu.memref_slice %arg8[%add3A_240, %dma_wait3A_307] : memref<100096x16xf32, #tpu.memory_space<vmem_shared>> -> memref<640x16xf32, #tpu.memory_space<vmem_shared>>
    tpu.wait_dma2 semaphore(%arg21 : memref<!tpu.dma_semaphore, #tpu.memory_space<semaphore_mem>>) src(%arg17 : memref<640x16xf32, #tpu.memory_space<vmem>>) dst(%dma_wait3A_308 : memref<640x16xf32, #tpu.memory_space<vmem_shared>>)
    %dma_wait3A_309 = arith.constant 0 : i32
    %dma_wait3A_310 = tpu.memref_slice %arg8[%add3A_242, %dma_wait3A_309] : memref<100096x16xf32, #tpu.memory_space<vmem_shared>> -> memref<640x16xf32, #tpu.memory_space<vmem_shared>>
    %dma_wait3A_311 = arith.constant 0 : i32
    %dma_wait3A_312 = tpu.memref_slice %arg8[%add3A_242, %dma_wait3A_311] : memref<100096x16xf32, #tpu.memory_space<vmem_shared>> -> memref<640x16xf32, #tpu.memory_space<vmem_shared>>
    tpu.wait_dma2 semaphore(%arg21 : memref<!tpu.dma_semaphore, #tpu.memory_space<semaphore_mem>>) src(%arg17 : memref<640x16xf32, #tpu.memory_space<vmem>>) dst(%dma_wait3A_312 : memref<640x16xf32, #tpu.memory_space<vmem_shared>>)
    %dma_wait3A_313 = arith.constant 0 : i32
    %dma_wait3A_314 = tpu.memref_slice %arg8[%add3A_244, %dma_wait3A_313] : memref<100096x16xf32, #tpu.memory_space<vmem_shared>> -> memref<640x16xf32, #tpu.memory_space<vmem_shared>>
    %dma_wait3A_315 = arith.constant 0 : i32
    %dma_wait3A_316 = tpu.memref_slice %arg8[%add3A_244, %dma_wait3A_315] : memref<100096x16xf32, #tpu.memory_space<vmem_shared>> -> memref<640x16xf32, #tpu.memory_space<vmem_shared>>
    tpu.wait_dma2 semaphore(%arg21 : memref<!tpu.dma_semaphore, #tpu.memory_space<semaphore_mem>>) src(%arg17 : memref<640x16xf32, #tpu.memory_space<vmem>>) dst(%dma_wait3A_316 : memref<640x16xf32, #tpu.memory_space<vmem_shared>>)
    %dma_wait3A_317 = arith.constant 0 : i32
    %dma_wait3A_318 = tpu.memref_slice %arg8[%add3A_246, %dma_wait3A_317] : memref<100096x16xf32, #tpu.memory_space<vmem_shared>> -> memref<640x16xf32, #tpu.memory_space<vmem_shared>>
    %dma_wait3A_319 = arith.constant 0 : i32
    %dma_wait3A_320 = tpu.memref_slice %arg8[%add3A_246, %dma_wait3A_319] : memref<100096x16xf32, #tpu.memory_space<vmem_shared>> -> memref<640x16xf32, #tpu.memory_space<vmem_shared>>
    tpu.wait_dma2 semaphore(%arg21 : memref<!tpu.dma_semaphore, #tpu.memory_space<semaphore_mem>>) src(%arg17 : memref<640x16xf32, #tpu.memory_space<vmem>>) dst(%dma_wait3A_320 : memref<640x16xf32, #tpu.memory_space<vmem_shared>>)
    %dma_wait3A_321 = arith.constant 0 : i32
    %dma_wait3A_322 = tpu.memref_slice %arg8[%add3A_248, %dma_wait3A_321] : memref<100096x16xf32, #tpu.memory_space<vmem_shared>> -> memref<640x16xf32, #tpu.memory_space<vmem_shared>>
    %dma_wait3A_323 = arith.constant 0 : i32
    %dma_wait3A_324 = tpu.memref_slice %arg8[%add3A_248, %dma_wait3A_323] : memref<100096x16xf32, #tpu.memory_space<vmem_shared>> -> memref<640x16xf32, #tpu.memory_space<vmem_shared>>
    tpu.wait_dma2 semaphore(%arg21 : memref<!tpu.dma_semaphore, #tpu.memory_space<semaphore_mem>>) src(%arg17 : memref<640x16xf32, #tpu.memory_space<vmem>>) dst(%dma_wait3A_324 : memref<640x16xf32, #tpu.memory_space<vmem_shared>>)
    %dma_wait3A_325 = arith.constant 0 : i32
    %dma_wait3A_326 = tpu.memref_slice %arg8[%add3A_250, %dma_wait3A_325] : memref<100096x16xf32, #tpu.memory_space<vmem_shared>> -> memref<640x16xf32, #tpu.memory_space<vmem_shared>>
    %dma_wait3A_327 = arith.constant 0 : i32
    %dma_wait3A_328 = tpu.memref_slice %arg8[%add3A_250, %dma_wait3A_327] : memref<100096x16xf32, #tpu.memory_space<vmem_shared>> -> memref<640x16xf32, #tpu.memory_space<vmem_shared>>
    tpu.wait_dma2 semaphore(%arg21 : memref<!tpu.dma_semaphore, #tpu.memory_space<semaphore_mem>>) src(%arg17 : memref<640x16xf32, #tpu.memory_space<vmem>>) dst(%dma_wait3A_328 : memref<640x16xf32, #tpu.memory_space<vmem_shared>>)
    %dma_wait3A_329 = arith.constant 0 : i32
    %dma_wait3A_330 = tpu.memref_slice %arg8[%add3A_252, %dma_wait3A_329] : memref<100096x16xf32, #tpu.memory_space<vmem_shared>> -> memref<640x16xf32, #tpu.memory_space<vmem_shared>>
    %dma_wait3A_331 = arith.constant 0 : i32
    %dma_wait3A_332 = tpu.memref_slice %arg8[%add3A_252, %dma_wait3A_331] : memref<100096x16xf32, #tpu.memory_space<vmem_shared>> -> memref<640x16xf32, #tpu.memory_space<vmem_shared>>
    tpu.wait_dma2 semaphore(%arg21 : memref<!tpu.dma_semaphore, #tpu.memory_space<semaphore_mem>>) src(%arg17 : memref<640x16xf32, #tpu.memory_space<vmem>>) dst(%dma_wait3A_332 : memref<640x16xf32, #tpu.memory_space<vmem_shared>>)
    %dma_wait3A_333 = arith.constant 0 : i32
    %dma_wait3A_334 = tpu.memref_slice %arg8[%add3A_254, %dma_wait3A_333] : memref<100096x16xf32, #tpu.memory_space<vmem_shared>> -> memref<640x16xf32, #tpu.memory_space<vmem_shared>>
    %dma_wait3A_335 = arith.constant 0 : i32
    %dma_wait3A_336 = tpu.memref_slice %arg8[%add3A_254, %dma_wait3A_335] : memref<100096x16xf32, #tpu.memory_space<vmem_shared>> -> memref<640x16xf32, #tpu.memory_space<vmem_shared>>
    tpu.wait_dma2 semaphore(%arg21 : memref<!tpu.dma_semaphore, #tpu.memory_space<semaphore_mem>>) src(%arg17 : memref<640x16xf32, #tpu.memory_space<vmem>>) dst(%dma_wait3A_336 : memref<640x16xf32, #tpu.memory_space<vmem_shared>>)
    %dma_wait3A_337 = arith.constant 0 : i32
    %dma_wait3A_338 = tpu.memref_slice %arg8[%add3A_256, %dma_wait3A_337] : memref<100096x16xf32, #tpu.memory_space<vmem_shared>> -> memref<640x16xf32, #tpu.memory_space<vmem_shared>>
    %dma_wait3A_339 = arith.constant 0 : i32
    %dma_wait3A_340 = tpu.memref_slice %arg8[%add3A_256, %dma_wait3A_339] : memref<100096x16xf32, #tpu.memory_space<vmem_shared>> -> memref<640x16xf32, #tpu.memory_space<vmem_shared>>
    tpu.wait_dma2 semaphore(%arg21 : memref<!tpu.dma_semaphore, #tpu.memory_space<semaphore_mem>>) src(%arg17 : memref<640x16xf32, #tpu.memory_space<vmem>>) dst(%dma_wait3A_340 : memref<640x16xf32, #tpu.memory_space<vmem_shared>>)
    %dma_wait3A_341 = arith.constant 0 : i32
    %dma_wait3A_342 = arith.constant 0 : i32
    %dma_wait3A_343 = tpu.memref_slice %arg17[%dma_wait3A_341, %dma_wait3A_342] : memref<640x16xf32, #tpu.memory_space<vmem>> -> memref<496x16xf32, #tpu.memory_space<vmem>>
    %dma_wait3A_344 = arith.constant 0 : i32
    %dma_wait3A_345 = tpu.memref_slice %arg8[%add3A_258, %dma_wait3A_344] : memref<100096x16xf32, #tpu.memory_space<vmem_shared>> -> memref<496x16xf32, #tpu.memory_space<vmem_shared>>
    %dma_wait3A_346 = arith.constant 0 : i32
    %dma_wait3A_347 = tpu.memref_slice %arg8[%add3A_258, %dma_wait3A_346] : memref<100096x16xf32, #tpu.memory_space<vmem_shared>> -> memref<496x16xf32, #tpu.memory_space<vmem_shared>>
    %dma_wait3A_348 = arith.constant 0 : i32
    %dma_wait3A_349 = arith.constant 0 : i32
    %dma_wait3A_350 = tpu.memref_slice %arg17[%dma_wait3A_348, %dma_wait3A_349] : memref<640x16xf32, #tpu.memory_space<vmem>> -> memref<496x16xf32, #tpu.memory_space<vmem>>
    tpu.wait_dma2 semaphore(%arg21 : memref<!tpu.dma_semaphore, #tpu.memory_space<semaphore_mem>>) src(%dma_wait3A_350 : memref<496x16xf32, #tpu.memory_space<vmem>>) dst(%dma_wait3A_347 : memref<496x16xf32, #tpu.memory_space<vmem_shared>>)
    %barrier3A_351 = arith.constant 0 : index
    tpu.barrier barrier_id(%barrier3A_351)
    %scan3A_352 = arith.constant 0 : i32
    %scan3A_353 = arith.constant 0 : i32
    %scan3A_354 = arith.constant 40 : i32
    %scan3A_355 = arith.addi %scan3A_353, %scan3A_354 : i32
    %scan3A_356 = arith.constant 1 : i32
    %scan3A_357 = scf.for %scan3A_412 = %scan3A_353 to %scan3A_355 step %scan3A_356 iter_args(%scan3A_413 = %scan3A_352) -> (i32)  : i32 {
      %mul3A_414 = arith.constant 2 : i32
      %mul3A_415 = arith.muli %mul3A_414, %scan3A_412 : i32
      %add3A_416 = arith.constant 0 : i32
      %add3A_417 = arith.addi %mul3A_415, %add3A_416 : i32
      %mul3A_418 = arith.constant 16 : i32
      %mul3A_419 = arith.muli %add3A_417, %mul3A_418 : i32
      %add3A_420 = arith.addi %mul3A_419, %arg1 : i32
      %lt3A = arith.constant 1250 : i32
      %lt3A_421 = arith.cmpi slt, %add3A_420, %lt3A : i32
      %convert_element_type3A_422 = arith.extui %lt3A_421 : i1 to i32
      %cond3A_423 = arith.constant 0 : i32
      %cond3A_424 = arith.cmpi ne, %convert_element_type3A_422, %cond3A_423 : i32
      scf.if %cond3A_424 {
        %ge3A_438 = arith.constant 1 : i32
        %ge3A_439 = arith.cmpi sge, %scan3A_412, %ge3A_438 : i32
        %convert_element_type3A_440 = arith.extui %ge3A_439 : i1 to i32
        %cond3A_441 = arith.constant 0 : i32
        %cond3A_442 = arith.cmpi ne, %convert_element_type3A_440, %cond3A_441 : i32
        scf.if %cond3A_442 {
          %dma_wait3A_480 = arith.constant 0 : i32
          %dma_wait3A_481 = arith.constant 0 : i32
          %dma_wait3A_482 = tpu.memref_slice %arg8[%dma_wait3A_480, %dma_wait3A_481] : memref<100096x16xf32, #tpu.memory_space<vmem_shared>> -> memref<100096x16xf32, #tpu.memory_space<vmem_shared>>
          tpu.wait_indirect_dma semaphore(%arg23 : memref<!tpu.dma_semaphore, #tpu.memory_space<semaphore_mem>>) src(%arg17 : memref<640x16xf32, #tpu.memory_space<vmem>>) dst(%dma_wait3A_482 : memref<100096x16xf32, #tpu.memory_space<vmem_shared>>)
        } else {
        }
        %mul3A_443 = arith.constant 640 : i32
        %mul3A_444 = arith.muli %add3A_420, %mul3A_443 : i32
        %dma_wait3A_445 = arith.constant 0 : i32
        %dma_wait3A_446 = tpu.memref_slice %arg4[%dma_wait3A_445, %mul3A_444] : memref<2x800000xi32, #tpu.memory_space<hbm>> -> memref<1x640xi32, #tpu.memory_space<hbm>>
        %dma_wait3A_447 = tpu.memref_squeeze %dma_wait3A_446 : memref<1x640xi32, #tpu.memory_space<hbm>> -> memref<640xi32, #tpu.memory_space<hbm>>
        %dma_wait3A_448 = tpu.memref_slice %arg4[%dma_wait3A_445, %mul3A_444] : memref<2x800000xi32, #tpu.memory_space<hbm>> -> memref<1x640xi32, #tpu.memory_space<hbm>>
        %dma_wait3A_449 = tpu.memref_squeeze %dma_wait3A_448 : memref<1x640xi32, #tpu.memory_space<hbm>> -> memref<640xi32, #tpu.memory_space<hbm>>
        tpu.wait_dma2 semaphore(%arg19 : memref<!tpu.dma_semaphore, #tpu.memory_space<semaphore_mem>>) src(%dma_wait3A_449 : memref<640xi32, #tpu.memory_space<hbm>>) dst(%arg9 : memref<640xi32, #tpu.memory_space<vmem>>)
        %dma_wait3A_450 = arith.constant 1 : i32
        %dma_wait3A_451 = tpu.memref_slice %arg4[%dma_wait3A_450, %mul3A_444] : memref<2x800000xi32, #tpu.memory_space<hbm>> -> memref<1x640xi32, #tpu.memory_space<hbm>>
        %dma_wait3A_452 = tpu.memref_squeeze %dma_wait3A_451 : memref<1x640xi32, #tpu.memory_space<hbm>> -> memref<640xi32, #tpu.memory_space<hbm>>
        %dma_wait3A_453 = tpu.memref_slice %arg4[%dma_wait3A_450, %mul3A_444] : memref<2x800000xi32, #tpu.memory_space<hbm>> -> memref<1x640xi32, #tpu.memory_space<hbm>>
        %dma_wait3A_454 = tpu.memref_squeeze %dma_wait3A_453 : memref<1x640xi32, #tpu.memory_space<hbm>> -> memref<640xi32, #tpu.memory_space<hbm>>
        tpu.wait_dma2 semaphore(%arg19 : memref<!tpu.dma_semaphore, #tpu.memory_space<semaphore_mem>>) src(%dma_wait3A_454 : memref<640xi32, #tpu.memory_space<hbm>>) dst(%arg11 : memref<640xi32, #tpu.memory_space<vmem>>)
        %dma_wait3A_455 = tpu.memref_slice %arg5[%mul3A_444] : memref<800000xi32, #tpu.memory_space<hbm>> -> memref<640xi32, #tpu.memory_space<hbm>>
        %dma_wait3A_456 = tpu.memref_slice %arg5[%mul3A_444] : memref<800000xi32, #tpu.memory_space<hbm>> -> memref<640xi32, #tpu.memory_space<hbm>>
        tpu.wait_dma2 semaphore(%arg19 : memref<!tpu.dma_semaphore, #tpu.memory_space<semaphore_mem>>) src(%dma_wait3A_456 : memref<640xi32, #tpu.memory_space<hbm>>) dst(%arg13 : memref<640xi32, #tpu.memory_space<vmem>>)
        %dma_start3A_457 = arith.constant 0 : i32
        %dma_start3A_458 = arith.constant 0 : i32
        %dma_start3A_459 = tpu.memref_slice %arg3[%dma_start3A_457, %dma_start3A_458] : memref<50000x16xf32, #tpu.memory_space<hbm>> -> memref<50000x16xf32, #tpu.memory_space<hbm>>
        tpu.enqueue_indirect_dma source(%dma_start3A_459 : memref<50000x16xf32, #tpu.memory_space<hbm>>) target(%arg17 : memref<640x16xf32, #tpu.memory_space<vmem>>) offsets(%arg9 : memref<640xi32, #tpu.memory_space<vmem>>) semaphore(%arg21 : memref<!tpu.dma_semaphore, #tpu.memory_space<semaphore_mem>>)
        %scan3A_460 = arith.constant 0 : i32
        %scan3A_461 = arith.constant 0 : i32
        %scan3A_462 = arith.constant 40 : i32
        %scan3A_463 = arith.addi %scan3A_461, %scan3A_462 : i32
        %scan3A_464 = arith.constant 1 : i32
        %scan3A_465 = scf.for %scan3A_480 = %scan3A_461 to %scan3A_463 step %scan3A_464 iter_args(%scan3A_481 = %scan3A_460) -> (i32)  : i32 {
          %mul3A_482 = arith.constant 16 : i32
          %mul3A_483 = arith.muli %scan3A_480, %mul3A_482 : i32
          %get3A = arith.index_cast %mul3A_483 : i32 to index
          %get3A_484 = tpu.vector_load %arg11[%get3A] {strides = array<i32>} : memref<640xi32, #tpu.memory_space<vmem>>, vector<16xi32>,
          %get3A_485 = vector.shape_cast %get3A_484 : vector<16xi32> to vector<16xi32>
          %mul3A_486 = arith.constant 16 : i32
          %mul3A_487 = arith.muli %scan3A_480, %mul3A_486 : i32
          %get3A_488 = arith.index_cast %mul3A_487 : i32 to index
          %get3A_489 = tpu.vector_load %arg13[%get3A_488] {strides = array<i32>} : memref<640xi32, #tpu.memory_space<vmem>>, vector<16xi32>,
          %get3A_490 = vector.shape_cast %get3A_489 : vector<16xi32> to vector<16xi32>
          %sub3A_491 = vector.broadcast %mul3A_0 : i32 to vector<16xi32>
          %sub3A_492 = arith.subi %get3A_485, %sub3A_491 : vector<16xi32>
          %ge3A_493 = arith.constant 0 : i32
          %ge3A_494 = vector.broadcast %ge3A_493 : i32 to vector<16xi32>
          %ge3A_495 = arith.cmpi sge, %sub3A_492, %ge3A_494 : vector<16xi32>
          %lt3A_496 = arith.constant 25000 : i32
          %lt3A_497 = vector.broadcast %lt3A_496 : i32 to vector<16xi32>
          %lt3A_498 = arith.cmpi slt, %sub3A_492, %lt3A_497 : vector<16xi32>
          %and3A_499 = arith.andi %ge3A_495, %lt3A_498 : vector<16xi1>
          %mul3A_500 = arith.constant 25000 : i32
          %mul3A_501 = vector.broadcast %mul3A_500 : i32 to vector<16xi32>
          %mul3A_502 = arith.muli %get3A_490, %mul3A_501 : vector<16xi32>
          %add3A_503 = arith.addi %mul3A_502, %sub3A_492 : vector<16xi32>
          %broadcast_in_dim3A = vector.broadcast %add3A_1 : i32 to vector<16xi32>
          %select_n3A_504 = arith.select %and3A_499, %add3A_503, %broadcast_in_dim3A : vector<16xi1>, vector<16xi32>
          %mul3A_505 = arith.constant 16 : i32
          %mul3A_506 = arith.muli %scan3A_480, %mul3A_505 : i32
          %swap3A = arith.index_cast %mul3A_506 : i32 to index
          %swap3A_507 = tpu.vector_load %arg15[%swap3A] {strides = array<i32>} : memref<640xi32, #tpu.memory_space<vmem>>, vector<16xi32>,
          %swap3A_508 = vector.shape_cast %swap3A_507 : vector<16xi32> to vector<16xi32>
          %swap3A_509 = vector.shape_cast %select_n3A_504 : vector<16xi32> to vector<16xi32>
          tpu.vector_store %arg15[%swap3A], %swap3A_509 {strides = array<i32>} : memref<640xi32, #tpu.memory_space<vmem>>, vector<16xi32>,
          %scan3A_510 = arith.constant 0 : i32
          scf.yield %scan3A_510 : i32
        }
        %scan3A_466 = arith.constant 40 : i32
        %dma_wait3A_467 = arith.constant 0 : i32
        %dma_wait3A_468 = arith.constant 0 : i32
        %dma_wait3A_469 = tpu.memref_slice %arg3[%dma_wait3A_467, %dma_wait3A_468] : memref<50000x16xf32, #tpu.memory_space<hbm>> -> memref<50000x16xf32, #tpu.memory_space<hbm>>
        tpu.wait_indirect_dma semaphore(%arg21 : memref<!tpu.dma_semaphore, #tpu.memory_space<semaphore_mem>>) src(%dma_wait3A_469 : memref<50000x16xf32, #tpu.memory_space<hbm>>) dst(%arg17 : memref<640x16xf32, #tpu.memory_space<vmem>>)
        %add3A_470 = arith.constant 32 : i32
        %add3A_471 = arith.addi %add3A_420, %add3A_470 : i32
        %lt3A_472 = arith.constant 1250 : i32
        %lt3A_473 = arith.cmpi slt, %add3A_471, %lt3A_472 : i32
        %convert_element_type3A_474 = arith.extui %lt3A_473 : i1 to i32
        %cond3A_475 = arith.constant 0 : i32
        %cond3A_476 = arith.cmpi ne, %convert_element_type3A_474, %cond3A_475 : i32
        scf.if %cond3A_476 {
          %add3A_480 = arith.constant 32 : i32
          %add3A_481 = arith.addi %add3A_420, %add3A_480 : i32
          %mul3A_482 = arith.constant 640 : i32
          %mul3A_483 = arith.muli %add3A_481, %mul3A_482 : i32
          %dma_start3A_484 = arith.constant 0 : i32
          %dma_start3A_485 = tpu.memref_slice %arg4[%dma_start3A_484, %mul3A_483] : memref<2x800000xi32, #tpu.memory_space<hbm>> -> memref<1x640xi32, #tpu.memory_space<hbm>>
          %dma_start3A_486 = tpu.memref_squeeze %dma_start3A_485 : memref<1x640xi32, #tpu.memory_space<hbm>> -> memref<640xi32, #tpu.memory_space<hbm>>
          %dma_start3A_487 = tpu.memref_slice %arg4[%dma_start3A_484, %mul3A_483] : memref<2x800000xi32, #tpu.memory_space<hbm>> -> memref<1x640xi32, #tpu.memory_space<hbm>>
          %dma_start3A_488 = tpu.memref_squeeze %dma_start3A_487 : memref<1x640xi32, #tpu.memory_space<hbm>> -> memref<640xi32, #tpu.memory_space<hbm>>
          tpu.enqueue_dma source(%dma_start3A_488 : memref<640xi32, #tpu.memory_space<hbm>>) target(%arg9 : memref<640xi32, #tpu.memory_space<vmem>>) target_semaphore(%arg19 : memref<!tpu.dma_semaphore, #tpu.memory_space<semaphore_mem>>)
          %dma_start3A_489 = arith.constant 1 : i32
          %dma_start3A_490 = tpu.memref_slice %arg4[%dma_start3A_489, %mul3A_483] : memref<2x800000xi32, #tpu.memory_space<hbm>> -> memref<1x640xi32, #tpu.memory_space<hbm>>
          %dma_start3A_491 = tpu.memref_squeeze %dma_start3A_490 : memref<1x640xi32, #tpu.memory_space<hbm>> -> memref<640xi32, #tpu.memory_space<hbm>>
          %dma_start3A_492 = tpu.memref_slice %arg4[%dma_start3A_489, %mul3A_483] : memref<2x800000xi32, #tpu.memory_space<hbm>> -> memref<1x640xi32, #tpu.memory_space<hbm>>
          %dma_start3A_493 = tpu.memref_squeeze %dma_start3A_492 : memref<1x640xi32, #tpu.memory_space<hbm>> -> memref<640xi32, #tpu.memory_space<hbm>>
          tpu.enqueue_dma source(%dma_start3A_493 : memref<640xi32, #tpu.memory_space<hbm>>) target(%arg11 : memref<640xi32, #tpu.memory_space<vmem>>) target_semaphore(%arg19 : memref<!tpu.dma_semaphore, #tpu.memory_space<semaphore_mem>>)
          %dma_start3A_494 = tpu.memref_slice %arg5[%mul3A_483] : memref<800000xi32, #tpu.memory_space<hbm>> -> memref<640xi32, #tpu.memory_space<hbm>>
          %dma_start3A_495 = tpu.memref_slice %arg5[%mul3A_483] : memref<800000xi32, #tpu.memory_space<hbm>> -> memref<640xi32, #tpu.memory_space<hbm>>
          tpu.enqueue_dma source(%dma_start3A_495 : memref<640xi32, #tpu.memory_space<hbm>>) target(%arg13 : memref<640xi32, #tpu.memory_space<vmem>>) target_semaphore(%arg19 : memref<!tpu.dma_semaphore, #tpu.memory_space<semaphore_mem>>)
        } else {
        }
        %dma_start3A_477 = arith.constant 0 : i32
        %dma_start3A_478 = arith.constant 0 : i32
        %dma_start3A_479 = tpu.memref_slice %arg8[%dma_start3A_477, %dma_start3A_478] : memref<100096x16xf32, #tpu.memory_space<vmem_shared>> -> memref<100096x16xf32, #tpu.memory_space<vmem_shared>>
        tpu.enqueue_indirect_dma source(%arg17 : memref<640x16xf32, #tpu.memory_space<vmem>>) target(%dma_start3A_479 : memref<100096x16xf32, #tpu.memory_space<vmem_shared>>) offsets(%arg15 : memref<640xi32, #tpu.memory_space<vmem>>) semaphore(%arg23 : memref<!tpu.dma_semaphore, #tpu.memory_space<semaphore_mem>>) {add = true}
      } else {
      }
      %mul3A_425 = arith.constant 2 : i32
      %mul3A_426 = arith.muli %mul3A_425, %scan3A_412 : i32
      %add3A_427 = arith.constant 1 : i32
      %add3A_428 = arith.addi %mul3A_426, %add3A_427 : i32
      %mul3A_429 = arith.constant 16 : i32
      %mul3A_430 = arith.muli %add3A_428, %mul3A_429 : i32
      %add3A_431 = arith.addi %mul3A_430, %arg1 : i32
      %lt3A_432 = arith.constant 1250 : i32
      %lt3A_433 = arith.cmpi slt, %add3A_431, %lt3A_432 : i32
      %convert_element_type3A_434 = arith.extui %lt3A_433 : i1 to i32
      %cond3A_435 = arith.constant 0 : i32
      %cond3A_436 = arith.cmpi ne, %convert_element_type3A_434, %cond3A_435 : i32
      scf.if %cond3A_436 {
        %ge3A_438 = arith.constant 1 : i32
        %ge3A_439 = arith.cmpi sge, %scan3A_412, %ge3A_438 : i32
        %convert_element_type3A_440 = arith.extui %ge3A_439 : i1 to i32
        %cond3A_441 = arith.constant 0 : i32
        %cond3A_442 = arith.cmpi ne, %convert_element_type3A_440, %cond3A_441 : i32
        scf.if %cond3A_442 {
          %dma_wait3A_480 = arith.constant 0 : i32
          %dma_wait3A_481 = arith.constant 0 : i32
          %dma_wait3A_482 = tpu.memref_slice %arg8[%dma_wait3A_480, %dma_wait3A_481] : memref<100096x16xf32, #tpu.memory_space<vmem_shared>> -> memref<100096x16xf32, #tpu.memory_space<vmem_shared>>
          tpu.wait_indirect_dma semaphore(%arg24 : memref<!tpu.dma_semaphore, #tpu.memory_space<semaphore_mem>>) src(%arg18 : memref<640x16xf32, #tpu.memory_space<vmem>>) dst(%dma_wait3A_482 : memref<100096x16xf32, #tpu.memory_space<vmem_shared>>)
        } else {
        }
        %mul3A_443 = arith.constant 640 : i32
        %mul3A_444 = arith.muli %add3A_431, %mul3A_443 : i32
        %dma_wait3A_445 = arith.constant 0 : i32
        %dma_wait3A_446 = tpu.memref_slice %arg4[%dma_wait3A_445, %mul3A_444] : memref<2x800000xi32, #tpu.memory_space<hbm>> -> memref<1x640xi32, #tpu.memory_space<hbm>>
        %dma_wait3A_447 = tpu.memref_squeeze %dma_wait3A_446 : memref<1x640xi32, #tpu.memory_space<hbm>> -> memref<640xi32, #tpu.memory_space<hbm>>
        %dma_wait3A_448 = tpu.memref_slice %arg4[%dma_wait3A_445, %mul3A_444] : memref<2x800000xi32, #tpu.memory_space<hbm>> -> memref<1x640xi32, #tpu.memory_space<hbm>>
        %dma_wait3A_449 = tpu.memref_squeeze %dma_wait3A_448 : memref<1x640xi32, #tpu.memory_space<hbm>> -> memref<640xi32, #tpu.memory_space<hbm>>
        tpu.wait_dma2 semaphore(%arg20 : memref<!tpu.dma_semaphore, #tpu.memory_space<semaphore_mem>>) src(%dma_wait3A_449 : memref<640xi32, #tpu.memory_space<hbm>>) dst(%arg10 : memref<640xi32, #tpu.memory_space<vmem>>)
        %dma_wait3A_450 = arith.constant 1 : i32
        %dma_wait3A_451 = tpu.memref_slice %arg4[%dma_wait3A_450, %mul3A_444] : memref<2x800000xi32, #tpu.memory_space<hbm>> -> memref<1x640xi32, #tpu.memory_space<hbm>>
        %dma_wait3A_452 = tpu.memref_squeeze %dma_wait3A_451 : memref<1x640xi32, #tpu.memory_space<hbm>> -> memref<640xi32, #tpu.memory_space<hbm>>
        %dma_wait3A_453 = tpu.memref_slice %arg4[%dma_wait3A_450, %mul3A_444] : memref<2x800000xi32, #tpu.memory_space<hbm>> -> memref<1x640xi32, #tpu.memory_space<hbm>>
        %dma_wait3A_454 = tpu.memref_squeeze %dma_wait3A_453 : memref<1x640xi32, #tpu.memory_space<hbm>> -> memref<640xi32, #tpu.memory_space<hbm>>
        tpu.wait_dma2 semaphore(%arg20 : memref<!tpu.dma_semaphore, #tpu.memory_space<semaphore_mem>>) src(%dma_wait3A_454 : memref<640xi32, #tpu.memory_space<hbm>>) dst(%arg12 : memref<640xi32, #tpu.memory_space<vmem>>)
        %dma_wait3A_455 = tpu.memref_slice %arg5[%mul3A_444] : memref<800000xi32, #tpu.memory_space<hbm>> -> memref<640xi32, #tpu.memory_space<hbm>>
        %dma_wait3A_456 = tpu.memref_slice %arg5[%mul3A_444] : memref<800000xi32, #tpu.memory_space<hbm>> -> memref<640xi32, #tpu.memory_space<hbm>>
        tpu.wait_dma2 semaphore(%arg20 : memref<!tpu.dma_semaphore, #tpu.memory_space<semaphore_mem>>) src(%dma_wait3A_456 : memref<640xi32, #tpu.memory_space<hbm>>) dst(%arg14 : memref<640xi32, #tpu.memory_space<vmem>>)
        %dma_start3A_457 = arith.constant 0 : i32
        %dma_start3A_458 = arith.constant 0 : i32
        %dma_start3A_459 = tpu.memref_slice %arg3[%dma_start3A_457, %dma_start3A_458] : memref<50000x16xf32, #tpu.memory_space<hbm>> -> memref<50000x16xf32, #tpu.memory_space<hbm>>
        tpu.enqueue_indirect_dma source(%dma_start3A_459 : memref<50000x16xf32, #tpu.memory_space<hbm>>) target(%arg18 : memref<640x16xf32, #tpu.memory_space<vmem>>) offsets(%arg10 : memref<640xi32, #tpu.memory_space<vmem>>) semaphore(%arg22 : memref<!tpu.dma_semaphore, #tpu.memory_space<semaphore_mem>>)
        %scan3A_460 = arith.constant 0 : i32
        %scan3A_461 = arith.constant 0 : i32
        %scan3A_462 = arith.constant 40 : i32
        %scan3A_463 = arith.addi %scan3A_461, %scan3A_462 : i32
        %scan3A_464 = arith.constant 1 : i32
        %scan3A_465 = scf.for %scan3A_480 = %scan3A_461 to %scan3A_463 step %scan3A_464 iter_args(%scan3A_481 = %scan3A_460) -> (i32)  : i32 {
          %mul3A_482 = arith.constant 16 : i32
          %mul3A_483 = arith.muli %scan3A_480, %mul3A_482 : i32
          %get3A = arith.index_cast %mul3A_483 : i32 to index
          %get3A_484 = tpu.vector_load %arg12[%get3A] {strides = array<i32>} : memref<640xi32, #tpu.memory_space<vmem>>, vector<16xi32>,
          %get3A_485 = vector.shape_cast %get3A_484 : vector<16xi32> to vector<16xi32>
          %mul3A_486 = arith.constant 16 : i32
          %mul3A_487 = arith.muli %scan3A_480, %mul3A_486 : i32
          %get3A_488 = arith.index_cast %mul3A_487 : i32 to index
          %get3A_489 = tpu.vector_load %arg14[%get3A_488] {strides = array<i32>} : memref<640xi32, #tpu.memory_space<vmem>>, vector<16xi32>,
          %get3A_490 = vector.shape_cast %get3A_489 : vector<16xi32> to vector<16xi32>
          %sub3A_491 = vector.broadcast %mul3A_0 : i32 to vector<16xi32>
          %sub3A_492 = arith.subi %get3A_485, %sub3A_491 : vector<16xi32>
          %ge3A_493 = arith.constant 0 : i32
          %ge3A_494 = vector.broadcast %ge3A_493 : i32 to vector<16xi32>
          %ge3A_495 = arith.cmpi sge, %sub3A_492, %ge3A_494 : vector<16xi32>
          %lt3A_496 = arith.constant 25000 : i32
          %lt3A_497 = vector.broadcast %lt3A_496 : i32 to vector<16xi32>
          %lt3A_498 = arith.cmpi slt, %sub3A_492, %lt3A_497 : vector<16xi32>
          %and3A_499 = arith.andi %ge3A_495, %lt3A_498 : vector<16xi1>
          %mul3A_500 = arith.constant 25000 : i32
          %mul3A_501 = vector.broadcast %mul3A_500 : i32 to vector<16xi32>
          %mul3A_502 = arith.muli %get3A_490, %mul3A_501 : vector<16xi32>
          %add3A_503 = arith.addi %mul3A_502, %sub3A_492 : vector<16xi32>
          %broadcast_in_dim3A = vector.broadcast %add3A_1 : i32 to vector<16xi32>
          %select_n3A_504 = arith.select %and3A_499, %add3A_503, %broadcast_in_dim3A : vector<16xi1>, vector<16xi32>
          %mul3A_505 = arith.constant 16 : i32
          %mul3A_506 = arith.muli %scan3A_480, %mul3A_505 : i32
          %swap3A = arith.index_cast %mul3A_506 : i32 to index
          %swap3A_507 = tpu.vector_load %arg16[%swap3A] {strides = array<i32>} : memref<640xi32, #tpu.memory_space<vmem>>, vector<16xi32>,
          %swap3A_508 = vector.shape_cast %swap3A_507 : vector<16xi32> to vector<16xi32>
          %swap3A_509 = vector.shape_cast %select_n3A_504 : vector<16xi32> to vector<16xi32>
          tpu.vector_store %arg16[%swap3A], %swap3A_509 {strides = array<i32>} : memref<640xi32, #tpu.memory_space<vmem>>, vector<16xi32>,
          %scan3A_510 = arith.constant 0 : i32
          scf.yield %scan3A_510 : i32
        }
        %scan3A_466 = arith.constant 40 : i32
        %dma_wait3A_467 = arith.constant 0 : i32
        %dma_wait3A_468 = arith.constant 0 : i32
        %dma_wait3A_469 = tpu.memref_slice %arg3[%dma_wait3A_467, %dma_wait3A_468] : memref<50000x16xf32, #tpu.memory_space<hbm>> -> memref<50000x16xf32, #tpu.memory_space<hbm>>
        tpu.wait_indirect_dma semaphore(%arg22 : memref<!tpu.dma_semaphore, #tpu.memory_space<semaphore_mem>>) src(%dma_wait3A_469 : memref<50000x16xf32, #tpu.memory_space<hbm>>) dst(%arg18 : memref<640x16xf32, #tpu.memory_space<vmem>>)
        %add3A_470 = arith.constant 32 : i32
        %add3A_471 = arith.addi %add3A_431, %add3A_470 : i32
        %lt3A_472 = arith.constant 1250 : i32
        %lt3A_473 = arith.cmpi slt, %add3A_471, %lt3A_472 : i32
        %convert_element_type3A_474 = arith.extui %lt3A_473 : i1 to i32
        %cond3A_475 = arith.constant 0 : i32
        %cond3A_476 = arith.cmpi ne, %convert_element_type3A_474, %cond3A_475 : i32
        scf.if %cond3A_476 {
          %add3A_480 = arith.constant 32 : i32
          %add3A_481 = arith.addi %add3A_431, %add3A_480 : i32
          %mul3A_482 = arith.constant 640 : i32
          %mul3A_483 = arith.muli %add3A_481, %mul3A_482 : i32
          %dma_start3A_484 = arith.constant 0 : i32
          %dma_start3A_485 = tpu.memref_slice %arg4[%dma_start3A_484, %mul3A_483] : memref<2x800000xi32, #tpu.memory_space<hbm>> -> memref<1x640xi32, #tpu.memory_space<hbm>>
          %dma_start3A_486 = tpu.memref_squeeze %dma_start3A_485 : memref<1x640xi32, #tpu.memory_space<hbm>> -> memref<640xi32, #tpu.memory_space<hbm>>
          %dma_start3A_487 = tpu.memref_slice %arg4[%dma_start3A_484, %mul3A_483] : memref<2x800000xi32, #tpu.memory_space<hbm>> -> memref<1x640xi32, #tpu.memory_space<hbm>>
          %dma_start3A_488 = tpu.memref_squeeze %dma_start3A_487 : memref<1x640xi32, #tpu.memory_space<hbm>> -> memref<640xi32, #tpu.memory_space<hbm>>
          tpu.enqueue_dma source(%dma_start3A_488 : memref<640xi32, #tpu.memory_space<hbm>>) target(%arg10 : memref<640xi32, #tpu.memory_space<vmem>>) target_semaphore(%arg20 : memref<!tpu.dma_semaphore, #tpu.memory_space<semaphore_mem>>)
          %dma_start3A_489 = arith.constant 1 : i32
          %dma_start3A_490 = tpu.memref_slice %arg4[%dma_start3A_489, %mul3A_483] : memref<2x800000xi32, #tpu.memory_space<hbm>> -> memref<1x640xi32, #tpu.memory_space<hbm>>
          %dma_start3A_491 = tpu.memref_squeeze %dma_start3A_490 : memref<1x640xi32, #tpu.memory_space<hbm>> -> memref<640xi32, #tpu.memory_space<hbm>>
          %dma_start3A_492 = tpu.memref_slice %arg4[%dma_start3A_489, %mul3A_483] : memref<2x800000xi32, #tpu.memory_space<hbm>> -> memref<1x640xi32, #tpu.memory_space<hbm>>
          %dma_start3A_493 = tpu.memref_squeeze %dma_start3A_492 : memref<1x640xi32, #tpu.memory_space<hbm>> -> memref<640xi32, #tpu.memory_space<hbm>>
          tpu.enqueue_dma source(%dma_start3A_493 : memref<640xi32, #tpu.memory_space<hbm>>) target(%arg12 : memref<640xi32, #tpu.memory_space<vmem>>) target_semaphore(%arg20 : memref<!tpu.dma_semaphore, #tpu.memory_space<semaphore_mem>>)
          %dma_start3A_494 = tpu.memref_slice %arg5[%mul3A_483] : memref<800000xi32, #tpu.memory_space<hbm>> -> memref<640xi32, #tpu.memory_space<hbm>>
          %dma_start3A_495 = tpu.memref_slice %arg5[%mul3A_483] : memref<800000xi32, #tpu.memory_space<hbm>> -> memref<640xi32, #tpu.memory_space<hbm>>
          tpu.enqueue_dma source(%dma_start3A_495 : memref<640xi32, #tpu.memory_space<hbm>>) target(%arg14 : memref<640xi32, #tpu.memory_space<vmem>>) target_semaphore(%arg20 : memref<!tpu.dma_semaphore, #tpu.memory_space<semaphore_mem>>)
        } else {
        }
        %dma_start3A_477 = arith.constant 0 : i32
        %dma_start3A_478 = arith.constant 0 : i32
        %dma_start3A_479 = tpu.memref_slice %arg8[%dma_start3A_477, %dma_start3A_478] : memref<100096x16xf32, #tpu.memory_space<vmem_shared>> -> memref<100096x16xf32, #tpu.memory_space<vmem_shared>>
        tpu.enqueue_indirect_dma source(%arg18 : memref<640x16xf32, #tpu.memory_space<vmem>>) target(%dma_start3A_479 : memref<100096x16xf32, #tpu.memory_space<vmem_shared>>) offsets(%arg16 : memref<640xi32, #tpu.memory_space<vmem>>) semaphore(%arg24 : memref<!tpu.dma_semaphore, #tpu.memory_space<semaphore_mem>>) {add = true}
      } else {
      }
      %scan3A_437 = arith.constant 0 : i32
      scf.yield %scan3A_437 : i32
    }
    %scan3A_358 = arith.constant 40 : i32
    %sub3A_359 = arith.constant 1250 : i32
    %sub3A_360 = arith.subi %sub3A_359, %arg1 : i32
    %add3A_361 = arith.constant 15 : i32
    %add3A_362 = arith.addi %sub3A_360, %add3A_361 : i32
    %jit3A_363 = arith.constant 16 : i32
    %div3A_364 = arith.divsi %add3A_362, %jit3A_363 : i32
    %sign3A_365 = arith.constant 0 : i32
    %sign3A_366 = arith.cmpi sgt, %add3A_362, %sign3A_365 : i32
    %sign3A_367 = arith.extui %sign3A_366 : i1 to i32
    %sign3A_368 = arith.constant 0 : i32
    %sign3A_369 = arith.cmpi slt, %add3A_362, %sign3A_368 : i32
    %sign3A_370 = arith.extui %sign3A_369 : i1 to i32
    %sign3A_371 = arith.subi %sign3A_367, %sign3A_370 : i32
    %sign3A_372 = arith.constant 0 : i32
    %sign3A_373 = arith.cmpi sgt, %jit3A_363, %sign3A_372 : i32
    %sign3A_374 = arith.extui %sign3A_373 : i1 to i32
    %sign3A_375 = arith.constant 0 : i32
    %sign3A_376 = arith.cmpi slt, %jit3A_363, %sign3A_375 : i32
    %sign3A_377 = arith.extui %sign3A_376 : i1 to i32
    %sign3A_378 = arith.subi %sign3A_374, %sign3A_377 : i32
    %ne3A_379 = arith.cmpi ne, %sign3A_371, %sign3A_378 : i32
    %rem3A_380 = arith.remsi %add3A_362, %jit3A_363 : i32
    %ne3A_381 = arith.constant 0 : i32
    %ne3A_382 = arith.cmpi ne, %rem3A_380, %ne3A_381 : i32
    %and3A_383 = arith.andi %ne3A_379, %ne3A_382 : i1
    %sub3A_384 = arith.constant 1 : i32
    %sub3A_385 = arith.subi %div3A_364, %sub3A_384 : i32
    %select_n3A_386 = arith.select %and3A_383, %sub3A_385, %div3A_364 : i32
    %ge3A_387 = arith.constant 1 : i32
    %ge3A_388 = arith.cmpi sge, %select_n3A_386, %ge3A_387 : i32
    %convert_element_type3A_389 = arith.extui %ge3A_388 : i1 to i32
    %cond3A_390 = arith.constant 0 : i32
    %cond3A_391 = arith.cmpi ne, %convert_element_type3A_389, %cond3A_390 : i32
    scf.if %cond3A_391 {
      %dma_wait3A_412 = arith.constant 0 : i32
      %dma_wait3A_413 = arith.constant 0 : i32
      %dma_wait3A_414 = tpu.memref_slice %arg8[%dma_wait3A_412, %dma_wait3A_413] : memref<100096x16xf32, #tpu.memory_space<vmem_shared>> -> memref<100096x16xf32, #tpu.memory_space<vmem_shared>>
      tpu.wait_indirect_dma semaphore(%arg23 : memref<!tpu.dma_semaphore, #tpu.memory_space<semaphore_mem>>) src(%arg17 : memref<640x16xf32, #tpu.memory_space<vmem>>) dst(%dma_wait3A_414 : memref<100096x16xf32, #tpu.memory_space<vmem_shared>>)
    } else {
    }
    %ge3A_392 = arith.constant 2 : i32
    %ge3A_393 = arith.cmpi sge, %select_n3A_386, %ge3A_392 : i32
    %convert_element_type3A_394 = arith.extui %ge3A_393 : i1 to i32
    %cond3A_395 = arith.constant 0 : i32
    %cond3A_396 = arith.cmpi ne, %convert_element_type3A_394, %cond3A_395 : i32
    scf.if %cond3A_396 {
      %dma_wait3A_412 = arith.constant 0 : i32
      %dma_wait3A_413 = arith.constant 0 : i32
      %dma_wait3A_414 = tpu.memref_slice %arg8[%dma_wait3A_412, %dma_wait3A_413] : memref<100096x16xf32, #tpu.memory_space<vmem_shared>> -> memref<100096x16xf32, #tpu.memory_space<vmem_shared>>
      tpu.wait_indirect_dma semaphore(%arg24 : memref<!tpu.dma_semaphore, #tpu.memory_space<semaphore_mem>>) src(%arg18 : memref<640x16xf32, #tpu.memory_space<vmem>>) dst(%dma_wait3A_414 : memref<100096x16xf32, #tpu.memory_space<vmem_shared>>)
    } else {
    }
    %barrier3A_397 = arith.constant 0 : index
    tpu.barrier barrier_id(%barrier3A_397)
    %scan3A_398 = arith.constant 0 : i32
    %scan3A_399 = arith.constant 0 : i32
    %scan3A_400 = arith.constant 7 : i32
    %scan3A_401 = arith.addi %scan3A_399, %scan3A_400 : i32
    %scan3A_402 = arith.constant 1 : i32
    %scan3A_403 = scf.for %scan3A_412 = %scan3A_399 to %scan3A_401 step %scan3A_402 iter_args(%scan3A_413 = %scan3A_398) -> (i32)  : i32 {
      %mul3A_414 = arith.constant 16 : i32
      %mul3A_415 = arith.muli %scan3A_412, %mul3A_414 : i32
      %add3A_416 = arith.addi %mul3A_415, %arg1 : i32
      %lt3A = arith.constant 100 : i32
      %lt3A_417 = arith.cmpi slt, %add3A_416, %lt3A : i32
      %convert_element_type3A_418 = arith.extui %lt3A_417 : i1 to i32
      %cond3A_419 = arith.constant 0 : i32
      %cond3A_420 = arith.cmpi ne, %convert_element_type3A_418, %cond3A_419 : i32
      scf.if %cond3A_420 {
        %jit3A_422 = arith.constant 25 : i32
        %div3A_423 = arith.divsi %add3A_416, %jit3A_422 : i32
        %sign3A_424 = arith.constant 0 : i32
        %sign3A_425 = arith.cmpi sgt, %add3A_416, %sign3A_424 : i32
        %sign3A_426 = arith.extui %sign3A_425 : i1 to i32
        %sign3A_427 = arith.constant 0 : i32
        %sign3A_428 = arith.cmpi slt, %add3A_416, %sign3A_427 : i32
        %sign3A_429 = arith.extui %sign3A_428 : i1 to i32
        %sign3A_430 = arith.subi %sign3A_426, %sign3A_429 : i32
        %sign3A_431 = arith.constant 0 : i32
        %sign3A_432 = arith.cmpi sgt, %jit3A_422, %sign3A_431 : i32
        %sign3A_433 = arith.extui %sign3A_432 : i1 to i32
        %sign3A_434 = arith.constant 0 : i32
        %sign3A_435 = arith.cmpi slt, %jit3A_422, %sign3A_434 : i32
        %sign3A_436 = arith.extui %sign3A_435 : i1 to i32
        %sign3A_437 = arith.subi %sign3A_433, %sign3A_436 : i32
        %ne3A_438 = arith.cmpi ne, %sign3A_430, %sign3A_437 : i32
        %rem3A_439 = arith.remsi %add3A_416, %jit3A_422 : i32
        %ne3A_440 = arith.constant 0 : i32
        %ne3A_441 = arith.cmpi ne, %rem3A_439, %ne3A_440 : i32
        %and3A_442 = arith.andi %ne3A_438, %ne3A_441 : i1
        %sub3A_443 = arith.constant 1 : i32
        %sub3A_444 = arith.subi %div3A_423, %sub3A_443 : i32
        %select_n3A_445 = arith.select %and3A_442, %sub3A_444, %div3A_423 : i32
        %jit3A_446 = arith.constant 25 : i32
        %eq3A = arith.constant 0 : i32
        %eq3A_447 = arith.cmpi eq, %jit3A_446, %eq3A : i32
        %jit3A_448 = arith.constant 1 : i32
        %select_n3A_449 = arith.select %eq3A_447, %jit3A_448, %jit3A_446 : i32
        %rem3A_450 = arith.remsi %add3A_416, %select_n3A_449 : i32
        %ne3A_451 = arith.constant 0 : i32
        %ne3A_452 = arith.cmpi ne, %rem3A_450, %ne3A_451 : i32
        %lt3A_453 = arith.constant 0 : i32
        %lt3A_454 = arith.cmpi slt, %rem3A_450, %lt3A_453 : i32
        %lt3A_455 = arith.constant 0 : i32
        %lt3A_456 = arith.cmpi slt, %select_n3A_449, %lt3A_455 : i32
        %ne3A_457 = arith.xori %lt3A_454, %lt3A_456 : i1
        %and3A_458 = arith.andi %ne3A_457, %ne3A_452 : i1
        %add3A_459 = arith.addi %rem3A_450, %select_n3A_449 : i32
        %select_n3A_460 = arith.select %and3A_458, %add3A_459, %rem3A_450 : i32
        %mul3A_461 = arith.constant 1000 : i32
        %mul3A_462 = arith.muli %select_n3A_460, %mul3A_461 : i32
        %mul3A_463 = arith.constant 25000 : i32
        %mul3A_464 = arith.muli %select_n3A_445, %mul3A_463 : i32
        %add3A_465 = arith.addi %mul3A_464, %mul3A_462 : i32
        %add3A_466 = arith.addi %mul3A_0, %mul3A_462 : i32
        %mul3A_467 = arith.constant 16 : i32
        %mul3A_468 = arith.muli %select_n3A_445, %mul3A_467 : i32
        %dma_start3A_469 = tpu.memref_slice %arg7[%add3A_466, %mul3A_468] : memref<50000x64xf32, #tpu.memory_space<hbm>> -> memref<1000x16xf32, #tpu.memory_space<hbm>>
        %dma_start3A_470 = arith.constant 0 : i32
        %dma_start3A_471 = tpu.memref_slice %arg8[%add3A_465, %dma_start3A_470] : memref<100096x16xf32, #tpu.memory_space<vmem_shared>> -> memref<1000x16xf32, #tpu.memory_space<vmem_shared>>
        tpu.enqueue_dma source(%dma_start3A_471 : memref<1000x16xf32, #tpu.memory_space<vmem_shared>>) target(%dma_start3A_469 : memref<1000x16xf32, #tpu.memory_space<hbm>>) target_semaphore(%arg21 : memref<!tpu.dma_semaphore, #tpu.memory_space<semaphore_mem>>)
      } else {
      }
      %scan3A_421 = arith.constant 0 : i32
      scf.yield %scan3A_421 : i32
    }
    %scan3A_404 = arith.constant 7 : i32
    %scan3A_405 = arith.constant 0 : i32
    %scan3A_406 = arith.constant 0 : i32
    %scan3A_407 = arith.constant 7 : i32
    %scan3A_408 = arith.addi %scan3A_406, %scan3A_407 : i32
    %scan3A_409 = arith.constant 1 : i32
    %scan3A_410 = scf.for %scan3A_412 = %scan3A_406 to %scan3A_408 step %scan3A_409 iter_args(%scan3A_413 = %scan3A_405) -> (i32)  : i32 {
      %mul3A_414 = arith.constant 16 : i32
      %mul3A_415 = arith.muli %scan3A_412, %mul3A_414 : i32
      %add3A_416 = arith.addi %mul3A_415, %arg1 : i32
      %lt3A = arith.constant 100 : i32
      %lt3A_417 = arith.cmpi slt, %add3A_416, %lt3A : i32
      %convert_element_type3A_418 = arith.extui %lt3A_417 : i1 to i32
      %cond3A_419 = arith.constant 0 : i32
      %cond3A_420 = arith.cmpi ne, %convert_element_type3A_418, %cond3A_419 : i32
      scf.if %cond3A_420 {
        %jit3A_422 = arith.constant 25 : i32
        %div3A_423 = arith.divsi %add3A_416, %jit3A_422 : i32
        %sign3A_424 = arith.constant 0 : i32
        %sign3A_425 = arith.cmpi sgt, %add3A_416, %sign3A_424 : i32
        %sign3A_426 = arith.extui %sign3A_425 : i1 to i32
        %sign3A_427 = arith.constant 0 : i32
        %sign3A_428 = arith.cmpi slt, %add3A_416, %sign3A_427 : i32
        %sign3A_429 = arith.extui %sign3A_428 : i1 to i32
        %sign3A_430 = arith.subi %sign3A_426, %sign3A_429 : i32
        %sign3A_431 = arith.constant 0 : i32
        %sign3A_432 = arith.cmpi sgt, %jit3A_422, %sign3A_431 : i32
        %sign3A_433 = arith.extui %sign3A_432 : i1 to i32
        %sign3A_434 = arith.constant 0 : i32
        %sign3A_435 = arith.cmpi slt, %jit3A_422, %sign3A_434 : i32
        %sign3A_436 = arith.extui %sign3A_435 : i1 to i32
        %sign3A_437 = arith.subi %sign3A_433, %sign3A_436 : i32
        %ne3A_438 = arith.cmpi ne, %sign3A_430, %sign3A_437 : i32
        %rem3A_439 = arith.remsi %add3A_416, %jit3A_422 : i32
        %ne3A_440 = arith.constant 0 : i32
        %ne3A_441 = arith.cmpi ne, %rem3A_439, %ne3A_440 : i32
        %and3A_442 = arith.andi %ne3A_438, %ne3A_441 : i1
        %sub3A_443 = arith.constant 1 : i32
        %sub3A_444 = arith.subi %div3A_423, %sub3A_443 : i32
        %select_n3A_445 = arith.select %and3A_442, %sub3A_444, %div3A_423 : i32
        %jit3A_446 = arith.constant 25 : i32
        %eq3A = arith.constant 0 : i32
        %eq3A_447 = arith.cmpi eq, %jit3A_446, %eq3A : i32
        %jit3A_448 = arith.constant 1 : i32
        %select_n3A_449 = arith.select %eq3A_447, %jit3A_448, %jit3A_446 : i32
        %rem3A_450 = arith.remsi %add3A_416, %select_n3A_449 : i32
        %ne3A_451 = arith.constant 0 : i32
        %ne3A_452 = arith.cmpi ne, %rem3A_450, %ne3A_451 : i32
        %lt3A_453 = arith.constant 0 : i32
        %lt3A_454 = arith.cmpi slt, %rem3A_450, %lt3A_453 : i32
        %lt3A_455 = arith.constant 0 : i32
        %lt3A_456 = arith.cmpi slt, %select_n3A_449, %lt3A_455 : i32
        %ne3A_457 = arith.xori %lt3A_454, %lt3A_456 : i1
        %and3A_458 = arith.andi %ne3A_457, %ne3A_452 : i1
        %add3A_459 = arith.addi %rem3A_450, %select_n3A_449 : i32
        %select_n3A_460 = arith.select %and3A_458, %add3A_459, %rem3A_450 : i32
        %mul3A_461 = arith.constant 1000 : i32
        %mul3A_462 = arith.muli %select_n3A_460, %mul3A_461 : i32
        %mul3A_463 = arith.constant 25000 : i32
        %mul3A_464 = arith.muli %select_n3A_445, %mul3A_463 : i32
        %add3A_465 = arith.addi %mul3A_464, %mul3A_462 : i32
        %add3A_466 = arith.addi %mul3A_0, %mul3A_462 : i32
        %mul3A_467 = arith.constant 16 : i32
        %mul3A_468 = arith.muli %select_n3A_445, %mul3A_467 : i32
        %dma_wait3A_469 = tpu.memref_slice %arg7[%add3A_466, %mul3A_468] : memref<50000x64xf32, #tpu.memory_space<hbm>> -> memref<1000x16xf32, #tpu.memory_space<hbm>>
        %dma_wait3A_470 = arith.constant 0 : i32
        %dma_wait3A_471 = tpu.memref_slice %arg8[%add3A_465, %dma_wait3A_470] : memref<100096x16xf32, #tpu.memory_space<vmem_shared>> -> memref<1000x16xf32, #tpu.memory_space<vmem_shared>>
        tpu.wait_dma2 semaphore(%arg21 : memref<!tpu.dma_semaphore, #tpu.memory_space<semaphore_mem>>) src(%dma_wait3A_471 : memref<1000x16xf32, #tpu.memory_space<vmem_shared>>) dst(%dma_wait3A_469 : memref<1000x16xf32, #tpu.memory_space<hbm>>)
      } else {
      }
      %scan3A_421 = arith.constant 0 : i32
      scf.yield %scan3A_421 : i32
    }
    %scan3A_411 = arith.constant 7 : i32
    return
  }
}

module attributes {stable_mosaic.version = 14 : i64} {
  func.func @body(%arg0: i32, %arg1: memref<2000x16xf32, #tpu.memory_space<vmem>>, %arg2: memref<2000x64xf32, #tpu.memory_space<vmem>>, %arg3: memref<2000x4xf32, #tpu.memory_space<vmem>>, %arg4: memref<16x16xf32, #tpu.memory_space<vmem>>, %arg5: memref<4x16x16xf32, #tpu.memory_space<vmem>>, %arg6: memref<1x16xf32, #tpu.memory_space<vmem>>, %arg7: memref<2000x16xf32, #tpu.memory_space<vmem>>) attributes {dimension_semantics = [#tpu.dimension_semantics<arbitrary>], iteration_bounds = array<i64: 25>, scalar_prefetch = 0 : i64, scratch_operands = 0 : i64, tpu.core_type = #tpu.core_type<tc>, window_params = [{transform_indices = @transform_0, window_bounds = array<i64: 2000, 16>}, {transform_indices = @transform_1, window_bounds = array<i64: 2000, 64>}, {transform_indices = @transform_2, window_bounds = array<i64: 2000, 4>}, {pipeline_mode = #tpu.pipeline_mode<synchronous>, transform_indices = @transform_3, window_bounds = array<i64: 16, 16>}, {pipeline_mode = #tpu.pipeline_mode<synchronous>, transform_indices = @transform_4, window_bounds = array<i64: 4, 16, 16>}, {pipeline_mode = #tpu.pipeline_mode<synchronous>, transform_indices = @transform_5, window_bounds = array<i64: 1, 16>}, {transform_indices = @transform_6, window_bounds = array<i64: 2000, 16>}]} {
    %get3A = arith.constant 0 : index
    %get3A_0 = arith.constant 0 : index
    %get3A_1 = vector.load %arg3[%get3A, %get3A_0] : memref<2000x4xf32, #tpu.memory_space<vmem>>, vector<2000x4xf32>
    %max3A = arith.constant 1.000000e+00 : f32
    %max3A_2 = vector.broadcast %max3A : f32 to vector<2000x4xf32>
    %max3A_3 = arith.maximumf %get3A_1, %max3A_2 : vector<2000x4xf32>
    %div3A = arith.constant 1.000000e+00 : f32
    %div3A_4 = vector.broadcast %div3A : f32 to vector<2000x4xf32>
    %div3A_5 = arith.divf %div3A_4, %max3A_3 : vector<2000x4xf32>
    %iota3A = tpu.iota {dimensions = array<i32: 0>} : vector<4x4xi32>
    %iota3A_6 = tpu.iota {dimensions = array<i32: 1>} : vector<4x4xi32>
    %add3A = arith.constant 0 : i32
    %add3A_7 = vector.broadcast %add3A : i32 to vector<4x4xi32>
    %add3A_8 = arith.addi %iota3A, %add3A_7 : vector<4x4xi32>
    %eq3A = arith.cmpi eq, %add3A_8, %iota3A_6 : vector<4x4xi32>
    %convert_element_type3A = arith.extui %eq3A : vector<4x4xi1> to vector<4x4xi32>
    %convert_element_type3A_9 = arith.sitofp %convert_element_type3A : vector<4x4xi32> to vector<4x4xf32>
    %broadcast_in_dim3A = vector.shape_cast %convert_element_type3A_9 : vector<4x4xf32> to vector<4x4x1xf32>
    %broadcast_in_dim3A_10 = vector.broadcast %broadcast_in_dim3A : vector<4x4x1xf32> to vector<4x4x16xf32>
    %reshape3A = vector.shape_cast %broadcast_in_dim3A_10 : vector<4x4x16xf32> to vector<4x64xf32>
    %dot_general3A = arith.constant dense<0.000000e+00> : vector<2000x64xf32>
    %dot_general3A_11 = tpu.matmul %div3A_5, %reshape3A, %dot_general3A {dimension_numbers = #tpu.dot_dimension_numbers<[1], [0], [0], [1], [0, 0, 1, 1], [], []>, transpose_lhs_hint = false} : vector<2000x4xf32>, vector<4x64xf32>, vector<2000x64xf32> -> vector<2000x64xf32>
    %get3A_12 = arith.constant 0 : index
    %get3A_13 = arith.constant 0 : index
    %get3A_14 = vector.load %arg1[%get3A_12, %get3A_13] : memref<2000x16xf32, #tpu.memory_space<vmem>>, vector<2000x16xf32>
    %get3A_15 = arith.constant 0 : index
    %get3A_16 = arith.constant 0 : index
    %get3A_17 = vector.load %arg2[%get3A_15, %get3A_16] : memref<2000x64xf32, #tpu.memory_space<vmem>>, vector<2000x64xf32>
    %mul3A = arith.mulf %get3A_17, %dot_general3A_11 : vector<2000x64xf32>
    %concatenate3A = tpu.concatenate %get3A_14, %mul3A in 1 : vector<2000x16xf32>, vector<2000x64xf32> -> vector<2000x80xf32>
    %get3A_18 = arith.constant 0 : index
    %get3A_19 = arith.constant 0 : index
    %get3A_20 = vector.load %arg4[%get3A_18, %get3A_19] : memref<16x16xf32, #tpu.memory_space<vmem>>, vector<16x16xf32>
    %get3A_21 = arith.constant 0 : index
    %get3A_22 = arith.constant 0 : index
    %get3A_23 = arith.constant 0 : index
    %get3A_24 = vector.load %arg5[%get3A_21, %get3A_22, %get3A_23] : memref<4x16x16xf32, #tpu.memory_space<vmem>>, vector<4x16x16xf32>
    %slice3A = vector.extract_strided_slice %get3A_24 {offsets = [0, 0, 0], sizes = [1, 16, 16], strides = [1, 1, 1]} : vector<4x16x16xf32> to vector<1x16x16xf32>
    %squeeze3A = vector.shape_cast %slice3A : vector<1x16x16xf32> to vector<16x16xf32>
    %slice3A_25 = vector.extract_strided_slice %get3A_24 {offsets = [1, 0, 0], sizes = [1, 16, 16], strides = [1, 1, 1]} : vector<4x16x16xf32> to vector<1x16x16xf32>
    %squeeze3A_26 = vector.shape_cast %slice3A_25 : vector<1x16x16xf32> to vector<16x16xf32>
    %slice3A_27 = vector.extract_strided_slice %get3A_24 {offsets = [2, 0, 0], sizes = [1, 16, 16], strides = [1, 1, 1]} : vector<4x16x16xf32> to vector<1x16x16xf32>
    %squeeze3A_28 = vector.shape_cast %slice3A_27 : vector<1x16x16xf32> to vector<16x16xf32>
    %slice3A_29 = vector.extract_strided_slice %get3A_24 {offsets = [3, 0, 0], sizes = [1, 16, 16], strides = [1, 1, 1]} : vector<4x16x16xf32> to vector<1x16x16xf32>
    %squeeze3A_30 = vector.shape_cast %slice3A_29 : vector<1x16x16xf32> to vector<16x16xf32>
    %concatenate3A_31 = tpu.concatenate %get3A_20, %squeeze3A, %squeeze3A_26, %squeeze3A_28, %squeeze3A_30 in 0 : vector<16x16xf32>, vector<16x16xf32>, vector<16x16xf32>, vector<16x16xf32>, vector<16x16xf32> -> vector<80x16xf32>
    %dot_general3A_32 = arith.constant dense<0.000000e+00> : vector<2000x16xf32>
    %dot_general3A_33 = tpu.matmul %concatenate3A, %concatenate3A_31, %dot_general3A_32 {dimension_numbers = #tpu.dot_dimension_numbers<[1], [0], [0], [1], [0, 0, 1, 1], [], []>, transpose_lhs_hint = false} : vector<2000x80xf32>, vector<80x16xf32>, vector<2000x16xf32> -> vector<2000x16xf32>
    %get3A_34 = arith.constant 0 : index
    %get3A_35 = arith.constant 0 : index
    %get3A_36 = vector.load %arg6[%get3A_34, %get3A_35] : memref<1x16xf32, #tpu.memory_space<vmem>>, vector<1x16xf32>
    %add3A_37 = vector.broadcast %get3A_36 : vector<1x16xf32> to vector<2000x16xf32>
    %add3A_38 = arith.addf %dot_general3A_33, %add3A_37 : vector<2000x16xf32>
    %max3A_39 = arith.constant 0.000000e+00 : f32
    %max3A_40 = vector.broadcast %max3A_39 : f32 to vector<2000x16xf32>
    %max3A_41 = arith.maximumf %add3A_38, %max3A_40 : vector<2000x16xf32>
    %swap3A = arith.constant 0 : index
    %swap3A_42 = arith.constant 0 : index
    %swap3A_43 = vector.load %arg7[%swap3A, %swap3A_42] : memref<2000x16xf32, #tpu.memory_space<vmem>>, vector<2000x16xf32>
    tpu.vector_store %arg7[%swap3A, %swap3A_42], %max3A_41 {strides = array<i32>} : memref<2000x16xf32, #tpu.memory_space<vmem>>, vector<2000x16xf32>,
    return
  }
  func.func @transform_0(%arg0: i32) -> (i32, i32) {
    %c0_i32 = arith.constant 0 : i32
    %c0_i32_0 = arith.constant 0 : i32
    return %arg0, %c0_i32 : i32, i32
  }
  func.func @transform_1(%arg0: i32) -> (i32, i32) {
    %c0_i32 = arith.constant 0 : i32
    %c0_i32_0 = arith.constant 0 : i32
    return %arg0, %c0_i32 : i32, i32
  }
  func.func @transform_2(%arg0: i32) -> (i32, i32) {
    %c0_i32 = arith.constant 0 : i32
    %c0_i32_0 = arith.constant 0 : i32
    return %arg0, %c0_i32 : i32, i32
  }
  func.func @transform_3(%arg0: i32) -> (i32, i32) {
    %c0_i32 = arith.constant 0 : i32
    %c0_i32_0 = arith.constant 0 : i32
    %c0_i32_1 = arith.constant 0 : i32
    return %c0_i32, %c0_i32_0 : i32, i32
  }
  func.func @transform_4(%arg0: i32) -> (i32, i32, i32) {
    %c0_i32 = arith.constant 0 : i32
    %c0_i32_0 = arith.constant 0 : i32
    %c0_i32_1 = arith.constant 0 : i32
    %c0_i32_2 = arith.constant 0 : i32
    return %c0_i32, %c0_i32_0, %c0_i32_1 : i32, i32, i32
  }
  func.func @transform_5(%arg0: i32) -> (i32, i32) {
    %c0_i32 = arith.constant 0 : i32
    %c0_i32_0 = arith.constant 0 : i32
    %c0_i32_1 = arith.constant 0 : i32
    return %c0_i32, %c0_i32_0 : i32, i32
  }
  func.func @transform_6(%arg0: i32) -> (i32, i32) {
    %c0_i32 = arith.constant 0 : i32
    %c0_i32_0 = arith.constant 0 : i32
    return %arg0, %c0_i32 : i32, i32
  }
}

module attributes {stable_mosaic.version = 14 : i64} {
  func.func @body(%arg0: i32, %arg1: memref<2000x16xf32, #tpu.memory_space<vmem>>, %arg2: memref<2000x64xf32, #tpu.memory_space<vmem>>, %arg3: memref<2000x4xf32, #tpu.memory_space<vmem>>, %arg4: memref<16x32xf32, #tpu.memory_space<vmem>>, %arg5: memref<4x16x32xf32, #tpu.memory_space<vmem>>, %arg6: memref<1x32xf32, #tpu.memory_space<vmem>>, %arg7: memref<2000x16xf32, #tpu.memory_space<vmem>>, %arg8: memref<2000x16xf32, #tpu.memory_space<vmem>>) attributes {dimension_semantics = [#tpu.dimension_semantics<arbitrary>], iteration_bounds = array<i64: 25>, scalar_prefetch = 0 : i64, scratch_operands = 0 : i64, tpu.core_type = #tpu.core_type<tc>, window_params = [{transform_indices = @transform_0, window_bounds = array<i64: 2000, 16>}, {transform_indices = @transform_1, window_bounds = array<i64: 2000, 64>}, {transform_indices = @transform_2, window_bounds = array<i64: 2000, 4>}, {pipeline_mode = #tpu.pipeline_mode<synchronous>, transform_indices = @transform_3, window_bounds = array<i64: 16, 32>}, {pipeline_mode = #tpu.pipeline_mode<synchronous>, transform_indices = @transform_4, window_bounds = array<i64: 4, 16, 32>}, {pipeline_mode = #tpu.pipeline_mode<synchronous>, transform_indices = @transform_5, window_bounds = array<i64: 1, 32>}, {transform_indices = @transform_6, window_bounds = array<i64: 2000, 16>}, {transform_indices = @transform_7, window_bounds = array<i64: 2000, 16>}]} {
    %get3A = arith.constant 0 : index
    %get3A_0 = arith.constant 0 : index
    %get3A_1 = vector.load %arg3[%get3A, %get3A_0] : memref<2000x4xf32, #tpu.memory_space<vmem>>, vector<2000x4xf32>
    %max3A = arith.constant 1.000000e+00 : f32
    %max3A_2 = vector.broadcast %max3A : f32 to vector<2000x4xf32>
    %max3A_3 = arith.maximumf %get3A_1, %max3A_2 : vector<2000x4xf32>
    %div3A = arith.constant 1.000000e+00 : f32
    %div3A_4 = vector.broadcast %div3A : f32 to vector<2000x4xf32>
    %div3A_5 = arith.divf %div3A_4, %max3A_3 : vector<2000x4xf32>
    %iota3A = tpu.iota {dimensions = array<i32: 0>} : vector<4x4xi32>
    %iota3A_6 = tpu.iota {dimensions = array<i32: 1>} : vector<4x4xi32>
    %add3A = arith.constant 0 : i32
    %add3A_7 = vector.broadcast %add3A : i32 to vector<4x4xi32>
    %add3A_8 = arith.addi %iota3A, %add3A_7 : vector<4x4xi32>
    %eq3A = arith.cmpi eq, %add3A_8, %iota3A_6 : vector<4x4xi32>
    %convert_element_type3A = arith.extui %eq3A : vector<4x4xi1> to vector<4x4xi32>
    %convert_element_type3A_9 = arith.sitofp %convert_element_type3A : vector<4x4xi32> to vector<4x4xf32>
    %broadcast_in_dim3A = vector.shape_cast %convert_element_type3A_9 : vector<4x4xf32> to vector<4x4x1xf32>
    %broadcast_in_dim3A_10 = vector.broadcast %broadcast_in_dim3A : vector<4x4x1xf32> to vector<4x4x16xf32>
    %reshape3A = vector.shape_cast %broadcast_in_dim3A_10 : vector<4x4x16xf32> to vector<4x64xf32>
    %dot_general3A = arith.constant dense<0.000000e+00> : vector<2000x64xf32>
    %dot_general3A_11 = tpu.matmul %div3A_5, %reshape3A, %dot_general3A {dimension_numbers = #tpu.dot_dimension_numbers<[1], [0], [0], [1], [0, 0, 1, 1], [], []>, transpose_lhs_hint = false} : vector<2000x4xf32>, vector<4x64xf32>, vector<2000x64xf32> -> vector<2000x64xf32>
    %get3A_12 = arith.constant 0 : index
    %get3A_13 = arith.constant 0 : index
    %get3A_14 = vector.load %arg1[%get3A_12, %get3A_13] : memref<2000x16xf32, #tpu.memory_space<vmem>>, vector<2000x16xf32>
    %get3A_15 = arith.constant 0 : index
    %get3A_16 = arith.constant 0 : index
    %get3A_17 = vector.load %arg2[%get3A_15, %get3A_16] : memref<2000x64xf32, #tpu.memory_space<vmem>>, vector<2000x64xf32>
    %mul3A = arith.mulf %get3A_17, %dot_general3A_11 : vector<2000x64xf32>
    %concatenate3A = tpu.concatenate %get3A_14, %mul3A in 1 : vector<2000x16xf32>, vector<2000x64xf32> -> vector<2000x80xf32>
    %get3A_18 = arith.constant 0 : index
    %get3A_19 = arith.constant 0 : index
    %get3A_20 = vector.load %arg4[%get3A_18, %get3A_19] : memref<16x32xf32, #tpu.memory_space<vmem>>, vector<16x32xf32>
    %get3A_21 = arith.constant 0 : index
    %get3A_22 = arith.constant 0 : index
    %get3A_23 = arith.constant 0 : index
    %get3A_24 = vector.load %arg5[%get3A_21, %get3A_22, %get3A_23] : memref<4x16x32xf32, #tpu.memory_space<vmem>>, vector<4x16x32xf32>
    %slice3A = vector.extract_strided_slice %get3A_24 {offsets = [0, 0, 0], sizes = [1, 16, 32], strides = [1, 1, 1]} : vector<4x16x32xf32> to vector<1x16x32xf32>
    %squeeze3A = vector.shape_cast %slice3A : vector<1x16x32xf32> to vector<16x32xf32>
    %slice3A_25 = vector.extract_strided_slice %get3A_24 {offsets = [1, 0, 0], sizes = [1, 16, 32], strides = [1, 1, 1]} : vector<4x16x32xf32> to vector<1x16x32xf32>
    %squeeze3A_26 = vector.shape_cast %slice3A_25 : vector<1x16x32xf32> to vector<16x32xf32>
    %slice3A_27 = vector.extract_strided_slice %get3A_24 {offsets = [2, 0, 0], sizes = [1, 16, 32], strides = [1, 1, 1]} : vector<4x16x32xf32> to vector<1x16x32xf32>
    %squeeze3A_28 = vector.shape_cast %slice3A_27 : vector<1x16x32xf32> to vector<16x32xf32>
    %slice3A_29 = vector.extract_strided_slice %get3A_24 {offsets = [3, 0, 0], sizes = [1, 16, 32], strides = [1, 1, 1]} : vector<4x16x32xf32> to vector<1x16x32xf32>
    %squeeze3A_30 = vector.shape_cast %slice3A_29 : vector<1x16x32xf32> to vector<16x32xf32>
    %concatenate3A_31 = tpu.concatenate %get3A_20, %squeeze3A, %squeeze3A_26, %squeeze3A_28, %squeeze3A_30 in 0 : vector<16x32xf32>, vector<16x32xf32>, vector<16x32xf32>, vector<16x32xf32>, vector<16x32xf32> -> vector<80x32xf32>
    %dot_general3A_32 = arith.constant dense<0.000000e+00> : vector<2000x32xf32>
    %dot_general3A_33 = tpu.matmul %concatenate3A, %concatenate3A_31, %dot_general3A_32 {dimension_numbers = #tpu.dot_dimension_numbers<[1], [0], [0], [1], [0, 0, 1, 1], [], []>, transpose_lhs_hint = false} : vector<2000x80xf32>, vector<80x32xf32>, vector<2000x32xf32> -> vector<2000x32xf32>
    %get3A_34 = arith.constant 0 : index
    %get3A_35 = arith.constant 0 : index
    %get3A_36 = vector.load %arg6[%get3A_34, %get3A_35] : memref<1x32xf32, #tpu.memory_space<vmem>>, vector<1x32xf32>
    %add3A_37 = vector.broadcast %get3A_36 : vector<1x32xf32> to vector<2000x32xf32>
    %add3A_38 = arith.addf %dot_general3A_33, %add3A_37 : vector<2000x32xf32>
    %max3A_39 = arith.constant 0.000000e+00 : f32
    %max3A_40 = vector.broadcast %max3A_39 : f32 to vector<2000x32xf32>
    %max3A_41 = arith.maximumf %add3A_38, %max3A_40 : vector<2000x32xf32>
    %slice3A_42 = vector.extract_strided_slice %max3A_41 {offsets = [0, 0], sizes = [2000, 16], strides = [1, 1]} : vector<2000x32xf32> to vector<2000x16xf32>
    %swap3A = arith.constant 0 : index
    %swap3A_43 = arith.constant 0 : index
    %swap3A_44 = vector.load %arg7[%swap3A, %swap3A_43] : memref<2000x16xf32, #tpu.memory_space<vmem>>, vector<2000x16xf32>
    tpu.vector_store %arg7[%swap3A, %swap3A_43], %slice3A_42 {strides = array<i32>} : memref<2000x16xf32, #tpu.memory_space<vmem>>, vector<2000x16xf32>,
    %slice3A_45 = vector.extract_strided_slice %max3A_41 {offsets = [0, 16], sizes = [2000, 16], strides = [1, 1]} : vector<2000x32xf32> to vector<2000x16xf32>
    %swap3A_46 = arith.constant 0 : index
    %swap3A_47 = arith.constant 0 : index
    %swap3A_48 = vector.load %arg8[%swap3A_46, %swap3A_47] : memref<2000x16xf32, #tpu.memory_space<vmem>>, vector<2000x16xf32>
    tpu.vector_store %arg8[%swap3A_46, %swap3A_47], %slice3A_45 {strides = array<i32>} : memref<2000x16xf32, #tpu.memory_space<vmem>>, vector<2000x16xf32>,
    return
  }
  func.func @transform_0(%arg0: i32) -> (i32, i32) {
    %c0_i32 = arith.constant 0 : i32
    %c0_i32_0 = arith.constant 0 : i32
    return %arg0, %c0_i32 : i32, i32
  }
  func.func @transform_1(%arg0: i32) -> (i32, i32) {
    %c0_i32 = arith.constant 0 : i32
    %c0_i32_0 = arith.constant 0 : i32
    return %arg0, %c0_i32 : i32, i32
  }
  func.func @transform_2(%arg0: i32) -> (i32, i32) {
    %c0_i32 = arith.constant 0 : i32
    %c0_i32_0 = arith.constant 0 : i32
    return %arg0, %c0_i32 : i32, i32
  }
  func.func @transform_3(%arg0: i32) -> (i32, i32) {
    %c0_i32 = arith.constant 0 : i32
    %c0_i32_0 = arith.constant 0 : i32
    %c0_i32_1 = arith.constant 0 : i32
    return %c0_i32, %c0_i32_0 : i32, i32
  }
  func.func @transform_4(%arg0: i32) -> (i32, i32, i32) {
    %c0_i32 = arith.constant 0 : i32
    %c0_i32_0 = arith.constant 0 : i32
    %c0_i32_1 = arith.constant 0 : i32
    %c0_i32_2 = arith.constant 0 : i32
    return %c0_i32, %c0_i32_0, %c0_i32_1 : i32, i32, i32
  }
  func.func @transform_5(%arg0: i32) -> (i32, i32) {
    %c0_i32 = arith.constant 0 : i32
    %c0_i32_0 = arith.constant 0 : i32
    %c0_i32_1 = arith.constant 0 : i32
    return %c0_i32, %c0_i32_0 : i32, i32
  }
  func.func @transform_6(%arg0: i32) -> (i32, i32) {
    %c0_i32 = arith.constant 0 : i32
    %c0_i32_0 = arith.constant 0 : i32
    return %arg0, %c0_i32 : i32, i32
  }
  func.func @transform_7(%arg0: i32) -> (i32, i32) {
    %c0_i32 = arith.constant 0 : i32
    %c0_i32_0 = arith.constant 0 : i32
    return %arg0, %c0_i32 : i32, i32
  }
}

module attributes {stable_mosaic.version = 14 : i64} {
  func.func @body(%arg0: i32, %arg1: memref<2000x16xf32, #tpu.memory_space<vmem>>, %arg2: memref<2000x16xf32, #tpu.memory_space<vmem>>, %arg3: memref<2000x64xf32, #tpu.memory_space<vmem>>, %arg4: memref<2000x64xf32, #tpu.memory_space<vmem>>, %arg5: memref<2000x4xf32, #tpu.memory_space<vmem>>, %arg6: memref<32x64xf32, #tpu.memory_space<vmem>>, %arg7: memref<4x32x64xf32, #tpu.memory_space<vmem>>, %arg8: memref<1x64xf32, #tpu.memory_space<vmem>>, %arg9: memref<2000x64xf32, #tpu.memory_space<vmem>>) attributes {dimension_semantics = [#tpu.dimension_semantics<arbitrary>], iteration_bounds = array<i64: 25>, scalar_prefetch = 0 : i64, scratch_operands = 0 : i64, tpu.core_type = #tpu.core_type<tc>, window_params = [{transform_indices = @transform_0, window_bounds = array<i64: 2000, 16>}, {transform_indices = @transform_1, window_bounds = array<i64: 2000, 16>}, {transform_indices = @transform_2, window_bounds = array<i64: 2000, 64>}, {transform_indices = @transform_3, window_bounds = array<i64: 2000, 64>}, {transform_indices = @transform_4, window_bounds = array<i64: 2000, 4>}, {pipeline_mode = #tpu.pipeline_mode<synchronous>, transform_indices = @transform_5, window_bounds = array<i64: 32, 64>}, {pipeline_mode = #tpu.pipeline_mode<synchronous>, transform_indices = @transform_6, window_bounds = array<i64: 4, 32, 64>}, {pipeline_mode = #tpu.pipeline_mode<synchronous>, transform_indices = @transform_7, window_bounds = array<i64: 1, 64>}, {transform_indices = @transform_8, window_bounds = array<i64: 2000, 64>}]} {
    %get3A = arith.constant 0 : index
    %get3A_0 = arith.constant 0 : index
    %get3A_1 = vector.load %arg5[%get3A, %get3A_0] : memref<2000x4xf32, #tpu.memory_space<vmem>>, vector<2000x4xf32>
    %max3A = arith.constant 1.000000e+00 : f32
    %max3A_2 = vector.broadcast %max3A : f32 to vector<2000x4xf32>
    %max3A_3 = arith.maximumf %get3A_1, %max3A_2 : vector<2000x4xf32>
    %div3A = arith.constant 1.000000e+00 : f32
    %div3A_4 = vector.broadcast %div3A : f32 to vector<2000x4xf32>
    %div3A_5 = arith.divf %div3A_4, %max3A_3 : vector<2000x4xf32>
    %iota3A = tpu.iota {dimensions = array<i32: 0>} : vector<4x4xi32>
    %iota3A_6 = tpu.iota {dimensions = array<i32: 1>} : vector<4x4xi32>
    %add3A = arith.constant 0 : i32
    %add3A_7 = vector.broadcast %add3A : i32 to vector<4x4xi32>
    %add3A_8 = arith.addi %iota3A, %add3A_7 : vector<4x4xi32>
    %eq3A = arith.cmpi eq, %add3A_8, %iota3A_6 : vector<4x4xi32>
    %convert_element_type3A = arith.extui %eq3A : vector<4x4xi1> to vector<4x4xi32>
    %convert_element_type3A_9 = arith.sitofp %convert_element_type3A : vector<4x4xi32> to vector<4x4xf32>
    %broadcast_in_dim3A = vector.shape_cast %convert_element_type3A_9 : vector<4x4xf32> to vector<4x4x1xf32>
    %broadcast_in_dim3A_10 = vector.broadcast %broadcast_in_dim3A : vector<4x4x1xf32> to vector<4x4x16xf32>
    %reshape3A = vector.shape_cast %broadcast_in_dim3A_10 : vector<4x4x16xf32> to vector<4x64xf32>
    %dot_general3A = arith.constant dense<0.000000e+00> : vector<2000x64xf32>
    %dot_general3A_11 = tpu.matmul %div3A_5, %reshape3A, %dot_general3A {dimension_numbers = #tpu.dot_dimension_numbers<[1], [0], [0], [1], [0, 0, 1, 1], [], []>, transpose_lhs_hint = false} : vector<2000x4xf32>, vector<4x64xf32>, vector<2000x64xf32> -> vector<2000x64xf32>
    %get3A_12 = arith.constant 0 : index
    %get3A_13 = arith.constant 0 : index
    %get3A_14 = vector.load %arg1[%get3A_12, %get3A_13] : memref<2000x16xf32, #tpu.memory_space<vmem>>, vector<2000x16xf32>
    %get3A_15 = arith.constant 0 : index
    %get3A_16 = arith.constant 0 : index
    %get3A_17 = vector.load %arg2[%get3A_15, %get3A_16] : memref<2000x16xf32, #tpu.memory_space<vmem>>, vector<2000x16xf32>
    %get3A_18 = arith.constant 0 : index
    %get3A_19 = arith.constant 0 : index
    %get3A_20 = vector.load %arg3[%get3A_18, %get3A_19] : memref<2000x64xf32, #tpu.memory_space<vmem>>, vector<2000x64xf32>
    %mul3A = arith.mulf %get3A_20, %dot_general3A_11 : vector<2000x64xf32>
    %get3A_21 = arith.constant 0 : index
    %get3A_22 = arith.constant 0 : index
    %get3A_23 = vector.load %arg4[%get3A_21, %get3A_22] : memref<2000x64xf32, #tpu.memory_space<vmem>>, vector<2000x64xf32>
    %mul3A_24 = arith.mulf %get3A_23, %dot_general3A_11 : vector<2000x64xf32>
    %concatenate3A = tpu.concatenate %get3A_14, %get3A_17, %mul3A, %mul3A_24 in 1 : vector<2000x16xf32>, vector<2000x16xf32>, vector<2000x64xf32>, vector<2000x64xf32> -> vector<2000x160xf32>
    %get3A_25 = arith.constant 0 : index
    %get3A_26 = arith.constant 0 : index
    %get3A_27 = vector.load %arg6[%get3A_25, %get3A_26] : memref<32x64xf32, #tpu.memory_space<vmem>>, vector<32x64xf32>
    %get3A_28 = arith.constant 0 : index
    %get3A_29 = arith.constant 0 : index
    %get3A_30 = arith.constant 0 : index
    %get3A_31 = vector.load %arg7[%get3A_28, %get3A_29, %get3A_30] : memref<4x32x64xf32, #tpu.memory_space<vmem>>, vector<4x32x64xf32>
    %slice3A = vector.extract_strided_slice %get3A_27 {offsets = [0, 0], sizes = [16, 64], strides = [1, 1]} : vector<32x64xf32> to vector<16x64xf32>
    %slice3A_32 = vector.extract_strided_slice %get3A_27 {offsets = [16, 0], sizes = [16, 64], strides = [1, 1]} : vector<32x64xf32> to vector<16x64xf32>
    %slice3A_33 = vector.extract_strided_slice %get3A_31 {offsets = [0, 0, 0], sizes = [1, 32, 64], strides = [1, 1, 1]} : vector<4x32x64xf32> to vector<1x32x64xf32>
    %squeeze3A = vector.shape_cast %slice3A_33 : vector<1x32x64xf32> to vector<32x64xf32>
    %slice3A_34 = vector.extract_strided_slice %squeeze3A {offsets = [0, 0], sizes = [16, 64], strides = [1, 1]} : vector<32x64xf32> to vector<16x64xf32>
    %slice3A_35 = vector.extract_strided_slice %get3A_31 {offsets = [1, 0, 0], sizes = [1, 32, 64], strides = [1, 1, 1]} : vector<4x32x64xf32> to vector<1x32x64xf32>
    %squeeze3A_36 = vector.shape_cast %slice3A_35 : vector<1x32x64xf32> to vector<32x64xf32>
    %slice3A_37 = vector.extract_strided_slice %squeeze3A_36 {offsets = [0, 0], sizes = [16, 64], strides = [1, 1]} : vector<32x64xf32> to vector<16x64xf32>
    %slice3A_38 = vector.extract_strided_slice %get3A_31 {offsets = [2, 0, 0], sizes = [1, 32, 64], strides = [1, 1, 1]} : vector<4x32x64xf32> to vector<1x32x64xf32>
    %squeeze3A_39 = vector.shape_cast %slice3A_38 : vector<1x32x64xf32> to vector<32x64xf32>
    %slice3A_40 = vector.extract_strided_slice %squeeze3A_39 {offsets = [0, 0], sizes = [16, 64], strides = [1, 1]} : vector<32x64xf32> to vector<16x64xf32>
    %slice3A_41 = vector.extract_strided_slice %get3A_31 {offsets = [3, 0, 0], sizes = [1, 32, 64], strides = [1, 1, 1]} : vector<4x32x64xf32> to vector<1x32x64xf32>
    %squeeze3A_42 = vector.shape_cast %slice3A_41 : vector<1x32x64xf32> to vector<32x64xf32>
    %slice3A_43 = vector.extract_strided_slice %squeeze3A_42 {offsets = [0, 0], sizes = [16, 64], strides = [1, 1]} : vector<32x64xf32> to vector<16x64xf32>
    %slice3A_44 = vector.extract_strided_slice %get3A_31 {offsets = [0, 0, 0], sizes = [1, 32, 64], strides = [1, 1, 1]} : vector<4x32x64xf32> to vector<1x32x64xf32>
    %squeeze3A_45 = vector.shape_cast %slice3A_44 : vector<1x32x64xf32> to vector<32x64xf32>
    %slice3A_46 = vector.extract_strided_slice %squeeze3A_45 {offsets = [16, 0], sizes = [16, 64], strides = [1, 1]} : vector<32x64xf32> to vector<16x64xf32>
    %slice3A_47 = vector.extract_strided_slice %get3A_31 {offsets = [1, 0, 0], sizes = [1, 32, 64], strides = [1, 1, 1]} : vector<4x32x64xf32> to vector<1x32x64xf32>
    %squeeze3A_48 = vector.shape_cast %slice3A_47 : vector<1x32x64xf32> to vector<32x64xf32>
    %slice3A_49 = vector.extract_strided_slice %squeeze3A_48 {offsets = [16, 0], sizes = [16, 64], strides = [1, 1]} : vector<32x64xf32> to vector<16x64xf32>
    %slice3A_50 = vector.extract_strided_slice %get3A_31 {offsets = [2, 0, 0], sizes = [1, 32, 64], strides = [1, 1, 1]} : vector<4x32x64xf32> to vector<1x32x64xf32>
    %squeeze3A_51 = vector.shape_cast %slice3A_50 : vector<1x32x64xf32> to vector<32x64xf32>
    %slice3A_52 = vector.extract_strided_slice %squeeze3A_51 {offsets = [16, 0], sizes = [16, 64], strides = [1, 1]} : vector<32x64xf32> to vector<16x64xf32>
    %slice3A_53 = vector.extract_strided_slice %get3A_31 {offsets = [3, 0, 0], sizes = [1, 32, 64], strides = [1, 1, 1]} : vector<4x32x64xf32> to vector<1x32x64xf32>
    %squeeze3A_54 = vector.shape_cast %slice3A_53 : vector<1x32x64xf32> to vector<32x64xf32>
    %slice3A_55 = vector.extract_strided_slice %squeeze3A_54 {offsets = [16, 0], sizes = [16, 64], strides = [1, 1]} : vector<32x64xf32> to vector<16x64xf32>
    %concatenate3A_56 = tpu.concatenate %slice3A, %slice3A_32, %slice3A_34, %slice3A_37, %slice3A_40, %slice3A_43, %slice3A_46, %slice3A_49, %slice3A_52, %slice3A_55 in 0 : vector<16x64xf32>, vector<16x64xf32>, vector<16x64xf32>, vector<16x64xf32>, vector<16x64xf32>, vector<16x64xf32>, vector<16x64xf32>, vector<16x64xf32>, vector<16x64xf32>, vector<16x64xf32> -> vector<160x64xf32>
    %dot_general3A_57 = arith.constant dense<0.000000e+00> : vector<2000x64xf32>
    %dot_general3A_58 = tpu.matmul %concatenate3A, %concatenate3A_56, %dot_general3A_57 {dimension_numbers = #tpu.dot_dimension_numbers<[1], [0], [0], [1], [0, 0, 1, 1], [], []>, transpose_lhs_hint = false} : vector<2000x160xf32>, vector<160x64xf32>, vector<2000x64xf32> -> vector<2000x64xf32>
    %get3A_59 = arith.constant 0 : index
    %get3A_60 = arith.constant 0 : index
    %get3A_61 = vector.load %arg8[%get3A_59, %get3A_60] : memref<1x64xf32, #tpu.memory_space<vmem>>, vector<1x64xf32>
    %add3A_62 = vector.broadcast %get3A_61 : vector<1x64xf32> to vector<2000x64xf32>
    %add3A_63 = arith.addf %dot_general3A_58, %add3A_62 : vector<2000x64xf32>
    %swap3A = arith.constant 0 : index
    %swap3A_64 = arith.constant 0 : index
    %swap3A_65 = vector.load %arg9[%swap3A, %swap3A_64] : memref<2000x64xf32, #tpu.memory_space<vmem>>, vector<2000x64xf32>
    tpu.vector_store %arg9[%swap3A, %swap3A_64], %add3A_63 {strides = array<i32>} : memref<2000x64xf32, #tpu.memory_space<vmem>>, vector<2000x64xf32>,
    return
  }
  func.func @transform_0(%arg0: i32) -> (i32, i32) {
    %c0_i32 = arith.constant 0 : i32
    %c0_i32_0 = arith.constant 0 : i32
    return %arg0, %c0_i32 : i32, i32
  }
  func.func @transform_1(%arg0: i32) -> (i32, i32) {
    %c0_i32 = arith.constant 0 : i32
    %c0_i32_0 = arith.constant 0 : i32
    return %arg0, %c0_i32 : i32, i32
  }
  func.func @transform_2(%arg0: i32) -> (i32, i32) {
    %c0_i32 = arith.constant 0 : i32
    %c0_i32_0 = arith.constant 0 : i32
    return %arg0, %c0_i32 : i32, i32
  }
  func.func @transform_3(%arg0: i32) -> (i32, i32) {
    %c0_i32 = arith.constant 0 : i32
    %c0_i32_0 = arith.constant 0 : i32
    return %arg0, %c0_i32 : i32, i32
  }
  func.func @transform_4(%arg0: i32) -> (i32, i32) {
    %c0_i32 = arith.constant 0 : i32
    %c0_i32_0 = arith.constant 0 : i32
    return %arg0, %c0_i32 : i32, i32
  }
  func.func @transform_5(%arg0: i32) -> (i32, i32) {
    %c0_i32 = arith.constant 0 : i32
    %c0_i32_0 = arith.constant 0 : i32
    %c0_i32_1 = arith.constant 0 : i32
    return %c0_i32, %c0_i32_0 : i32, i32
  }
  func.func @transform_6(%arg0: i32) -> (i32, i32, i32) {
    %c0_i32 = arith.constant 0 : i32
    %c0_i32_0 = arith.constant 0 : i32
    %c0_i32_1 = arith.constant 0 : i32
    %c0_i32_2 = arith.constant 0 : i32
    return %c0_i32, %c0_i32_0, %c0_i32_1 : i32, i32, i32
  }
  func.func @transform_7(%arg0: i32) -> (i32, i32) {
    %c0_i32 = arith.constant 0 : i32
    %c0_i32_0 = arith.constant 0 : i32
    %c0_i32_1 = arith.constant 0 : i32
    return %c0_i32, %c0_i32_0 : i32, i32
  }
  func.func @transform_8(%arg0: i32) -> (i32, i32) {
    %c0_i32 = arith.constant 0 : i32
    %c0_i32_0 = arith.constant 0 : i32
    return %arg0, %c0_i32 : i32, i32
  }
}

</mosaic_0001>

<sc_bundles>
// kernel: kernel.11.cloned.1.call-start
scs
__scs_entry_jumppad:
0x0: {  	(pc) =	sbr.rel $0x88, $3  }
0x1: {  	(tag) =	ssettag $0x0;
	lr =	simm.s32 $0x1  }
0x2: {  	[smem:$0x3F95] =	sst lr;
	_ =	strace $0xD0000000  }
0x3: {  	_ = 	snop  }
0x4: {  	_ = 	snop  }
0x5: {  	_ = 	snop  }
0x6: {  	_ = 	snop  }
0x7: {  	_ = 	snop  }
__scs_overlays_trampoline_lowered:
0x8: {  	[smem:$0x3FA4] =	sst s0  }
0x9: {  	[smem:$0x3FA5] =	sst s1  }
0xa: {  	[smem:$0x3FA6] =	sst s2  }
0xb: {  	[smem:$0x3FA7] =	sst s3  }
0xc: {  	[smem:$0x3FA8] =	sst s4  }
0xd: {  	[smem:$0x3FA9] =	sst s5  }
0xe: {  	[smem:$0x3FAA] =	sst s6  }
0xf: {  	[smem:$0x3FAB] =	sst s7  }
0x10: {  	[smem:$0x3FAC] =	sst s8  }
0x11: {  	[smem:$0x3FAD] =	sst s9;
	s0 =	simm.s32 @!p0 $0x0  }
0x12: {  	s1 =	sld [smem:$0x3F93];
	s0 =	simm.s32 @p0 $0x1  }
0x13: {  	[smem:$0x3FAE] =	sst s0;
	s0 =	simm.s32 @!p1 $0x0  }
0x14: {  	s2 =	sld [smem:$0x3F92];
	s0 =	simm.s32 @p1 $0x1  }
0x15: {  	[smem:$0x3FAF] =	sst s0;
	s0 =	simm.s32 @!p2 $0x0  }
0x16: {  	s3 =	sld [smem:$0x3FDB];
	s0 =	simm.s32 @p2 $0x1  }
0x17: {  	s4 =	simm.s32 $0x1BF5;
	[smem:$0x3FB1] =	sst s0  }
0x18: {  	s0 =	sld [smem:$0x3F94];
	_ =	swait.ge [sflag:s4], $0x0  }
0x19: {  	s7 =	sld [smem:$0x3F95]  }
0x1a: {  	s8 =	sadd.s32 $0xFFFFE003, lr  }
0x1b: {  	s9 =	sadd.s32 $0xFFFFFEF7, lr;
	s5 =	simm.s32 $0xFFFFFFFF;
	p2 =	slt.u32 s8, $0xFFFFF086  }
0x1c: {  	p1 =	slt.u32 s9, $0xF7A;
	s5 =	simm.s32 @!p2 $0x0  }
0x1d: {  	s5 =	simm.s32 @p1 $0x1;
	p0 =	seq.s32 s7, s2  }
0x1e: {  	s7 =	smul.u32 @!p0 $0xF7A, s2;
	p2 =	seq.s32 @!p0 s5, $0x0  }
0x1f: {  	s9 =	smul.u32 $0xF7A, s1;
	s8 =	simm.s32 @!p0 $0x1BF5;
	p2 =	por !p2, p0  }
0x20: {  	[sflag:s8] =	ssyncset.s32 @!p0 $0xFFFFF086;
	s6 =	sadd.s32 @!p0 s3, s7;
	s7 =	simm.s32 @!p0 $0x108  }
0x21: {  	s3 =	sadd.s32 s3, s9;
	s6 =	sadd.s32 @!p0 $0x88, s6;
	s7 =	simm.s32 @p2 $0x1082  }
0x22: {  	[simem:s7], [sflag:s8] =	dma.local @!p0 [hbm:s6], $0xF7A  }
0x23: {  	s9 =	sor.u32 $0xD0000000, s2;
	s6 =	simm.s32 $0x108;
	_ =	swait.ge @!p0 [sflag:s8], $0x0  }
0x24: {  	s3 =	sadd.s32 $0x88, s3;
	s6 =	simm.s32 @!p1 $0x1082;
	[sflag:s4] =	ssyncset.s32 $0xFFFFF086  }
0x25: {  	[simem:s6], [sflag:s4] =	dma.local [hbm:s3], $0xF7A  }
0x26: {  	[smem:$0x3F95] =	sst s1;
	(tag) =	ssettag s2;
	_ =	strace s9  }
0x27: {  	s1 =	sld [smem:$0x3FA5]  }
0x28: {  	s2 =	sld [smem:$0x3FA6]  }
0x29: {  	s4 =	sld [smem:$0x3FA8]  }
0x2a: {  	p0 =	seq.s32 s5, $0x0;
	s5 =	sld [smem:$0x3FA9]  }
0x2b: {  	s6 =	sld [smem:$0x3FAA]  }
0x2c: {  	s7 =	sld [smem:$0x3FAB]  }
0x2d: {  	s3 =	simm.s32 $0x108;
	s8 =	sld [smem:$0x3FAC]  }
0x2e: {  	s3 =	simm.s32 @!p0 $0x1082;
	s9 =	sld [smem:$0x3FAD]  }
0x2f: {  	lr =	sadd.s32 s0, s3;
	s0 =	sld [smem:$0x3FA4]  }
0x30: {  	s3 =	sld [smem:$0x3FA7]  }
0x31: {  	[smem:$0x3FB0] =	sst s10  }
0x32: {  	s10 =	sld [smem:$0x3FAE];
	_ =	sdelay $0x3  }
0x33: {  	p0 =	seq.s32 s10, $0x1;
	s10 =	sld [smem:$0x3FB0];
	_ =	sdelay $0x3  }
0x34: {  	[smem:$0x3FB0] =	sst s10  }
0x35: {  	s10 =	sld [smem:$0x3FAF];
	_ =	sdelay $0x3  }
0x36: {  	p1 =	seq.s32 s10, $0x1;
	s10 =	sld [smem:$0x3FB0];
	_ =	sdelay $0x3  }
0x37: {  	[smem:$0x3FB0] =	sst s10  }
0x38: {  	s10 =	sld [smem:$0x3FB1]  }
0x39: {  	_ = 	snop;
	(pc) =	sbr.ind lr, $3  }
0x3a: {  	_ = 	snop  }
0x3b: {  	_ = 	snop  }
0x3c: {  	p2 =	seq.s32 s10, $0x1;
	s10 =	sld [smem:$0x3FB0]  }
0x3d: {  	_ =	shalt  }
0x3e: {  	_ =	shalt  }
0x3f: {  	_ =	shalt  }
0x40: {  	_ =	shalt  }
0x41: {  	_ =	shalt  }
0x42: {  	_ =	shalt  }
0x43: {  	_ =	shalt  }
0x44: {  	_ =	shalt  }
0x45: {  	_ =	shalt  }
0x46: {  	_ =	shalt  }
0x47: {  	_ =	shalt  }
0x48: {  	_ =	shalt  }
0x49: {  	_ =	shalt  }
0x4a: {  	_ =	shalt  }
0x4b: {  	_ =	shalt  }
0x4c: {  	_ =	shalt  }
0x4d: {  	_ =	shalt  }
0x4e: {  	_ =	shalt  }
0x4f: {  	_ =	shalt  }
0x50: {  	_ =	shalt  }
0x51: {  	_ =	shalt  }
0x52: {  	_ =	shalt  }
0x53: {  	_ =	shalt  }
0x54: {  	_ =	shalt  }
0x55: {  	_ =	shalt  }
0x56: {  	_ =	shalt  }
0x57: {  	_ =	shalt  }
0x58: {  	_ =	shalt  }
0x59: {  	_ =	shalt  }
0x5a: {  	_ =	shalt  }
0x5b: {  	_ =	shalt  }
0x5c: {  	_ =	shalt  }
0x5d: {  	_ =	shalt  }
0x5e: {  	_ =	shalt  }
0x5f: {  	_ =	shalt  }
0x60: {  	_ =	shalt  }
0x61: {  	_ =	shalt  }
0x62: {  	_ =	shalt  }
0x63: {  	_ =	shalt  }
0x64: {  	_ =	shalt  }
0x65: {  	_ =	shalt  }
0x66: {  	_ =	shalt  }
0x67: {  	_ =	shalt  }
0x68: {  	_ =	shalt  }
0x69: {  	_ =	shalt  }
0x6a: {  	_ =	shalt  }
0x6b: {  	_ =	shalt  }
0x6c: {  	_ =	shalt  }
0x6d: {  	_ =	shalt  }
0x6e: {  	_ =	shalt  }
0x6f: {  	_ =	shalt  }
0x70: {  	_ =	shalt  }
0x71: {  	_ =	shalt  }
0x72: {  	_ =	shalt  }
0x73: {  	_ =	shalt  }
0x74: {  	_ =	shalt  }
0x75: {  	_ =	shalt  }
0x76: {  	_ =	shalt  }
0x77: {  	_ =	shalt  }
0x78: {  	_ =	shalt  }
0x79: {  	_ =	shalt  }
0x7a: {  	_ =	shalt  }
0x7b: {  	_ =	shalt  }
0x7c: {  	_ =	shalt  }
0x7d: {  	_ =	shalt  }
0x7e: {  	_ =	shalt  }
0x7f: {  	_ =	shalt  }
0x80: {  	_ =	shalt  }
0x81: {  	_ =	shalt  }
0x82: {  	_ =	shalt  }
0x83: {  	_ =	shalt  }
0x84: {  	_ =	shalt  }
0x85: {  	_ =	shalt  }
0x86: {  	_ =	shalt  }
0x87: {  	_ =	shalt  }
.Lfunc_end0:
.L_simem_size_0:
called_computation.1_lowered:
.L_overlay_start_0:
0x88: {  	s2 =	sld [smem:$0x3FD9]  }
0x89: {  	s3 =	sld [smem:$0x3FFE];
	_ =	sdelay $0x1  }
0x8a: {  	s1 =	srdreg.scid  }
0x8b: {  	s0 =	sand.u32 $0x1, s1  }
0x8c: {  	s17 =	sshll.u32 s0, $0xA;
	s2 =	sadd.s32 s3, s2  }
0x8d: {  	s2 =	sadd.s32 s2, s17  }
0x8e: {  	[smem:$0x3FBC] =	sst s2  }
0x8f: {  	_ = 	snop  }
0x90: {  	s2 =	sld [smem:$0x3FC7]  }
0x91: {  	s18 =	sld [smem:$0x3FD0];
	(tm) =	ssettm $0x1  }
0x92: {  	s4 =	sld [smem:$0x3FFB];
	_ =	sdelay $0x3  }
0x93: {  	_ =	strace s4  }
0x94: {  	s4 =	sld [smem:$0x3FFC];
	_ =	sdelay $0x3  }
0x95: {  	_ =	strace s4  }
0x96: {  	s4 =	sld [smem:$0x3FFD];
	_ =	sdelay $0x3  }
0x97: {  	_ =	strace s4  }
0x98: {  	_ =	strace $0x8FFFFFFF  }
0x99: {  	s19 =	sld [smem:$0x3FDB];
	_ =	sdelay $0x1  }
0x9a: {  	s5 =	simm.s32 $_scs_section_size  }
0x9b: {  	s6 =	simm.s32 $_size__tile_overlayer_lowered;
	s7 =	simm.s32 $_tile_overlayer_lowered  }
0x9c: {  	s22 =	simm.s32 $0x1BFF;
	s21 =	sshll.u32 s7, $0x1;
	s4 =	sadd.s32 s5, s19  }
0x9d: {  	s8 =	simm.s32 $0x0;
	s20 =	sshll.u32 s6, $0x1;
	s6 =	sadd.s32 s21, s4  }
0x9e: {  	[timem:s8], [sflag:s22] =	dma.local [hbm:s6], s20  }
0x9f: {  	_ =	swait.ge [sflag:s22], s20  }
0xa0: {  	s5 =	ssub.s32 $0x0, s20;
	[sflag:s22] =	ssyncset.done $0x0  }
0xa1: {  	[sflag:s22] =	ssyncadd.s32 s5;
	_ =	sdelay $0x1  }
0xa2: {  	s23 =	simm.s32 $0x1B8B  }
0xa3: {  	_ =	swait.ge [sflag:s23], $0x1  }
0xa4: {  	[sflag:s23] =	ssyncset.done $0x0  }
0xa5: {  	s25 =	simm.s32 $0x1B8E;
	s24 =	sld [smem:$0x3FFE];
	[sflag:s23] =	ssyncadd.s32 $0xFFFFFFFF  }
0xa6: {  	s26 =	simm.s32 $execute0_lowered;
	[smem:$0x3FD2] =	sst s25  }
0xa7: {  	s6 =	sshll.u32 s26, $0x1;
	_ =	strace $0x80000049;
	[dreg:$0x1] =	wrdreg $0xFFFFFFFF  }
0xa8: {  	s28 =	simm.s32 $_size_execute0_lowered;
	s4 =	sadd.s32 s4, s6;
	[dreg:$0x0] =	wrdreg $0x0  }
0xa9: {  	s6 =	sshll.u32 s28, $0x1;
	[dreg:$0x2] =	wrdreg s4  }
0xaa: {  	[dreg:$0x3] =	wrdreg s6  }
0xab: {  	[dreg:$0x4] =	wrdreg $0xC0  }
0xac: {  	_ =	task [dreg:s8], $0x5FFFF  }
0xad: {  	[dreg:$0x1] =	wrdreg $0xFFFFFFFF  }
0xae: {  	[dreg:$0x0] =	wrdreg $0x60  }
0xaf: {  	[dreg:$0x2] =	wrdreg s24  }
0xb0: {  	[dreg:$0x3] =	wrdreg s2  }
0xb1: {  	[dreg:$0x4] =	wrdreg s18  }
0xb2: {  	[dreg:$0x5] =	wrdreg $0x0  }
0xb3: {  	[dreg:$0x6] =	wrdreg $0x9  }
0xb4: {  	_ =	task.clear_ibuf [dreg:s8], $0x7FFFF;
	_ =	strace $0x90000049  }
0xb5: {  	s29 =	simm.s32 $0x9;
	_ =	strace $0x8000004B  }
0xb6: {  	_ =	swait.ge [sflag:s29], $0x1  }
0xb7: {  	[sflag:s29] =	ssyncadd.s32 $0xFFFFFFFF  }
0xb8: {  	_ =	strace $0x9000004B  }
0xb9: {  	_ =	sfence  }
0xba: {  	s30 =	sld [smem:$0x0];
	_ =	sdelay $0x2  }
0xbb: {  	s31 =	sshll.u32 s1, $0xD;
	s1 =	sshrl.u32 s1, $0x2  }
0xbc: {  	s3 =	sand.u32 $0x4000, s31;
	s1 =	sadd.s32 s1, s30  }
0xbd: {  	s0 =	sor.u32 s3, s0;
	s1 =	sshll.u32 s1, $0x11  }
0xbe: {  	s0 =	sor.u32 s1, s0  }
0xbf: {  	s0 =	sadd.s32 $0x8F2B, s0  }
0xc0: {  	[sflag:s0] =	ssyncadd.remote.s32 $0x1  }
0xc1: {  	_ =	sfence.sel $0xFFFF  }
0xc2: {  	[dreg:$0x0] =	wrdreg $0xFFFFFFFF;
	(pc) =	sbr.abs _section_cstart, $3  }
0xc3: {  	[dreg:$0x1] =	wrdreg $0xFFFFFFFF  }
0xc4: {  	_ =	task.clear_ibuf [dreg:s8], $0x2FFFF;
	_ =	strace $0x9FFFFFFF  }
0xc5: {  	(tm) =	ssettm $0x7FFFFFFF  }
tec
execute0_lowered:
.L_overlay_start_1:
0x0: {  	(tag) =	ssettag $0x1  }
0x1: {  	s0 =	rddreg [dreg:$0x0]  }
0x2: {  	s1 =	rddreg [dreg:$0x1]  }
0x3: {  	s2 =	rddreg [dreg:$0x2]  }
0x4: {  	s4 =	rddreg [dreg:$0x3];
	s5 =	simm.s32 $0x0  }
0x5: {  	s6 =	srdreg.scid;
	s3 =	stileid.u32;
	s30 =	simm.s32 $0x18980  }
0x6: {  	s31 =	simm.s32 $0x19B00;
	[smem:$0x7FF] =	sst s5;
	s8 =	smul.u32 $0x280, s3  }
0x7: {  	s9 =	sand.u32 $0x1, s6;
	s6 =	sadd.s32 $0x34000, s0;
	s7 =	sadd.s32 $0x3200, s0  }
0x8: {  	s14 =	smul.u32 $0x61C00, s3;
	s18 =	sor.u32 $0x186A0, s3;
	s11 =	sshrl.u32 s8, $0x3  }
0x9: {  	p0 =	sgt.u32 s3, $0x3;
	_ =	strace $0x8000004A;
	s15 =	sadd.s32 s1, s11  }
0xa: {  	s10 =	ssub.s32 $0x2, s9;
	s8 =	sadd.s32 s7, s11;
	[dreg:$0x7] =	wrdreg s15  }
0xb: {  	s11 =	sadd.s32 $0x500, s11;
	s12 =	sadd.s32 $0x186A0, s8;
	[dreg:$0x5] =	wrdreg s8  }
0xc: {  	s9 =	smul.u32 $0x61A8, s9;
	s16 =	sadd.s32 s7, s11;
	[dreg:$0x6] =	wrdreg s12  }
0xd: {  	s13 =	sshrl.u32 s10, $0x1;
	s8 =	sadd.s32 $0x18BA0, s8;
	[dreg:$0x8] =	wrdreg s16  }
0xe: {  	s0 =	ssub.s32 s10, s13;
	s19 =	sadd.s32 s1, s11;
	[dreg:$0x9] =	wrdreg s8  }
0xf: {  	s10 =	sshrl.u32 s14, $0x2;
	s0 =	smax.u32 s0, $0x1;
	[dreg:$0xb] =	wrdreg s19  }
0x10: {  	s14 =	simm.s32 $0x18C00;
	s17 =	sadd.s32 s10, s4;
	[dreg:$0x14] =	wrdreg s0  }
0x11: {  	s13 =	simm.s32 $0x2;
	s20 =	sadd.s32 $0x2800, s17;
	[dreg:$0xa] =	wrdreg s17  }
0x12: {  	s10 =	simm.s32 $0x1;
	s21 =	sadd.s32 $0x5000, s17;
	[dreg:$0xc] =	wrdreg s20  }
0x13: {  	s11 =	simm.s32 $0x280;
	s22 =	sadd.s32 $0x7800, s17;
	[dreg:$0xd] =	wrdreg s21  }
0x14: {  	s15 =	simm.s32 $0x1C300;
	s23 =	sadd.s32 $0xA000, s17;
	[dreg:$0xe] =	wrdreg s22  }
0x15: {  	s24 =	sadd.s32 $0xC800, s17;
	s25 =	sadd.s32 $0xF000, s17;
	[dreg:$0xf] =	wrdreg s23  }
0x16: {  	s26 =	sadd.s32 $0x11800, s17;
	s28 =	sadd.s32 $0x14000, s17;
	[dreg:$0x10] =	wrdreg s24  }
0x17: {  	s29 =	sadd.s32 $0x16800, s17;
	s19 =	simm.s32 $0x19100;
	[dreg:$0x11] =	wrdreg s25  }
0x18: {  	s0 =	simm.s32 $0x3;
	s12 =	simm.s32 $0x19600;
	[dreg:$0x12] =	wrdreg s26  }
0x19: {  	s16 =	simm.s32 $0x4;
	s17 =	simm.s32 $0x19880;
	[dreg:$0x13] =	wrdreg s28  }
0x1a: {  	v2 =	vimm.f32 $0.0e+00;
	v0 =	vmov s18;
	v1 =	vmov s9;
	[dreg:$0x15] =	wrdreg s29;
	s26 =	simm.s32 $0x18700;
	s20 =	simm.s32 $0x0  }
.LBB2_1:
0x1b: {  	s8 =	rddreg [dreg:$0x5]  }
0x1c: {  	s22 =	rddreg [dreg:$0x6]  }
0x1d: {  	[tilespmem:s26], [sflag:$0x1] =	stream.linear.gather [hbm4b:s8+s5], $0x280, $0x38;
	[tilespmem:$0x1EB00] =	vst v63  }
0x1e: {  	s23 =	rddreg [dreg:$0x7]  }
0x1f: {  	[tilespmem:s14], [sflag:$0x1] =	stream.linear.gather [hbm4b:s22+s5], $0x280, $0x38;
	[tilespmem:$0x1EB00] =	vst v63  }
0x20: {  	s24 =	rddreg [dreg:$0x8]  }
0x21: {  	[tilespmem:s19], [sflag:$0x1] =	stream.linear.gather [hbm4b:s23+s5], $0x280, $0x38;
	[tilespmem:$0x1EB00] =	vst v63  }
0x22: {  	s25 =	rddreg [dreg:$0x9]  }
0x23: {  	[tilespmem:s30], [sflag:$0x2] =	stream.linear.gather [hbm4b:s24+s5], $0x280, $0x38;
	[tilespmem:$0x1EB00] =	vst v63  }
0x24: {  	s18 =	simm.s32 $0x18E80;
	s28 =	rddreg [dreg:$0xb]  }
0x25: {  	[tilespmem:s18], [sflag:$0x2] =	stream.linear.gather [hbm4b:s25+s5], $0x280, $0x38;
	[tilespmem:$0x1EB00] =	vst v63  }
0x26: {  	s29 =	simm.s32 $0x19380;
	s21 =	simm.s32 $0x40;
	s22 =	simm.s32 $0x0  }
0x27: {  	[tilespmem:s29], [sflag:$0x2] =	stream.linear.gather [hbm4b:s28+s5], $0x280, $0x38;
	[tilespmem:$0x1EB00] =	vst v63  }
.LBB2_2:
0x28: {  	p1 =	sne.s32 s21, $0x9FC0;
	[tilespmem:s22+$0x19B00] =	vst v2;
	s22 =	smov.u32 s21;
	s21 =	sadd.s32 $0x40, s21  }
.Ltmp0:
0x29: {  	(pc) =	sbr.rel @p1 .LBB2_2-.Ltmp0, $2  }
0x2a: {  	_ =	sdelay $0x2  }
0x2b: {  	s22 =	sshra.s32 s22, $0x2  }
0x2c: {  	[tilespmem:s22+$0x19B00] =	vst v2;
	s8 =	rddreg [dreg:$0xa]  }
0x2d: {  	[spmem:s8] =	stream.linear.scatter [tilespmem:s31], [sflag:$0x3], $0x2800, $0x38;
	[tilespmem:$0x1EB00] =	vst v63  }
0x2e: {  	s29 =	rddreg [dreg:$0xc]  }
0x2f: {  	[spmem:s29] =	stream.linear.scatter [tilespmem:s31], [sflag:$0x3], $0x2800, $0x38;
	[tilespmem:$0x1EB00] =	vst v63  }
0x30: {  	s18 =	rddreg [dreg:$0xd]  }
0x31: {  	[spmem:s18] =	stream.linear.scatter [tilespmem:s31], [sflag:$0x3], $0x2800, $0x38;
	[tilespmem:$0x1EB00] =	vst v63  }
0x32: {  	s21 =	rddreg [dreg:$0xe]  }
0x33: {  	[spmem:s21] =	stream.linear.scatter [tilespmem:s31], [sflag:$0x3], $0x2800, $0x38;
	[tilespmem:$0x1EB00] =	vst v63  }
0x34: {  	s22 =	rddreg [dreg:$0xf]  }
0x35: {  	[spmem:s22] =	stream.linear.scatter [tilespmem:s31], [sflag:$0x3], $0x2800, $0x38;
	[tilespmem:$0x1EB00] =	vst v63  }
0x36: {  	s23 =	rddreg [dreg:$0x10]  }
0x37: {  	[spmem:s23] =	stream.linear.scatter [tilespmem:s31], [sflag:$0x3], $0x2800, $0x38;
	[tilespmem:$0x1EB00] =	vst v63  }
0x38: {  	s24 =	rddreg [dreg:$0x11]  }
0x39: {  	[spmem:s24] =	stream.linear.scatter [tilespmem:s31], [sflag:$0x3], $0x2800, $0x38;
	[tilespmem:$0x1EB00] =	vst v63  }
0x3a: {  	s25 =	rddreg [dreg:$0x12]  }
0x3b: {  	[spmem:s25] =	stream.linear.scatter [tilespmem:s31], [sflag:$0x3], $0x2800, $0x38;
	[tilespmem:$0x1EB00] =	vst v63  }
0x3c: {  	s28 =	rddreg [dreg:$0x13]  }
0x3d: {  	[spmem:s28] =	stream.linear.scatter [tilespmem:s31], [sflag:$0x3], $0x2800, $0x38;
	[tilespmem:$0x1EB00] =	vst v63  }
0x3e: {  	s29 =	rddreg [dreg:$0x15]  }
0x3f: {  	[spmem:s29] =	stream.linear.scatter [tilespmem:s31], [sflag:$0x3], $0x1F00, $0x38;
	[tilespmem:$0x1EB00] =	vst v63  }
0x40: {  	_ =	swait.ge [sflag:s0], $0x2800  }
0x41: {  	[sflag:s0] =	ssyncset.done $0x0  }
0x42: {  	[sflag:s0] =	ssyncadd.s32 $0xFFFFD800  }
0x43: {  	_ =	swait.ge [sflag:s0], $0x2800  }
0x44: {  	[sflag:s0] =	ssyncset.done $0x0  }
0x45: {  	[sflag:s0] =	ssyncadd.s32 $0xFFFFD800  }
0x46: {  	_ =	swait.ge [sflag:s0], $0x2800  }
0x47: {  	[sflag:s0] =	ssyncset.done $0x0  }
0x48: {  	[sflag:s0] =	ssyncadd.s32 $0xFFFFD800  }
0x49: {  	_ =	swait.ge [sflag:s0], $0x2800  }
0x4a: {  	[sflag:s0] =	ssyncset.done $0x0  }
0x4b: {  	[sflag:s0] =	ssyncadd.s32 $0xFFFFD800  }
0x4c: {  	_ =	swait.ge [sflag:s0], $0x2800  }
0x4d: {  	[sflag:s0] =	ssyncset.done $0x0  }
0x4e: {  	[sflag:s0] =	ssyncadd.s32 $0xFFFFD800  }
0x4f: {  	_ =	swait.ge [sflag:s0], $0x2800  }
0x50: {  	[sflag:s0] =	ssyncset.done $0x0  }
0x51: {  	[sflag:s0] =	ssyncadd.s32 $0xFFFFD800  }
0x52: {  	_ =	swait.ge [sflag:s0], $0x2800  }
0x53: {  	[sflag:s0] =	ssyncset.done $0x0  }
0x54: {  	[sflag:s0] =	ssyncadd.s32 $0xFFFFD800  }
0x55: {  	_ =	swait.ge [sflag:s0], $0x2800  }
0x56: {  	[sflag:s0] =	ssyncset.done $0x0  }
0x57: {  	[sflag:s0] =	ssyncadd.s32 $0xFFFFD800  }
0x58: {  	_ =	swait.ge [sflag:s0], $0x2800  }
0x59: {  	[sflag:s0] =	ssyncset.done $0x0  }
0x5a: {  	[sflag:s0] =	ssyncadd.s32 $0xFFFFD800  }
.Ltmp1:
0x5b: {  	_ =	swait.ge [sflag:s0], $0x1F00;
	(pc) =	sbr.rel .LBB2_4-.Ltmp1, $4  }
0x5c: {  	[sflag:s0] =	ssyncset.done $0x0  }
0x5d: {  	[sflag:s0] =	ssyncadd.s32 $0xFFFFE100  }
0x5e: {  	[bflag:$0x0] =	sbarrier.arrive $0xFFFF  }
0x5f: {  	s21 =	simm.s32 $0x0  }
.LBB2_13:
0x60: {  	s21 =	sadd.s32 $0x1, s21  }
0x61: {  	p1 =	sne.s32 s21, $0x28  }
.Ltmp2:
0x62: {  	_ = 	snop;
	(pc) =	sbr.rel @!p1 .LBB2_14-.Ltmp2, $1  }
0x63: {  	_ =	sdelay $0x3  }
.LBB2_4:
0x64: {  	s22 =	sshll.u32 s21, $0x5  }
0x65: {  	s22 =	sor.u32 s3, s22  }
0x66: {  	p1 =	sgt.u32 s22, $0x4E1  }
.Ltmp3:
0x67: {  	_ = 	snop;
	(pc) =	sbr.rel @p1 .LBB2_13-.Ltmp3, $1  }
0x68: {  	_ =	sdelay $0x3  }
0x69: {  	p1 =	seq.s32 s21, $0x0  }
0x6a: {  	s23 =	simm.s32 @!p1 $0x5  }
0x6b: {  	_ =	swait.ge @!p1 [sflag:s23], $0x2800  }
0x6c: {  	[sflag:s23] =	ssyncset.done @!p1 $0x0  }
0x6d: {  	[sflag:s23] =	ssyncadd.s32 @!p1 $0xFFFFD800  }
0x6e: {  	_ =	swait.ge [sflag:s10], $0x280  }
0x6f: {  	[sflag:s10] =	ssyncset.done $0x0  }
0x70: {  	[sflag:s10] =	ssyncadd.s32 $0xFFFFFD80  }
0x71: {  	_ =	swait.ge [sflag:s10], $0x280  }
0x72: {  	[sflag:s10] =	ssyncset.done $0x0  }
0x73: {  	[sflag:s10] =	ssyncadd.s32 $0xFFFFFD80  }
0x74: {  	_ =	swait.ge [sflag:s10], $0x280  }
0x75: {  	[sflag:s10] =	ssyncset.done $0x0  }
0x76: {  	s23 =	simm.s32 $0x0;
	[sflag:s10] =	ssyncadd.s32 $0xFFFFFD80  }
0x77: {  	[tilespmem:s31], [sflag:$0x3] =	stream.indirect.gather [hbm4b:s6+s11], $0x10, s26, s11, $0xb8;
	[tilespmem:$0x1EB00] =	vst v63  }
0x78: {  	v3 =	vld [tilespmem:s23+$0x19100]  }
0x79: {  	v4 =	vld [tilespmem:s23+$0x18C00];
	_ =	sdelay $0x1  }
0x7a: {  	s24 =	simm.s32 $0x40  }
.LBB2_6:
0x7b: {  	p2 =	sne.s32 s24, $0x9C0  }
.Ltmp4:
0x7c: {  	s25 =	sshra.s32 s24, $0x2;
	s24 =	sadd.s32 $0x40, s24;
	v5 =	vmul.u32 $0x61A8, v3;
	(pc) =	sbr.rel @p2 .LBB2_6-.Ltmp4, $4  }
0x7d: {  	v3 =	vld [tilespmem:s25+$0x19100];
	v6 =	vsub.s32 v4, v1  }
0x7e: {  	v4 =	vld [tilespmem:s25+$0x18C00];
	vm0 =	vlt.u32 v6, $0x61A8;
	v5 =	vadd.s32 v6, v5  }
0x7f: {  	v5 =	vsel vm0, v5, v0  }
0x80: {  	[tilespmem:s23+$0x19600] =	vst v5;
	s23 =	smov.u32 s25  }
0x81: {  	_ = 	snop  }
0x82: {  	v3 =	vmul.u32 $0x61A8, v3  }
0x83: {  	v4 =	vsub.s32 v4, v1  }
0x84: {  	p2 =	sgt.u32 s22, $0x4C1;
	vm0 =	vlt.u32 v4, $0x61A8;
	v3 =	vadd.s32 v4, v3  }
.Ltmp5:
0x85: {  	v3 =	vsel vm0, v3, v0;
	(pc) =	sbr.rel @p2 .LBB2_9-.Ltmp5, $4  }
0x86: {  	[tilespmem:s23+$0x19600] =	vst v3  }
0x87: {  	_ =	swait.ge [sflag:s0], $0x2800  }
0x88: {  	[sflag:s0] =	ssyncset.done $0x0  }
0x89: {  	[sflag:s0] =	ssyncadd.s32 $0xFFFFD800  }
0x8a: {  	s23 =	smul.u32 $0x280, s22;
	_ =	sdelay $0x1  }
0x8b: {  	s23 =	sshrl.u32 s23, $0x3  }
0x8c: {  	s24 =	sadd.s32 $0xA00, s23  }
0x8d: {  	s23 =	sadd.s32 s7, s23;
	s25 =	sadd.s32 s7, s24  }
0x8e: {  	[tilespmem:s26], [sflag:$0x1] =	stream.linear.gather [hbm4b:s25+s5], $0x280, $0x38;
	[tilespmem:$0x1EB00] =	vst v63  }
0x8f: {  	s23 =	sadd.s32 $0x190A0, s23  }
0x90: {  	[tilespmem:s14], [sflag:$0x1] =	stream.linear.gather [hbm4b:s23+s5], $0x280, $0x38;
	[tilespmem:$0x1EB00] =	vst v63  }
.Ltmp6:
0x91: {  	_ = 	snop;
	(pc) =	sbr.rel .LBB2_10-.Ltmp6, $4  }
0x92: {  	s29 =	sadd.s32 s1, s24  }
0x93: {  	[tilespmem:s19], [sflag:$0x1] =	stream.linear.gather [hbm4b:s29+s5], $0x280, $0x38;
	[tilespmem:$0x1EB00] =	vst v63  }
0x94: {  	_ = 	snop  }
0x95: {  	[spmem:s4] =	stream.indirect.scatter.add.f32 [tilespmem:s31], [sflag:$0x5], $0x10, s12, s11, $0xb8;
	[tilespmem:$0x1EB00] =	vst v63  }
.LBB2_9:
0x96: {  	p2 =	sgt.u32 s22, $0x4D1  }
.Ltmp7:
0x97: {  	_ = 	snop;
	(pc) =	sbr.rel @p2 .LBB2_13-.Ltmp7, $2  }
0x98: {  	_ =	sdelay $0x2  }
0x99: {  	[spmem:s4] =	stream.indirect.scatter.add.f32 [tilespmem:s31], [sflag:$0x5], $0x10, s12, s11, $0xb8;
	[tilespmem:$0x1EB00] =	vst v63  }
.LBB2_10:
0x9a: {  	s23 =	simm.s32 @!p1 $0x6  }
0x9b: {  	_ =	swait.ge @!p1 [sflag:s23], $0x2800  }
0x9c: {  	[sflag:s23] =	ssyncset.done @!p1 $0x0  }
0x9d: {  	[sflag:s23] =	ssyncadd.s32 @!p1 $0xFFFFD800  }
0x9e: {  	_ =	swait.ge [sflag:s13], $0x280  }
0x9f: {  	[sflag:s13] =	ssyncset.done $0x0  }
0xa0: {  	[sflag:s13] =	ssyncadd.s32 $0xFFFFFD80  }
0xa1: {  	_ =	swait.ge [sflag:s13], $0x280  }
0xa2: {  	[sflag:s13] =	ssyncset.done $0x0  }
0xa3: {  	[sflag:s13] =	ssyncadd.s32 $0xFFFFFD80  }
0xa4: {  	_ =	swait.ge [sflag:s13], $0x280  }
0xa5: {  	[sflag:s13] =	ssyncset.done $0x0  }
0xa6: {  	s23 =	simm.s32 $0x0;
	[sflag:s13] =	ssyncadd.s32 $0xFFFFFD80  }
0xa7: {  	[tilespmem:s15], [sflag:$0x4] =	stream.indirect.gather [hbm4b:s6+s11], $0x10, s30, s11, $0xb8;
	[tilespmem:$0x1EB00] =	vst v63  }
0xa8: {  	v3 =	vld [tilespmem:s23+$0x19380]  }
0xa9: {  	v4 =	vld [tilespmem:s23+$0x18E80];
	_ =	sdelay $0x1  }
0xaa: {  	s24 =	simm.s32 $0x40  }
.LBB2_11:
0xab: {  	p1 =	sne.s32 s24, $0x9C0  }
.Ltmp8:
0xac: {  	s25 =	sshra.s32 s24, $0x2;
	s24 =	sadd.s32 $0x40, s24;
	v5 =	vmul.u32 $0x61A8, v3;
	(pc) =	sbr.rel @p1 .LBB2_11-.Ltmp8, $4  }
0xad: {  	v3 =	vld [tilespmem:s25+$0x19380];
	v6 =	vsub.s32 v4, v1  }
0xae: {  	v4 =	vld [tilespmem:s25+$0x18E80];
	vm0 =	vlt.u32 v6, $0x61A8;
	v5 =	vadd.s32 v6, v5  }
0xaf: {  	v5 =	vsel vm0, v5, v0  }
0xb0: {  	[tilespmem:s23+$0x19880] =	vst v5;
	s23 =	smov.u32 s25  }
0xb1: {  	_ = 	snop  }
0xb2: {  	v3 =	vmul.u32 $0x61A8, v3  }
0xb3: {  	v4 =	vsub.s32 v4, v1  }
0xb4: {  	p1 =	sgt.u32 s22, $0x4B1;
	vm0 =	vlt.u32 v4, $0x61A8;
	v3 =	vadd.s32 v4, v3  }
0xb5: {  	s22 =	smul.u32 @!p1 $0x280, s22;
	v3 =	vsel vm0, v3, v0  }
0xb6: {  	[tilespmem:s23+$0x19880] =	vst v3  }
0xb7: {  	s22 =	sshrl.u32 @!p1 s22, $0x3;
	_ =	swait.ge [sflag:s16], $0x2800  }
0xb8: {  	s25 =	simm.s32 @!p1 $0x0;
	s23 =	sadd.s32 @!p1 $0xF00, s22;
	[sflag:s16] =	ssyncset.done $0x0  }
0xb9: {  	s8 =	simm.s32 @!p1 $0x18980;
	s24 =	sadd.s32 @!p1 s7, s23;
	[sflag:s16] =	ssyncadd.s32 $0xFFFFD800  }
0xba: {  	[tilespmem:s8], [sflag:$0x2] =	stream.linear.gather @!p1 [hbm4b:s24+s25], $0x280, $0x38;
	[tilespmem:$0x1EB00] =	vst v63  }
0xbb: {  	s8 =	sadd.s32 @!p1 s7, s22  }
0xbc: {  	s22 =	simm.s32 @!p1 $0x18E80;
	s8 =	sadd.s32 @!p1 $0x195A0, s8  }
0xbd: {  	[tilespmem:s22], [sflag:$0x2] =	stream.linear.gather @!p1 [hbm4b:s8+s25], $0x280, $0x38;
	[tilespmem:$0x1EB00] =	vst v63  }
.Ltmp9:
0xbe: {  	_ = 	snop;
	(pc) =	sbr.rel .LBB2_13-.Ltmp9, $4  }
0xbf: {  	s8 =	sadd.s32 @!p1 s1, s23;
	s22 =	simm.s32 @!p1 $0x19380  }
0xc0: {  	[tilespmem:s22], [sflag:$0x2] =	stream.linear.gather @!p1 [hbm4b:s8+s25], $0x280, $0x38;
	[tilespmem:$0x1EB00] =	vst v63  }
0xc1: {  	_ = 	snop  }
0xc2: {  	[spmem:s4] =	stream.indirect.scatter.add.f32 [tilespmem:s15], [sflag:$0x6], $0x10, s17, s11, $0xb8;
	[tilespmem:$0x1EB00] =	vst v63  }
.LBB2_14:
0xc3: {  	s8 =	simm.s32 $0x5  }
0xc4: {  	_ =	swait.ge [sflag:s8], $0x2800  }
0xc5: {  	s21 =	sadd.s32 $0x0, s3;
	[sflag:s8] =	ssyncset.done $0x0  }
0xc6: {  	s14 =	simm.s32 $0x6;
	p1 =	sgt.u32 s21, $0x63;
	[sflag:s8] =	ssyncadd.s32 $0xFFFFD800  }
0xc7: {  	s8 =	smul.u32 @!p1 $0x29, s21;
	_ =	swait.ge [sflag:s14], $0x2800  }
0xc8: {  	[sflag:s14] =	ssyncset.done $0x0  }
0xc9: {  	s8 =	sshrl.u32 @!p1 s8, $0xA;
	[sflag:s14] =	ssyncadd.s32 $0xFFFFD800  }
0xca: {  	s23 =	simm.s32 $0x10;
	s22 =	sand.u32 @!p1 $0x3F, s8;
	[bflag:$0x0] =	sbarrier.arrive $0xFFFF  }
.LBB2_15:
0xcb: {  	s8 =	sadd.s32 s23, s3;
	s24 =	smul.u32 @!p1 $0x19, s22;
	p2 =	por p1, p1  }
0xcc: {  	s23 =	sadd.s32 $0x10, s23;
	p1 =	sgt.u32 s8, $0x63  }
0xcd: {  	s25 =	smul.u32 @!p1 $0x29, s8;
	s24 =	ssub.s32 @!p2 s21, s24;
	s21 =	smov.u32 s8  }
0xce: {  	s14 =	simm.s32 @!p2 $0x1;
	s8 =	sand.u32 @!p2 $0xFF, s24;
	s24 =	smul.u32 @!p2 $0x61A8, s22  }
0xcf: {  	s18 =	sshll.u32 @!p2 s3, $0x6;
	s19 =	simm.s32 @!p2 $0x8;
	s8 =	smul.u32 @!p2 $0x3E8, s8  }
0xd0: {  	s28 =	simm.s32 @!p2 $0x2;
	p3 =	sne.s32 s23, $0x70;
	s18 =	sor.u32 @!p2 $0x1C03, s18  }
.Ltmp10:
0xd1: {  	s25 =	sshrl.u32 @!p1 s25, $0xA;
	s24 =	sadd.s32 @!p2 s8, s24;
	(pc) =	sbr.rel @p3 .LBB2_15-.Ltmp10, $4  }
0xd2: {  	s22 =	sshll.u32 @!p2 s22, $0x1;
	s8 =	sadd.s32 @!p2 s9, s8;
	s24 =	sshll.u32 @!p2 s24, $0x4  }
0xd3: {  	s29 =	sadd.s32 @!p2 s2, s22;
	s8 =	sshll.u32 @!p2 s8, $0x3;
	s24 =	sadd.s32 @!p2 s24, s4  }
0xd4: {  	s22 =	sand.u32 @!p1 $0x3F, s25;
	s8 =	sadd.s32 @!p2 s8, s29;
	s24 =	sshrl.u32 @!p2 s24, $0x3  }
0xd5: {  	[hbm:s8@s19], [sflag:s18] =	dma.strided @!p2 [spmem:s24@s28], $0x7D0, s14, $0x2   }
0xd6: {  	s8 =	smul.u32 @!p1 $0x19, s22  }
0xd7: {  	p1 =	por p1, p1  }
0xd8: {  	s8 =	ssub.s32 @!p1 s21, s8  }
0xd9: {  	s14 =	smul.u32 @!p1 $0x61A8, s22;
	s8 =	sand.u32 @!p1 $0xFF, s8  }
0xda: {  	s8 =	smul.u32 @!p1 $0x3E8, s8  }
0xdb: {  	s18 =	simm.s32 @!p1 $0x1;
	s19 =	sshll.u32 @!p1 s3, $0x6  }
0xdc: {  	s22 =	sshll.u32 @!p1 s22, $0x1;
	s23 =	simm.s32 @!p1 $0x2;
	s14 =	sadd.s32 @!p1 s8, s14  }
0xdd: {  	s21 =	simm.s32 @!p1 $0x8;
	s8 =	sadd.s32 @!p1 s9, s8;
	s14 =	sshll.u32 @!p1 s14, $0x4  }
0xde: {  	s22 =	sadd.s32 @!p1 s2, s22;
	s8 =	sshll.u32 @!p1 s8, $0x3;
	s14 =	sadd.s32 @!p1 s14, s4  }
0xdf: {  	s19 =	sor.u32 @!p1 $0x1C03, s19;
	s8 =	sadd.s32 @!p1 s8, s22;
	s14 =	sshrl.u32 @!p1 s14, $0x3  }
0xe0: {  	[hbm:s8@s21], [sflag:s19] =	dma.strided @!p1 [spmem:s14@s23], $0x7D0, s18, $0x2   }
0xe1: {  	_ =	swait.ge [sflag:s0], $0x7D0  }
0xe2: {  	[sflag:s0] =	ssyncset.done $0x0  }
0xe3: {  	[sflag:s0] =	ssyncadd.s32 $0xFFFFF830  }
0xe4: {  	_ =	swait.ge [sflag:s0], $0x7D0  }
0xe5: {  	[sflag:s0] =	ssyncset.done $0x0  }
0xe6: {  	[sflag:s0] =	ssyncadd.s32 $0xFFFFF830  }
0xe7: {  	_ =	swait.ge [sflag:s0], $0x7D0  }
0xe8: {  	[sflag:s0] =	ssyncset.done $0x0  }
0xe9: {  	[sflag:s0] =	ssyncadd.s32 $0xFFFFF830  }
0xea: {  	_ =	swait.ge [sflag:s0], $0x7D0  }
0xeb: {  	[sflag:s0] =	ssyncset.done $0x0  }
0xec: {  	[sflag:s0] =	ssyncadd.s32 $0xFFFFF830  }
0xed: {  	_ =	swait.ge [sflag:s0], $0x7D0  }
0xee: {  	[sflag:s0] =	ssyncset.done $0x0  }
0xef: {  	[sflag:s0] =	ssyncadd.s32 $0xFFFFF830  }
0xf0: {  	_ =	swait.ge [sflag:s0], $0x7D0  }
0xf1: {  	[sflag:s0] =	ssyncset.done $0x0  }
0xf2: {  	s8 =	simm.s32 @!p0 $0x3;
	[sflag:s0] =	ssyncadd.s32 $0xFFFFF830  }
0xf3: {  	_ =	swait.ge @!p0 [sflag:s8], $0x7D0  }
0xf4: {  	s20 =	sadd.s32 $0x1, s20;
	s29 =	rddreg [dreg:$0x14]  }
0xf5: {  	p1 =	sne.s32 s20, s29  }
.Ltmp11:
0xf6: {  	_ = 	snop;
	(pc) =	sbr.rel @p1 .LBB2_1-.Ltmp11, $3  }
0xf7: {  	_ =	sdelay $0x1  }
0xf8: {  	[sflag:s8] =	ssyncset.done @!p0 $0x0  }
0xf9: {  	s14 =	simm.s32 $0x18C00;
	s19 =	simm.s32 $0x19100;
	[sflag:s8] =	ssyncadd.s32 @!p0 $0xFFFFF830  }
0xfa: {  	_ =	sfence.sel $0x180000  }
0xfb: {  	[bflag:$0x0] =	sbarrier.arrive $0xFFFF  }
0xfc: {  	_ =	strace $0x9000004A  }
0xfd: {  	[bflag:$0x2] =	sbarrier.arrive $0xFFFF  }
0xfe: {  	p0 =	sne.s32 s3, $0x0;
	s0 =	rddreg [dreg:$0x4]  }
0xff: {  	s0 =	sadd.s32 @!p0 $0x100000, s0  }
0x100: {  	[sflag:s0] =	ssyncadd.tile.s32 @!p0 $0x1;
	_ =	shalt  }
.Lfunc_end2:
_tile_overlayer_lowered:
.L_overlay_start_2:
0x101: {  	(tag) =	ssettag $0x2  }
0x102: {  	s0 =	rddreg [dreg:$0x0];
	s2 =	stileid.u32  }
0x103: {  	s1 =	rddreg [dreg:$0x1];
	p0 =	sne.s32 s2, $0x0  }
0x104: {  	s3 =	rddreg [dreg:$0x2];
	[bflag:$0x3] =	sbarrier.arrive $0xFFFF;
	s2 =	simm.s32 @!p0 $0x1C07  }
0x105: {  	[timem:s3], [sflag:s2] =	dma.local @!p0 [hbm:s0], s1  }
0x106: {  	s0 =	simm.s32 @!p0 $0x7  }
0x107: {  	_ =	swait.ge @!p0 [sflag:s0], s1  }
0x108: {  	s1 =	ssub.s32 @!p0 $0x0, s1;
	[sflag:s0] =	ssyncset.done @!p0 $0x0  }
0x109: {  	[sflag:s0] =	ssyncadd.s32 @!p0 s1  }
0x10a: {  	[bflag:$0x3] =	sbarrier.arrive $0xFFFF  }
0x10b: {  	_ =	shalt  }

// kernel: kernel.14.cloned.1.call-start
scs
__scs_entry_jumppad:
0x0: {  	(pc) =	sbr.rel $0x88, $3  }
0x1: {  	(tag) =	ssettag $0x0;
	lr =	simm.s32 $0x1  }
0x2: {  	[smem:$0x3F95] =	sst lr;
	_ =	strace $0xD0000000  }
0x3: {  	_ = 	snop  }
0x4: {  	_ = 	snop  }
0x5: {  	_ = 	snop  }
0x6: {  	_ = 	snop  }
0x7: {  	_ = 	snop  }
__scs_overlays_trampoline_lowered:
0x8: {  	[smem:$0x3FA4] =	sst s0  }
0x9: {  	[smem:$0x3FA5] =	sst s1  }
0xa: {  	[smem:$0x3FA6] =	sst s2  }
0xb: {  	[smem:$0x3FA7] =	sst s3  }
0xc: {  	[smem:$0x3FA8] =	sst s4  }
0xd: {  	[smem:$0x3FA9] =	sst s5  }
0xe: {  	[smem:$0x3FAA] =	sst s6  }
0xf: {  	[smem:$0x3FAB] =	sst s7  }
0x10: {  	[smem:$0x3FAC] =	sst s8  }
0x11: {  	[smem:$0x3FAD] =	sst s9;
	s0 =	simm.s32 @!p0 $0x0  }
0x12: {  	s1 =	sld [smem:$0x3F93];
	s0 =	simm.s32 @p0 $0x1  }
0x13: {  	[smem:$0x3FAE] =	sst s0;
	s0 =	simm.s32 @!p1 $0x0  }
0x14: {  	s2 =	sld [smem:$0x3F92];
	s0 =	simm.s32 @p1 $0x1  }
0x15: {  	[smem:$0x3FAF] =	sst s0;
	s0 =	simm.s32 @!p2 $0x0  }
0x16: {  	s3 =	sld [smem:$0x3FDB];
	s0 =	simm.s32 @p2 $0x1  }
0x17: {  	s4 =	simm.s32 $0x1BF5;
	[smem:$0x3FB1] =	sst s0  }
0x18: {  	s0 =	sld [smem:$0x3F94];
	_ =	swait.ge [sflag:s4], $0x0  }
0x19: {  	s7 =	sld [smem:$0x3F95]  }
0x1a: {  	s8 =	sadd.s32 $0xFFFFE003, lr  }
0x1b: {  	s9 =	sadd.s32 $0xFFFFFEF7, lr;
	s5 =	simm.s32 $0xFFFFFFFF;
	p2 =	slt.u32 s8, $0xFFFFF086  }
0x1c: {  	p1 =	slt.u32 s9, $0xF7A;
	s5 =	simm.s32 @!p2 $0x0  }
0x1d: {  	s5 =	simm.s32 @p1 $0x1;
	p0 =	seq.s32 s7, s2  }
0x1e: {  	s7 =	smul.u32 @!p0 $0xF7A, s2;
	p2 =	seq.s32 @!p0 s5, $0x0  }
0x1f: {  	s9 =	smul.u32 $0xF7A, s1;
	s8 =	simm.s32 @!p0 $0x1BF5;
	p2 =	por !p2, p0  }
0x20: {  	[sflag:s8] =	ssyncset.s32 @!p0 $0xFFFFF086;
	s6 =	sadd.s32 @!p0 s3, s7;
	s7 =	simm.s32 @!p0 $0x108  }
0x21: {  	s3 =	sadd.s32 s3, s9;
	s6 =	sadd.s32 @!p0 $0x88, s6;
	s7 =	simm.s32 @p2 $0x1082  }
0x22: {  	[simem:s7], [sflag:s8] =	dma.local @!p0 [hbm:s6], $0xF7A  }
0x23: {  	s9 =	sor.u32 $0xD0000000, s2;
	s6 =	simm.s32 $0x108;
	_ =	swait.ge @!p0 [sflag:s8], $0x0  }
0x24: {  	s3 =	sadd.s32 $0x88, s3;
	s6 =	simm.s32 @!p1 $0x1082;
	[sflag:s4] =	ssyncset.s32 $0xFFFFF086  }
0x25: {  	[simem:s6], [sflag:s4] =	dma.local [hbm:s3], $0xF7A  }
0x26: {  	[smem:$0x3F95] =	sst s1;
	(tag) =	ssettag s2;
	_ =	strace s9  }
0x27: {  	s1 =	sld [smem:$0x3FA5]  }
0x28: {  	s2 =	sld [smem:$0x3FA6]  }
0x29: {  	s4 =	sld [smem:$0x3FA8]  }
0x2a: {  	p0 =	seq.s32 s5, $0x0;
	s5 =	sld [smem:$0x3FA9]  }
0x2b: {  	s6 =	sld [smem:$0x3FAA]  }
0x2c: {  	s7 =	sld [smem:$0x3FAB]  }
0x2d: {  	s3 =	simm.s32 $0x108;
	s8 =	sld [smem:$0x3FAC]  }
0x2e: {  	s3 =	simm.s32 @!p0 $0x1082;
	s9 =	sld [smem:$0x3FAD]  }
0x2f: {  	lr =	sadd.s32 s0, s3;
	s0 =	sld [smem:$0x3FA4]  }
0x30: {  	s3 =	sld [smem:$0x3FA7]  }
0x31: {  	[smem:$0x3FB0] =	sst s10  }
0x32: {  	s10 =	sld [smem:$0x3FAE];
	_ =	sdelay $0x3  }
0x33: {  	p0 =	seq.s32 s10, $0x1;
	s10 =	sld [smem:$0x3FB0];
	_ =	sdelay $0x3  }
0x34: {  	[smem:$0x3FB0] =	sst s10  }
0x35: {  	s10 =	sld [smem:$0x3FAF];
	_ =	sdelay $0x3  }
0x36: {  	p1 =	seq.s32 s10, $0x1;
	s10 =	sld [smem:$0x3FB0];
	_ =	sdelay $0x3  }
0x37: {  	[smem:$0x3FB0] =	sst s10  }
0x38: {  	s10 =	sld [smem:$0x3FB1]  }
0x39: {  	_ = 	snop;
	(pc) =	sbr.ind lr, $3  }
0x3a: {  	_ = 	snop  }
0x3b: {  	_ = 	snop  }
0x3c: {  	p2 =	seq.s32 s10, $0x1;
	s10 =	sld [smem:$0x3FB0]  }
0x3d: {  	_ =	shalt  }
0x3e: {  	_ =	shalt  }
0x3f: {  	_ =	shalt  }
0x40: {  	_ =	shalt  }
0x41: {  	_ =	shalt  }
0x42: {  	_ =	shalt  }
0x43: {  	_ =	shalt  }
0x44: {  	_ =	shalt  }
0x45: {  	_ =	shalt  }
0x46: {  	_ =	shalt  }
0x47: {  	_ =	shalt  }
0x48: {  	_ =	shalt  }
0x49: {  	_ =	shalt  }
0x4a: {  	_ =	shalt  }
0x4b: {  	_ =	shalt  }
0x4c: {  	_ =	shalt  }
0x4d: {  	_ =	shalt  }
0x4e: {  	_ =	shalt  }
0x4f: {  	_ =	shalt  }
0x50: {  	_ =	shalt  }
0x51: {  	_ =	shalt  }
0x52: {  	_ =	shalt  }
0x53: {  	_ =	shalt  }
0x54: {  	_ =	shalt  }
0x55: {  	_ =	shalt  }
0x56: {  	_ =	shalt  }
0x57: {  	_ =	shalt  }
0x58: {  	_ =	shalt  }
0x59: {  	_ =	shalt  }
0x5a: {  	_ =	shalt  }
0x5b: {  	_ =	shalt  }
0x5c: {  	_ =	shalt  }
0x5d: {  	_ =	shalt  }
0x5e: {  	_ =	shalt  }
0x5f: {  	_ =	shalt  }
0x60: {  	_ =	shalt  }
0x61: {  	_ =	shalt  }
0x62: {  	_ =	shalt  }
0x63: {  	_ =	shalt  }
0x64: {  	_ =	shalt  }
0x65: {  	_ =	shalt  }
0x66: {  	_ =	shalt  }
0x67: {  	_ =	shalt  }
0x68: {  	_ =	shalt  }
0x69: {  	_ =	shalt  }
0x6a: {  	_ =	shalt  }
0x6b: {  	_ =	shalt  }
0x6c: {  	_ =	shalt  }
0x6d: {  	_ =	shalt  }
0x6e: {  	_ =	shalt  }
0x6f: {  	_ =	shalt  }
0x70: {  	_ =	shalt  }
0x71: {  	_ =	shalt  }
0x72: {  	_ =	shalt  }
0x73: {  	_ =	shalt  }
0x74: {  	_ =	shalt  }
0x75: {  	_ =	shalt  }
0x76: {  	_ =	shalt  }
0x77: {  	_ =	shalt  }
0x78: {  	_ =	shalt  }
0x79: {  	_ =	shalt  }
0x7a: {  	_ =	shalt  }
0x7b: {  	_ =	shalt  }
0x7c: {  	_ =	shalt  }
0x7d: {  	_ =	shalt  }
0x7e: {  	_ =	shalt  }
0x7f: {  	_ =	shalt  }
0x80: {  	_ =	shalt  }
0x81: {  	_ =	shalt  }
0x82: {  	_ =	shalt  }
0x83: {  	_ =	shalt  }
0x84: {  	_ =	shalt  }
0x85: {  	_ =	shalt  }
0x86: {  	_ =	shalt  }
0x87: {  	_ =	shalt  }
.Lfunc_end0:
.L_simem_size_0:
called_computation.2_lowered:
.L_overlay_start_0:
0x88: {  	s2 =	sld [smem:$0x3FD9]  }
0x89: {  	s3 =	sld [smem:$0x3FFE];
	_ =	sdelay $0x1  }
0x8a: {  	s1 =	srdreg.scid  }
0x8b: {  	s0 =	sand.u32 $0x1, s1  }
0x8c: {  	s17 =	sshll.u32 s0, $0xA;
	s2 =	sadd.s32 s3, s2  }
0x8d: {  	s2 =	sadd.s32 s2, s17  }
0x8e: {  	[smem:$0x3FBC] =	sst s2  }
0x8f: {  	_ = 	snop  }
0x90: {  	s2 =	sld [smem:$0x3FC7]  }
0x91: {  	s18 =	sld [smem:$0x3FD0];
	(tm) =	ssettm $0x1  }
0x92: {  	s4 =	sld [smem:$0x3FFB];
	_ =	sdelay $0x3  }
0x93: {  	_ =	strace s4  }
0x94: {  	s4 =	sld [smem:$0x3FFC];
	_ =	sdelay $0x3  }
0x95: {  	_ =	strace s4  }
0x96: {  	s4 =	sld [smem:$0x3FFD];
	_ =	sdelay $0x3  }
0x97: {  	_ =	strace s4  }
0x98: {  	_ =	strace $0x8FFFFFFF  }
0x99: {  	s19 =	sld [smem:$0x3FDB];
	_ =	sdelay $0x1  }
0x9a: {  	s5 =	simm.s32 $_scs_section_size  }
0x9b: {  	s6 =	simm.s32 $_size__tile_overlayer_lowered;
	s7 =	simm.s32 $_tile_overlayer_lowered  }
0x9c: {  	s22 =	simm.s32 $0x1BFF;
	s21 =	sshll.u32 s7, $0x1;
	s4 =	sadd.s32 s5, s19  }
0x9d: {  	s8 =	simm.s32 $0x0;
	s20 =	sshll.u32 s6, $0x1;
	s6 =	sadd.s32 s21, s4  }
0x9e: {  	[timem:s8], [sflag:s22] =	dma.local [hbm:s6], s20  }
0x9f: {  	_ =	swait.ge [sflag:s22], s20  }
0xa0: {  	s5 =	ssub.s32 $0x0, s20;
	[sflag:s22] =	ssyncset.done $0x0  }
0xa1: {  	[sflag:s22] =	ssyncadd.s32 s5;
	_ =	sdelay $0x1  }
0xa2: {  	s23 =	simm.s32 $0x1B8B  }
0xa3: {  	_ =	swait.ge [sflag:s23], $0x1  }
0xa4: {  	[sflag:s23] =	ssyncset.done $0x0  }
0xa5: {  	s25 =	simm.s32 $0x1B8E;
	s24 =	sld [smem:$0x3FFE];
	[sflag:s23] =	ssyncadd.s32 $0xFFFFFFFF  }
0xa6: {  	s26 =	simm.s32 $execute0_lowered;
	[smem:$0x3FD2] =	sst s25  }
0xa7: {  	s6 =	sshll.u32 s26, $0x1;
	_ =	strace $0x8000004C;
	[dreg:$0x1] =	wrdreg $0xFFFFFFFF  }
0xa8: {  	s28 =	simm.s32 $_size_execute0_lowered;
	s4 =	sadd.s32 s4, s6;
	[dreg:$0x0] =	wrdreg $0x0  }
0xa9: {  	s6 =	sshll.u32 s28, $0x1;
	[dreg:$0x2] =	wrdreg s4  }
0xaa: {  	[dreg:$0x3] =	wrdreg s6  }
0xab: {  	[dreg:$0x4] =	wrdreg $0xC0  }
0xac: {  	_ =	task [dreg:s8], $0x5FFFF  }
0xad: {  	[dreg:$0x1] =	wrdreg $0xFFFFFFFF  }
0xae: {  	[dreg:$0x0] =	wrdreg $0x60  }
0xaf: {  	[dreg:$0x2] =	wrdreg s24  }
0xb0: {  	[dreg:$0x3] =	wrdreg s2  }
0xb1: {  	[dreg:$0x4] =	wrdreg s18  }
0xb2: {  	[dreg:$0x5] =	wrdreg $0x0  }
0xb3: {  	[dreg:$0x6] =	wrdreg $0x9  }
0xb4: {  	_ =	task.clear_ibuf [dreg:s8], $0x7FFFF;
	_ =	strace $0x9000004C  }
0xb5: {  	s29 =	simm.s32 $0x9;
	_ =	strace $0x8000004E  }
0xb6: {  	_ =	swait.ge [sflag:s29], $0x1  }
0xb7: {  	[sflag:s29] =	ssyncadd.s32 $0xFFFFFFFF  }
0xb8: {  	_ =	strace $0x9000004E  }
0xb9: {  	_ =	sfence  }
0xba: {  	s30 =	sld [smem:$0x0];
	_ =	sdelay $0x2  }
0xbb: {  	s31 =	sshll.u32 s1, $0xD;
	s1 =	sshrl.u32 s1, $0x2  }
0xbc: {  	s3 =	sand.u32 $0x4000, s31;
	s1 =	sadd.s32 s1, s30  }
0xbd: {  	s0 =	sor.u32 s3, s0;
	s1 =	sshll.u32 s1, $0x11  }
0xbe: {  	s0 =	sor.u32 s1, s0  }
0xbf: {  	s0 =	sadd.s32 $0x8F2B, s0  }
0xc0: {  	[sflag:s0] =	ssyncadd.remote.s32 $0x1  }
0xc1: {  	_ =	sfence.sel $0xFFFF  }
0xc2: {  	[dreg:$0x0] =	wrdreg $0xFFFFFFFF;
	(pc) =	sbr.abs _section_cstart, $3  }
0xc3: {  	[dreg:$0x1] =	wrdreg $0xFFFFFFFF  }
0xc4: {  	_ =	task.clear_ibuf [dreg:s8], $0x2FFFF;
	_ =	strace $0x9FFFFFFF  }
0xc5: {  	(tm) =	ssettm $0x7FFFFFFF  }
tec
execute0_lowered:
.L_overlay_start_1:
0x0: {  	(tag) =	ssettag $0x1  }
0x1: {  	s0 =	rddreg [dreg:$0x0]  }
0x2: {  	s1 =	rddreg [dreg:$0x1]  }
0x3: {  	s2 =	rddreg [dreg:$0x2]  }
0x4: {  	s3 =	rddreg [dreg:$0x3]  }
0x5: {  	s5 =	simm.s32 $0x0;
	s7 =	srdreg.scid;
	s4 =	stileid.u32  }
0x6: {  	s29 =	simm.s32 $0x18700;
	s17 =	simm.s32 $0x2;
	s11 =	smul.u32 $0x280, s4  }
0x7: {  	[smem:$0x7FF] =	sst s5;
	s6 =	sadd.s32 $0x1BAC00, s0;
	s10 =	sand.u32 $0x1, s7  }
0x8: {  	s7 =	sadd.s32 $0x34000, s0;
	s8 =	sadd.s32 $0x3200, s0;
	s13 =	sshrl.u32 s11, $0x3  }
0x9: {  	s9 =	sadd.s32 $0x4C800, s0;
	s31 =	smul.u32 $0x61C00, s4;
	s19 =	sadd.s32 s1, s13  }
0xa: {  	_ =	strace $0x8000004D;
	s14 =	sadd.s32 s8, s13;
	[dreg:$0x7] =	wrdreg s19  }
0xb: {  	s13 =	sadd.s32 $0x500, s13;
	s15 =	sadd.s32 $0x186A0, s14;
	[dreg:$0x5] =	wrdreg s14  }
0xc: {  	s12 =	ssub.s32 $0x2, s10;
	s20 =	sadd.s32 s8, s13;
	[dreg:$0x6] =	wrdreg s15  }
0xd: {  	s30 =	sshrl.u32 s12, $0x1;
	s14 =	sadd.s32 $0x18BA0, s14;
	[dreg:$0x8] =	wrdreg s20  }
0xe: {  	s0 =	ssub.s32 s12, s30;
	s13 =	sadd.s32 s1, s13;
	[dreg:$0x9] =	wrdreg s14  }
0xf: {  	s12 =	sshrl.u32 s31, $0x2;
	s0 =	smax.u32 s0, $0x1;
	[dreg:$0xb] =	wrdreg s13  }
0x10: {  	s18 =	simm.s32 $0x1C300;
	s12 =	sadd.s32 s12, s3;
	[dreg:$0x12] =	wrdreg s0  }
0x11: {  	s16 =	sor.u32 $0x186A0, s4;
	s21 =	sadd.s32 $0x2800, s12;
	[dreg:$0xa] =	wrdreg s12  }
0x12: {  	p0 =	sgt.u32 s4, $0x3;
	s22 =	sadd.s32 $0x5000, s12;
	[dreg:$0xc] =	wrdreg s21  }
0x13: {  	s11 =	smul.u32 $0x61A8, s10;
	s23 =	sadd.s32 $0x7800, s12;
	[dreg:$0xd] =	wrdreg s22  }
0x14: {  	s19 =	simm.s32 $0x4;
	s24 =	sadd.s32 $0xA000, s12;
	[dreg:$0xe] =	wrdreg s23  }
0x15: {  	s25 =	sadd.s32 $0xC800, s12;
	s26 =	sadd.s32 $0xF000, s12;
	[dreg:$0xf] =	wrdreg s24  }
0x16: {  	s28 =	sadd.s32 $0x11800, s12;
	s30 =	sadd.s32 $0x14000, s12;
	[dreg:$0x10] =	wrdreg s25  }
0x17: {  	s31 =	sadd.s32 $0x16800, s12;
	s20 =	simm.s32 $0x18C00;
	[dreg:$0x11] =	wrdreg s26  }
0x18: {  	s0 =	simm.s32 $0x18980;
	s12 =	simm.s32 $0x3;
	[dreg:$0x13] =	wrdreg s28  }
0x19: {  	s13 =	simm.s32 $0x1;
	s14 =	simm.s32 $0x280;
	[dreg:$0x14] =	wrdreg s30  }
0x1a: {  	s15 =	simm.s32 $0x19600;
	[dreg:$0x15] =	wrdreg s31;
	s22 =	simm.s32 $0x19100  }
0x1b: {  	v2 =	vimm.f32 $0.0e+00;
	v0 =	vmov s16;
	v1 =	vmov s11;
	s24 =	simm.s32 $0x19B00;
	s23 =	simm.s32 $0x19880;
	s21 =	simm.s32 $0x0  }
.LBB2_1:
0x1c: {  	[dreg:$0x16] =	wrdreg s21  }
0x1d: {  	s10 =	rddreg [dreg:$0x5]  }
0x1e: {  	s21 =	rddreg [dreg:$0x6]  }
0x1f: {  	[tilespmem:s29], [sflag:$0x1] =	stream.linear.gather [hbm4b:s10+s5], $0x280, $0x38;
	[tilespmem:$0x1EB00] =	vst v63  }
0x20: {  	s25 =	rddreg [dreg:$0x7]  }
0x21: {  	[tilespmem:s20], [sflag:$0x1] =	stream.linear.gather [hbm4b:s21+s5], $0x280, $0x38;
	[tilespmem:$0x1EB00] =	vst v63  }
0x22: {  	s26 =	rddreg [dreg:$0x8]  }
0x23: {  	[tilespmem:s22], [sflag:$0x1] =	stream.linear.gather [hbm4b:s25+s5], $0x280, $0x38;
	[tilespmem:$0x1EB00] =	vst v63  }
0x24: {  	s28 =	rddreg [dreg:$0x9]  }
0x25: {  	[tilespmem:s0], [sflag:$0x2] =	stream.linear.gather [hbm4b:s26+s5], $0x280, $0x38;
	[tilespmem:$0x1EB00] =	vst v63  }
0x26: {  	s16 =	simm.s32 $0x18E80;
	s30 =	rddreg [dreg:$0xb]  }
0x27: {  	[tilespmem:s16], [sflag:$0x2] =	stream.linear.gather [hbm4b:s28+s5], $0x280, $0x38;
	[tilespmem:$0x1EB00] =	vst v63  }
0x28: {  	s31 =	simm.s32 $0x19380;
	s10 =	simm.s32 $0x40;
	s25 =	simm.s32 $0x0  }
0x29: {  	[tilespmem:s31], [sflag:$0x2] =	stream.linear.gather [hbm4b:s30+s5], $0x280, $0x38;
	[tilespmem:$0x1EB00] =	vst v63  }
.LBB2_2:
0x2a: {  	p1 =	sne.s32 s10, $0x9FC0;
	[tilespmem:s25+$0x19B00] =	vst v2;
	s25 =	smov.u32 s10;
	s10 =	sadd.s32 $0x40, s10  }
.Ltmp0:
0x2b: {  	(pc) =	sbr.rel @p1 .LBB2_2-.Ltmp0, $2  }
0x2c: {  	_ =	sdelay $0x2  }
0x2d: {  	s25 =	sshra.s32 s25, $0x2  }
0x2e: {  	[tilespmem:s25+$0x19B00] =	vst v2;
	s10 =	rddreg [dreg:$0xa]  }
0x2f: {  	[spmem:s10] =	stream.linear.scatter [tilespmem:s24], [sflag:$0x3], $0x2800, $0x38;
	[tilespmem:$0x1EB00] =	vst v63  }
0x30: {  	s30 =	rddreg [dreg:$0xc]  }
0x31: {  	[spmem:s30] =	stream.linear.scatter [tilespmem:s24], [sflag:$0x3], $0x2800, $0x38;
	[tilespmem:$0x1EB00] =	vst v63  }
0x32: {  	s31 =	rddreg [dreg:$0xd]  }
0x33: {  	[spmem:s31] =	stream.linear.scatter [tilespmem:s24], [sflag:$0x3], $0x2800, $0x38;
	[tilespmem:$0x1EB00] =	vst v63  }
0x34: {  	s16 =	rddreg [dreg:$0xe]  }
0x35: {  	[spmem:s16] =	stream.linear.scatter [tilespmem:s24], [sflag:$0x3], $0x2800, $0x38;
	[tilespmem:$0x1EB00] =	vst v63  }
0x36: {  	s21 =	rddreg [dreg:$0xf]  }
0x37: {  	[spmem:s21] =	stream.linear.scatter [tilespmem:s24], [sflag:$0x3], $0x2800, $0x38;
	[tilespmem:$0x1EB00] =	vst v63  }
0x38: {  	s25 =	rddreg [dreg:$0x10]  }
0x39: {  	[spmem:s25] =	stream.linear.scatter [tilespmem:s24], [sflag:$0x3], $0x2800, $0x38;
	[tilespmem:$0x1EB00] =	vst v63  }
0x3a: {  	s26 =	rddreg [dreg:$0x11]  }
0x3b: {  	[spmem:s26] =	stream.linear.scatter [tilespmem:s24], [sflag:$0x3], $0x2800, $0x38;
	[tilespmem:$0x1EB00] =	vst v63  }
0x3c: {  	s28 =	rddreg [dreg:$0x13]  }
0x3d: {  	[spmem:s28] =	stream.linear.scatter [tilespmem:s24], [sflag:$0x3], $0x2800, $0x38;
	[tilespmem:$0x1EB00] =	vst v63  }
0x3e: {  	s30 =	rddreg [dreg:$0x14]  }
0x3f: {  	[spmem:s30] =	stream.linear.scatter [tilespmem:s24], [sflag:$0x3], $0x2800, $0x38;
	[tilespmem:$0x1EB00] =	vst v63  }
0x40: {  	s31 =	rddreg [dreg:$0x15]  }
0x41: {  	[spmem:s31] =	stream.linear.scatter [tilespmem:s24], [sflag:$0x3], $0x1F00, $0x38;
	[tilespmem:$0x1EB00] =	vst v63  }
0x42: {  	_ =	swait.ge [sflag:s12], $0x2800  }
0x43: {  	[sflag:s12] =	ssyncset.done $0x0  }
0x44: {  	[sflag:s12] =	ssyncadd.s32 $0xFFFFD800  }
0x45: {  	_ =	swait.ge [sflag:s12], $0x2800  }
0x46: {  	[sflag:s12] =	ssyncset.done $0x0  }
0x47: {  	[sflag:s12] =	ssyncadd.s32 $0xFFFFD800  }
0x48: {  	_ =	swait.ge [sflag:s12], $0x2800  }
0x49: {  	[sflag:s12] =	ssyncset.done $0x0  }
0x4a: {  	[sflag:s12] =	ssyncadd.s32 $0xFFFFD800  }
0x4b: {  	_ =	swait.ge [sflag:s12], $0x2800  }
0x4c: {  	[sflag:s12] =	ssyncset.done $0x0  }
0x4d: {  	[sflag:s12] =	ssyncadd.s32 $0xFFFFD800  }
0x4e: {  	_ =	swait.ge [sflag:s12], $0x2800  }
0x4f: {  	[sflag:s12] =	ssyncset.done $0x0  }
0x50: {  	[sflag:s12] =	ssyncadd.s32 $0xFFFFD800  }
0x51: {  	_ =	swait.ge [sflag:s12], $0x2800  }
0x52: {  	[sflag:s12] =	ssyncset.done $0x0  }
0x53: {  	[sflag:s12] =	ssyncadd.s32 $0xFFFFD800  }
0x54: {  	_ =	swait.ge [sflag:s12], $0x2800  }
0x55: {  	[sflag:s12] =	ssyncset.done $0x0  }
0x56: {  	[sflag:s12] =	ssyncadd.s32 $0xFFFFD800  }
0x57: {  	_ =	swait.ge [sflag:s12], $0x2800  }
0x58: {  	[sflag:s12] =	ssyncset.done $0x0  }
0x59: {  	[sflag:s12] =	ssyncadd.s32 $0xFFFFD800  }
0x5a: {  	_ =	swait.ge [sflag:s12], $0x2800  }
0x5b: {  	[sflag:s12] =	ssyncset.done $0x0  }
0x5c: {  	[sflag:s12] =	ssyncadd.s32 $0xFFFFD800  }
.Ltmp1:
0x5d: {  	_ =	swait.ge [sflag:s12], $0x1F00;
	(pc) =	sbr.rel .LBB2_4-.Ltmp1, $4  }
0x5e: {  	[sflag:s12] =	ssyncset.done $0x0  }
0x5f: {  	[sflag:s12] =	ssyncadd.s32 $0xFFFFE100  }
0x60: {  	[bflag:$0x0] =	sbarrier.arrive $0xFFFF  }
0x61: {  	s25 =	simm.s32 $0x0  }
.LBB2_13:
0x62: {  	s25 =	sadd.s32 $0x1, s25  }
0x63: {  	p1 =	sne.s32 s25, $0x28  }
.Ltmp2:
0x64: {  	_ = 	snop;
	(pc) =	sbr.rel @!p1 .LBB2_14-.Ltmp2, $1  }
0x65: {  	_ =	sdelay $0x3  }
.LBB2_4:
0x66: {  	s10 =	sshll.u32 s25, $0x5  }
0x67: {  	s26 =	sor.u32 s4, s10  }
0x68: {  	p1 =	sgt.u32 s26, $0x4E1  }
.Ltmp3:
0x69: {  	_ = 	snop;
	(pc) =	sbr.rel @p1 .LBB2_13-.Ltmp3, $1  }
0x6a: {  	_ =	sdelay $0x3  }
0x6b: {  	p1 =	seq.s32 s25, $0x0  }
0x6c: {  	s10 =	simm.s32 @!p1 $0x5  }
0x6d: {  	_ =	swait.ge @!p1 [sflag:s10], $0x2800  }
0x6e: {  	[sflag:s10] =	ssyncset.done @!p1 $0x0  }
0x6f: {  	[sflag:s10] =	ssyncadd.s32 @!p1 $0xFFFFD800  }
0x70: {  	_ =	swait.ge [sflag:s13], $0x280  }
0x71: {  	[sflag:s13] =	ssyncset.done $0x0  }
0x72: {  	[sflag:s13] =	ssyncadd.s32 $0xFFFFFD80  }
0x73: {  	_ =	swait.ge [sflag:s13], $0x280  }
0x74: {  	[sflag:s13] =	ssyncset.done $0x0  }
0x75: {  	[sflag:s13] =	ssyncadd.s32 $0xFFFFFD80  }
0x76: {  	_ =	swait.ge [sflag:s13], $0x280  }
0x77: {  	[sflag:s13] =	ssyncset.done $0x0  }
0x78: {  	s10 =	simm.s32 $0x0;
	[sflag:s13] =	ssyncadd.s32 $0xFFFFFD80  }
0x79: {  	[tilespmem:s24], [sflag:$0x3] =	stream.indirect.gather [hbm4b:s6+s14], $0x10, s29, s14, $0xb8;
	[tilespmem:$0x1EB00] =	vst v63  }
0x7a: {  	v3 =	vld [tilespmem:s10+$0x19100]  }
0x7b: {  	v4 =	vld [tilespmem:s10+$0x18C00];
	_ =	sdelay $0x1  }
0x7c: {  	s28 =	simm.s32 $0x40  }
.LBB2_6:
0x7d: {  	p2 =	sne.s32 s28, $0x9C0  }
.Ltmp4:
0x7e: {  	s16 =	sshra.s32 s28, $0x2;
	s28 =	sadd.s32 $0x40, s28;
	v5 =	vmul.u32 $0x61A8, v3;
	(pc) =	sbr.rel @p2 .LBB2_6-.Ltmp4, $4  }
0x7f: {  	v3 =	vld [tilespmem:s16+$0x19100];
	v6 =	vsub.s32 v4, v1  }
0x80: {  	v4 =	vld [tilespmem:s16+$0x18C00];
	vm0 =	vlt.u32 v6, $0x61A8;
	v5 =	vadd.s32 v6, v5  }
0x81: {  	v5 =	vsel vm0, v5, v0  }
0x82: {  	[tilespmem:s10+$0x19600] =	vst v5;
	s10 =	smov.u32 s16  }
0x83: {  	_ = 	snop  }
0x84: {  	v3 =	vmul.u32 $0x61A8, v3  }
0x85: {  	v4 =	vsub.s32 v4, v1  }
0x86: {  	p2 =	sgt.u32 s26, $0x4C1;
	vm0 =	vlt.u32 v4, $0x61A8;
	v3 =	vadd.s32 v4, v3  }
.Ltmp5:
0x87: {  	v3 =	vsel vm0, v3, v0;
	(pc) =	sbr.rel @p2 .LBB2_9-.Ltmp5, $4  }
0x88: {  	[tilespmem:s10+$0x19600] =	vst v3  }
0x89: {  	_ =	swait.ge [sflag:s12], $0x2800  }
0x8a: {  	[sflag:s12] =	ssyncset.done $0x0  }
0x8b: {  	[sflag:s12] =	ssyncadd.s32 $0xFFFFD800  }
0x8c: {  	s10 =	smul.u32 $0x280, s26;
	_ =	sdelay $0x1  }
0x8d: {  	s10 =	sshrl.u32 s10, $0x3  }
0x8e: {  	s16 =	sadd.s32 $0xA00, s10  }
0x8f: {  	s10 =	sadd.s32 s8, s10;
	s28 =	sadd.s32 s8, s16  }
0x90: {  	[tilespmem:s29], [sflag:$0x1] =	stream.linear.gather [hbm4b:s28+s5], $0x280, $0x38;
	[tilespmem:$0x1EB00] =	vst v63  }
0x91: {  	s10 =	sadd.s32 $0x190A0, s10  }
0x92: {  	[tilespmem:s20], [sflag:$0x1] =	stream.linear.gather [hbm4b:s10+s5], $0x280, $0x38;
	[tilespmem:$0x1EB00] =	vst v63  }
.Ltmp6:
0x93: {  	_ = 	snop;
	(pc) =	sbr.rel .LBB2_10-.Ltmp6, $4  }
0x94: {  	s31 =	sadd.s32 s1, s16  }
0x95: {  	[tilespmem:s22], [sflag:$0x1] =	stream.linear.gather [hbm4b:s31+s5], $0x280, $0x38;
	[tilespmem:$0x1EB00] =	vst v63  }
0x96: {  	_ = 	snop  }
0x97: {  	[spmem:s3] =	stream.indirect.scatter.add.f32 [tilespmem:s24], [sflag:$0x5], $0x10, s15, s14, $0xb8;
	[tilespmem:$0x1EB00] =	vst v63  }
.LBB2_9:
0x98: {  	p2 =	sgt.u32 s26, $0x4D1  }
.Ltmp7:
0x99: {  	_ = 	snop;
	(pc) =	sbr.rel @p2 .LBB2_13-.Ltmp7, $2  }
0x9a: {  	_ =	sdelay $0x2  }
0x9b: {  	[spmem:s3] =	stream.indirect.scatter.add.f32 [tilespmem:s24], [sflag:$0x5], $0x10, s15, s14, $0xb8;
	[tilespmem:$0x1EB00] =	vst v63  }
.LBB2_10:
0x9c: {  	s10 =	simm.s32 @!p1 $0x6  }
0x9d: {  	_ =	swait.ge @!p1 [sflag:s10], $0x2800  }
0x9e: {  	[sflag:s10] =	ssyncset.done @!p1 $0x0  }
0x9f: {  	[sflag:s10] =	ssyncadd.s32 @!p1 $0xFFFFD800  }
0xa0: {  	_ =	swait.ge [sflag:s17], $0x280  }
0xa1: {  	[sflag:s17] =	ssyncset.done $0x0  }
0xa2: {  	[sflag:s17] =	ssyncadd.s32 $0xFFFFFD80  }
0xa3: {  	_ =	swait.ge [sflag:s17], $0x280  }
0xa4: {  	[sflag:s17] =	ssyncset.done $0x0  }
0xa5: {  	[sflag:s17] =	ssyncadd.s32 $0xFFFFFD80  }
0xa6: {  	_ =	swait.ge [sflag:s17], $0x280  }
0xa7: {  	[sflag:s17] =	ssyncset.done $0x0  }
0xa8: {  	s10 =	simm.s32 $0x0;
	[sflag:s17] =	ssyncadd.s32 $0xFFFFFD80  }
0xa9: {  	[tilespmem:s18], [sflag:$0x4] =	stream.indirect.gather [hbm4b:s6+s14], $0x10, s0, s14, $0xb8;
	[tilespmem:$0x1EB00] =	vst v63  }
0xaa: {  	v3 =	vld [tilespmem:s10+$0x19380]  }
0xab: {  	v4 =	vld [tilespmem:s10+$0x18E80];
	_ =	sdelay $0x1  }
0xac: {  	s28 =	simm.s32 $0x40  }
.LBB2_11:
0xad: {  	p1 =	sne.s32 s28, $0x9C0  }
.Ltmp8:
0xae: {  	s16 =	sshra.s32 s28, $0x2;
	s28 =	sadd.s32 $0x40, s28;
	v5 =	vmul.u32 $0x61A8, v3;
	(pc) =	sbr.rel @p1 .LBB2_11-.Ltmp8, $4  }
0xaf: {  	v3 =	vld [tilespmem:s16+$0x19380];
	v6 =	vsub.s32 v4, v1  }
0xb0: {  	v4 =	vld [tilespmem:s16+$0x18E80];
	vm0 =	vlt.u32 v6, $0x61A8;
	v5 =	vadd.s32 v6, v5  }
0xb1: {  	v5 =	vsel vm0, v5, v0  }
0xb2: {  	[tilespmem:s10+$0x19880] =	vst v5;
	s10 =	smov.u32 s16  }
0xb3: {  	_ = 	snop  }
0xb4: {  	v3 =	vmul.u32 $0x61A8, v3  }
0xb5: {  	v4 =	vsub.s32 v4, v1  }
0xb6: {  	vm0 =	vlt.u32 v4, $0x61A8;
	v3 =	vadd.s32 v4, v3  }
0xb7: {  	p1 =	sgt.u32 s26, $0x4B1;
	v3 =	vsel vm0, v3, v0  }
0xb8: {  	[tilespmem:s10+$0x19880] =	vst v3;
	s10 =	smul.u32 @!p1 $0x280, s26;
	_ =	sdelay $0x1  }
0xb9: {  	s28 =	simm.s32 @!p1 $0x0;
	_ =	swait.ge [sflag:s19], $0x2800;
	s10 =	sshrl.u32 @!p1 s10, $0x3  }
0xba: {  	s21 =	simm.s32 @!p1 $0x18980;
	[sflag:s19] =	ssyncset.done $0x0;
	s16 =	sadd.s32 @!p1 $0xF00, s10  }
0xbb: {  	[sflag:s19] =	ssyncadd.s32 $0xFFFFD800;
	s10 =	sadd.s32 @!p1 s8, s10;
	s26 =	sadd.s32 @!p1 s8, s16  }
0xbc: {  	[tilespmem:s21], [sflag:$0x2] =	stream.linear.gather @!p1 [hbm4b:s26+s28], $0x280, $0x38;
	[tilespmem:$0x1EB00] =	vst v63  }
0xbd: {  	s10 =	sadd.s32 @!p1 $0x195A0, s10;
	s21 =	simm.s32 @!p1 $0x18E80  }
0xbe: {  	[tilespmem:s21], [sflag:$0x2] =	stream.linear.gather @!p1 [hbm4b:s10+s28], $0x280, $0x38;
	[tilespmem:$0x1EB00] =	vst v63  }
.Ltmp9:
0xbf: {  	_ = 	snop;
	(pc) =	sbr.rel .LBB2_13-.Ltmp9, $4  }
0xc0: {  	s10 =	sadd.s32 @!p1 s1, s16;
	s16 =	simm.s32 @!p1 $0x19380  }
0xc1: {  	[tilespmem:s16], [sflag:$0x2] =	stream.linear.gather @!p1 [hbm4b:s10+s28], $0x280, $0x38;
	[tilespmem:$0x1EB00] =	vst v63  }
0xc2: {  	_ = 	snop  }
0xc3: {  	[spmem:s3] =	stream.indirect.scatter.add.f32 [tilespmem:s18], [sflag:$0x6], $0x10, s23, s14, $0xb8;
	[tilespmem:$0x1EB00] =	vst v63  }
.LBB2_14:
0xc4: {  	s10 =	simm.s32 $0x5  }
0xc5: {  	_ =	swait.ge [sflag:s10], $0x2800  }
0xc6: {  	s25 =	sadd.s32 $0x0, s4;
	[sflag:s10] =	ssyncset.done $0x0  }
0xc7: {  	s16 =	simm.s32 $0x6;
	p1 =	sgt.u32 s25, $0x63;
	[sflag:s10] =	ssyncadd.s32 $0xFFFFD800  }
0xc8: {  	s10 =	smul.u32 @!p1 $0x29, s25;
	_ =	swait.ge [sflag:s16], $0x2800  }
0xc9: {  	[sflag:s16] =	ssyncset.done $0x0  }
0xca: {  	[sflag:s16] =	ssyncadd.s32 $0xFFFFD800;
	s16 =	sshrl.u32 @!p1 s10, $0xA  }
0xcb: {  	s10 =	simm.s32 $0x10;
	[bflag:$0x0] =	sbarrier.arrive $0xFFFF;
	s26 =	sand.u32 @!p1 $0x3F, s16  }
.LBB2_15:
0xcc: {  	s16 =	sadd.s32 s10, s4;
	s21 =	smul.u32 @!p1 $0x19, s26;
	p2 =	por p1, p1  }
0xcd: {  	s10 =	sadd.s32 $0x10, s10;
	p1 =	sgt.u32 s16, $0x63  }
0xce: {  	s28 =	smul.u32 @!p1 $0x29, s16;
	s21 =	ssub.s32 @!p2 s25, s21;
	s25 =	smov.u32 s16  }
0xcf: {  	s22 =	simm.s32 @!p2 $0x1;
	s16 =	sand.u32 @!p2 $0xFF, s21;
	s21 =	smul.u32 @!p2 $0x61A8, s26  }
0xd0: {  	s23 =	sshll.u32 @!p2 s4, $0x6;
	s30 =	simm.s32 @!p2 $0x8;
	s16 =	smul.u32 @!p2 $0x3E8, s16  }
0xd1: {  	s31 =	simm.s32 @!p2 $0x2;
	p3 =	sne.s32 s10, $0x70;
	s23 =	sor.u32 @!p2 $0x1C03, s23  }
.Ltmp10:
0xd2: {  	s28 =	sshrl.u32 @!p1 s28, $0xA;
	s21 =	sadd.s32 @!p2 s16, s21;
	(pc) =	sbr.rel @p3 .LBB2_15-.Ltmp10, $4  }
0xd3: {  	s26 =	sshll.u32 @!p2 s26, $0x1;
	s16 =	sadd.s32 @!p2 s11, s16;
	s21 =	sshll.u32 @!p2 s21, $0x4  }
0xd4: {  	s20 =	sadd.s32 @!p2 s2, s26;
	s16 =	sshll.u32 @!p2 s16, $0x3;
	s21 =	sadd.s32 @!p2 s21, s3  }
0xd5: {  	s26 =	sand.u32 @!p1 $0x3F, s28;
	s16 =	sadd.s32 @!p2 s16, s20;
	s20 =	sshrl.u32 @!p2 s21, $0x3  }
0xd6: {  	[hbm:s16@s30], [sflag:s23] =	dma.strided @!p2 [spmem:s20@s31], $0x7D0, s22, $0x2   }
0xd7: {  	s10 =	smul.u32 @!p1 $0x19, s26  }
0xd8: {  	p1 =	por p1, p1  }
0xd9: {  	s10 =	ssub.s32 @!p1 s25, s10  }
0xda: {  	s16 =	smul.u32 @!p1 $0x61A8, s26;
	s10 =	sand.u32 @!p1 $0xFF, s10  }
0xdb: {  	s10 =	smul.u32 @!p1 $0x3E8, s10  }
0xdc: {  	s20 =	simm.s32 @!p1 $0x1;
	s21 =	sshll.u32 @!p1 s4, $0x6  }
0xdd: {  	s22 =	simm.s32 @!p1 $0x8;
	s23 =	sshll.u32 @!p1 s26, $0x1;
	s16 =	sadd.s32 @!p1 s10, s16  }
0xde: {  	s21 =	sor.u32 @!p1 $0x1C03, s21;
	s10 =	sadd.s32 @!p1 s11, s10;
	s16 =	sshll.u32 @!p1 s16, $0x4  }
0xdf: {  	s23 =	sadd.s32 @!p1 s2, s23;
	s10 =	sshll.u32 @!p1 s10, $0x3;
	s16 =	sadd.s32 @!p1 s16, s3  }
0xe0: {  	s25 =	simm.s32 @!p1 $0x2;
	s10 =	sadd.s32 @!p1 s10, s23;
	s16 =	sshrl.u32 @!p1 s16, $0x3  }
0xe1: {  	[hbm:s10@s22], [sflag:s21] =	dma.strided @!p1 [spmem:s16@s25], $0x7D0, s20, $0x2   }
0xe2: {  	_ =	swait.ge [sflag:s12], $0x7D0  }
0xe3: {  	[sflag:s12] =	ssyncset.done $0x0  }
0xe4: {  	[sflag:s12] =	ssyncadd.s32 $0xFFFFF830  }
0xe5: {  	_ =	swait.ge [sflag:s12], $0x7D0  }
0xe6: {  	[sflag:s12] =	ssyncset.done $0x0  }
0xe7: {  	[sflag:s12] =	ssyncadd.s32 $0xFFFFF830  }
0xe8: {  	_ =	swait.ge [sflag:s12], $0x7D0  }
0xe9: {  	[sflag:s12] =	ssyncset.done $0x0  }
0xea: {  	[sflag:s12] =	ssyncadd.s32 $0xFFFFF830  }
0xeb: {  	_ =	swait.ge [sflag:s12], $0x7D0  }
0xec: {  	[sflag:s12] =	ssyncset.done $0x0  }
0xed: {  	[sflag:s12] =	ssyncadd.s32 $0xFFFFF830  }
0xee: {  	_ =	swait.ge [sflag:s12], $0x7D0  }
0xef: {  	[sflag:s12] =	ssyncset.done $0x0  }
0xf0: {  	[sflag:s12] =	ssyncadd.s32 $0xFFFFF830  }
0xf1: {  	_ =	swait.ge [sflag:s12], $0x7D0  }
0xf2: {  	[sflag:s12] =	ssyncset.done $0x0  }
0xf3: {  	s10 =	simm.s32 @!p0 $0x3;
	[sflag:s12] =	ssyncadd.s32 $0xFFFFF830  }
0xf4: {  	_ =	swait.ge @!p0 [sflag:s10], $0x7D0  }
0xf5: {  	[sflag:s10] =	ssyncset.done @!p0 $0x0  }
0xf6: {  	[sflag:s10] =	ssyncadd.s32 @!p0 $0xFFFFF830  }
0xf7: {  	[bflag:$0x0] =	sbarrier.arrive $0xFFFF  }
0xf8: {  	s10 =	simm.s32 $0x0;
	s31 =	rddreg [dreg:$0x5]  }
0xf9: {  	[tilespmem:s29], [sflag:$0x1] =	stream.linear.gather [hbm4b:s31+s10], $0x280, $0x38;
	[tilespmem:$0x1EB00] =	vst v63  }
0xfa: {  	s23 =	simm.s32 $0x18C00;
	s20 =	rddreg [dreg:$0x6]  }
0xfb: {  	[tilespmem:s23], [sflag:$0x1] =	stream.linear.gather [hbm4b:s20+s10], $0x280, $0x38;
	[tilespmem:$0x1EB00] =	vst v63  }
0xfc: {  	s30 =	simm.s32 $0x19100;
	s21 =	rddreg [dreg:$0x7]  }
0xfd: {  	[tilespmem:s30], [sflag:$0x1] =	stream.linear.gather [hbm4b:s21+s10], $0x280, $0x38;
	[tilespmem:$0x1EB00] =	vst v63  }
0xfe: {  	s22 =	rddreg [dreg:$0x8]  }
0xff: {  	[tilespmem:s0], [sflag:$0x2] =	stream.linear.gather [hbm4b:s22+s10], $0x280, $0x38;
	[tilespmem:$0x1EB00] =	vst v63  }
0x100: {  	s26 =	simm.s32 $0x18E80;
	s25 =	rddreg [dreg:$0x9]  }
0x101: {  	[tilespmem:s26], [sflag:$0x2] =	stream.linear.gather [hbm4b:s25+s10], $0x280, $0x38;
	[tilespmem:$0x1EB00] =	vst v63  }
0x102: {  	s28 =	rddreg [dreg:$0xb];
	s31 =	simm.s32 $0x19380  }
0x103: {  	[tilespmem:s31], [sflag:$0x2] =	stream.linear.gather [hbm4b:s28+s10], $0x280, $0x38;
	[tilespmem:$0x1EB00] =	vst v63  }
0x104: {  	s25 =	simm.s32 $0x0;
	s10 =	simm.s32 $0x40  }
.LBB2_17:
0x105: {  	p1 =	sne.s32 s10, $0x9FC0;
	[tilespmem:s25+$0x19B00] =	vst v2;
	s16 =	smov.u32 s10;
	s10 =	sadd.s32 $0x40, s10  }
.Ltmp11:
0x106: {  	(pc) =	sbr.rel @p1 .LBB2_17-.Ltmp11, $2  }
0x107: {  	_ =	sdelay $0x2  }
0x108: {  	s25 =	sshra.s32 s16, $0x2  }
0x109: {  	[tilespmem:s25+$0x19B00] =	vst v2;
	s10 =	rddreg [dreg:$0xa]  }
0x10a: {  	[spmem:s10] =	stream.linear.scatter [tilespmem:s24], [sflag:$0x3], $0x2800, $0x38;
	[tilespmem:$0x1EB00] =	vst v63  }
0x10b: {  	s26 =	rddreg [dreg:$0xc]  }
0x10c: {  	[spmem:s26] =	stream.linear.scatter [tilespmem:s24], [sflag:$0x3], $0x2800, $0x38;
	[tilespmem:$0x1EB00] =	vst v63  }
0x10d: {  	s28 =	rddreg [dreg:$0xd]  }
0x10e: {  	[spmem:s28] =	stream.linear.scatter [tilespmem:s24], [sflag:$0x3], $0x2800, $0x38;
	[tilespmem:$0x1EB00] =	vst v63  }
0x10f: {  	s16 =	rddreg [dreg:$0xe]  }
0x110: {  	[spmem:s16] =	stream.linear.scatter [tilespmem:s24], [sflag:$0x3], $0x2800, $0x38;
	[tilespmem:$0x1EB00] =	vst v63  }
0x111: {  	s20 =	rddreg [dreg:$0xf]  }
0x112: {  	[spmem:s20] =	stream.linear.scatter [tilespmem:s24], [sflag:$0x3], $0x2800, $0x38;
	[tilespmem:$0x1EB00] =	vst v63  }
0x113: {  	s21 =	rddreg [dreg:$0x10]  }
0x114: {  	[spmem:s21] =	stream.linear.scatter [tilespmem:s24], [sflag:$0x3], $0x2800, $0x38;
	[tilespmem:$0x1EB00] =	vst v63  }
0x115: {  	s22 =	rddreg [dreg:$0x11]  }
0x116: {  	[spmem:s22] =	stream.linear.scatter [tilespmem:s24], [sflag:$0x3], $0x2800, $0x38;
	[tilespmem:$0x1EB00] =	vst v63  }
0x117: {  	s25 =	rddreg [dreg:$0x13]  }
0x118: {  	[spmem:s25] =	stream.linear.scatter [tilespmem:s24], [sflag:$0x3], $0x2800, $0x38;
	[tilespmem:$0x1EB00] =	vst v63  }
0x119: {  	s26 =	rddreg [dreg:$0x14]  }
0x11a: {  	[spmem:s26] =	stream.linear.scatter [tilespmem:s24], [sflag:$0x3], $0x2800, $0x38;
	[tilespmem:$0x1EB00] =	vst v63  }
0x11b: {  	s28 =	rddreg [dreg:$0x15]  }
0x11c: {  	[spmem:s28] =	stream.linear.scatter [tilespmem:s24], [sflag:$0x3], $0x1F00, $0x38;
	[tilespmem:$0x1EB00] =	vst v63  }
0x11d: {  	_ =	swait.ge [sflag:s12], $0x2800  }
0x11e: {  	[sflag:s12] =	ssyncset.done $0x0  }
0x11f: {  	[sflag:s12] =	ssyncadd.s32 $0xFFFFD800  }
0x120: {  	_ =	swait.ge [sflag:s12], $0x2800  }
0x121: {  	[sflag:s12] =	ssyncset.done $0x0  }
0x122: {  	[sflag:s12] =	ssyncadd.s32 $0xFFFFD800  }
0x123: {  	_ =	swait.ge [sflag:s12], $0x2800  }
0x124: {  	[sflag:s12] =	ssyncset.done $0x0  }
0x125: {  	[sflag:s12] =	ssyncadd.s32 $0xFFFFD800  }
0x126: {  	_ =	swait.ge [sflag:s12], $0x2800  }
0x127: {  	[sflag:s12] =	ssyncset.done $0x0  }
0x128: {  	[sflag:s12] =	ssyncadd.s32 $0xFFFFD800  }
0x129: {  	_ =	swait.ge [sflag:s12], $0x2800  }
0x12a: {  	[sflag:s12] =	ssyncset.done $0x0  }
0x12b: {  	[sflag:s12] =	ssyncadd.s32 $0xFFFFD800  }
0x12c: {  	_ =	swait.ge [sflag:s12], $0x2800  }
0x12d: {  	[sflag:s12] =	ssyncset.done $0x0  }
0x12e: {  	[sflag:s12] =	ssyncadd.s32 $0xFFFFD800  }
0x12f: {  	_ =	swait.ge [sflag:s12], $0x2800  }
0x130: {  	[sflag:s12] =	ssyncset.done $0x0  }
0x131: {  	[sflag:s12] =	ssyncadd.s32 $0xFFFFD800  }
0x132: {  	_ =	swait.ge [sflag:s12], $0x2800  }
0x133: {  	[sflag:s12] =	ssyncset.done $0x0  }
0x134: {  	[sflag:s12] =	ssyncadd.s32 $0xFFFFD800  }
0x135: {  	_ =	swait.ge [sflag:s12], $0x2800  }
0x136: {  	[sflag:s12] =	ssyncset.done $0x0  }
0x137: {  	[sflag:s12] =	ssyncadd.s32 $0xFFFFD800  }
.Ltmp12:
0x138: {  	_ =	swait.ge [sflag:s12], $0x1F00;
	(pc) =	sbr.rel .LBB2_19-.Ltmp12, $4  }
0x139: {  	[sflag:s12] =	ssyncset.done $0x0  }
0x13a: {  	[sflag:s12] =	ssyncadd.s32 $0xFFFFE100  }
0x13b: {  	[bflag:$0x0] =	sbarrier.arrive $0xFFFF  }
0x13c: {  	s31 =	simm.s32 $0x19880;
	s25 =	simm.s32 $0x0  }
.LBB2_28:
0x13d: {  	s25 =	sadd.s32 $0x1, s25  }
0x13e: {  	p1 =	sne.s32 s25, $0x28  }
.Ltmp13:
0x13f: {  	_ = 	snop;
	(pc) =	sbr.rel @!p1 .LBB2_29-.Ltmp13, $1  }
0x140: {  	_ =	sdelay $0x3  }
.LBB2_19:
0x141: {  	s10 =	sshll.u32 s25, $0x5  }
0x142: {  	s26 =	sor.u32 s4, s10  }
0x143: {  	p1 =	sgt.u32 s26, $0x4E1  }
.Ltmp14:
0x144: {  	_ = 	snop;
	(pc) =	sbr.rel @p1 .LBB2_28-.Ltmp14, $1  }
0x145: {  	_ =	sdelay $0x3  }
0x146: {  	p1 =	seq.s32 s25, $0x0  }
0x147: {  	s10 =	simm.s32 @!p1 $0x5  }
0x148: {  	_ =	swait.ge @!p1 [sflag:s10], $0x2800  }
0x149: {  	[sflag:s10] =	ssyncset.done @!p1 $0x0  }
0x14a: {  	[sflag:s10] =	ssyncadd.s32 @!p1 $0xFFFFD800  }
0x14b: {  	_ =	swait.ge [sflag:s13], $0x280  }
0x14c: {  	[sflag:s13] =	ssyncset.done $0x0  }
0x14d: {  	[sflag:s13] =	ssyncadd.s32 $0xFFFFFD80  }
0x14e: {  	_ =	swait.ge [sflag:s13], $0x280  }
0x14f: {  	[sflag:s13] =	ssyncset.done $0x0  }
0x150: {  	[sflag:s13] =	ssyncadd.s32 $0xFFFFFD80  }
0x151: {  	_ =	swait.ge [sflag:s13], $0x280  }
0x152: {  	[sflag:s13] =	ssyncset.done $0x0  }
0x153: {  	s10 =	simm.s32 $0x0;
	[sflag:s13] =	ssyncadd.s32 $0xFFFFFD80  }
0x154: {  	[tilespmem:s24], [sflag:$0x3] =	stream.indirect.gather [hbm4b:s7+s14], $0x10, s29, s14, $0xb8;
	[tilespmem:$0x1EB00] =	vst v63  }
0x155: {  	v3 =	vld [tilespmem:s10+$0x19100]  }
0x156: {  	v4 =	vld [tilespmem:s10+$0x18C00];
	_ =	sdelay $0x1  }
0x157: {  	s28 =	simm.s32 $0x40  }
.LBB2_21:
0x158: {  	p2 =	sne.s32 s28, $0x9C0  }
.Ltmp15:
0x159: {  	s16 =	sshra.s32 s28, $0x2;
	s28 =	sadd.s32 $0x40, s28;
	v5 =	vmul.u32 $0x61A8, v3;
	(pc) =	sbr.rel @p2 .LBB2_21-.Ltmp15, $4  }
0x15a: {  	v3 =	vld [tilespmem:s16+$0x19100];
	v6 =	vsub.s32 v4, v1  }
0x15b: {  	v4 =	vld [tilespmem:s16+$0x18C00];
	vm0 =	vlt.u32 v6, $0x61A8;
	v5 =	vadd.s32 v6, v5  }
0x15c: {  	v5 =	vsel vm0, v5, v0  }
0x15d: {  	[tilespmem:s10+$0x19600] =	vst v5;
	s10 =	smov.u32 s16  }
0x15e: {  	_ = 	snop  }
0x15f: {  	v3 =	vmul.u32 $0x61A8, v3  }
0x160: {  	v4 =	vsub.s32 v4, v1  }
0x161: {  	p2 =	sgt.u32 s26, $0x4C1;
	vm0 =	vlt.u32 v4, $0x61A8;
	v3 =	vadd.s32 v4, v3  }
.Ltmp16:
0x162: {  	v3 =	vsel vm0, v3, v0;
	(pc) =	sbr.rel @p2 .LBB2_24-.Ltmp16, $4  }
0x163: {  	[tilespmem:s10+$0x19600] =	vst v3  }
0x164: {  	_ =	swait.ge [sflag:s12], $0x2800  }
0x165: {  	[sflag:s12] =	ssyncset.done $0x0  }
0x166: {  	[sflag:s12] =	ssyncadd.s32 $0xFFFFD800  }
0x167: {  	s10 =	smul.u32 $0x280, s26;
	_ =	sdelay $0x1  }
0x168: {  	s10 =	sshrl.u32 s10, $0x3  }
0x169: {  	s16 =	sadd.s32 $0xA00, s10  }
0x16a: {  	s10 =	sadd.s32 s8, s10;
	s20 =	sadd.s32 s8, s16  }
0x16b: {  	[tilespmem:s29], [sflag:$0x1] =	stream.linear.gather [hbm4b:s20+s5], $0x280, $0x38;
	[tilespmem:$0x1EB00] =	vst v63  }
0x16c: {  	s10 =	sadd.s32 $0x190A0, s10  }
0x16d: {  	[tilespmem:s23], [sflag:$0x1] =	stream.linear.gather [hbm4b:s10+s5], $0x280, $0x38;
	[tilespmem:$0x1EB00] =	vst v63  }
.Ltmp17:
0x16e: {  	_ = 	snop;
	(pc) =	sbr.rel .LBB2_25-.Ltmp17, $4  }
0x16f: {  	s28 =	sadd.s32 s1, s16  }
0x170: {  	[tilespmem:s30], [sflag:$0x1] =	stream.linear.gather [hbm4b:s28+s5], $0x280, $0x38;
	[tilespmem:$0x1EB00] =	vst v63  }
0x171: {  	_ = 	snop  }
0x172: {  	[spmem:s3] =	stream.indirect.scatter.add.f32 [tilespmem:s24], [sflag:$0x5], $0x10, s15, s14, $0xb8;
	[tilespmem:$0x1EB00] =	vst v63  }
.LBB2_24:
0x173: {  	p2 =	sgt.u32 s26, $0x4D1  }
.Ltmp18:
0x174: {  	_ = 	snop;
	(pc) =	sbr.rel @p2 .LBB2_28-.Ltmp18, $2  }
0x175: {  	_ =	sdelay $0x2  }
0x176: {  	[spmem:s3] =	stream.indirect.scatter.add.f32 [tilespmem:s24], [sflag:$0x5], $0x10, s15, s14, $0xb8;
	[tilespmem:$0x1EB00] =	vst v63  }
.LBB2_25:
0x177: {  	s10 =	simm.s32 @!p1 $0x6  }
0x178: {  	_ =	swait.ge @!p1 [sflag:s10], $0x2800  }
0x179: {  	[sflag:s10] =	ssyncset.done @!p1 $0x0  }
0x17a: {  	[sflag:s10] =	ssyncadd.s32 @!p1 $0xFFFFD800  }
0x17b: {  	_ =	swait.ge [sflag:s17], $0x280  }
0x17c: {  	[sflag:s17] =	ssyncset.done $0x0  }
0x17d: {  	[sflag:s17] =	ssyncadd.s32 $0xFFFFFD80  }
0x17e: {  	_ =	swait.ge [sflag:s17], $0x280  }
0x17f: {  	[sflag:s17] =	ssyncset.done $0x0  }
0x180: {  	[sflag:s17] =	ssyncadd.s32 $0xFFFFFD80  }
0x181: {  	_ =	swait.ge [sflag:s17], $0x280  }
0x182: {  	[sflag:s17] =	ssyncset.done $0x0  }
0x183: {  	s10 =	simm.s32 $0x0;
	[sflag:s17] =	ssyncadd.s32 $0xFFFFFD80  }
0x184: {  	[tilespmem:s18], [sflag:$0x4] =	stream.indirect.gather [hbm4b:s7+s14], $0x10, s0, s14, $0xb8;
	[tilespmem:$0x1EB00] =	vst v63  }
0x185: {  	v3 =	vld [tilespmem:s10+$0x19380]  }
0x186: {  	v4 =	vld [tilespmem:s10+$0x18E80];
	_ =	sdelay $0x1  }
0x187: {  	s28 =	simm.s32 $0x40  }
.LBB2_26:
0x188: {  	p1 =	sne.s32 s28, $0x9C0  }
.Ltmp19:
0x189: {  	s16 =	sshra.s32 s28, $0x2;
	s28 =	sadd.s32 $0x40, s28;
	v5 =	vmul.u32 $0x61A8, v3;
	(pc) =	sbr.rel @p1 .LBB2_26-.Ltmp19, $4  }
0x18a: {  	v3 =	vld [tilespmem:s16+$0x19380];
	v6 =	vsub.s32 v4, v1  }
0x18b: {  	v4 =	vld [tilespmem:s16+$0x18E80];
	vm0 =	vlt.u32 v6, $0x61A8;
	v5 =	vadd.s32 v6, v5  }
0x18c: {  	v5 =	vsel vm0, v5, v0  }
0x18d: {  	[tilespmem:s10+$0x19880] =	vst v5;
	s10 =	smov.u32 s16  }
0x18e: {  	_ = 	snop  }
0x18f: {  	v3 =	vmul.u32 $0x61A8, v3  }
0x190: {  	v4 =	vsub.s32 v4, v1  }
0x191: {  	vm0 =	vlt.u32 v4, $0x61A8;
	v3 =	vadd.s32 v4, v3  }
0x192: {  	p1 =	sgt.u32 s26, $0x4B1;
	v3 =	vsel vm0, v3, v0  }
0x193: {  	[tilespmem:s10+$0x19880] =	vst v3;
	s10 =	smul.u32 @!p1 $0x280, s26;
	_ =	sdelay $0x1  }
0x194: {  	s21 =	simm.s32 @!p1 $0x0;
	_ =	swait.ge [sflag:s19], $0x2800;
	s10 =	sshrl.u32 @!p1 s10, $0x3  }
0x195: {  	s22 =	simm.s32 @!p1 $0x18980;
	[sflag:s19] =	ssyncset.done $0x0;
	s16 =	sadd.s32 @!p1 $0xF00, s10  }
0x196: {  	[sflag:s19] =	ssyncadd.s32 $0xFFFFD800;
	s10 =	sadd.s32 @!p1 s8, s10;
	s20 =	sadd.s32 @!p1 s8, s16  }
0x197: {  	[tilespmem:s22], [sflag:$0x2] =	stream.linear.gather @!p1 [hbm4b:s20+s21], $0x280, $0x38;
	[tilespmem:$0x1EB00] =	vst v63  }
0x198: {  	s10 =	sadd.s32 @!p1 $0x195A0, s10;
	s20 =	simm.s32 @!p1 $0x18E80  }
0x199: {  	[tilespmem:s20], [sflag:$0x2] =	stream.linear.gather @!p1 [hbm4b:s10+s21], $0x280, $0x38;
	[tilespmem:$0x1EB00] =	vst v63  }
.Ltmp20:
0x19a: {  	_ = 	snop;
	(pc) =	sbr.rel .LBB2_28-.Ltmp20, $4  }
0x19b: {  	s10 =	sadd.s32 @!p1 s1, s16;
	s16 =	simm.s32 @!p1 $0x19380  }
0x19c: {  	[tilespmem:s16], [sflag:$0x2] =	stream.linear.gather @!p1 [hbm4b:s10+s21], $0x280, $0x38;
	[tilespmem:$0x1EB00] =	vst v63  }
0x19d: {  	_ = 	snop  }
0x19e: {  	[spmem:s3] =	stream.indirect.scatter.add.f32 [tilespmem:s18], [sflag:$0x6], $0x10, s31, s14, $0xb8;
	[tilespmem:$0x1EB00] =	vst v63  }
.LBB2_29:
0x19f: {  	s10 =	simm.s32 $0x5  }
0x1a0: {  	_ =	swait.ge [sflag:s10], $0x2800  }
0x1a1: {  	s25 =	sadd.s32 $0x0, s4;
	[sflag:s10] =	ssyncset.done $0x0  }
0x1a2: {  	s16 =	simm.s32 $0x6;
	p1 =	sgt.u32 s25, $0x63;
	[sflag:s10] =	ssyncadd.s32 $0xFFFFD800  }
0x1a3: {  	s10 =	smul.u32 @!p1 $0x29, s25;
	_ =	swait.ge [sflag:s16], $0x2800  }
0x1a4: {  	[sflag:s16] =	ssyncset.done $0x0  }
0x1a5: {  	[sflag:s16] =	ssyncadd.s32 $0xFFFFD800;
	s16 =	sshrl.u32 @!p1 s10, $0xA  }
0x1a6: {  	s10 =	simm.s32 $0x10;
	[bflag:$0x0] =	sbarrier.arrive $0xFFFF;
	s26 =	sand.u32 @!p1 $0x3F, s16  }
.LBB2_30:
0x1a7: {  	s16 =	sadd.s32 s10, s4;
	s20 =	smul.u32 @!p1 $0x19, s26;
	p2 =	por p1, p1  }
0x1a8: {  	s10 =	sadd.s32 $0x10, s10;
	p1 =	sgt.u32 s16, $0x63  }
0x1a9: {  	s21 =	smul.u32 @!p1 $0x29, s16;
	s20 =	ssub.s32 @!p2 s25, s20;
	s25 =	smov.u32 s16  }
0x1aa: {  	s22 =	simm.s32 @!p2 $0x1;
	s16 =	sand.u32 @!p2 $0xFF, s20;
	s20 =	smul.u32 @!p2 $0x61A8, s26  }
0x1ab: {  	s23 =	sshll.u32 @!p2 s4, $0x6;
	s28 =	simm.s32 @!p2 $0x8;
	s16 =	smul.u32 @!p2 $0x3E8, s16  }
0x1ac: {  	s30 =	simm.s32 @!p2 $0x2;
	p3 =	sne.s32 s10, $0x70;
	s23 =	sor.u32 @!p2 $0x1C03, s23  }
.Ltmp21:
0x1ad: {  	s21 =	sshrl.u32 @!p1 s21, $0xA;
	s20 =	sadd.s32 @!p2 s16, s20;
	(pc) =	sbr.rel @p3 .LBB2_30-.Ltmp21, $4  }
0x1ae: {  	s26 =	sshll.u32 @!p2 s26, $0x1;
	s16 =	sadd.s32 @!p2 s11, s16;
	s20 =	sshll.u32 @!p2 s20, $0x4  }
0x1af: {  	s31 =	sadd.s32 @!p2 s9, s26;
	s16 =	sshll.u32 @!p2 s16, $0x3;
	s20 =	sadd.s32 @!p2 s20, s3  }
0x1b0: {  	s26 =	sand.u32 @!p1 $0x3F, s21;
	s16 =	sadd.s32 @!p2 s16, s31;
	s20 =	sshrl.u32 @!p2 s20, $0x3  }
0x1b1: {  	[hbm:s16@s28], [sflag:s23] =	dma.strided @!p2 [spmem:s20@s30], $0x7D0, s22, $0x2   }
0x1b2: {  	s10 =	smul.u32 @!p1 $0x19, s26  }
0x1b3: {  	p1 =	por p1, p1  }
0x1b4: {  	s10 =	ssub.s32 @!p1 s25, s10  }
0x1b5: {  	s16 =	smul.u32 @!p1 $0x61A8, s26;
	s10 =	sand.u32 @!p1 $0xFF, s10  }
0x1b6: {  	s10 =	smul.u32 @!p1 $0x3E8, s10  }
0x1b7: {  	s20 =	simm.s32 @!p1 $0x1;
	s21 =	sshll.u32 @!p1 s4, $0x6  }
0x1b8: {  	s22 =	simm.s32 @!p1 $0x8;
	s23 =	sshll.u32 @!p1 s26, $0x1;
	s16 =	sadd.s32 @!p1 s10, s16  }
0x1b9: {  	s21 =	sor.u32 @!p1 $0x1C03, s21;
	s10 =	sadd.s32 @!p1 s11, s10;
	s16 =	sshll.u32 @!p1 s16, $0x4  }
0x1ba: {  	s23 =	sadd.s32 @!p1 s9, s23;
	s10 =	sshll.u32 @!p1 s10, $0x3;
	s16 =	sadd.s32 @!p1 s16, s3  }
0x1bb: {  	s25 =	simm.s32 @!p1 $0x2;
	s10 =	sadd.s32 @!p1 s10, s23;
	s16 =	sshrl.u32 @!p1 s16, $0x3  }
0x1bc: {  	[hbm:s10@s22], [sflag:s21] =	dma.strided @!p1 [spmem:s16@s25], $0x7D0, s20, $0x2   }
0x1bd: {  	_ =	swait.ge [sflag:s12], $0x7D0  }
0x1be: {  	[sflag:s12] =	ssyncset.done $0x0  }
0x1bf: {  	[sflag:s12] =	ssyncadd.s32 $0xFFFFF830  }
0x1c0: {  	_ =	swait.ge [sflag:s12], $0x7D0  }
0x1c1: {  	[sflag:s12] =	ssyncset.done $0x0  }
0x1c2: {  	[sflag:s12] =	ssyncadd.s32 $0xFFFFF830  }
0x1c3: {  	_ =	swait.ge [sflag:s12], $0x7D0  }
0x1c4: {  	[sflag:s12] =	ssyncset.done $0x0  }
0x1c5: {  	[sflag:s12] =	ssyncadd.s32 $0xFFFFF830  }
0x1c6: {  	_ =	swait.ge [sflag:s12], $0x7D0  }
0x1c7: {  	[sflag:s12] =	ssyncset.done $0x0  }
0x1c8: {  	[sflag:s12] =	ssyncadd.s32 $0xFFFFF830  }
0x1c9: {  	_ =	swait.ge [sflag:s12], $0x7D0  }
0x1ca: {  	[sflag:s12] =	ssyncset.done $0x0  }
0x1cb: {  	[sflag:s12] =	ssyncadd.s32 $0xFFFFF830  }
0x1cc: {  	_ =	swait.ge [sflag:s12], $0x7D0  }
0x1cd: {  	[sflag:s12] =	ssyncset.done $0x0  }
0x1ce: {  	s10 =	simm.s32 @!p0 $0x3;
	[sflag:s12] =	ssyncadd.s32 $0xFFFFF830  }
0x1cf: {  	_ =	swait.ge @!p0 [sflag:s10], $0x7D0  }
0x1d0: {  	s30 =	rddreg [dreg:$0x16]  }
0x1d1: {  	s31 =	rddreg [dreg:$0x12];
	s21 =	sadd.s32 $0x1, s30  }
0x1d2: {  	p1 =	sne.s32 s21, s31  }
.Ltmp22:
0x1d3: {  	_ = 	snop;
	(pc) =	sbr.rel @p1 .LBB2_1-.Ltmp22, $3  }
0x1d4: {  	_ =	sdelay $0x1  }
0x1d5: {  	s23 =	simm.s32 $0x19880;
	[sflag:s10] =	ssyncset.done @!p0 $0x0  }
0x1d6: {  	s20 =	simm.s32 $0x18C00;
	s22 =	simm.s32 $0x19100;
	[sflag:s10] =	ssyncadd.s32 @!p0 $0xFFFFF830  }
0x1d7: {  	_ =	sfence.sel $0x180000  }
0x1d8: {  	[bflag:$0x0] =	sbarrier.arrive $0xFFFF  }
0x1d9: {  	_ =	strace $0x9000004D  }
0x1da: {  	[bflag:$0x2] =	sbarrier.arrive $0xFFFF  }
0x1db: {  	p0 =	sne.s32 s4, $0x0;
	s0 =	rddreg [dreg:$0x4]  }
0x1dc: {  	s0 =	sadd.s32 @!p0 $0x100000, s0  }
0x1dd: {  	[sflag:s0] =	ssyncadd.tile.s32 @!p0 $0x1;
	_ =	shalt  }
.Lfunc_end2:
_tile_overlayer_lowered:
.L_overlay_start_2:
0x1de: {  	(tag) =	ssettag $0x2  }
0x1df: {  	s0 =	rddreg [dreg:$0x0];
	s2 =	stileid.u32  }
0x1e0: {  	s1 =	rddreg [dreg:$0x1];
	p0 =	sne.s32 s2, $0x0  }
0x1e1: {  	s3 =	rddreg [dreg:$0x2];
	[bflag:$0x3] =	sbarrier.arrive $0xFFFF;
	s2 =	simm.s32 @!p0 $0x1C07  }
0x1e2: {  	[timem:s3], [sflag:s2] =	dma.local @!p0 [hbm:s0], s1  }
0x1e3: {  	s0 =	simm.s32 @!p0 $0x7  }
0x1e4: {  	_ =	swait.ge @!p0 [sflag:s0], s1  }
0x1e5: {  	s1 =	ssub.s32 @!p0 $0x0, s1;
	[sflag:s0] =	ssyncset.done @!p0 $0x0  }
0x1e6: {  	[sflag:s0] =	ssyncadd.s32 @!p0 s1  }
0x1e7: {  	[bflag:$0x3] =	sbarrier.arrive $0xFFFF  }
0x1e8: {  	_ =	shalt  }

// kernel: kernel.8.cloned.1.call-start
scs
__scs_entry_jumppad:
0x0: {  	(pc) =	sbr.rel $0x88, $3  }
0x1: {  	(tag) =	ssettag $0x0;
	lr =	simm.s32 $0x1  }
0x2: {  	[smem:$0x3F95] =	sst lr;
	_ =	strace $0xD0000000  }
0x3: {  	_ = 	snop  }
0x4: {  	_ = 	snop  }
0x5: {  	_ = 	snop  }
0x6: {  	_ = 	snop  }
0x7: {  	_ = 	snop  }
__scs_overlays_trampoline_lowered:
0x8: {  	[smem:$0x3FA4] =	sst s0  }
0x9: {  	[smem:$0x3FA5] =	sst s1  }
0xa: {  	[smem:$0x3FA6] =	sst s2  }
0xb: {  	[smem:$0x3FA7] =	sst s3  }
0xc: {  	[smem:$0x3FA8] =	sst s4  }
0xd: {  	[smem:$0x3FA9] =	sst s5  }
0xe: {  	[smem:$0x3FAA] =	sst s6  }
0xf: {  	[smem:$0x3FAB] =	sst s7  }
0x10: {  	[smem:$0x3FAC] =	sst s8  }
0x11: {  	[smem:$0x3FAD] =	sst s9;
	s0 =	simm.s32 @!p0 $0x0  }
0x12: {  	s1 =	sld [smem:$0x3F93];
	s0 =	simm.s32 @p0 $0x1  }
0x13: {  	[smem:$0x3FAE] =	sst s0;
	s0 =	simm.s32 @!p1 $0x0  }
0x14: {  	s2 =	sld [smem:$0x3F92];
	s0 =	simm.s32 @p1 $0x1  }
0x15: {  	[smem:$0x3FAF] =	sst s0;
	s0 =	simm.s32 @!p2 $0x0  }
0x16: {  	s3 =	sld [smem:$0x3FDB];
	s0 =	simm.s32 @p2 $0x1  }
0x17: {  	s4 =	simm.s32 $0x1BF5;
	[smem:$0x3FB1] =	sst s0  }
0x18: {  	s0 =	sld [smem:$0x3F94];
	_ =	swait.ge [sflag:s4], $0x0  }
0x19: {  	s7 =	sld [smem:$0x3F95]  }
0x1a: {  	s8 =	sadd.s32 $0xFFFFE003, lr  }
0x1b: {  	s9 =	sadd.s32 $0xFFFFFEF7, lr;
	s5 =	simm.s32 $0xFFFFFFFF;
	p2 =	slt.u32 s8, $0xFFFFF086  }
0x1c: {  	p1 =	slt.u32 s9, $0xF7A;
	s5 =	simm.s32 @!p2 $0x0  }
0x1d: {  	s5 =	simm.s32 @p1 $0x1;
	p0 =	seq.s32 s7, s2  }
0x1e: {  	s7 =	smul.u32 @!p0 $0xF7A, s2;
	p2 =	seq.s32 @!p0 s5, $0x0  }
0x1f: {  	s9 =	smul.u32 $0xF7A, s1;
	s8 =	simm.s32 @!p0 $0x1BF5;
	p2 =	por !p2, p0  }
0x20: {  	[sflag:s8] =	ssyncset.s32 @!p0 $0xFFFFF086;
	s6 =	sadd.s32 @!p0 s3, s7;
	s7 =	simm.s32 @!p0 $0x108  }
0x21: {  	s3 =	sadd.s32 s3, s9;
	s6 =	sadd.s32 @!p0 $0x88, s6;
	s7 =	simm.s32 @p2 $0x1082  }
0x22: {  	[simem:s7], [sflag:s8] =	dma.local @!p0 [hbm:s6], $0xF7A  }
0x23: {  	s9 =	sor.u32 $0xD0000000, s2;
	s6 =	simm.s32 $0x108;
	_ =	swait.ge @!p0 [sflag:s8], $0x0  }
0x24: {  	s3 =	sadd.s32 $0x88, s3;
	s6 =	simm.s32 @!p1 $0x1082;
	[sflag:s4] =	ssyncset.s32 $0xFFFFF086  }
0x25: {  	[simem:s6], [sflag:s4] =	dma.local [hbm:s3], $0xF7A  }
0x26: {  	[smem:$0x3F95] =	sst s1;
	(tag) =	ssettag s2;
	_ =	strace s9  }
0x27: {  	s1 =	sld [smem:$0x3FA5]  }
0x28: {  	s2 =	sld [smem:$0x3FA6]  }
0x29: {  	s4 =	sld [smem:$0x3FA8]  }
0x2a: {  	p0 =	seq.s32 s5, $0x0;
	s5 =	sld [smem:$0x3FA9]  }
0x2b: {  	s6 =	sld [smem:$0x3FAA]  }
0x2c: {  	s7 =	sld [smem:$0x3FAB]  }
0x2d: {  	s3 =	simm.s32 $0x108;
	s8 =	sld [smem:$0x3FAC]  }
0x2e: {  	s3 =	simm.s32 @!p0 $0x1082;
	s9 =	sld [smem:$0x3FAD]  }
0x2f: {  	lr =	sadd.s32 s0, s3;
	s0 =	sld [smem:$0x3FA4]  }
0x30: {  	s3 =	sld [smem:$0x3FA7]  }
0x31: {  	[smem:$0x3FB0] =	sst s10  }
0x32: {  	s10 =	sld [smem:$0x3FAE];
	_ =	sdelay $0x3  }
0x33: {  	p0 =	seq.s32 s10, $0x1;
	s10 =	sld [smem:$0x3FB0];
	_ =	sdelay $0x3  }
0x34: {  	[smem:$0x3FB0] =	sst s10  }
0x35: {  	s10 =	sld [smem:$0x3FAF];
	_ =	sdelay $0x3  }
0x36: {  	p1 =	seq.s32 s10, $0x1;
	s10 =	sld [smem:$0x3FB0];
	_ =	sdelay $0x3  }
0x37: {  	[smem:$0x3FB0] =	sst s10  }
0x38: {  	s10 =	sld [smem:$0x3FB1]  }
0x39: {  	_ = 	snop;
	(pc) =	sbr.ind lr, $3  }
0x3a: {  	_ = 	snop  }
0x3b: {  	_ = 	snop  }
0x3c: {  	p2 =	seq.s32 s10, $0x1;
	s10 =	sld [smem:$0x3FB0]  }
0x3d: {  	_ =	shalt  }
0x3e: {  	_ =	shalt  }
0x3f: {  	_ =	shalt  }
0x40: {  	_ =	shalt  }
0x41: {  	_ =	shalt  }
0x42: {  	_ =	shalt  }
0x43: {  	_ =	shalt  }
0x44: {  	_ =	shalt  }
0x45: {  	_ =	shalt  }
0x46: {  	_ =	shalt  }
0x47: {  	_ =	shalt  }
0x48: {  	_ =	shalt  }
0x49: {  	_ =	shalt  }
0x4a: {  	_ =	shalt  }
0x4b: {  	_ =	shalt  }
0x4c: {  	_ =	shalt  }
0x4d: {  	_ =	shalt  }
0x4e: {  	_ =	shalt  }
0x4f: {  	_ =	shalt  }
0x50: {  	_ =	shalt  }
0x51: {  	_ =	shalt  }
0x52: {  	_ =	shalt  }
0x53: {  	_ =	shalt  }
0x54: {  	_ =	shalt  }
0x55: {  	_ =	shalt  }
0x56: {  	_ =	shalt  }
0x57: {  	_ =	shalt  }
0x58: {  	_ =	shalt  }
0x59: {  	_ =	shalt  }
0x5a: {  	_ =	shalt  }
0x5b: {  	_ =	shalt  }
0x5c: {  	_ =	shalt  }
0x5d: {  	_ =	shalt  }
0x5e: {  	_ =	shalt  }
0x5f: {  	_ =	shalt  }
0x60: {  	_ =	shalt  }
0x61: {  	_ =	shalt  }
0x62: {  	_ =	shalt  }
0x63: {  	_ =	shalt  }
0x64: {  	_ =	shalt  }
0x65: {  	_ =	shalt  }
0x66: {  	_ =	shalt  }
0x67: {  	_ =	shalt  }
0x68: {  	_ =	shalt  }
0x69: {  	_ =	shalt  }
0x6a: {  	_ =	shalt  }
0x6b: {  	_ =	shalt  }
0x6c: {  	_ =	shalt  }
0x6d: {  	_ =	shalt  }
0x6e: {  	_ =	shalt  }
0x6f: {  	_ =	shalt  }
0x70: {  	_ =	shalt  }
0x71: {  	_ =	shalt  }
0x72: {  	_ =	shalt  }
0x73: {  	_ =	shalt  }
0x74: {  	_ =	shalt  }
0x75: {  	_ =	shalt  }
0x76: {  	_ =	shalt  }
0x77: {  	_ =	shalt  }
0x78: {  	_ =	shalt  }
0x79: {  	_ =	shalt  }
0x7a: {  	_ =	shalt  }
0x7b: {  	_ =	shalt  }
0x7c: {  	_ =	shalt  }
0x7d: {  	_ =	shalt  }
0x7e: {  	_ =	shalt  }
0x7f: {  	_ =	shalt  }
0x80: {  	_ =	shalt  }
0x81: {  	_ =	shalt  }
0x82: {  	_ =	shalt  }
0x83: {  	_ =	shalt  }
0x84: {  	_ =	shalt  }
0x85: {  	_ =	shalt  }
0x86: {  	_ =	shalt  }
0x87: {  	_ =	shalt  }
.Lfunc_end0:
.L_simem_size_0:
called_computation_lowered:
.L_overlay_start_0:
0x88: {  	s2 =	sld [smem:$0x3FD9]  }
0x89: {  	s3 =	sld [smem:$0x3FFE];
	_ =	sdelay $0x1  }
0x8a: {  	s1 =	srdreg.scid  }
0x8b: {  	s0 =	sand.u32 $0x1, s1  }
0x8c: {  	s17 =	sshll.u32 s0, $0xA;
	s2 =	sadd.s32 s3, s2  }
0x8d: {  	s2 =	sadd.s32 s2, s17  }
0x8e: {  	[smem:$0x3FBC] =	sst s2  }
0x8f: {  	_ = 	snop  }
0x90: {  	s2 =	sld [smem:$0x3FC7]  }
0x91: {  	s18 =	sld [smem:$0x3FD0];
	(tm) =	ssettm $0x1  }
0x92: {  	s4 =	sld [smem:$0x3FFB];
	_ =	sdelay $0x3  }
0x93: {  	_ =	strace s4  }
0x94: {  	s4 =	sld [smem:$0x3FFC];
	_ =	sdelay $0x3  }
0x95: {  	_ =	strace s4  }
0x96: {  	s4 =	sld [smem:$0x3FFD];
	_ =	sdelay $0x3  }
0x97: {  	_ =	strace s4  }
0x98: {  	_ =	strace $0x8FFFFFFF  }
0x99: {  	s19 =	sld [smem:$0x3FDB];
	_ =	sdelay $0x1  }
0x9a: {  	s5 =	simm.s32 $_scs_section_size  }
0x9b: {  	s6 =	simm.s32 $_size__tile_overlayer_lowered;
	s7 =	simm.s32 $_tile_overlayer_lowered  }
0x9c: {  	s22 =	simm.s32 $0x1BFF;
	s21 =	sshll.u32 s7, $0x1;
	s4 =	sadd.s32 s5, s19  }
0x9d: {  	s8 =	simm.s32 $0x0;
	s20 =	sshll.u32 s6, $0x1;
	s6 =	sadd.s32 s21, s4  }
0x9e: {  	[timem:s8], [sflag:s22] =	dma.local [hbm:s6], s20  }
0x9f: {  	_ =	swait.ge [sflag:s22], s20  }
0xa0: {  	s5 =	ssub.s32 $0x0, s20;
	[sflag:s22] =	ssyncset.done $0x0  }
0xa1: {  	[sflag:s22] =	ssyncadd.s32 s5;
	_ =	sdelay $0x1  }
0xa2: {  	s23 =	simm.s32 $0x1B8B  }
0xa3: {  	_ =	swait.ge [sflag:s23], $0x1  }
0xa4: {  	[sflag:s23] =	ssyncset.done $0x0  }
0xa5: {  	s25 =	simm.s32 $0x1B8E;
	s24 =	sld [smem:$0x3FFE];
	[sflag:s23] =	ssyncadd.s32 $0xFFFFFFFF  }
0xa6: {  	s26 =	simm.s32 $execute0_lowered;
	[smem:$0x3FD2] =	sst s25  }
0xa7: {  	s6 =	sshll.u32 s26, $0x1;
	_ =	strace $0x80000046;
	[dreg:$0x1] =	wrdreg $0xFFFFFFFF  }
0xa8: {  	s28 =	simm.s32 $_size_execute0_lowered;
	s4 =	sadd.s32 s4, s6;
	[dreg:$0x0] =	wrdreg $0x0  }
0xa9: {  	s6 =	sshll.u32 s28, $0x1;
	[dreg:$0x2] =	wrdreg s4  }
0xaa: {  	[dreg:$0x3] =	wrdreg s6  }
0xab: {  	[dreg:$0x4] =	wrdreg $0xC0  }
0xac: {  	_ =	task [dreg:s8], $0x5FFFF  }
0xad: {  	[dreg:$0x1] =	wrdreg $0xFFFFFFFF  }
0xae: {  	[dreg:$0x0] =	wrdreg $0x60  }
0xaf: {  	[dreg:$0x2] =	wrdreg s24  }
0xb0: {  	[dreg:$0x3] =	wrdreg s2  }
0xb1: {  	[dreg:$0x4] =	wrdreg s18  }
0xb2: {  	[dreg:$0x5] =	wrdreg $0x0  }
0xb3: {  	[dreg:$0x6] =	wrdreg $0x1C5800  }
0xb4: {  	[dreg:$0x7] =	wrdreg $0x9  }
0xb5: {  	_ =	task.clear_ibuf [dreg:s8], $0x8FFFF;
	_ =	strace $0x90000046  }
0xb6: {  	s29 =	simm.s32 $0x9;
	_ =	strace $0x80000048  }
0xb7: {  	_ =	swait.ge [sflag:s29], $0x1  }
0xb8: {  	[sflag:s29] =	ssyncadd.s32 $0xFFFFFFFF  }
0xb9: {  	_ =	strace $0x90000048  }
0xba: {  	_ =	sfence  }
0xbb: {  	s30 =	sld [smem:$0x0];
	_ =	sdelay $0x2  }
0xbc: {  	s31 =	sshll.u32 s1, $0xD;
	s1 =	sshrl.u32 s1, $0x2  }
0xbd: {  	s3 =	sand.u32 $0x4000, s31;
	s1 =	sadd.s32 s1, s30  }
0xbe: {  	s0 =	sor.u32 s3, s0;
	s1 =	sshll.u32 s1, $0x11  }
0xbf: {  	s0 =	sor.u32 s1, s0  }
0xc0: {  	s0 =	sadd.s32 $0x8F2B, s0  }
0xc1: {  	[sflag:s0] =	ssyncadd.remote.s32 $0x1  }
0xc2: {  	_ =	sfence.sel $0xFFFF  }
0xc3: {  	[dreg:$0x0] =	wrdreg $0xFFFFFFFF;
	(pc) =	sbr.abs _section_cstart, $3  }
0xc4: {  	[dreg:$0x1] =	wrdreg $0xFFFFFFFF  }
0xc5: {  	_ =	task.clear_ibuf [dreg:s8], $0x2FFFF;
	_ =	strace $0x9FFFFFFF  }
0xc6: {  	(tm) =	ssettm $0x7FFFFFFF  }
0xc7: {  	_ =	shalt  }
tec
execute0_lowered:
.L_overlay_start_1:
0x0: {  	(tag) =	ssettag $0x1  }
0x1: {  	s0 =	rddreg [dreg:$0x0]  }
0x2: {  	s1 =	rddreg [dreg:$0x1]  }
0x3: {  	s2 =	rddreg [dreg:$0x2]  }
0x4: {  	s3 =	rddreg [dreg:$0x3]  }
0x5: {  	s5 =	rddreg [dreg:$0x4];
	s4 =	srdreg.scid  }
0x6: {  	s6 =	simm.s32 $0x0;
	s7 =	sand.u32 $0x1, s4;
	s4 =	stileid.u32  }
0x7: {  	[smem:$0x7FF] =	sst s6;
	s11 =	sadd.s32 $0x10FE00, s0;
	s8 =	smul.u32 $0x186A0, s7  }
0x8: {  	s16 =	sadd.s32 $0x3200, s0;
	s9 =	ssub.s32 $0x2, s7;
	s10 =	smul.u32 $0x3E8, s4  }
0x9: {  	s15 =	sor.u32 $0x60, s4;
	s29 =	smul.u32 $0x190, s4;
	s12 =	sshrl.u32 s9, $0x1  }
0xa: {  	p0 =	sgt.u32 s15, $0x63;
	s9 =	ssub.s32 s9, s12;
	s20 =	sadd.s32 s8, s10  }
0xb: {  	s13 =	sadd.s32 $0x3E80, s10;
	s17 =	sadd.s32 $0x7D00, s10;
	s18 =	sadd.s32 $0xBB80, s10  }
0xc: {  	s19 =	sadd.s32 $0xFA00, s10;
	s12 =	sshrl.u32 s20, $0x3;
	s14 =	sadd.s32 s8, s13  }
0xd: {  	s22 =	sadd.s32 s8, s17;
	s24 =	sadd.s32 s8, s18;
	s20 =	smul.u32 $0x3E8, s15  }
0xe: {  	s25 =	sadd.s32 s8, s19;
	s12 =	sadd.s32 s11, s12;
	s21 =	sshrl.u32 s14, $0x3  }
0xf: {  	s23 =	sshrl.u32 s22, $0x3;
	[dreg:$0x6] =	wrdreg s12;
	s12 =	sadd.s32 s11, s21  }
0x10: {  	s14 =	smul.u32 $0x61A8, s7;
	s21 =	sadd.s32 $0x13880, s10;
	[dreg:$0x7] =	wrdreg s12  }
0x11: {  	s12 =	sadd.s32 s11, s23;
	s26 =	sadd.s32 s8, s21;
	s8 =	sadd.s32 s8, s20  }
0x12: {  	[dreg:$0x8] =	wrdreg s12;
	s12 =	sshrl.u32 s24, $0x3;
	s28 =	sshrl.u32 s26, $0x3  }
0x13: {  	s8 =	sshrl.u32 s8, $0x3;
	s24 =	smul.u32 $0x6200, s4;
	s12 =	sadd.s32 s11, s12  }
0x14: {  	s8 =	sadd.s32 s11, s8;
	[dreg:$0x9] =	wrdreg s12;
	s12 =	sshrl.u32 s25, $0x3  }
0x15: {  	[dreg:$0xc] =	wrdreg s8;
	s8 =	sadd.s32 s13, s5;
	s12 =	sadd.s32 s11, s12  }
0x16: {  	[dreg:$0xa] =	wrdreg s12;
	s12 =	sadd.s32 s11, s28;
	s11 =	sshrl.u32 s29, $0x3  }
0x17: {  	s13 =	sadd.s32 s21, s5;
	[dreg:$0xb] =	wrdreg s12;
	s7 =	sadd.s32 s1, s11  }
0x18: {  	s29 =	smax.u32 s9, $0x1;
	_ =	strace $0x80000047;
	[dreg:$0xe] =	wrdreg s7  }
0x19: {  	s9 =	sadd.s32 s17, s5;
	s17 =	sshrl.u32 s8, $0x3;
	[dreg:$0x13] =	wrdreg s29  }
0x1a: {  	s15 =	sadd.s32 $0xF7600, s0;
	s21 =	sshrl.u32 s13, $0x3;
	[dreg:$0x15] =	wrdreg s17  }
0x1b: {  	s28 =	sshrl.u32 s24, $0x2;
	s22 =	sadd.s32 s16, s11;
	[dreg:$0x19] =	wrdreg s21  }
0x1c: {  	s23 =	sadd.s32 $0x320, s11;
	s24 =	sadd.s32 s28, s5;
	[dreg:$0xd] =	wrdreg s22  }
0x1d: {  	s12 =	smul.u32 $0x61C00, s4;
	s25 =	sadd.s32 s16, s23;
	[dreg:$0x12] =	wrdreg s24  }
0x1e: {  	s0 =	sadd.s32 s1, s23;
	s7 =	sadd.s32 s10, s5;
	[dreg:$0xf] =	wrdreg s25  }
0x1f: {  	s10 =	sadd.s32 s18, s5;
	s18 =	sshrl.u32 s9, $0x3;
	[dreg:$0x10] =	wrdreg s0  }
0x20: {  	s11 =	sadd.s32 s19, s5;
	s0 =	sshrl.u32 s7, $0x3;
	[dreg:$0x16] =	wrdreg s18  }
0x21: {  	s26 =	sshrl.u32 s12, $0x2;
	s19 =	sshrl.u32 s10, $0x3;
	[dreg:$0x14] =	wrdreg s0  }
0x22: {  	s12 =	sadd.s32 s20, s5;
	s20 =	sshrl.u32 s11, $0x3;
	[dreg:$0x17] =	wrdreg s19  }
0x23: {  	s25 =	sadd.s32 $0x186A0, s22;
	[dreg:$0x18] =	wrdreg s20  }
0x24: {  	s0 =	sshrl.u32 @!p0 s12, $0x3;
	[dreg:$0x1b] =	wrdreg s25  }
0x25: {  	s23 =	sadd.s32 s26, s3;
	s26 =	sadd.s32 $0x189C0, s22;
	[dreg:$0x1a] =	wrdreg s0  }
0x26: {  	[dreg:$0x1c] =	wrdreg s26  }
0x27: {  	s28 =	sadd.s32 $0x1900, s23;
	[dreg:$0x11] =	wrdreg s23  }
0x28: {  	s29 =	sadd.s32 $0x3200, s23;
	[dreg:$0x1d] =	wrdreg s28  }
0x29: {  	s8 =	sadd.s32 $0x4B00, s23;
	[dreg:$0x1e] =	wrdreg s29  }
0x2a: {  	s9 =	sadd.s32 $0x6400, s23;
	[dreg:$0x1f] =	wrdreg s8  }
0x2b: {  	s10 =	sadd.s32 $0x7D00, s23;
	[smem:$0x7EF] =	sst s9  }
0x2c: {  	s11 =	sadd.s32 $0x9600, s23;
	[smem:$0x7F0] =	sst s10  }
0x2d: {  	s12 =	sadd.s32 $0xAF00, s23;
	[smem:$0x7F1] =	sst s11  }
0x2e: {  	s13 =	sadd.s32 $0xC800, s23;
	[smem:$0x7F2] =	sst s12  }
0x2f: {  	s17 =	sadd.s32 $0xE100, s23;
	[smem:$0x7F3] =	sst s13  }
0x30: {  	s18 =	sadd.s32 $0xFA00, s23;
	[smem:$0x7F4] =	sst s17  }
0x31: {  	s19 =	sadd.s32 $0x11300, s23;
	[smem:$0x7F5] =	sst s18  }
0x32: {  	s30 =	simm.s32 $0x2;
	s20 =	sadd.s32 $0x12C00, s23;
	[smem:$0x7F6] =	sst s19  }
0x33: {  	s31 =	simm.s32 $0x1AC80;
	s21 =	sadd.s32 $0x14500, s23;
	[smem:$0x7F7] =	sst s20  }
0x34: {  	p1 =	sgt.u32 s4, $0x3;
	s22 =	sadd.s32 $0x15E00, s23;
	[smem:$0x7F8] =	sst s21  }
0x35: {  	s7 =	simm.s32 $0x18700;
	s25 =	sadd.s32 $0x17700, s23;
	[smem:$0x7F9] =	sst s22  }
0x36: {  	s0 =	sor.u32 $0x186A0, s4;
	s26 =	sadd.s32 $0x620, s24;
	[smem:$0x7FA] =	sst s25  }
0x37: {  	s23 =	simm.s32 $0x1DE00;
	[smem:$0x7FB] =	sst s26;
	s28 =	sadd.s32 $0xC40, s24  }
0x38: {  	s29 =	sadd.s32 $0x1260, s24;
	s8 =	simm.s32 $0x18A20;
	s9 =	simm.s32 $0x18D40  }
0x39: {  	s10 =	simm.s32 $0x18890;
	s11 =	simm.s32 $0x19380;
	s13 =	simm.s32 $0x4  }
0x3a: {  	s18 =	simm.s32 $0x3;
	s17 =	simm.s32 $0x1;
	s19 =	simm.s32 $0x190  }
0x3b: {  	v2 =	vimm.f32 $0.0e+00;
	s20 =	simm.s32 $0x19060;
	s24 =	simm.s32 $0x1E120;
	[smem:$0x7FC] =	sst s28  }
0x3c: {  	v3 =	vimm.f32 $1.000000000e+00;
	v1 =	vmov s14;
	v0 =	vmov s0;
	s22 =	simm.s32 $0x191F0;
	s12 =	simm.s32 $0x0;
	[smem:$0x7FD] =	sst s29  }
.LBB2_1:
0x3d: {  	[smem:$0x7EE] =	sst s12  }
0x3e: {  	s0 =	rddreg [dreg:$0xd]  }
0x3f: {  	s29 =	rddreg [dreg:$0x1b]  }
0x40: {  	[tilespmem:s7], [sflag:$0x1] =	stream.linear.gather [hbm4b:s0+s6], $0x190, $0x38;
	[tilespmem:$0x1E8D0] =	vst v63  }
0x41: {  	s12 =	rddreg [dreg:$0xe]  }
0x42: {  	[tilespmem:s8], [sflag:$0x1] =	stream.linear.gather [hbm4b:s29+s6], $0x190, $0x38;
	[tilespmem:$0x1E8D0] =	vst v63  }
0x43: {  	s21 =	rddreg [dreg:$0xf]  }
0x44: {  	[tilespmem:s9], [sflag:$0x1] =	stream.linear.gather [hbm4b:s12+s6], $0x190, $0x38;
	[tilespmem:$0x1E8D0] =	vst v63  }
0x45: {  	s25 =	rddreg [dreg:$0x1c]  }
0x46: {  	[tilespmem:s10], [sflag:$0x2] =	stream.linear.gather [hbm4b:s21+s6], $0x190, $0x38;
	[tilespmem:$0x1E8D0] =	vst v63  }
0x47: {  	s26 =	simm.s32 $0x18BB0;
	s28 =	rddreg [dreg:$0x10]  }
0x48: {  	[tilespmem:s26], [sflag:$0x2] =	stream.linear.gather [hbm4b:s25+s6], $0x190, $0x38;
	[tilespmem:$0x1E8D0] =	vst v63  }
0x49: {  	s29 =	simm.s32 $0x18ED0;
	s12 =	simm.s32 $0x40;
	s25 =	simm.s32 $0x0  }
0x4a: {  	[tilespmem:s29], [sflag:$0x2] =	stream.linear.gather [hbm4b:s28+s6], $0x190, $0x38;
	[tilespmem:$0x1E8D0] =	vst v63  }
.LBB2_2:
0x4b: {  	p2 =	sne.s32 s12, $0x63C0;
	[tilespmem:s25+$0x19380] =	vst v2;
	s25 =	smov.u32 s12;
	s12 =	sadd.s32 $0x40, s12  }
.Ltmp0:
0x4c: {  	(pc) =	sbr.rel @p2 .LBB2_2-.Ltmp0, $2  }
0x4d: {  	_ =	sdelay $0x2  }
0x4e: {  	s25 =	sshra.s32 s25, $0x2  }
0x4f: {  	s0 =	rddreg [dreg:$0x11]  }
0x50: {  	[tilespmem:s25+$0x19380] =	vst v2;
	s26 =	rddreg [dreg:$0x1d]  }
0x51: {  	[spmem:s0] =	stream.linear.scatter [tilespmem:s11], [sflag:$0x3], $0x1900, $0x38;
	[tilespmem:$0x1E8D0] =	vst v63  }
0x52: {  	s28 =	rddreg [dreg:$0x1e]  }
0x53: {  	[spmem:s26] =	stream.linear.scatter [tilespmem:s11], [sflag:$0x3], $0x1900, $0x38;
	[tilespmem:$0x1E8D0] =	vst v63  }
0x54: {  	s29 =	rddreg [dreg:$0x1f]  }
0x55: {  	[spmem:s28] =	stream.linear.scatter [tilespmem:s11], [sflag:$0x3], $0x1900, $0x38;
	[tilespmem:$0x1E8D0] =	vst v63  }
0x56: {  	s12 =	sld [smem:$0x7EF]  }
0x57: {  	[spmem:s29] =	stream.linear.scatter [tilespmem:s11], [sflag:$0x3], $0x1900, $0x38;
	[tilespmem:$0x1E8D0] =	vst v63  }
0x58: {  	s21 =	sld [smem:$0x7F0]  }
0x59: {  	[spmem:s12] =	stream.linear.scatter [tilespmem:s11], [sflag:$0x3], $0x1900, $0x38;
	[tilespmem:$0x1E8D0] =	vst v63  }
0x5a: {  	s25 =	sld [smem:$0x7F1]  }
0x5b: {  	[spmem:s21] =	stream.linear.scatter [tilespmem:s11], [sflag:$0x3], $0x1900, $0x38;
	[tilespmem:$0x1E8D0] =	vst v63  }
0x5c: {  	s26 =	sld [smem:$0x7F2]  }
0x5d: {  	[spmem:s25] =	stream.linear.scatter [tilespmem:s11], [sflag:$0x3], $0x1900, $0x38;
	[tilespmem:$0x1E8D0] =	vst v63  }
0x5e: {  	s28 =	sld [smem:$0x7F3]  }
0x5f: {  	[spmem:s26] =	stream.linear.scatter [tilespmem:s11], [sflag:$0x3], $0x1900, $0x38;
	[tilespmem:$0x1E8D0] =	vst v63  }
0x60: {  	s29 =	sld [smem:$0x7F4]  }
0x61: {  	[spmem:s28] =	stream.linear.scatter [tilespmem:s11], [sflag:$0x3], $0x1900, $0x38;
	[tilespmem:$0x1E8D0] =	vst v63  }
0x62: {  	s12 =	sld [smem:$0x7F5]  }
0x63: {  	[spmem:s29] =	stream.linear.scatter [tilespmem:s11], [sflag:$0x3], $0x1900, $0x38;
	[tilespmem:$0x1E8D0] =	vst v63  }
0x64: {  	s21 =	sld [smem:$0x7F6]  }
0x65: {  	[spmem:s12] =	stream.linear.scatter [tilespmem:s11], [sflag:$0x3], $0x1900, $0x38;
	[tilespmem:$0x1E8D0] =	vst v63  }
0x66: {  	s25 =	sld [smem:$0x7F7]  }
0x67: {  	[spmem:s21] =	stream.linear.scatter [tilespmem:s11], [sflag:$0x3], $0x1900, $0x38;
	[tilespmem:$0x1E8D0] =	vst v63  }
0x68: {  	s26 =	sld [smem:$0x7F8]  }
0x69: {  	[spmem:s25] =	stream.linear.scatter [tilespmem:s11], [sflag:$0x3], $0x1900, $0x38;
	[tilespmem:$0x1E8D0] =	vst v63  }
0x6a: {  	s28 =	sld [smem:$0x7F9]  }
0x6b: {  	[spmem:s26] =	stream.linear.scatter [tilespmem:s11], [sflag:$0x3], $0x1900, $0x38;
	[tilespmem:$0x1E8D0] =	vst v63  }
0x6c: {  	s29 =	sld [smem:$0x7FA]  }
0x6d: {  	[spmem:s28] =	stream.linear.scatter [tilespmem:s11], [sflag:$0x3], $0x1900, $0x38;
	[tilespmem:$0x1E8D0] =	vst v63  }
0x6e: {  	s12 =	simm.s32 $0x40;
	s25 =	simm.s32 $0x0  }
0x6f: {  	[spmem:s29] =	stream.linear.scatter [tilespmem:s11], [sflag:$0x3], $0x1000, $0x38;
	[tilespmem:$0x1E8D0] =	vst v63  }
.LBB2_4:
0x70: {  	p2 =	sne.s32 s12, $0x1840;
	[tilespmem:s25+$0x1E2B0] =	vst v2;
	s25 =	smov.u32 s12;
	s12 =	sadd.s32 $0x40, s12  }
.Ltmp1:
0x71: {  	(pc) =	sbr.rel @p2 .LBB2_4-.Ltmp1, $2  }
0x72: {  	_ =	sdelay $0x2  }
0x73: {  	s25 =	sshra.s32 s25, $0x2  }
0x74: {  	s0 =	rddreg [dreg:$0x12]  }
0x75: {  	[tilespmem:s25+$0x1E2B0] =	vst v2;
	s12 =	simm.s32 $0x1E2B0;
	s26 =	sld [smem:$0x7FB]  }
0x76: {  	[spmem:s0] =	stream.linear.scatter [tilespmem:s12], [sflag:$0x4], $0x620, $0x38;
	[tilespmem:$0x1E8D0] =	vst v63  }
0x77: {  	s28 =	sld [smem:$0x7FC]  }
0x78: {  	[spmem:s26] =	stream.linear.scatter [tilespmem:s12], [sflag:$0x4], $0x620, $0x38;
	[tilespmem:$0x1E8D0] =	vst v63  }
0x79: {  	s29 =	sld [smem:$0x7FD]  }
0x7a: {  	[spmem:s28] =	stream.linear.scatter [tilespmem:s12], [sflag:$0x4], $0x620, $0x38;
	[tilespmem:$0x1E8D0] =	vst v63  }
0x7b: {  	_ = 	snop  }
0x7c: {  	[spmem:s29] =	stream.linear.scatter [tilespmem:s12], [sflag:$0x4], $0x620, $0x38;
	[tilespmem:$0x1E8D0] =	vst v63  }
0x7d: {  	[tilespmem:$0x1E120] =	vst v3  }
0x7e: {  	[tilespmem:$0x1E130] =	vst v3  }
0x7f: {  	[tilespmem:$0x1E140] =	vst v3  }
0x80: {  	[tilespmem:$0x1E150] =	vst v3  }
0x81: {  	[tilespmem:$0x1E160] =	vst v3  }
0x82: {  	[tilespmem:$0x1E170] =	vst v3  }
0x83: {  	[tilespmem:$0x1E180] =	vst v3  }
0x84: {  	[tilespmem:$0x1E190] =	vst v3  }
0x85: {  	[tilespmem:$0x1E1A0] =	vst v3  }
0x86: {  	[tilespmem:$0x1E1B0] =	vst v3  }
0x87: {  	[tilespmem:$0x1E1C0] =	vst v3  }
0x88: {  	[tilespmem:$0x1E1D0] =	vst v3  }
0x89: {  	[tilespmem:$0x1E1E0] =	vst v3  }
0x8a: {  	[tilespmem:$0x1E1F0] =	vst v3  }
0x8b: {  	[tilespmem:$0x1E200] =	vst v3  }
0x8c: {  	[tilespmem:$0x1E210] =	vst v3  }
0x8d: {  	[tilespmem:$0x1E220] =	vst v3  }
0x8e: {  	[tilespmem:$0x1E230] =	vst v3  }
0x8f: {  	[tilespmem:$0x1E240] =	vst v3  }
0x90: {  	[tilespmem:$0x1E250] =	vst v3  }
0x91: {  	[tilespmem:$0x1E260] =	vst v3  }
0x92: {  	[tilespmem:$0x1E270] =	vst v3  }
0x93: {  	[tilespmem:$0x1E280] =	vst v3  }
0x94: {  	[tilespmem:$0x1E290] =	vst v3  }
0x95: {  	[tilespmem:$0x1E2A0] =	vst v3  }
0x96: {  	_ =	swait.ge [sflag:s13], $0x620  }
0x97: {  	[sflag:s13] =	ssyncset.done $0x0  }
0x98: {  	[sflag:s13] =	ssyncadd.s32 $0xFFFFF9E0  }
0x99: {  	_ =	swait.ge [sflag:s13], $0x620  }
0x9a: {  	[sflag:s13] =	ssyncset.done $0x0  }
0x9b: {  	[sflag:s13] =	ssyncadd.s32 $0xFFFFF9E0  }
0x9c: {  	_ =	swait.ge [sflag:s13], $0x620  }
0x9d: {  	[sflag:s13] =	ssyncset.done $0x0  }
0x9e: {  	[sflag:s13] =	ssyncadd.s32 $0xFFFFF9E0  }
0x9f: {  	_ =	swait.ge [sflag:s13], $0x620  }
0xa0: {  	[sflag:s13] =	ssyncset.done $0x0  }
0xa1: {  	[sflag:s13] =	ssyncadd.s32 $0xFFFFF9E0  }
0xa2: {  	_ =	swait.ge [sflag:s18], $0x1900  }
0xa3: {  	[sflag:s18] =	ssyncset.done $0x0  }
0xa4: {  	[sflag:s18] =	ssyncadd.s32 $0xFFFFE700  }
0xa5: {  	_ =	swait.ge [sflag:s18], $0x1900  }
0xa6: {  	[sflag:s18] =	ssyncset.done $0x0  }
0xa7: {  	[sflag:s18] =	ssyncadd.s32 $0xFFFFE700  }
0xa8: {  	_ =	swait.ge [sflag:s18], $0x1900  }
0xa9: {  	[sflag:s18] =	ssyncset.done $0x0  }
0xaa: {  	[sflag:s18] =	ssyncadd.s32 $0xFFFFE700  }
0xab: {  	_ =	swait.ge [sflag:s18], $0x1900  }
0xac: {  	[sflag:s18] =	ssyncset.done $0x0  }
0xad: {  	[sflag:s18] =	ssyncadd.s32 $0xFFFFE700  }
0xae: {  	_ =	swait.ge [sflag:s18], $0x1900  }
0xaf: {  	[sflag:s18] =	ssyncset.done $0x0  }
0xb0: {  	[sflag:s18] =	ssyncadd.s32 $0xFFFFE700  }
0xb1: {  	_ =	swait.ge [sflag:s18], $0x1900  }
0xb2: {  	[sflag:s18] =	ssyncset.done $0x0  }
0xb3: {  	[sflag:s18] =	ssyncadd.s32 $0xFFFFE700  }
0xb4: {  	_ =	swait.ge [sflag:s18], $0x1900  }
0xb5: {  	[sflag:s18] =	ssyncset.done $0x0  }
0xb6: {  	[sflag:s18] =	ssyncadd.s32 $0xFFFFE700  }
0xb7: {  	_ =	swait.ge [sflag:s18], $0x1900  }
0xb8: {  	[sflag:s18] =	ssyncset.done $0x0  }
0xb9: {  	[sflag:s18] =	ssyncadd.s32 $0xFFFFE700  }
0xba: {  	_ =	swait.ge [sflag:s18], $0x1900  }
0xbb: {  	[sflag:s18] =	ssyncset.done $0x0  }
0xbc: {  	[sflag:s18] =	ssyncadd.s32 $0xFFFFE700  }
0xbd: {  	_ =	swait.ge [sflag:s18], $0x1900  }
0xbe: {  	[sflag:s18] =	ssyncset.done $0x0  }
0xbf: {  	[sflag:s18] =	ssyncadd.s32 $0xFFFFE700  }
0xc0: {  	_ =	swait.ge [sflag:s18], $0x1900  }
0xc1: {  	[sflag:s18] =	ssyncset.done $0x0  }
0xc2: {  	[sflag:s18] =	ssyncadd.s32 $0xFFFFE700  }
0xc3: {  	_ =	swait.ge [sflag:s18], $0x1900  }
0xc4: {  	[sflag:s18] =	ssyncset.done $0x0  }
0xc5: {  	[sflag:s18] =	ssyncadd.s32 $0xFFFFE700  }
0xc6: {  	_ =	swait.ge [sflag:s18], $0x1900  }
0xc7: {  	[sflag:s18] =	ssyncset.done $0x0  }
0xc8: {  	[sflag:s18] =	ssyncadd.s32 $0xFFFFE700  }
0xc9: {  	_ =	swait.ge [sflag:s18], $0x1900  }
0xca: {  	[sflag:s18] =	ssyncset.done $0x0  }
0xcb: {  	[sflag:s18] =	ssyncadd.s32 $0xFFFFE700  }
0xcc: {  	_ =	swait.ge [sflag:s18], $0x1900  }
0xcd: {  	[sflag:s18] =	ssyncset.done $0x0  }
0xce: {  	[sflag:s18] =	ssyncadd.s32 $0xFFFFE700  }
0xcf: {  	_ =	swait.ge [sflag:s18], $0x1000  }
0xd0: {  	[sflag:s18] =	ssyncset.done $0x0  }
0xd1: {  	[sflag:s18] =	ssyncadd.s32 $0xFFFFF000  }
0xd2: {  	s25 =	simm.s32 $0x0;
	s0 =	simm.s32 $0x1DF90;
	[bflag:$0x0] =	sbarrier.arrive $0xFFFF  }
.LBB2_6:
0xd3: {  	p2 =	seq.s32 s25, $0x0  }
0xd4: {  	s12 =	simm.s32 @!p2 $0x5  }
0xd5: {  	_ =	swait.ge @!p2 [sflag:s12], $0x1900  }
0xd6: {  	[sflag:s12] =	ssyncset.done @!p2 $0x0  }
0xd7: {  	[sflag:s12] =	ssyncadd.s32 @!p2 $0xFFFFE700;
	s12 =	simm.s32 @!p2 $0x7  }
0xd8: {  	_ =	swait.ge @!p2 [sflag:s12], $0x190  }
0xd9: {  	[sflag:s12] =	ssyncset.done @!p2 $0x0  }
0xda: {  	[sflag:s12] =	ssyncadd.s32 @!p2 $0xFFFFFE70  }
0xdb: {  	_ =	swait.ge [sflag:s17], $0x190  }
0xdc: {  	[sflag:s17] =	ssyncset.done $0x0  }
0xdd: {  	[sflag:s17] =	ssyncadd.s32 $0xFFFFFE70  }
0xde: {  	_ =	swait.ge [sflag:s17], $0x190  }
0xdf: {  	[sflag:s17] =	ssyncset.done $0x0  }
0xe0: {  	[sflag:s17] =	ssyncadd.s32 $0xFFFFFE70  }
0xe1: {  	_ =	swait.ge [sflag:s17], $0x190  }
0xe2: {  	[sflag:s17] =	ssyncset.done $0x0  }
0xe3: {  	s29 =	simm.s32 $0x0;
	[sflag:s17] =	ssyncadd.s32 $0xFFFFFE70  }
0xe4: {  	[tilespmem:s11], [sflag:$0x3] =	stream.indirect.gather [hbm4b:s15+s19], $0x10, s7, s19, $0xb8;
	[tilespmem:$0x1E8D0] =	vst v63  }
0xe5: {  	v4 =	vld [tilespmem:s29+$0x18A20]  }
0xe6: {  	v6 =	vld [tilespmem:s29+$0x18D40];
	_ =	sdelay $0x2  }
0xe7: {  	s26 =	simm.s32 $0x10  }
0xe8: {  	v5 =	vld [tilespmem:s26+$0x18A20];
	v7 =	vsub.s32 v4, v1  }
0xe9: {  	v8 =	vmul.u32 $0x61A8, v6;
	v4 =	vshll.u32 v7, $0x2  }
0xea: {  	vm0 =	vlt.u32 v7, $0x61A8;
	v6 =	vadd.s32 v6, v4;
	v4 =	vld [tilespmem:s26+$0x18D40]  }
0xeb: {  	s21 =	sshll.u32 s25, $0x5;
	v7 =	vadd.s32 v7, v8;
	v6 =	vsel vm0, v6, v0  }
0xec: {  	s28 =	sor.u32 s4, s21;
	s12 =	simm.s32 $0x80;
	[tilespmem:s29+$0x1DE00] =	vst v6;
	v6 =	vsel vm0, v7, v0  }
.LBB2_7:
0xed: {  	s21 =	sshra.s32 s12, $0x2;
	p3 =	sne.s32 s12, $0x600;
	s12 =	sadd.s32 $0x40, s12;
	v7 =	vsub.s32 v5, v1;
	[tilespmem:s29+$0x19060] =	vst v6  }
.Ltmp2:
0xee: {  	s29 =	smov.u32 s26;
	v5 =	vld [tilespmem:s21+$0x18A20];
	v6 =	vshll.u32 v7, $0x2;
	s26 =	smov.u32 s21;
	(pc) =	sbr.rel @p3 .LBB2_7-.Ltmp2, $4  }
0xef: {  	vm0 =	vlt.u32 v7, $0x61A8;
	v8 =	vmul.u32 $0x61A8, v4;
	v6 =	vadd.s32 v4, v6  }
0xf0: {  	v4 =	vld [tilespmem:s26+$0x18D40];
	v6 =	vsel vm0, v6, v0  }
0xf1: {  	v7 =	vadd.s32 v7, v8;
	[tilespmem:s29+$0x1DE00] =	vst v6  }
0xf2: {  	v6 =	vsel vm0, v7, v0  }
0xf3: {  	_ = 	snop  }
0xf4: {  	v5 =	vsub.s32 v5, v1  }
0xf5: {  	v7 =	vshll.u32 v5, $0x2;
	v8 =	vmul.u32 $0x61A8, v4  }
0xf6: {  	vm0 =	vlt.u32 v5, $0x61A8;
	v4 =	vadd.s32 v4, v7  }
0xf7: {  	[tilespmem:s29+$0x19060] =	vst v6;
	p3 =	seq.s32 s25, $0x3E;
	v4 =	vsel vm0, v4, v0;
	v5 =	vadd.s32 v5, v8  }
.Ltmp3:
0xf8: {  	[tilespmem:s26+$0x1DE00] =	vst v4;
	v4 =	vsel vm0, v5, v0;
	(pc) =	sbr.rel @p3 .LBB2_12-.Ltmp3, $4  }
0xf9: {  	[tilespmem:s26+$0x19060] =	vst v4  }
0xfa: {  	_ =	swait.ge [sflag:s18], $0x1900  }
0xfb: {  	[sflag:s18] =	ssyncset.done $0x0  }
0xfc: {  	[sflag:s18] =	ssyncadd.s32 $0xFFFFE700  }
0xfd: {  	s26 =	smul.u32 $0x190, s28;
	_ =	sdelay $0x1  }
0xfe: {  	s12 =	sshrl.u32 s26, $0x3  }
0xff: {  	s21 =	sadd.s32 $0x640, s12  }
0x100: {  	s12 =	sadd.s32 s16, s12;
	s28 =	sadd.s32 s16, s21  }
0x101: {  	[tilespmem:s7], [sflag:$0x1] =	stream.linear.gather [hbm4b:s28+s6], $0x190, $0x38;
	[tilespmem:$0x1E8D0] =	vst v63  }
0x102: {  	s12 =	sadd.s32 $0x18CE0, s12  }
0x103: {  	[tilespmem:s8], [sflag:$0x1] =	stream.linear.gather [hbm4b:s12+s6], $0x190, $0x38;
	[tilespmem:$0x1E8D0] =	vst v63  }
0x104: {  	s21 =	sadd.s32 s1, s21  }
0x105: {  	[tilespmem:s9], [sflag:$0x1] =	stream.linear.gather [hbm4b:s21+s6], $0x190, $0x38;
	[tilespmem:$0x1E8D0] =	vst v63  }
0x106: {  	_ = 	snop  }
0x107: {  	[spmem:s3] =	stream.indirect.scatter.add.f32 [tilespmem:s11], [sflag:$0x5], $0x10, s20, s19, $0xb8;
	[tilespmem:$0x1E8D0] =	vst v63  }
0x108: {  	s12 =	simm.s32 @!p2 $0x6  }
0x109: {  	[spmem:s5] =	stream.indirect.scatter.add.f32 [tilespmem:s24], [sflag:$0x7], $0x1, s23, s19, $0xb8;
	[tilespmem:$0x1E8D0] =	vst v63  }
0x10a: {  	_ =	swait.ge @!p2 [sflag:s12], $0x1900  }
0x10b: {  	[sflag:s12] =	ssyncset.done @!p2 $0x0  }
0x10c: {  	[sflag:s12] =	ssyncadd.s32 @!p2 $0xFFFFE700;
	s12 =	simm.s32 @!p2 $0x8  }
0x10d: {  	_ =	swait.ge @!p2 [sflag:s12], $0x190  }
0x10e: {  	[sflag:s12] =	ssyncset.done @!p2 $0x0  }
0x10f: {  	[sflag:s12] =	ssyncadd.s32 @!p2 $0xFFFFFE70  }
0x110: {  	_ =	swait.ge [sflag:s30], $0x190  }
0x111: {  	[sflag:s30] =	ssyncset.done $0x0  }
0x112: {  	[sflag:s30] =	ssyncadd.s32 $0xFFFFFE70  }
0x113: {  	_ =	swait.ge [sflag:s30], $0x190  }
0x114: {  	[sflag:s30] =	ssyncset.done $0x0  }
0x115: {  	[sflag:s30] =	ssyncadd.s32 $0xFFFFFE70  }
0x116: {  	_ =	swait.ge [sflag:s30], $0x190  }
0x117: {  	[sflag:s30] =	ssyncset.done $0x0  }
0x118: {  	s29 =	simm.s32 $0x0;
	[sflag:s30] =	ssyncadd.s32 $0xFFFFFE70  }
0x119: {  	[tilespmem:s31], [sflag:$0x4] =	stream.indirect.gather [hbm4b:s15+s19], $0x10, s10, s19, $0xb8;
	[tilespmem:$0x1E8D0] =	vst v63  }
0x11a: {  	v4 =	vld [tilespmem:s29+$0x18BB0]  }
0x11b: {  	v6 =	vld [tilespmem:s29+$0x18ED0];
	_ =	sdelay $0x2  }
0x11c: {  	s28 =	simm.s32 $0x10  }
0x11d: {  	v5 =	vld [tilespmem:s28+$0x18BB0];
	v7 =	vsub.s32 v4, v1  }
0x11e: {  	v8 =	vmul.u32 $0x61A8, v6;
	v4 =	vshll.u32 v7, $0x2  }
0x11f: {  	vm0 =	vlt.u32 v7, $0x61A8;
	v6 =	vadd.s32 v6, v4;
	v4 =	vld [tilespmem:s28+$0x18ED0]  }
0x120: {  	v7 =	vadd.s32 v7, v8;
	v6 =	vsel vm0, v6, v0  }
0x121: {  	s12 =	simm.s32 $0x80;
	[tilespmem:s29+$0x1DF90] =	vst v6;
	v6 =	vsel vm0, v7, v0  }
.LBB2_10:
0x122: {  	s21 =	sshra.s32 s12, $0x2;
	p2 =	sne.s32 s12, $0x600;
	s12 =	sadd.s32 $0x40, s12;
	v7 =	vsub.s32 v5, v1;
	[tilespmem:s29+$0x191F0] =	vst v6  }
.Ltmp4:
0x123: {  	s29 =	smov.u32 s28;
	v5 =	vld [tilespmem:s21+$0x18BB0];
	v6 =	vshll.u32 v7, $0x2;
	s28 =	smov.u32 s21;
	(pc) =	sbr.rel @p2 .LBB2_10-.Ltmp4, $4  }
0x124: {  	vm0 =	vlt.u32 v7, $0x61A8;
	v8 =	vmul.u32 $0x61A8, v4;
	v6 =	vadd.s32 v4, v6  }
0x125: {  	v4 =	vld [tilespmem:s28+$0x18ED0];
	v6 =	vsel vm0, v6, v0  }
0x126: {  	v7 =	vadd.s32 v7, v8;
	[tilespmem:s29+$0x1DF90] =	vst v6  }
0x127: {  	v6 =	vsel vm0, v7, v0  }
0x128: {  	_ = 	snop  }
0x129: {  	v5 =	vsub.s32 v5, v1  }
0x12a: {  	v7 =	vshll.u32 v5, $0x2;
	v8 =	vmul.u32 $0x61A8, v4  }
0x12b: {  	vm0 =	vlt.u32 v5, $0x61A8;
	v4 =	vadd.s32 v4, v7  }
0x12c: {  	[tilespmem:s29+$0x191F0] =	vst v6;
	v4 =	vsel vm0, v4, v0;
	v5 =	vadd.s32 v5, v8  }
0x12d: {  	[tilespmem:s28+$0x1DF90] =	vst v4;
	v4 =	vsel vm0, v5, v0  }
0x12e: {  	p2 =	seq.s32 s25, $0x3D;
	[tilespmem:s28+$0x191F0] =	vst v4  }
0x12f: {  	s12 =	sshrl.u32 @!p2 s26, $0x3;
	s29 =	simm.s32 @!p2 $0x18890;
	_ =	swait.ge [sflag:s13], $0x1900  }
0x130: {  	s21 =	sadd.s32 @!p2 $0x960, s12;
	s12 =	sadd.s32 @!p2 s16, s12;
	[sflag:s13] =	ssyncset.done $0x0  }
0x131: {  	s26 =	sadd.s32 @!p2 s16, s21;
	s28 =	simm.s32 @!p2 $0x0;
	[sflag:s13] =	ssyncadd.s32 $0xFFFFE700  }
0x132: {  	[tilespmem:s29], [sflag:$0x2] =	stream.linear.gather @!p2 [hbm4b:s26+s28], $0x190, $0x38;
	[tilespmem:$0x1E8D0] =	vst v63  }
0x133: {  	s12 =	sadd.s32 @!p2 $0x19000, s12;
	s26 =	simm.s32 @!p2 $0x18BB0  }
0x134: {  	[tilespmem:s26], [sflag:$0x2] =	stream.linear.gather @!p2 [hbm4b:s12+s28], $0x190, $0x38;
	[tilespmem:$0x1E8D0] =	vst v63  }
0x135: {  	s12 =	sadd.s32 @!p2 s1, s21;
	s21 =	simm.s32 @!p2 $0x18ED0  }
0x136: {  	[tilespmem:s21], [sflag:$0x2] =	stream.linear.gather @!p2 [hbm4b:s12+s28], $0x190, $0x38;
	[tilespmem:$0x1E8D0] =	vst v63  }
.Ltmp5:
0x137: {  	_ = 	snop;
	(pc) =	sbr.rel .LBB2_6-.Ltmp5, $4  }
0x138: {  	_ = 	snop  }
0x139: {  	[spmem:s3] =	stream.indirect.scatter.add.f32 [tilespmem:s31], [sflag:$0x6], $0x10, s22, s19, $0xb8;
	[tilespmem:$0x1E8D0] =	vst v63  }
0x13a: {  	s25 =	sadd.s32 $0x1, s25  }
0x13b: {  	[spmem:s5] =	stream.indirect.scatter.add.f32 [tilespmem:s24], [sflag:$0x8], $0x1, s0, s19, $0xb8;
	[tilespmem:$0x1E8D0] =	vst v63  }
.LBB2_12:
0x13c: {  	[spmem:s3] =	stream.indirect.scatter.add.f32 [tilespmem:s11], [sflag:$0x5], $0x10, s20, s19, $0xb8;
	[tilespmem:$0x1E8D0] =	vst v63  }
0x13d: {  	s0 =	simm.s32 $0x5  }
0x13e: {  	[spmem:s5] =	stream.indirect.scatter.add.f32 [tilespmem:s24], [sflag:$0x7], $0x1, s23, s19, $0xb8;
	[tilespmem:$0x1E8D0] =	vst v63  }
0x13f: {  	_ =	swait.ge [sflag:s0], $0x1900  }
0x140: {  	[sflag:s0] =	ssyncset.done $0x0  }
0x141: {  	s25 =	simm.s32 $0x7;
	[sflag:s0] =	ssyncadd.s32 $0xFFFFE700  }
0x142: {  	_ =	swait.ge [sflag:s25], $0x190  }
0x143: {  	[sflag:s25] =	ssyncset.done $0x0  }
0x144: {  	s26 =	simm.s32 $0x6;
	[sflag:s25] =	ssyncadd.s32 $0xFFFFFE70  }
0x145: {  	_ =	swait.ge [sflag:s26], $0x1900  }
0x146: {  	s25 =	sadd.s32 $0x0, s4;
	[sflag:s26] =	ssyncset.done $0x0  }
0x147: {  	s29 =	simm.s32 $0x8;
	p2 =	sgt.u32 s25, $0x63;
	[sflag:s26] =	ssyncadd.s32 $0xFFFFE700  }
0x148: {  	s12 =	smul.u32 @!p2 $0x29, s25;
	_ =	swait.ge [sflag:s29], $0x190  }
0x149: {  	[sflag:s29] =	ssyncset.done $0x0  }
0x14a: {  	s12 =	sshrl.u32 @!p2 s12, $0xA;
	[sflag:s29] =	ssyncadd.s32 $0xFFFFFE70  }
0x14b: {  	s28 =	simm.s32 $0x10;
	s26 =	sand.u32 @!p2 $0x3F, s12;
	[bflag:$0x0] =	sbarrier.arrive $0xFFFF  }
.LBB2_13:
0x14c: {  	s12 =	sadd.s32 s28, s4;
	s21 =	smul.u32 @!p2 $0x19, s26;
	p3 =	por p2, p2  }
0x14d: {  	s28 =	sadd.s32 $0x10, s28;
	p2 =	sgt.u32 s12, $0x63  }
0x14e: {  	s29 =	smul.u32 @!p2 $0x29, s12;
	s21 =	ssub.s32 @!p3 s25, s21;
	s25 =	smov.u32 s12  }
0x14f: {  	s8 =	simm.s32 @!p3 $0x1;
	s12 =	sand.u32 @!p3 $0xFF, s21;
	s21 =	smul.u32 @!p3 $0x61A8, s26  }
0x150: {  	s9 =	sshll.u32 @!p3 s4, $0x6;
	s10 =	simm.s32 @!p3 $0x8;
	s12 =	smul.u32 @!p3 $0x3E8, s12  }
0x151: {  	s0 =	simm.s32 @!p3 $0x2;
	p4 =	sne.s32 s28, $0x70;
	s9 =	sor.u32 @!p3 $0x1C03, s9  }
.Ltmp6:
0x152: {  	s29 =	sshrl.u32 @!p2 s29, $0xA;
	s21 =	sadd.s32 @!p3 s12, s21;
	(pc) =	sbr.rel @p4 .LBB2_13-.Ltmp6, $4  }
0x153: {  	s26 =	sshll.u32 @!p3 s26, $0x1;
	s12 =	sadd.s32 @!p3 s14, s12;
	s21 =	sshll.u32 @!p3 s21, $0x4  }
0x154: {  	s22 =	sadd.s32 @!p3 s2, s26;
	s12 =	sshll.u32 @!p3 s12, $0x3;
	s21 =	sadd.s32 @!p3 s21, s3  }
0x155: {  	s26 =	sand.u32 @!p2 $0x3F, s29;
	s12 =	sadd.s32 @!p3 s12, s22;
	s21 =	sshrl.u32 @!p3 s21, $0x3  }
0x156: {  	[hbm:s12@s10], [sflag:s9] =	dma.strided @!p3 [spmem:s21@s0], $0x7D0, s8, $0x2   }
0x157: {  	s0 =	smul.u32 @!p2 $0x19, s26  }
0x158: {  	p2 =	por p2, p2  }
0x159: {  	s0 =	ssub.s32 @!p2 s25, s0  }
0x15a: {  	s8 =	smul.u32 @!p2 $0x61A8, s26;
	s0 =	sand.u32 @!p2 $0xFF, s0  }
0x15b: {  	s0 =	smul.u32 @!p2 $0x3E8, s0  }
0x15c: {  	s9 =	simm.s32 @!p2 $0x1;
	s10 =	sshll.u32 @!p2 s4, $0x6  }
0x15d: {  	s12 =	simm.s32 @!p2 $0x8;
	s21 =	sshll.u32 @!p2 s26, $0x1;
	s8 =	sadd.s32 @!p2 s0, s8  }
0x15e: {  	s10 =	sor.u32 @!p2 $0x1C03, s10;
	s0 =	sadd.s32 @!p2 s14, s0;
	s8 =	sshll.u32 @!p2 s8, $0x4  }
0x15f: {  	s21 =	sadd.s32 @!p2 s2, s21;
	s0 =	sshll.u32 @!p2 s0, $0x3;
	s8 =	sadd.s32 @!p2 s8, s3  }
0x160: {  	s0 =	sadd.s32 @!p2 s0, s21;
	s21 =	simm.s32 @!p2 $0x2;
	s8 =	sshrl.u32 @!p2 s8, $0x3  }
0x161: {  	[hbm:s0@s12], [sflag:s10] =	dma.strided @!p2 [spmem:s8@s21], $0x7D0, s9, $0x2   }
0x162: {  	_ =	swait.ge [sflag:s18], $0x7D0  }
0x163: {  	[sflag:s18] =	ssyncset.done $0x0  }
0x164: {  	[sflag:s18] =	ssyncadd.s32 $0xFFFFF830  }
0x165: {  	_ =	swait.ge [sflag:s18], $0x7D0  }
0x166: {  	[sflag:s18] =	ssyncset.done $0x0  }
0x167: {  	[sflag:s18] =	ssyncadd.s32 $0xFFFFF830  }
0x168: {  	_ =	swait.ge [sflag:s18], $0x7D0  }
0x169: {  	[sflag:s18] =	ssyncset.done $0x0  }
0x16a: {  	[sflag:s18] =	ssyncadd.s32 $0xFFFFF830  }
0x16b: {  	_ =	swait.ge [sflag:s18], $0x7D0  }
0x16c: {  	[sflag:s18] =	ssyncset.done $0x0  }
0x16d: {  	[sflag:s18] =	ssyncadd.s32 $0xFFFFF830  }
0x16e: {  	_ =	swait.ge [sflag:s18], $0x7D0  }
0x16f: {  	[sflag:s18] =	ssyncset.done $0x0  }
0x170: {  	[sflag:s18] =	ssyncadd.s32 $0xFFFFF830  }
0x171: {  	_ =	swait.ge [sflag:s18], $0x7D0  }
0x172: {  	[sflag:s18] =	ssyncset.done $0x0  }
0x173: {  	s0 =	simm.s32 @!p1 $0x3;
	[sflag:s18] =	ssyncadd.s32 $0xFFFFF830  }
0x174: {  	_ =	swait.ge @!p1 [sflag:s0], $0x7D0  }
0x175: {  	s22 =	sshll.u32 s4, $0x6;
	[sflag:s0] =	ssyncset.done @!p1 $0x0;
	s25 =	rddreg [dreg:$0x6]  }
0x176: {  	s26 =	rddreg [dreg:$0x14];
	[sflag:s0] =	ssyncadd.s32 @!p1 $0xFFFFF830;
	s0 =	sor.u32 $0x1C04, s22  }
0x177: {  	[hbm:s25], [sflag:s0] =	dma.local [spmem:s26], $0x7D  }
0x178: {  	s8 =	rddreg [dreg:$0x7]  }
0x179: {  	s9 =	rddreg [dreg:$0x15]  }
0x17a: {  	[hbm:s8], [sflag:s0] =	dma.local [spmem:s9], $0x7D  }
0x17b: {  	s8 =	rddreg [dreg:$0x8]  }
0x17c: {  	s9 =	rddreg [dreg:$0x16]  }
0x17d: {  	[hbm:s8], [sflag:s0] =	dma.local [spmem:s9], $0x7D  }
0x17e: {  	s8 =	rddreg [dreg:$0x9]  }
0x17f: {  	s9 =	rddreg [dreg:$0x17]  }
0x180: {  	[hbm:s8], [sflag:s0] =	dma.local [spmem:s9], $0x7D  }
0x181: {  	s8 =	rddreg [dreg:$0xa]  }
0x182: {  	s9 =	rddreg [dreg:$0x18]  }
0x183: {  	[hbm:s8], [sflag:s0] =	dma.local [spmem:s9], $0x7D  }
0x184: {  	s8 =	rddreg [dreg:$0xb]  }
0x185: {  	s9 =	rddreg [dreg:$0x19]  }
0x186: {  	[hbm:s8], [sflag:s0] =	dma.local [spmem:s9], $0x7D  }
0x187: {  	s8 =	rddreg [dreg:$0xc]  }
0x188: {  	s9 =	rddreg [dreg:$0x1a]  }
0x189: {  	[hbm:s8], [sflag:s0] =	dma.local @!p0 [spmem:s9], $0x7D  }
0x18a: {  	_ =	swait.ge [sflag:s13], $0x7D  }
0x18b: {  	[sflag:s13] =	ssyncset.done $0x0  }
0x18c: {  	[sflag:s13] =	ssyncadd.s32 $0xFFFFFF83  }
0x18d: {  	_ =	swait.ge [sflag:s13], $0x7D  }
0x18e: {  	[sflag:s13] =	ssyncset.done $0x0  }
0x18f: {  	[sflag:s13] =	ssyncadd.s32 $0xFFFFFF83  }
0x190: {  	_ =	swait.ge [sflag:s13], $0x7D  }
0x191: {  	[sflag:s13] =	ssyncset.done $0x0  }
0x192: {  	[sflag:s13] =	ssyncadd.s32 $0xFFFFFF83  }
0x193: {  	_ =	swait.ge [sflag:s13], $0x7D  }
0x194: {  	[sflag:s13] =	ssyncset.done $0x0  }
0x195: {  	[sflag:s13] =	ssyncadd.s32 $0xFFFFFF83  }
0x196: {  	_ =	swait.ge [sflag:s13], $0x7D  }
0x197: {  	[sflag:s13] =	ssyncset.done $0x0  }
0x198: {  	[sflag:s13] =	ssyncadd.s32 $0xFFFFFF83  }
0x199: {  	_ =	swait.ge [sflag:s13], $0x7D  }
0x19a: {  	[sflag:s13] =	ssyncset.done $0x0  }
0x19b: {  	s0 =	simm.s32 @!p1 $0x4;
	[sflag:s13] =	ssyncadd.s32 $0xFFFFFF83  }
0x19c: {  	_ =	swait.ge @!p1 [sflag:s0], $0x7D  }
0x19d: {  	s28 =	sld [smem:$0x7EE];
	_ =	sdelay $0x2  }
0x19e: {  	s29 =	rddreg [dreg:$0x13];
	s12 =	sadd.s32 $0x1, s28  }
0x19f: {  	p2 =	sne.s32 s12, s29  }
.Ltmp7:
0x1a0: {  	_ = 	snop;
	(pc) =	sbr.rel @p2 .LBB2_1-.Ltmp7, $3  }
0x1a1: {  	_ =	sdelay $0x1  }
0x1a2: {  	s10 =	simm.s32 $0x18890;
	s22 =	simm.s32 $0x191F0;
	[sflag:s0] =	ssyncset.done @!p1 $0x0  }
0x1a3: {  	s8 =	simm.s32 $0x18A20;
	s9 =	simm.s32 $0x18D40;
	[sflag:s0] =	ssyncadd.s32 @!p1 $0xFFFFFF83  }
0x1a4: {  	_ =	sfence.sel $0x180000  }
0x1a5: {  	[bflag:$0x0] =	sbarrier.arrive $0xFFFF  }
0x1a6: {  	_ =	strace $0x90000047  }
0x1a7: {  	[bflag:$0x2] =	sbarrier.arrive $0xFFFF  }
0x1a8: {  	p0 =	sne.s32 s4, $0x0;
	s0 =	rddreg [dreg:$0x5]  }
0x1a9: {  	s0 =	sadd.s32 @!p0 $0x100000, s0  }
0x1aa: {  	[sflag:s0] =	ssyncadd.tile.s32 @!p0 $0x1;
	_ =	shalt  }
.Lfunc_end2:
_tile_overlayer_lowered:
.L_overlay_start_2:
0x1ab: {  	(tag) =	ssettag $0x2  }
0x1ac: {  	s0 =	rddreg [dreg:$0x0];
	s2 =	stileid.u32  }
0x1ad: {  	s1 =	rddreg [dreg:$0x1];
	p0 =	sne.s32 s2, $0x0  }
0x1ae: {  	s3 =	rddreg [dreg:$0x2];
	[bflag:$0x3] =	sbarrier.arrive $0xFFFF;
	s2 =	simm.s32 @!p0 $0x1C09  }
0x1af: {  	[timem:s3], [sflag:s2] =	dma.local @!p0 [hbm:s0], s1  }
0x1b0: {  	s0 =	simm.s32 @!p0 $0x9  }
0x1b1: {  	_ =	swait.ge @!p0 [sflag:s0], s1  }
0x1b2: {  	s1 =	ssub.s32 @!p0 $0x0, s1;
	[sflag:s0] =	ssyncset.done @!p0 $0x0  }
0x1b3: {  	[sflag:s0] =	ssyncadd.s32 @!p0 s1  }
0x1b4: {  	[bflag:$0x3] =	sbarrier.arrive $0xFFFF  }
0x1b5: {  	_ =	shalt  }

</sc_bundles>
